<compile_context>
chip_gen: v7x
topology: tpu7x:2x2x1
jax: 0.10.2.dev20260603
libtpu: 0.0.44.dev20260713+nightly
codegen_flags: <defaults>
</compile_context>

<pallas_src>
import functools

import jax
import jax.numpy as jnp
from jax import lax
from jax.experimental import pallas as pl
from jax.experimental.pallas import tpu as pltpu
from jax.experimental.pallas import tpu_sc as plsc

_N = 10000
_E = 320000
_D = 128
_DE = 16

_NC = 2
_NS = 16
_NW = _NC * _NS
_EPW = _E // _NW
_EPC = _E // _NC
_NPAD = 10240
_RPT = _NPAD // _NS
_K = 80

_mesh = plsc.VectorSubcoreMesh(core_axis_name="c", subcore_axis_name="s")


_GNCH = _EPW // _K
_GLAST = _GNCH - 1


def _vadd_chunk(bufa, bufb, bufg):
    def rows(i, carry):
        for rr in range(4):
            r = 4 * i + rr
            for g in range(_D // 16):
                sl = (r, pl.ds(g * 16, 16))
                bufg[sl] = bufa[sl] + bufb[sl]
        return carry

    lax.fori_loop(0, _K // 4, rows, 0)


def _sc_gather_body(a_hbm, b_hbm, src_hbm, dst_hbm, g_hbm,
                    ia0, ib0, ia1, ib1, a0, b0, g0, a1, b1, g1,
                    sia0, sib0, sia1, sib1, sga0, sgb0, sga1, sgb1, sw0, sw1):
    wid = lax.axis_index("s") * _NC + lax.axis_index("c")
    base = wid * _EPW

    sets = ((ia0, ib0, a0, b0, g0, sia0, sib0, sga0, sgb0, sw0),
            (ia1, ib1, a1, b1, g1, sia1, sib1, sga1, sgb1, sw1))

    for s in (0, 1):
        ia, ib, ba, bb, bg, sia, sib, sga, sgb, sw = sets[s]
        off = base + s * _K
        pltpu.sync_copy(src_hbm.at[pl.ds(off, _K)], ia)
        pltpu.sync_copy(dst_hbm.at[pl.ds(off, _K)], ib)
        pltpu.async_copy(a_hbm.at[ia], ba, sga)
        pltpu.async_copy(b_hbm.at[ib], bb, sgb)

    def body(j, carry):
        for s in (0, 1):
            ia, ib, ba, bb, bg, sia, sib, sga, sgb, sw = sets[s]
            c = 2 * j + s
            off = base + c * _K
            cn = jnp.minimum(c + 2, _GLAST)
            offn = base + cn * _K
            pltpu.make_async_copy(a_hbm.at[ia], ba, sga).wait()
            pltpu.make_async_copy(b_hbm.at[ib], bb, sgb).wait()
            pltpu.async_copy(src_hbm.at[pl.ds(offn, _K)], ia, sia)
            pltpu.async_copy(dst_hbm.at[pl.ds(offn, _K)], ib, sib)

            @pl.when(c >= 2)
            def _():
                offp = base + (c - 2) * _K
                pltpu.make_async_copy(bg, g_hbm.at[pl.ds(offp, _K)], sw).wait()

            _vadd_chunk(ba, bb, bg)
            pltpu.async_copy(bg, g_hbm.at[pl.ds(off, _K)], sw)
            pltpu.make_async_copy(src_hbm.at[pl.ds(offn, _K)], ia, sia).wait()
            pltpu.make_async_copy(dst_hbm.at[pl.ds(offn, _K)], ib, sib).wait()
            pltpu.async_copy(a_hbm.at[ia], ba, sga)
            pltpu.async_copy(b_hbm.at[ib], bb, sgb)
        return carry

    lax.fori_loop(0, (_GNCH - 1) // 2, body, 0)

    ia, ib, ba, bb, bg, sia, sib, sga, sgb, sw = sets[0]
    pltpu.make_async_copy(a_hbm.at[ia], ba, sga).wait()
    pltpu.make_async_copy(b_hbm.at[ib], bb, sgb).wait()
    offp = base + (_GLAST - 2) * _K
    pltpu.make_async_copy(bg, g_hbm.at[pl.ds(offp, _K)], sw).wait()
    _vadd_chunk(ba, bb, bg)
    off = base + _GLAST * _K
    pltpu.sync_copy(bg, g_hbm.at[pl.ds(off, _K)])

    ia, ib, ba, bb, bg, sia, sib, sga, sgb, sw = sets[1]
    pltpu.make_async_copy(a_hbm.at[ia], ba, sga).wait()
    pltpu.make_async_copy(b_hbm.at[ib], bb, sgb).wait()
    offp = base + (_GLAST - 1) * _K
    pltpu.make_async_copy(bg, g_hbm.at[pl.ds(offp, _K)], sw).wait()


_sc_gather = pl.kernel(
    _sc_gather_body,
    mesh=_mesh,
    out_type=[jax.ShapeDtypeStruct((_E, _D), jnp.float32)],
    scratch_types=[
        pltpu.VMEM((_K,), jnp.int32),
        pltpu.VMEM((_K,), jnp.int32),
        pltpu.VMEM((_K,), jnp.int32),
        pltpu.VMEM((_K,), jnp.int32),
        pltpu.VMEM((_K, _D), jnp.float32),
        pltpu.VMEM((_K, _D), jnp.float32),
        pltpu.VMEM((_K, _D), jnp.float32),
        pltpu.VMEM((_K, _D), jnp.float32),
        pltpu.VMEM((_K, _D), jnp.float32),
        pltpu.VMEM((_K, _D), jnp.float32),
        pltpu.SemaphoreType.DMA,
        pltpu.SemaphoreType.DMA,
        pltpu.SemaphoreType.DMA,
        pltpu.SemaphoreType.DMA,
        pltpu.SemaphoreType.DMA,
        pltpu.SemaphoreType.DMA,
        pltpu.SemaphoreType.DMA,
        pltpu.SemaphoreType.DMA,
        pltpu.SemaphoreType.DMA,
        pltpu.SemaphoreType.DMA,
    ],
)


_NCH = _EPW // _K
_NPAIR = (_NCH - 1) // 2


def _sc_scatter_body(h_hbm, dst_hbm, zeros_hbm, out_hbm,
                     idx0, idx1, hb0, hb1, acc,
                     si0, si1, sh0, sh1):
    cid = lax.axis_index("c")
    sid = lax.axis_index("s")
    r0 = sid * _RPT
    pltpu.sync_copy(zeros_hbm.at[pl.ds(r0, _RPT)], acc.at[pl.ds(r0, _RPT)])

    ebase = cid * _EPC + sid * _EPW

    def start_loads(c, idxb, hbufb, semi, semh):
        off = ebase + c * _K
        pltpu.async_copy(dst_hbm.at[pl.ds(off, _K)], idxb, semi)
        pltpu.async_copy(h_hbm.at[pl.ds(off, _K)], hbufb, semh)

    def wait_loads(c, idxb, hbufb, semi, semh):
        off = ebase + c * _K
        pltpu.make_async_copy(dst_hbm.at[pl.ds(off, _K)], idxb, semi).wait()
        pltpu.make_async_copy(h_hbm.at[pl.ds(off, _K)], hbufb, semh).wait()

    plsc.subcore_barrier()
    start_loads(0, idx0, hb0, si0, sh0)
    start_loads(1, idx1, hb1, si1, sh1)

    def body(j, carry):
        c0 = 2 * j
        wait_loads(c0, idx0, hb0, si0, sh0)
        pltpu.sync_copy(hb0, acc.at[idx0], add=True)
        start_loads(jnp.minimum(c0 + 2, _NCH - 1), idx0, hb0, si0, sh0)
        c1 = c0 + 1
        wait_loads(c1, idx1, hb1, si1, sh1)
        pltpu.sync_copy(hb1, acc.at[idx1], add=True)
        start_loads(jnp.minimum(c1 + 2, _NCH - 1), idx1, hb1, si1, sh1)
        return carry

    lax.fori_loop(0, _NPAIR, body, 0)
    wait_loads(_NCH - 1, idx0, hb0, si0, sh0)
    wait_loads(_NCH - 1, idx1, hb1, si1, sh1)
    pltpu.sync_copy(hb0, acc.at[idx0], add=True)
    plsc.subcore_barrier()
    pltpu.sync_copy(acc.at[pl.ds(r0, _RPT)],
                    out_hbm.at[pl.ds(cid * _NPAD + r0, _RPT)])


_sc_scatter = pl.kernel(
    _sc_scatter_body,
    mesh=_mesh,
    out_type=[jax.ShapeDtypeStruct((_NC * _NPAD, _D), jnp.float32)],
    scratch_types=[
        pltpu.VMEM((_K,), jnp.int32),
        pltpu.VMEM((_K,), jnp.int32),
        pltpu.VMEM((_K, _D), jnp.float32),
        pltpu.VMEM((_K, _D), jnp.float32),
        pltpu.VMEM_SHARED((_NPAD, _D), jnp.float32),
        pltpu.SemaphoreType.DMA,
        pltpu.SemaphoreType.DMA,
        pltpu.SemaphoreType.DMA,
        pltpu.SemaphoreType.DMA,
    ],
)


def _p1_body(nf_ref, wa_ref, wb_ref, a_ref, b_ref):
    nf = nf_ref[...]
    a_ref[...] = jnp.dot(nf, wa_ref[...], preferred_element_type=jnp.float32)
    b_ref[...] = jnp.dot(nf, wb_ref[...], preferred_element_type=jnp.float32)


_P1R = 10000
_p1 = pl.pallas_call(
    _p1_body,
    grid=(_N // _P1R,),
    in_specs=[pl.BlockSpec((_P1R, _D), lambda i: (i, 0)),
              pl.BlockSpec((_D, _D), lambda i: (0, 0)),
              pl.BlockSpec((_D, _D), lambda i: (0, 0))],
    out_specs=[pl.BlockSpec((_P1R, _D), lambda i: (i, 0)),
               pl.BlockSpec((_P1R, _D), lambda i: (i, 0))],
    out_shape=[jax.ShapeDtypeStruct((_N, _D), jnp.float32),
               jax.ShapeDtypeStruct((_N, _D), jnp.float32)],
)


_R = 8000


def _p3_body(g_ref, ef_ref, we_ref, b1_ref, x_ref, st_ref, acc_ref):
    x = (g_ref[...]
         + jnp.dot(ef_ref[...], we_ref[...], preferred_element_type=jnp.float32)
         + b1_ref[...])
    x_ref[...] = x.astype(jnp.bfloat16)
    s = jnp.concatenate([jnp.sum(x, axis=0, keepdims=True),
                         jnp.sum(x * x, axis=0, keepdims=True)], axis=0)

    @pl.when(pl.program_id(0) == 0)
    def _():
        acc_ref[...] = jnp.zeros_like(acc_ref)

    acc_ref[...] += s

    @pl.when(pl.program_id(0) == pl.num_programs(0) - 1)
    def _():
        st_ref[...] = acc_ref[...]


_p3 = pl.pallas_call(
    _p3_body,
    grid=(_E // _R,),
    in_specs=[pl.BlockSpec((_R, _D), lambda i: (i, 0)),
              pl.BlockSpec((_R, _DE), lambda i: (i, 0)),
              pl.BlockSpec((_DE, _D), lambda i: (0, 0)),
              pl.BlockSpec((1, _D), lambda i: (0, 0))],
    out_specs=[pl.BlockSpec((_R, _D), lambda i: (i, 0)),
               pl.BlockSpec((2, _D), lambda i: (0, 0))],
    out_shape=[jax.ShapeDtypeStruct((_E, _D), jnp.bfloat16),
               jax.ShapeDtypeStruct((2, _D), jnp.float32)],
    scratch_shapes=[pltpu.VMEM((2, _D), jnp.float32)],
)


def _bn_coeffs(st, gamma, beta):
    m = st[0:1] / _E
    v = st[1:2] / _E - m * m
    a = gamma * lax.rsqrt(v + 1e-5)
    return a, beta - m * a


def _p4_body(x_ref, st1_ref, g1c_ref, b1c_ref, st_ref, acc_ref):
    a1, c1 = _bn_coeffs(st1_ref[...], g1c_ref[...], b1c_ref[...])
    f = jax.nn.sigmoid(x_ref[...].astype(jnp.float32) * a1 + c1)
    s = jnp.concatenate([jnp.sum(f, axis=0, keepdims=True),
                         jnp.sum(f * f, axis=0, keepdims=True)], axis=0)

    @pl.when(pl.program_id(0) == 0)
    def _():
        acc_ref[...] = jnp.zeros_like(acc_ref)

    acc_ref[...] += s

    @pl.when(pl.program_id(0) == pl.num_programs(0) - 1)
    def _():
        st_ref[...] = acc_ref[...]


_p4 = pl.pallas_call(
    _p4_body,
    grid=(_E // _R,),
    in_specs=[pl.BlockSpec((_R, _D), lambda i: (i, 0)),
              pl.BlockSpec((2, _D), lambda i: (0, 0)),
              pl.BlockSpec((1, _D), lambda i: (0, 0)),
              pl.BlockSpec((1, _D), lambda i: (0, 0))],
    out_specs=pl.BlockSpec((2, _D), lambda i: (0, 0)),
    out_shape=jax.ShapeDtypeStruct((2, _D), jnp.float32),
    scratch_shapes=[pltpu.VMEM((2, _D), jnp.float32)],
)


def _p5_body(x_ref, st1_ref, g1c_ref, b1c_ref, st2_ref, g2c_ref, b2c_ref,
             h_ref):
    a1, c1 = _bn_coeffs(st1_ref[...], g1c_ref[...], b1c_ref[...])
    a2, c2 = _bn_coeffs(st2_ref[...], g2c_ref[...], b2c_ref[...])
    f = jax.nn.sigmoid(x_ref[...].astype(jnp.float32) * a1 + c1)
    h_ref[...] = f * jax.nn.softplus(f * a2 + c2)


_p5 = pl.pallas_call(
    _p5_body,
    grid=(_E // _R,),
    in_specs=[pl.BlockSpec((_R, _D), lambda i: (i, 0)),
              pl.BlockSpec((2, _D), lambda i: (0, 0)),
              pl.BlockSpec((1, _D), lambda i: (0, 0)),
              pl.BlockSpec((1, _D), lambda i: (0, 0)),
              pl.BlockSpec((2, _D), lambda i: (0, 0)),
              pl.BlockSpec((1, _D), lambda i: (0, 0)),
              pl.BlockSpec((1, _D), lambda i: (0, 0))],
    out_specs=pl.BlockSpec((_R, _D), lambda i: (i, 0)),
    out_shape=jax.ShapeDtypeStruct((_E, _D), jnp.float32),
)


def _p7_body(p_ref, nf_ref, g3_ref, b3_ref, out_ref):
    nn = (p_ref[0] + p_ref[1])[:_N]
    m = jnp.mean(nn, axis=0, keepdims=True)
    v = jnp.mean((nn - m) ** 2, axis=0, keepdims=True)
    out_ref[...] = (nf_ref[...]
                    + g3_ref[...] * (nn - m) * lax.rsqrt(v + 1e-5)
                    + b3_ref[...])


_p7 = pl.pallas_call(
    _p7_body,
    out_shape=jax.ShapeDtypeStruct((_N, _D), jnp.float32),
)


@jax.jit
def kernel(node_feats, edge_feats, edge_index, W1, b1, W2, b2,
           gamma1, beta1, gamma2, beta2, gamma3, beta3):
    src = edge_index[0]
    dst = edge_index[1]
    wa = W1[:_D]
    wb = W1[_D:2 * _D]
    we = W1[2 * _D:]

    a_tab, b_tab = _p1(node_feats, wa, wb)
    (g,) = _sc_gather(a_tab, b_tab, src, dst)
    x, st1 = _p3(g, edge_feats, we, b1.reshape(1, _D))

    g1c = gamma1.reshape(1, _D)
    b1c = beta1.reshape(1, _D)
    st2 = _p4(x, st1, g1c, b1c)
    h = _p5(x, st1, g1c, b1c, st2, gamma2.reshape(1, _D),
            beta2.reshape(1, _D))

    zeros = jnp.zeros((_NPAD, _D), jnp.float32)
    (partials,) = _sc_scatter(h, dst, zeros)

    out = _p7(partials.reshape(_NC, _NPAD, _D), node_feats,
              gamma3.reshape(1, _D), beta3.reshape(1, _D))
    return (out, edge_feats)

# --- scband reference (transcript-rebuilt; emitter-appended) ---
"""Pipeline reference for scband-cgcnnconv-44590350467110 (READ-ONLY COPY).

The authoritative reference and input builder live on the scoring server;
editing this copy changes nothing except your own understanding.
"""

import jax, jax.numpy as jnp
import numpy as np

N = 10000
E = 320000
D = 128
DE = 16

def _bn(x, gamma, beta):
    m = jnp.mean(x, axis=0)
    v = jnp.var(x, axis=0)
    return gamma * (x - m) / jnp.sqrt(v + 1e-5) + beta

def setup_inputs(seed: int = 0) -> dict:
    key = jax.random.key(seed)
    ks = jax.random.split(key, 12)
    node_feats = jax.random.normal(ks[0], (N, D), dtype=jnp.float32)
    edge_index = jax.random.randint(ks[1], (2, E), 0, N, dtype=jnp.int32)
    edge_feats = jax.random.normal(ks[2], (E, DE), dtype=jnp.float32)
    fin = 2 * D + DE
    W1 = jax.random.normal(ks[3], (fin, D), dtype=jnp.float32) * (1.0 / np.sqrt(fin))
    b1 = jax.random.normal(ks[4], (D,), dtype=jnp.float32) * 0.01
    W2 = jax.random.normal(ks[5], (fin, D), dtype=jnp.float32) * (1.0 / np.sqrt(fin))
    b2 = jax.random.normal(ks[6], (D,), dtype=jnp.float32) * 0.01
    gamma1 = jnp.ones((D,), dtype=jnp.float32)
    beta1 = jnp.zeros((D,), dtype=jnp.float32)
    gamma2 = jnp.ones((D,), dtype=jnp.float32)
    beta2 = jnp.zeros((D,), dtype=jnp.float32)
    gamma3 = jnp.ones((D,), dtype=jnp.float32)
    beta3 = jnp.zeros((D,), dtype=jnp.float32)
    return {"node_feats": node_feats, "edge_feats": edge_feats, "edge_index": edge_index,
            "W1": W1, "b1": b1, "W2": W2, "b2": b2,
            "gamma1": gamma1, "beta1": beta1, "gamma2": gamma2, "beta2": beta2,
            "gamma3": gamma3, "beta3": beta3}

def reference(node_feats, edge_feats, edge_index, W1, b1, W2, b2,
              gamma1, beta1, gamma2, beta2, gamma3, beta3):
    src = edge_index[0]
    dst = edge_index[1]
    # apply_edges: concat src node, dst node, edge rbf
    total_edge = jnp.concatenate([node_feats[src], node_feats[dst], edge_feats], axis=-1)
    nbr_filter = total_edge @ W1 + b1
    nbr_filter = _bn(nbr_filter, gamma1, beta1)
    nbr_filter = jax.nn.sigmoid(nbr_filter)
    # NOTE: faithful to original code, bn2 is applied to nbr_filter (the fc_full2 output is discarded)
    nbr_core = _bn(nbr_filter, gamma2, beta2)
    nbr_core = jax.nn.softplus(nbr_core)
    h = nbr_filter * nbr_core
    # update_all: copy_e + sum reduce onto destination nodes
    new_node = jax.ops.segment_sum(h, dst, num_segments=N)
    nnode = _bn(new_node, gamma3, beta3)
    out_node_feats = node_feats + nnode
    return (out_node_feats, edge_feats)

if __name__ == "__main__":
    import jax
    _d = setup_inputs()
    print(jax.jit(kernel)(*tuple(_d.values())))

</pallas_src>

<mosaic_0001>
#map = affine_map<(d0, d1) -> (0, 0)>
#map1 = affine_map<(d0, d1) -> (0)>
module attributes {stable_mosaic.version = 14 : i64} {
  func.func @_sc_scatter_body(%arg0: i32, %arg1: i32, %arg2: memref<320000x128xf32, #tpu.memory_space<hbm>>, %arg3: memref<320000xi32, #tpu.memory_space<hbm>>, %arg4: memref<10240x128xf32, #tpu.memory_space<hbm>>, %arg5: memref<20480x128xf32, #tpu.memory_space<hbm>>, %arg6: memref<80xi32, #tpu.memory_space<vmem>>, %arg7: memref<80xi32, #tpu.memory_space<vmem>>, %arg8: memref<80x128xf32, #tpu.memory_space<vmem>>, %arg9: memref<80x128xf32, #tpu.memory_space<vmem>>, %arg10: memref<10240x128xf32, #tpu.memory_space<vmem_shared>>, %arg11: memref<!tpu.dma_semaphore, #tpu.memory_space<semaphore_mem>>, %arg12: memref<!tpu.dma_semaphore, #tpu.memory_space<semaphore_mem>>, %arg13: memref<!tpu.dma_semaphore, #tpu.memory_space<semaphore_mem>>, %arg14: memref<!tpu.dma_semaphore, #tpu.memory_space<semaphore_mem>>) attributes {dimension_semantics = [#tpu.dimension_semantics<core_parallel>, #tpu.dimension_semantics<subcore_parallel>], iteration_bounds = array<i64: 2, 16>, scalar_prefetch = 0 : i64, scratch_operands = 9 : i64, tpu.core_type = #tpu.core_type<sc_vector_subcore>, window_params = [{transform_indices = #map}, {transform_indices = #map1}, {transform_indices = #map}, {transform_indices = #map}]} {
    %mul3A = arith.constant 640 : i32
    %mul3A_0 = arith.muli %arg1, %mul3A : i32
    "tpu.region"() ({
      %run_scoped3A = tpu.sem_alloc : memref<!tpu.dma_semaphore, #tpu.memory_space<semaphore_mem>>
      %dma_start3A_44 = arith.constant 0 : i32
      %dma_start3A_45 = tpu.memref_slice %arg10[%mul3A_0, %dma_start3A_44] : memref<10240x128xf32, #tpu.memory_space<vmem_shared>> -> memref<640x128xf32, #tpu.memory_space<vmem_shared>>
      %dma_start3A_46 = arith.constant 0 : i32
      %dma_start3A_47 = tpu.memref_slice %arg4[%mul3A_0, %dma_start3A_46] : memref<10240x128xf32, #tpu.memory_space<hbm>> -> memref<640x128xf32, #tpu.memory_space<hbm>>
      tpu.enqueue_dma source(%dma_start3A_47 : memref<640x128xf32, #tpu.memory_space<hbm>>) target(%dma_start3A_45 : memref<640x128xf32, #tpu.memory_space<vmem_shared>>) target_semaphore(%run_scoped3A : memref<!tpu.dma_semaphore, #tpu.memory_space<semaphore_mem>>)
      %dma_wait3A_48 = arith.constant 0 : i32
      %dma_wait3A_49 = tpu.memref_slice %arg10[%mul3A_0, %dma_wait3A_48] : memref<10240x128xf32, #tpu.memory_space<vmem_shared>> -> memref<640x128xf32, #tpu.memory_space<vmem_shared>>
      %dma_wait3A_50 = arith.constant 0 : i32
      %dma_wait3A_51 = tpu.memref_slice %arg4[%mul3A_0, %dma_wait3A_50] : memref<10240x128xf32, #tpu.memory_space<hbm>> -> memref<640x128xf32, #tpu.memory_space<hbm>>
      tpu.wait_dma2 semaphore(%run_scoped3A : memref<!tpu.dma_semaphore, #tpu.memory_space<semaphore_mem>>) src(%dma_wait3A_51 : memref<640x128xf32, #tpu.memory_space<hbm>>) dst(%dma_wait3A_49 : memref<640x128xf32, #tpu.memory_space<vmem_shared>>)
      tpu.yield
    }) : () -> ()
    %mul3A_1 = arith.constant 160000 : i32
    %mul3A_2 = arith.muli %arg0, %mul3A_1 : i32
    %mul3A_3 = arith.constant 10000 : i32
    %mul3A_4 = arith.muli %arg1, %mul3A_3 : i32
    %add3A = arith.addi %mul3A_2, %mul3A_4 : i32
    %barrier3A = arith.constant 0 : index
    tpu.barrier barrier_id(%barrier3A)
    %add3A_5 = arith.constant 0 : i32
    %add3A_6 = arith.addi %add3A, %add3A_5 : i32
    %dma_start3A = tpu.memref_slice %arg3[%add3A_6] : memref<320000xi32, #tpu.memory_space<hbm>> -> memref<80xi32, #tpu.memory_space<hbm>>
    %dma_start3A_7 = tpu.memref_slice %arg3[%add3A_6] : memref<320000xi32, #tpu.memory_space<hbm>> -> memref<80xi32, #tpu.memory_space<hbm>>
    tpu.enqueue_dma source(%dma_start3A_7 : memref<80xi32, #tpu.memory_space<hbm>>) target(%arg6 : memref<80xi32, #tpu.memory_space<vmem>>) target_semaphore(%arg11 : memref<!tpu.dma_semaphore, #tpu.memory_space<semaphore_mem>>)
    %dma_start3A_8 = arith.constant 0 : i32
    %dma_start3A_9 = tpu.memref_slice %arg2[%add3A_6, %dma_start3A_8] : memref<320000x128xf32, #tpu.memory_space<hbm>> -> memref<80x128xf32, #tpu.memory_space<hbm>>
    %dma_start3A_10 = arith.constant 0 : i32
    %dma_start3A_11 = tpu.memref_slice %arg2[%add3A_6, %dma_start3A_10] : memref<320000x128xf32, #tpu.memory_space<hbm>> -> memref<80x128xf32, #tpu.memory_space<hbm>>
    tpu.enqueue_dma source(%dma_start3A_11 : memref<80x128xf32, #tpu.memory_space<hbm>>) target(%arg8 : memref<80x128xf32, #tpu.memory_space<vmem>>) target_semaphore(%arg13 : memref<!tpu.dma_semaphore, #tpu.memory_space<semaphore_mem>>)
    %add3A_12 = arith.constant 80 : i32
    %add3A_13 = arith.addi %add3A, %add3A_12 : i32
    %dma_start3A_14 = tpu.memref_slice %arg3[%add3A_13] : memref<320000xi32, #tpu.memory_space<hbm>> -> memref<80xi32, #tpu.memory_space<hbm>>
    %dma_start3A_15 = tpu.memref_slice %arg3[%add3A_13] : memref<320000xi32, #tpu.memory_space<hbm>> -> memref<80xi32, #tpu.memory_space<hbm>>
    tpu.enqueue_dma source(%dma_start3A_15 : memref<80xi32, #tpu.memory_space<hbm>>) target(%arg7 : memref<80xi32, #tpu.memory_space<vmem>>) target_semaphore(%arg12 : memref<!tpu.dma_semaphore, #tpu.memory_space<semaphore_mem>>)
    %dma_start3A_16 = arith.constant 0 : i32
    %dma_start3A_17 = tpu.memref_slice %arg2[%add3A_13, %dma_start3A_16] : memref<320000x128xf32, #tpu.memory_space<hbm>> -> memref<80x128xf32, #tpu.memory_space<hbm>>
    %dma_start3A_18 = arith.constant 0 : i32
    %dma_start3A_19 = tpu.memref_slice %arg2[%add3A_13, %dma_start3A_18] : memref<320000x128xf32, #tpu.memory_space<hbm>> -> memref<80x128xf32, #tpu.memory_space<hbm>>
    tpu.enqueue_dma source(%dma_start3A_19 : memref<80x128xf32, #tpu.memory_space<hbm>>) target(%arg9 : memref<80x128xf32, #tpu.memory_space<vmem>>) target_semaphore(%arg14 : memref<!tpu.dma_semaphore, #tpu.memory_space<semaphore_mem>>)
    %scan3A = arith.constant 0 : i32
    %scan3A_20 = arith.constant 0 : i32
    %scan3A_21 = arith.constant 62 : i32
    %scan3A_22 = arith.addi %scan3A_20, %scan3A_21 : i32
    %scan3A_23 = arith.constant 1 : i32
    scf.for %scan3A_44 = %scan3A_20 to %scan3A_22 step %scan3A_23  : i32 {
      %mul3A_45 = arith.constant 2 : i32
      %mul3A_46 = arith.muli %mul3A_45, %scan3A_44 : i32
      %mul3A_47 = arith.constant 80 : i32
      %mul3A_48 = arith.muli %mul3A_46, %mul3A_47 : i32
      %add3A_49 = arith.addi %add3A, %mul3A_48 : i32
      %dma_wait3A_50 = tpu.memref_slice %arg3[%add3A_49] : memref<320000xi32, #tpu.memory_space<hbm>> -> memref<80xi32, #tpu.memory_space<hbm>>
      %dma_wait3A_51 = tpu.memref_slice %arg3[%add3A_49] : memref<320000xi32, #tpu.memory_space<hbm>> -> memref<80xi32, #tpu.memory_space<hbm>>
      tpu.wait_dma2 semaphore(%arg11 : memref<!tpu.dma_semaphore, #tpu.memory_space<semaphore_mem>>) src(%dma_wait3A_51 : memref<80xi32, #tpu.memory_space<hbm>>) dst(%arg6 : memref<80xi32, #tpu.memory_space<vmem>>)
      %dma_wait3A_52 = arith.constant 0 : i32
      %dma_wait3A_53 = tpu.memref_slice %arg2[%add3A_49, %dma_wait3A_52] : memref<320000x128xf32, #tpu.memory_space<hbm>> -> memref<80x128xf32, #tpu.memory_space<hbm>>
      %dma_wait3A_54 = arith.constant 0 : i32
      %dma_wait3A_55 = tpu.memref_slice %arg2[%add3A_49, %dma_wait3A_54] : memref<320000x128xf32, #tpu.memory_space<hbm>> -> memref<80x128xf32, #tpu.memory_space<hbm>>
      tpu.wait_dma2 semaphore(%arg13 : memref<!tpu.dma_semaphore, #tpu.memory_space<semaphore_mem>>) src(%dma_wait3A_55 : memref<80x128xf32, #tpu.memory_space<hbm>>) dst(%arg8 : memref<80x128xf32, #tpu.memory_space<vmem>>)
      "tpu.region"() ({
        %run_scoped3A = tpu.sem_alloc : memref<!tpu.dma_semaphore, #tpu.memory_space<semaphore_mem>>
        %dma_start3A_92 = arith.constant 0 : i32
        %dma_start3A_93 = arith.constant 0 : i32
        %dma_start3A_94 = tpu.memref_slice %arg10[%dma_start3A_92, %dma_start3A_93] : memref<10240x128xf32, #tpu.memory_space<vmem_shared>> -> memref<10240x128xf32, #tpu.memory_space<vmem_shared>>
        tpu.enqueue_indirect_dma source(%arg8 : memref<80x128xf32, #tpu.memory_space<vmem>>) target(%dma_start3A_94 : memref<10240x128xf32, #tpu.memory_space<vmem_shared>>) offsets(%arg6 : memref<80xi32, #tpu.memory_space<vmem>>) semaphore(%run_scoped3A : memref<!tpu.dma_semaphore, #tpu.memory_space<semaphore_mem>>) {add = true}
        %dma_wait3A_95 = arith.constant 0 : i32
        %dma_wait3A_96 = arith.constant 0 : i32
        %dma_wait3A_97 = tpu.memref_slice %arg10[%dma_wait3A_95, %dma_wait3A_96] : memref<10240x128xf32, #tpu.memory_space<vmem_shared>> -> memref<10240x128xf32, #tpu.memory_space<vmem_shared>>
        tpu.wait_indirect_dma semaphore(%run_scoped3A : memref<!tpu.dma_semaphore, #tpu.memory_space<semaphore_mem>>) src(%arg8 : memref<80x128xf32, #tpu.memory_space<vmem>>) dst(%dma_wait3A_97 : memref<10240x128xf32, #tpu.memory_space<vmem_shared>>)
        tpu.yield
      }) : () -> ()
      %add3A_56 = arith.constant 2 : i32
      %add3A_57 = arith.addi %mul3A_46, %add3A_56 : i32
      %min3A = arith.constant 124 : i32
      %min3A_58 = arith.minsi %add3A_57, %min3A : i32
      %mul3A_59 = arith.constant 80 : i32
      %mul3A_60 = arith.muli %min3A_58, %mul3A_59 : i32
      %add3A_61 = arith.addi %add3A, %mul3A_60 : i32
      %dma_start3A_62 = tpu.memref_slice %arg3[%add3A_61] : memref<320000xi32, #tpu.memory_space<hbm>> -> memref<80xi32, #tpu.memory_space<hbm>>
      %dma_start3A_63 = tpu.memref_slice %arg3[%add3A_61] : memref<320000xi32, #tpu.memory_space<hbm>> -> memref<80xi32, #tpu.memory_space<hbm>>
      tpu.enqueue_dma source(%dma_start3A_63 : memref<80xi32, #tpu.memory_space<hbm>>) target(%arg6 : memref<80xi32, #tpu.memory_space<vmem>>) target_semaphore(%arg11 : memref<!tpu.dma_semaphore, #tpu.memory_space<semaphore_mem>>)
      %dma_start3A_64 = arith.constant 0 : i32
      %dma_start3A_65 = tpu.memref_slice %arg2[%add3A_61, %dma_start3A_64] : memref<320000x128xf32, #tpu.memory_space<hbm>> -> memref<80x128xf32, #tpu.memory_space<hbm>>
      %dma_start3A_66 = arith.constant 0 : i32
      %dma_start3A_67 = tpu.memref_slice %arg2[%add3A_61, %dma_start3A_66] : memref<320000x128xf32, #tpu.memory_space<hbm>> -> memref<80x128xf32, #tpu.memory_space<hbm>>
      tpu.enqueue_dma source(%dma_start3A_67 : memref<80x128xf32, #tpu.memory_space<hbm>>) target(%arg8 : memref<80x128xf32, #tpu.memory_space<vmem>>) target_semaphore(%arg13 : memref<!tpu.dma_semaphore, #tpu.memory_space<semaphore_mem>>)
      %add3A_68 = arith.constant 1 : i32
      %add3A_69 = arith.addi %mul3A_46, %add3A_68 : i32
      %mul3A_70 = arith.constant 80 : i32
      %mul3A_71 = arith.muli %add3A_69, %mul3A_70 : i32
      %add3A_72 = arith.addi %add3A, %mul3A_71 : i32
      %dma_wait3A_73 = tpu.memref_slice %arg3[%add3A_72] : memref<320000xi32, #tpu.memory_space<hbm>> -> memref<80xi32, #tpu.memory_space<hbm>>
      %dma_wait3A_74 = tpu.memref_slice %arg3[%add3A_72] : memref<320000xi32, #tpu.memory_space<hbm>> -> memref<80xi32, #tpu.memory_space<hbm>>
      tpu.wait_dma2 semaphore(%arg12 : memref<!tpu.dma_semaphore, #tpu.memory_space<semaphore_mem>>) src(%dma_wait3A_74 : memref<80xi32, #tpu.memory_space<hbm>>) dst(%arg7 : memref<80xi32, #tpu.memory_space<vmem>>)
      %dma_wait3A_75 = arith.constant 0 : i32
      %dma_wait3A_76 = tpu.memref_slice %arg2[%add3A_72, %dma_wait3A_75] : memref<320000x128xf32, #tpu.memory_space<hbm>> -> memref<80x128xf32, #tpu.memory_space<hbm>>
      %dma_wait3A_77 = arith.constant 0 : i32
      %dma_wait3A_78 = tpu.memref_slice %arg2[%add3A_72, %dma_wait3A_77] : memref<320000x128xf32, #tpu.memory_space<hbm>> -> memref<80x128xf32, #tpu.memory_space<hbm>>
      tpu.wait_dma2 semaphore(%arg14 : memref<!tpu.dma_semaphore, #tpu.memory_space<semaphore_mem>>) src(%dma_wait3A_78 : memref<80x128xf32, #tpu.memory_space<hbm>>) dst(%arg9 : memref<80x128xf32, #tpu.memory_space<vmem>>)
      "tpu.region"() ({
        %run_scoped3A = tpu.sem_alloc : memref<!tpu.dma_semaphore, #tpu.memory_space<semaphore_mem>>
        %dma_start3A_92 = arith.constant 0 : i32
        %dma_start3A_93 = arith.constant 0 : i32
        %dma_start3A_94 = tpu.memref_slice %arg10[%dma_start3A_92, %dma_start3A_93] : memref<10240x128xf32, #tpu.memory_space<vmem_shared>> -> memref<10240x128xf32, #tpu.memory_space<vmem_shared>>
        tpu.enqueue_indirect_dma source(%arg9 : memref<80x128xf32, #tpu.memory_space<vmem>>) target(%dma_start3A_94 : memref<10240x128xf32, #tpu.memory_space<vmem_shared>>) offsets(%arg7 : memref<80xi32, #tpu.memory_space<vmem>>) semaphore(%run_scoped3A : memref<!tpu.dma_semaphore, #tpu.memory_space<semaphore_mem>>) {add = true}
        %dma_wait3A_95 = arith.constant 0 : i32
        %dma_wait3A_96 = arith.constant 0 : i32
        %dma_wait3A_97 = tpu.memref_slice %arg10[%dma_wait3A_95, %dma_wait3A_96] : memref<10240x128xf32, #tpu.memory_space<vmem_shared>> -> memref<10240x128xf32, #tpu.memory_space<vmem_shared>>
        tpu.wait_indirect_dma semaphore(%run_scoped3A : memref<!tpu.dma_semaphore, #tpu.memory_space<semaphore_mem>>) src(%arg9 : memref<80x128xf32, #tpu.memory_space<vmem>>) dst(%dma_wait3A_97 : memref<10240x128xf32, #tpu.memory_space<vmem_shared>>)
        tpu.yield
      }) : () -> ()
      %add3A_79 = arith.constant 2 : i32
      %add3A_80 = arith.addi %add3A_69, %add3A_79 : i32
      %min3A_81 = arith.constant 124 : i32
      %min3A_82 = arith.minsi %add3A_80, %min3A_81 : i32
      %mul3A_83 = arith.constant 80 : i32
      %mul3A_84 = arith.muli %min3A_82, %mul3A_83 : i32
      %add3A_85 = arith.addi %add3A, %mul3A_84 : i32
      %dma_start3A_86 = tpu.memref_slice %arg3[%add3A_85] : memref<320000xi32, #tpu.memory_space<hbm>> -> memref<80xi32, #tpu.memory_space<hbm>>
      %dma_start3A_87 = tpu.memref_slice %arg3[%add3A_85] : memref<320000xi32, #tpu.memory_space<hbm>> -> memref<80xi32, #tpu.memory_space<hbm>>
      tpu.enqueue_dma source(%dma_start3A_87 : memref<80xi32, #tpu.memory_space<hbm>>) target(%arg7 : memref<80xi32, #tpu.memory_space<vmem>>) target_semaphore(%arg12 : memref<!tpu.dma_semaphore, #tpu.memory_space<semaphore_mem>>)
      %dma_start3A_88 = arith.constant 0 : i32
      %dma_start3A_89 = tpu.memref_slice %arg2[%add3A_85, %dma_start3A_88] : memref<320000x128xf32, #tpu.memory_space<hbm>> -> memref<80x128xf32, #tpu.memory_space<hbm>>
      %dma_start3A_90 = arith.constant 0 : i32
      %dma_start3A_91 = tpu.memref_slice %arg2[%add3A_85, %dma_start3A_90] : memref<320000x128xf32, #tpu.memory_space<hbm>> -> memref<80x128xf32, #tpu.memory_space<hbm>>
      tpu.enqueue_dma source(%dma_start3A_91 : memref<80x128xf32, #tpu.memory_space<hbm>>) target(%arg9 : memref<80x128xf32, #tpu.memory_space<vmem>>) target_semaphore(%arg14 : memref<!tpu.dma_semaphore, #tpu.memory_space<semaphore_mem>>)
    }
    %scan3A_24 = arith.constant 62 : i32
    %add3A_25 = arith.constant 9920 : i32
    %add3A_26 = arith.addi %add3A, %add3A_25 : i32
    %dma_wait3A = tpu.memref_slice %arg3[%add3A_26] : memref<320000xi32, #tpu.memory_space<hbm>> -> memref<80xi32, #tpu.memory_space<hbm>>
    %dma_wait3A_27 = tpu.memref_slice %arg3[%add3A_26] : memref<320000xi32, #tpu.memory_space<hbm>> -> memref<80xi32, #tpu.memory_space<hbm>>
    tpu.wait_dma2 semaphore(%arg11 : memref<!tpu.dma_semaphore, #tpu.memory_space<semaphore_mem>>) src(%dma_wait3A_27 : memref<80xi32, #tpu.memory_space<hbm>>) dst(%arg6 : memref<80xi32, #tpu.memory_space<vmem>>)
    %dma_wait3A_28 = arith.constant 0 : i32
    %dma_wait3A_29 = tpu.memref_slice %arg2[%add3A_26, %dma_wait3A_28] : memref<320000x128xf32, #tpu.memory_space<hbm>> -> memref<80x128xf32, #tpu.memory_space<hbm>>
    %dma_wait3A_30 = arith.constant 0 : i32
    %dma_wait3A_31 = tpu.memref_slice %arg2[%add3A_26, %dma_wait3A_30] : memref<320000x128xf32, #tpu.memory_space<hbm>> -> memref<80x128xf32, #tpu.memory_space<hbm>>
    tpu.wait_dma2 semaphore(%arg13 : memref<!tpu.dma_semaphore, #tpu.memory_space<semaphore_mem>>) src(%dma_wait3A_31 : memref<80x128xf32, #tpu.memory_space<hbm>>) dst(%arg8 : memref<80x128xf32, #tpu.memory_space<vmem>>)
    %add3A_32 = arith.constant 9920 : i32
    %add3A_33 = arith.addi %add3A, %add3A_32 : i32
    %dma_wait3A_34 = tpu.memref_slice %arg3[%add3A_33] : memref<320000xi32, #tpu.memory_space<hbm>> -> memref<80xi32, #tpu.memory_space<hbm>>
    %dma_wait3A_35 = tpu.memref_slice %arg3[%add3A_33] : memref<320000xi32, #tpu.memory_space<hbm>> -> memref<80xi32, #tpu.memory_space<hbm>>
    tpu.wait_dma2 semaphore(%arg12 : memref<!tpu.dma_semaphore, #tpu.memory_space<semaphore_mem>>) src(%dma_wait3A_35 : memref<80xi32, #tpu.memory_space<hbm>>) dst(%arg7 : memref<80xi32, #tpu.memory_space<vmem>>)
    %dma_wait3A_36 = arith.constant 0 : i32
    %dma_wait3A_37 = tpu.memref_slice %arg2[%add3A_33, %dma_wait3A_36] : memref<320000x128xf32, #tpu.memory_space<hbm>> -> memref<80x128xf32, #tpu.memory_space<hbm>>
    %dma_wait3A_38 = arith.constant 0 : i32
    %dma_wait3A_39 = tpu.memref_slice %arg2[%add3A_33, %dma_wait3A_38] : memref<320000x128xf32, #tpu.memory_space<hbm>> -> memref<80x128xf32, #tpu.memory_space<hbm>>
    tpu.wait_dma2 semaphore(%arg14 : memref<!tpu.dma_semaphore, #tpu.memory_space<semaphore_mem>>) src(%dma_wait3A_39 : memref<80x128xf32, #tpu.memory_space<hbm>>) dst(%arg9 : memref<80x128xf32, #tpu.memory_space<vmem>>)
    "tpu.region"() ({
      %run_scoped3A = tpu.sem_alloc : memref<!tpu.dma_semaphore, #tpu.memory_space<semaphore_mem>>
      %dma_start3A_44 = arith.constant 0 : i32
      %dma_start3A_45 = arith.constant 0 : i32
      %dma_start3A_46 = tpu.memref_slice %arg10[%dma_start3A_44, %dma_start3A_45] : memref<10240x128xf32, #tpu.memory_space<vmem_shared>> -> memref<10240x128xf32, #tpu.memory_space<vmem_shared>>
      tpu.enqueue_indirect_dma source(%arg8 : memref<80x128xf32, #tpu.memory_space<vmem>>) target(%dma_start3A_46 : memref<10240x128xf32, #tpu.memory_space<vmem_shared>>) offsets(%arg6 : memref<80xi32, #tpu.memory_space<vmem>>) semaphore(%run_scoped3A : memref<!tpu.dma_semaphore, #tpu.memory_space<semaphore_mem>>) {add = true}
      %dma_wait3A_47 = arith.constant 0 : i32
      %dma_wait3A_48 = arith.constant 0 : i32
      %dma_wait3A_49 = tpu.memref_slice %arg10[%dma_wait3A_47, %dma_wait3A_48] : memref<10240x128xf32, #tpu.memory_space<vmem_shared>> -> memref<10240x128xf32, #tpu.memory_space<vmem_shared>>
      tpu.wait_indirect_dma semaphore(%run_scoped3A : memref<!tpu.dma_semaphore, #tpu.memory_space<semaphore_mem>>) src(%arg8 : memref<80x128xf32, #tpu.memory_space<vmem>>) dst(%dma_wait3A_49 : memref<10240x128xf32, #tpu.memory_space<vmem_shared>>)
      tpu.yield
    }) : () -> ()
    %barrier3A_40 = arith.constant 0 : index
    tpu.barrier barrier_id(%barrier3A_40)
    %mul3A_41 = arith.constant 10240 : i32
    %mul3A_42 = arith.muli %arg0, %mul3A_41 : i32
    %add3A_43 = arith.addi %mul3A_42, %mul3A_0 : i32
    "tpu.region"() ({
      %run_scoped3A = tpu.sem_alloc : memref<!tpu.dma_semaphore, #tpu.memory_space<semaphore_mem>>
      %dma_start3A_44 = arith.constant 0 : i32
      %dma_start3A_45 = tpu.memref_slice %arg5[%add3A_43, %dma_start3A_44] : memref<20480x128xf32, #tpu.memory_space<hbm>> -> memref<640x128xf32, #tpu.memory_space<hbm>>
      %dma_start3A_46 = arith.constant 0 : i32
      %dma_start3A_47 = tpu.memref_slice %arg10[%mul3A_0, %dma_start3A_46] : memref<10240x128xf32, #tpu.memory_space<vmem_shared>> -> memref<640x128xf32, #tpu.memory_space<vmem_shared>>
      tpu.enqueue_dma source(%dma_start3A_47 : memref<640x128xf32, #tpu.memory_space<vmem_shared>>) target(%dma_start3A_45 : memref<640x128xf32, #tpu.memory_space<hbm>>) target_semaphore(%run_scoped3A : memref<!tpu.dma_semaphore, #tpu.memory_space<semaphore_mem>>)
      %dma_wait3A_48 = arith.constant 0 : i32
      %dma_wait3A_49 = tpu.memref_slice %arg5[%add3A_43, %dma_wait3A_48] : memref<20480x128xf32, #tpu.memory_space<hbm>> -> memref<640x128xf32, #tpu.memory_space<hbm>>
      %dma_wait3A_50 = arith.constant 0 : i32
      %dma_wait3A_51 = tpu.memref_slice %arg10[%mul3A_0, %dma_wait3A_50] : memref<10240x128xf32, #tpu.memory_space<vmem_shared>> -> memref<640x128xf32, #tpu.memory_space<vmem_shared>>
      tpu.wait_dma2 semaphore(%run_scoped3A : memref<!tpu.dma_semaphore, #tpu.memory_space<semaphore_mem>>) src(%dma_wait3A_51 : memref<640x128xf32, #tpu.memory_space<vmem_shared>>) dst(%dma_wait3A_49 : memref<640x128xf32, #tpu.memory_space<hbm>>)
      tpu.yield
    }) : () -> ()
    return
  }
}

#map = affine_map<(d0, d1) -> (0, 0)>
#map1 = affine_map<(d0, d1) -> (0)>
module attributes {stable_mosaic.version = 14 : i64} {
  func.func @_sc_gather_body(%arg0: i32, %arg1: i32, %arg2: memref<10000x128xf32, #tpu.memory_space<hbm>>, %arg3: memref<10000x128xf32, #tpu.memory_space<hbm>>, %arg4: memref<320000xi32, #tpu.memory_space<hbm>>, %arg5: memref<320000xi32, #tpu.memory_space<hbm>>, %arg6: memref<320000x128xf32, #tpu.memory_space<hbm>>, %arg7: memref<80xi32, #tpu.memory_space<vmem>>, %arg8: memref<80xi32, #tpu.memory_space<vmem>>, %arg9: memref<80xi32, #tpu.memory_space<vmem>>, %arg10: memref<80xi32, #tpu.memory_space<vmem>>, %arg11: memref<80x128xf32, #tpu.memory_space<vmem>>, %arg12: memref<80x128xf32, #tpu.memory_space<vmem>>, %arg13: memref<80x128xf32, #tpu.memory_space<vmem>>, %arg14: memref<80x128xf32, #tpu.memory_space<vmem>>, %arg15: memref<80x128xf32, #tpu.memory_space<vmem>>, %arg16: memref<80x128xf32, #tpu.memory_space<vmem>>, %arg17: memref<!tpu.dma_semaphore, #tpu.memory_space<semaphore_mem>>, %arg18: memref<!tpu.dma_semaphore, #tpu.memory_space<semaphore_mem>>, %arg19: memref<!tpu.dma_semaphore, #tpu.memory_space<semaphore_mem>>, %arg20: memref<!tpu.dma_semaphore, #tpu.memory_space<semaphore_mem>>, %arg21: memref<!tpu.dma_semaphore, #tpu.memory_space<semaphore_mem>>, %arg22: memref<!tpu.dma_semaphore, #tpu.memory_space<semaphore_mem>>, %arg23: memref<!tpu.dma_semaphore, #tpu.memory_space<semaphore_mem>>, %arg24: memref<!tpu.dma_semaphore, #tpu.memory_space<semaphore_mem>>, %arg25: memref<!tpu.dma_semaphore, #tpu.memory_space<semaphore_mem>>, %arg26: memref<!tpu.dma_semaphore, #tpu.memory_space<semaphore_mem>>) attributes {dimension_semantics = [#tpu.dimension_semantics<core_parallel>, #tpu.dimension_semantics<subcore_parallel>], iteration_bounds = array<i64: 2, 16>, scalar_prefetch = 0 : i64, scratch_operands = 20 : i64, tpu.core_type = #tpu.core_type<sc_vector_subcore>, window_params = [{transform_indices = #map}, {transform_indices = #map}, {transform_indices = #map1}, {transform_indices = #map1}, {transform_indices = #map}]} {
    %mul3A = arith.constant 2 : i32
    %mul3A_0 = arith.muli %arg1, %mul3A : i32
    %add3A = arith.addi %mul3A_0, %arg0 : i32
    %mul3A_1 = arith.constant 10000 : i32
    %mul3A_2 = arith.muli %add3A, %mul3A_1 : i32
    %add3A_3 = arith.constant 0 : i32
    %add3A_4 = arith.addi %mul3A_2, %add3A_3 : i32
    "tpu.region"() ({
      %run_scoped3A = tpu.sem_alloc : memref<!tpu.dma_semaphore, #tpu.memory_space<semaphore_mem>>
      %dma_start3A_54 = tpu.memref_slice %arg4[%add3A_4] : memref<320000xi32, #tpu.memory_space<hbm>> -> memref<80xi32, #tpu.memory_space<hbm>>
      %dma_start3A_55 = tpu.memref_slice %arg4[%add3A_4] : memref<320000xi32, #tpu.memory_space<hbm>> -> memref<80xi32, #tpu.memory_space<hbm>>
      tpu.enqueue_dma source(%dma_start3A_55 : memref<80xi32, #tpu.memory_space<hbm>>) target(%arg7 : memref<80xi32, #tpu.memory_space<vmem>>) target_semaphore(%run_scoped3A : memref<!tpu.dma_semaphore, #tpu.memory_space<semaphore_mem>>)
      %dma_wait3A_56 = tpu.memref_slice %arg4[%add3A_4] : memref<320000xi32, #tpu.memory_space<hbm>> -> memref<80xi32, #tpu.memory_space<hbm>>
      %dma_wait3A_57 = tpu.memref_slice %arg4[%add3A_4] : memref<320000xi32, #tpu.memory_space<hbm>> -> memref<80xi32, #tpu.memory_space<hbm>>
      tpu.wait_dma2 semaphore(%run_scoped3A : memref<!tpu.dma_semaphore, #tpu.memory_space<semaphore_mem>>) src(%dma_wait3A_57 : memref<80xi32, #tpu.memory_space<hbm>>) dst(%arg7 : memref<80xi32, #tpu.memory_space<vmem>>)
      tpu.yield
    }) : () -> ()
    "tpu.region"() ({
      %run_scoped3A = tpu.sem_alloc : memref<!tpu.dma_semaphore, #tpu.memory_space<semaphore_mem>>
      %dma_start3A_54 = tpu.memref_slice %arg5[%add3A_4] : memref<320000xi32, #tpu.memory_space<hbm>> -> memref<80xi32, #tpu.memory_space<hbm>>
      %dma_start3A_55 = tpu.memref_slice %arg5[%add3A_4] : memref<320000xi32, #tpu.memory_space<hbm>> -> memref<80xi32, #tpu.memory_space<hbm>>
      tpu.enqueue_dma source(%dma_start3A_55 : memref<80xi32, #tpu.memory_space<hbm>>) target(%arg8 : memref<80xi32, #tpu.memory_space<vmem>>) target_semaphore(%run_scoped3A : memref<!tpu.dma_semaphore, #tpu.memory_space<semaphore_mem>>)
      %dma_wait3A_56 = tpu.memref_slice %arg5[%add3A_4] : memref<320000xi32, #tpu.memory_space<hbm>> -> memref<80xi32, #tpu.memory_space<hbm>>
      %dma_wait3A_57 = tpu.memref_slice %arg5[%add3A_4] : memref<320000xi32, #tpu.memory_space<hbm>> -> memref<80xi32, #tpu.memory_space<hbm>>
      tpu.wait_dma2 semaphore(%run_scoped3A : memref<!tpu.dma_semaphore, #tpu.memory_space<semaphore_mem>>) src(%dma_wait3A_57 : memref<80xi32, #tpu.memory_space<hbm>>) dst(%arg8 : memref<80xi32, #tpu.memory_space<vmem>>)
      tpu.yield
    }) : () -> ()
    %dma_start3A = arith.constant 0 : i32
    %dma_start3A_5 = arith.constant 0 : i32
    %dma_start3A_6 = tpu.memref_slice %arg2[%dma_start3A, %dma_start3A_5] : memref<10000x128xf32, #tpu.memory_space<hbm>> -> memref<10000x128xf32, #tpu.memory_space<hbm>>
    tpu.enqueue_indirect_dma source(%dma_start3A_6 : memref<10000x128xf32, #tpu.memory_space<hbm>>) target(%arg11 : memref<80x128xf32, #tpu.memory_space<vmem>>) offsets(%arg7 : memref<80xi32, #tpu.memory_space<vmem>>) semaphore(%arg21 : memref<!tpu.dma_semaphore, #tpu.memory_space<semaphore_mem>>)
    %dma_start3A_7 = arith.constant 0 : i32
    %dma_start3A_8 = arith.constant 0 : i32
    %dma_start3A_9 = tpu.memref_slice %arg3[%dma_start3A_7, %dma_start3A_8] : memref<10000x128xf32, #tpu.memory_space<hbm>> -> memref<10000x128xf32, #tpu.memory_space<hbm>>
    tpu.enqueue_indirect_dma source(%dma_start3A_9 : memref<10000x128xf32, #tpu.memory_space<hbm>>) target(%arg12 : memref<80x128xf32, #tpu.memory_space<vmem>>) offsets(%arg8 : memref<80xi32, #tpu.memory_space<vmem>>) semaphore(%arg22 : memref<!tpu.dma_semaphore, #tpu.memory_space<semaphore_mem>>)
    %add3A_10 = arith.constant 80 : i32
    %add3A_11 = arith.addi %mul3A_2, %add3A_10 : i32
    "tpu.region"() ({
      %run_scoped3A = tpu.sem_alloc : memref<!tpu.dma_semaphore, #tpu.memory_space<semaphore_mem>>
      %dma_start3A_54 = tpu.memref_slice %arg4[%add3A_11] : memref<320000xi32, #tpu.memory_space<hbm>> -> memref<80xi32, #tpu.memory_space<hbm>>
      %dma_start3A_55 = tpu.memref_slice %arg4[%add3A_11] : memref<320000xi32, #tpu.memory_space<hbm>> -> memref<80xi32, #tpu.memory_space<hbm>>
      tpu.enqueue_dma source(%dma_start3A_55 : memref<80xi32, #tpu.memory_space<hbm>>) target(%arg9 : memref<80xi32, #tpu.memory_space<vmem>>) target_semaphore(%run_scoped3A : memref<!tpu.dma_semaphore, #tpu.memory_space<semaphore_mem>>)
      %dma_wait3A_56 = tpu.memref_slice %arg4[%add3A_11] : memref<320000xi32, #tpu.memory_space<hbm>> -> memref<80xi32, #tpu.memory_space<hbm>>
      %dma_wait3A_57 = tpu.memref_slice %arg4[%add3A_11] : memref<320000xi32, #tpu.memory_space<hbm>> -> memref<80xi32, #tpu.memory_space<hbm>>
      tpu.wait_dma2 semaphore(%run_scoped3A : memref<!tpu.dma_semaphore, #tpu.memory_space<semaphore_mem>>) src(%dma_wait3A_57 : memref<80xi32, #tpu.memory_space<hbm>>) dst(%arg9 : memref<80xi32, #tpu.memory_space<vmem>>)
      tpu.yield
    }) : () -> ()
    "tpu.region"() ({
      %run_scoped3A = tpu.sem_alloc : memref<!tpu.dma_semaphore, #tpu.memory_space<semaphore_mem>>
      %dma_start3A_54 = tpu.memref_slice %arg5[%add3A_11] : memref<320000xi32, #tpu.memory_space<hbm>> -> memref<80xi32, #tpu.memory_space<hbm>>
      %dma_start3A_55 = tpu.memref_slice %arg5[%add3A_11] : memref<320000xi32, #tpu.memory_space<hbm>> -> memref<80xi32, #tpu.memory_space<hbm>>
      tpu.enqueue_dma source(%dma_start3A_55 : memref<80xi32, #tpu.memory_space<hbm>>) target(%arg10 : memref<80xi32, #tpu.memory_space<vmem>>) target_semaphore(%run_scoped3A : memref<!tpu.dma_semaphore, #tpu.memory_space<semaphore_mem>>)
      %dma_wait3A_56 = tpu.memref_slice %arg5[%add3A_11] : memref<320000xi32, #tpu.memory_space<hbm>> -> memref<80xi32, #tpu.memory_space<hbm>>
      %dma_wait3A_57 = tpu.memref_slice %arg5[%add3A_11] : memref<320000xi32, #tpu.memory_space<hbm>> -> memref<80xi32, #tpu.memory_space<hbm>>
      tpu.wait_dma2 semaphore(%run_scoped3A : memref<!tpu.dma_semaphore, #tpu.memory_space<semaphore_mem>>) src(%dma_wait3A_57 : memref<80xi32, #tpu.memory_space<hbm>>) dst(%arg10 : memref<80xi32, #tpu.memory_space<vmem>>)
      tpu.yield
    }) : () -> ()
    %dma_start3A_12 = arith.constant 0 : i32
    %dma_start3A_13 = arith.constant 0 : i32
    %dma_start3A_14 = tpu.memref_slice %arg2[%dma_start3A_12, %dma_start3A_13] : memref<10000x128xf32, #tpu.memory_space<hbm>> -> memref<10000x128xf32, #tpu.memory_space<hbm>>
    tpu.enqueue_indirect_dma source(%dma_start3A_14 : memref<10000x128xf32, #tpu.memory_space<hbm>>) target(%arg14 : memref<80x128xf32, #tpu.memory_space<vmem>>) offsets(%arg9 : memref<80xi32, #tpu.memory_space<vmem>>) semaphore(%arg23 : memref<!tpu.dma_semaphore, #tpu.memory_space<semaphore_mem>>)
    %dma_start3A_15 = arith.constant 0 : i32
    %dma_start3A_16 = arith.constant 0 : i32
    %dma_start3A_17 = tpu.memref_slice %arg3[%dma_start3A_15, %dma_start3A_16] : memref<10000x128xf32, #tpu.memory_space<hbm>> -> memref<10000x128xf32, #tpu.memory_space<hbm>>
    tpu.enqueue_indirect_dma source(%dma_start3A_17 : memref<10000x128xf32, #tpu.memory_space<hbm>>) target(%arg15 : memref<80x128xf32, #tpu.memory_space<vmem>>) offsets(%arg10 : memref<80xi32, #tpu.memory_space<vmem>>) semaphore(%arg24 : memref<!tpu.dma_semaphore, #tpu.memory_space<semaphore_mem>>)
    %scan3A = arith.constant 0 : i32
    %scan3A_18 = arith.constant 0 : i32
    %scan3A_19 = arith.constant 62 : i32
    %scan3A_20 = arith.addi %scan3A_18, %scan3A_19 : i32
    %scan3A_21 = arith.constant 1 : i32
    scf.for %scan3A_54 = %scan3A_18 to %scan3A_20 step %scan3A_21  : i32 {
      %mul3A_55 = arith.constant 2 : i32
      %mul3A_56 = arith.muli %mul3A_55, %scan3A_54 : i32
      %add3A_57 = arith.constant 0 : i32
      %add3A_58 = arith.addi %mul3A_56, %add3A_57 : i32
      %mul3A_59 = arith.constant 80 : i32
      %mul3A_60 = arith.muli %add3A_58, %mul3A_59 : i32
      %add3A_61 = arith.addi %mul3A_2, %mul3A_60 : i32
      %add3A_62 = arith.constant 2 : i32
      %add3A_63 = arith.addi %add3A_58, %add3A_62 : i32
      %min3A = arith.constant 124 : i32
      %min3A_64 = arith.minsi %add3A_63, %min3A : i32
      %mul3A_65 = arith.constant 80 : i32
      %mul3A_66 = arith.muli %min3A_64, %mul3A_65 : i32
      %add3A_67 = arith.addi %mul3A_2, %mul3A_66 : i32
      %dma_wait3A_68 = arith.constant 0 : i32
      %dma_wait3A_69 = arith.constant 0 : i32
      %dma_wait3A_70 = tpu.memref_slice %arg2[%dma_wait3A_68, %dma_wait3A_69] : memref<10000x128xf32, #tpu.memory_space<hbm>> -> memref<10000x128xf32, #tpu.memory_space<hbm>>
      tpu.wait_indirect_dma semaphore(%arg21 : memref<!tpu.dma_semaphore, #tpu.memory_space<semaphore_mem>>) src(%dma_wait3A_70 : memref<10000x128xf32, #tpu.memory_space<hbm>>) dst(%arg11 : memref<80x128xf32, #tpu.memory_space<vmem>>)
      %dma_wait3A_71 = arith.constant 0 : i32
      %dma_wait3A_72 = arith.constant 0 : i32
      %dma_wait3A_73 = tpu.memref_slice %arg3[%dma_wait3A_71, %dma_wait3A_72] : memref<10000x128xf32, #tpu.memory_space<hbm>> -> memref<10000x128xf32, #tpu.memory_space<hbm>>
      tpu.wait_indirect_dma semaphore(%arg22 : memref<!tpu.dma_semaphore, #tpu.memory_space<semaphore_mem>>) src(%dma_wait3A_73 : memref<10000x128xf32, #tpu.memory_space<hbm>>) dst(%arg12 : memref<80x128xf32, #tpu.memory_space<vmem>>)
      %dma_start3A_74 = tpu.memref_slice %arg4[%add3A_67] : memref<320000xi32, #tpu.memory_space<hbm>> -> memref<80xi32, #tpu.memory_space<hbm>>
      %dma_start3A_75 = tpu.memref_slice %arg4[%add3A_67] : memref<320000xi32, #tpu.memory_space<hbm>> -> memref<80xi32, #tpu.memory_space<hbm>>
      tpu.enqueue_dma source(%dma_start3A_75 : memref<80xi32, #tpu.memory_space<hbm>>) target(%arg7 : memref<80xi32, #tpu.memory_space<vmem>>) target_semaphore(%arg17 : memref<!tpu.dma_semaphore, #tpu.memory_space<semaphore_mem>>)
      %dma_start3A_76 = tpu.memref_slice %arg5[%add3A_67] : memref<320000xi32, #tpu.memory_space<hbm>> -> memref<80xi32, #tpu.memory_space<hbm>>
      %dma_start3A_77 = tpu.memref_slice %arg5[%add3A_67] : memref<320000xi32, #tpu.memory_space<hbm>> -> memref<80xi32, #tpu.memory_space<hbm>>
      tpu.enqueue_dma source(%dma_start3A_77 : memref<80xi32, #tpu.memory_space<hbm>>) target(%arg8 : memref<80xi32, #tpu.memory_space<vmem>>) target_semaphore(%arg18 : memref<!tpu.dma_semaphore, #tpu.memory_space<semaphore_mem>>)
      %ge3A = arith.constant 2 : i32
      %ge3A_78 = arith.cmpi sge, %add3A_58, %ge3A : i32
      %convert_element_type3A = arith.extui %ge3A_78 : i1 to i32
      %cond3A = arith.constant 0 : i32
      %cond3A_79 = arith.cmpi ne, %convert_element_type3A, %cond3A : i32
      scf.if %cond3A_79 {
        %sub3A = arith.constant 2 : i32
        %sub3A_149 = arith.subi %add3A_58, %sub3A : i32
        %mul3A_150 = arith.constant 80 : i32
        %mul3A_151 = arith.muli %sub3A_149, %mul3A_150 : i32
        %add3A_152 = arith.addi %mul3A_2, %mul3A_151 : i32
        %dma_wait3A_153 = arith.constant 0 : i32
        %dma_wait3A_154 = tpu.memref_slice %arg6[%add3A_152, %dma_wait3A_153] : memref<320000x128xf32, #tpu.memory_space<hbm>> -> memref<80x128xf32, #tpu.memory_space<hbm>>
        %dma_wait3A_155 = arith.constant 0 : i32
        %dma_wait3A_156 = tpu.memref_slice %arg6[%add3A_152, %dma_wait3A_155] : memref<320000x128xf32, #tpu.memory_space<hbm>> -> memref<80x128xf32, #tpu.memory_space<hbm>>
        tpu.wait_dma2 semaphore(%arg25 : memref<!tpu.dma_semaphore, #tpu.memory_space<semaphore_mem>>) src(%arg13 : memref<80x128xf32, #tpu.memory_space<vmem>>) dst(%dma_wait3A_156 : memref<80x128xf32, #tpu.memory_space<hbm>>)
      } else {
      }
      %scan3A_80 = arith.constant 0 : i32
      %scan3A_81 = arith.constant 0 : i32
      %scan3A_82 = arith.constant 20 : i32
      %scan3A_83 = arith.addi %scan3A_81, %scan3A_82 : i32
      %scan3A_84 = arith.constant 1 : i32
      scf.for %scan3A_149 = %scan3A_81 to %scan3A_83 step %scan3A_84  : i32 {
        %mul3A_150 = arith.constant 4 : i32
        %mul3A_151 = arith.muli %mul3A_150, %scan3A_149 : i32
        %add3A_152 = arith.constant 0 : i32
        %add3A_153 = arith.addi %mul3A_151, %add3A_152 : i32
        %get3A = arith.index_cast %add3A_153 : i32 to index
        %get3A_154 = arith.constant 0 : index
        %get3A_155 = tpu.vector_load %arg11[%get3A, %get3A_154] {strides = array<i32>} : memref<80x128xf32, #tpu.memory_space<vmem>>, vector<1x16xf32>,
        %get3A_156 = vector.shape_cast %get3A_155 : vector<1x16xf32> to vector<16xf32>
        %get3A_157 = arith.index_cast %add3A_153 : i32 to index
        %get3A_158 = arith.constant 0 : index
        %get3A_159 = tpu.vector_load %arg12[%get3A_157, %get3A_158] {strides = array<i32>} : memref<80x128xf32, #tpu.memory_space<vmem>>, vector<1x16xf32>,
        %get3A_160 = vector.shape_cast %get3A_159 : vector<1x16xf32> to vector<16xf32>
        %add3A_161 = arith.addf %get3A_156, %get3A_160 : vector<16xf32>
        %swap3A = arith.index_cast %add3A_153 : i32 to index
        %swap3A_162 = arith.constant 0 : index
        %swap3A_163 = tpu.vector_load %arg13[%swap3A, %swap3A_162] {strides = array<i32>} : memref<80x128xf32, #tpu.memory_space<vmem>>, vector<1x16xf32>,
        %swap3A_164 = vector.shape_cast %swap3A_163 : vector<1x16xf32> to vector<16xf32>
        %swap3A_165 = vector.shape_cast %add3A_161 : vector<16xf32> to vector<1x16xf32>
        tpu.vector_store %arg13[%swap3A, %swap3A_162], %swap3A_165 {strides = array<i32>} : memref<80x128xf32, #tpu.memory_space<vmem>>, vector<1x16xf32>,
        %get3A_166 = arith.index_cast %add3A_153 : i32 to index
        %get3A_167 = arith.constant 16 : index
        %get3A_168 = tpu.vector_load %arg11[%get3A_166, %get3A_167] {strides = array<i32>} : memref<80x128xf32, #tpu.memory_space<vmem>>, vector<1x16xf32>,
        %get3A_169 = vector.shape_cast %get3A_168 : vector<1x16xf32> to vector<16xf32>
        %get3A_170 = arith.index_cast %add3A_153 : i32 to index
        %get3A_171 = arith.constant 16 : index
        %get3A_172 = tpu.vector_load %arg12[%get3A_170, %get3A_171] {strides = array<i32>} : memref<80x128xf32, #tpu.memory_space<vmem>>, vector<1x16xf32>,
        %get3A_173 = vector.shape_cast %get3A_172 : vector<1x16xf32> to vector<16xf32>
        %add3A_174 = arith.addf %get3A_169, %get3A_173 : vector<16xf32>
        %swap3A_175 = arith.index_cast %add3A_153 : i32 to index
        %swap3A_176 = arith.constant 16 : index
        %swap3A_177 = tpu.vector_load %arg13[%swap3A_175, %swap3A_176] {strides = array<i32>} : memref<80x128xf32, #tpu.memory_space<vmem>>, vector<1x16xf32>,
        %swap3A_178 = vector.shape_cast %swap3A_177 : vector<1x16xf32> to vector<16xf32>
        %swap3A_179 = vector.shape_cast %add3A_174 : vector<16xf32> to vector<1x16xf32>
        tpu.vector_store %arg13[%swap3A_175, %swap3A_176], %swap3A_179 {strides = array<i32>} : memref<80x128xf32, #tpu.memory_space<vmem>>, vector<1x16xf32>,
        %get3A_180 = arith.index_cast %add3A_153 : i32 to index
        %get3A_181 = arith.constant 32 : index
        %get3A_182 = tpu.vector_load %arg11[%get3A_180, %get3A_181] {strides = array<i32>} : memref<80x128xf32, #tpu.memory_space<vmem>>, vector<1x16xf32>,
        %get3A_183 = vector.shape_cast %get3A_182 : vector<1x16xf32> to vector<16xf32>
        %get3A_184 = arith.index_cast %add3A_153 : i32 to index
        %get3A_185 = arith.constant 32 : index
        %get3A_186 = tpu.vector_load %arg12[%get3A_184, %get3A_185] {strides = array<i32>} : memref<80x128xf32, #tpu.memory_space<vmem>>, vector<1x16xf32>,
        %get3A_187 = vector.shape_cast %get3A_186 : vector<1x16xf32> to vector<16xf32>
        %add3A_188 = arith.addf %get3A_183, %get3A_187 : vector<16xf32>
        %swap3A_189 = arith.index_cast %add3A_153 : i32 to index
        %swap3A_190 = arith.constant 32 : index
        %swap3A_191 = tpu.vector_load %arg13[%swap3A_189, %swap3A_190] {strides = array<i32>} : memref<80x128xf32, #tpu.memory_space<vmem>>, vector<1x16xf32>,
        %swap3A_192 = vector.shape_cast %swap3A_191 : vector<1x16xf32> to vector<16xf32>
        %swap3A_193 = vector.shape_cast %add3A_188 : vector<16xf32> to vector<1x16xf32>
        tpu.vector_store %arg13[%swap3A_189, %swap3A_190], %swap3A_193 {strides = array<i32>} : memref<80x128xf32, #tpu.memory_space<vmem>>, vector<1x16xf32>,
        %get3A_194 = arith.index_cast %add3A_153 : i32 to index
        %get3A_195 = arith.constant 48 : index
        %get3A_196 = tpu.vector_load %arg11[%get3A_194, %get3A_195] {strides = array<i32>} : memref<80x128xf32, #tpu.memory_space<vmem>>, vector<1x16xf32>,
        %get3A_197 = vector.shape_cast %get3A_196 : vector<1x16xf32> to vector<16xf32>
        %get3A_198 = arith.index_cast %add3A_153 : i32 to index
        %get3A_199 = arith.constant 48 : index
        %get3A_200 = tpu.vector_load %arg12[%get3A_198, %get3A_199] {strides = array<i32>} : memref<80x128xf32, #tpu.memory_space<vmem>>, vector<1x16xf32>,
        %get3A_201 = vector.shape_cast %get3A_200 : vector<1x16xf32> to vector<16xf32>
        %add3A_202 = arith.addf %get3A_197, %get3A_201 : vector<16xf32>
        %swap3A_203 = arith.index_cast %add3A_153 : i32 to index
        %swap3A_204 = arith.constant 48 : index
        %swap3A_205 = tpu.vector_load %arg13[%swap3A_203, %swap3A_204] {strides = array<i32>} : memref<80x128xf32, #tpu.memory_space<vmem>>, vector<1x16xf32>,
        %swap3A_206 = vector.shape_cast %swap3A_205 : vector<1x16xf32> to vector<16xf32>
        %swap3A_207 = vector.shape_cast %add3A_202 : vector<16xf32> to vector<1x16xf32>
        tpu.vector_store %arg13[%swap3A_203, %swap3A_204], %swap3A_207 {strides = array<i32>} : memref<80x128xf32, #tpu.memory_space<vmem>>, vector<1x16xf32>,
        %get3A_208 = arith.index_cast %add3A_153 : i32 to index
        %get3A_209 = arith.constant 64 : index
        %get3A_210 = tpu.vector_load %arg11[%get3A_208, %get3A_209] {strides = array<i32>} : memref<80x128xf32, #tpu.memory_space<vmem>>, vector<1x16xf32>,
        %get3A_211 = vector.shape_cast %get3A_210 : vector<1x16xf32> to vector<16xf32>
        %get3A_212 = arith.index_cast %add3A_153 : i32 to index
        %get3A_213 = arith.constant 64 : index
        %get3A_214 = tpu.vector_load %arg12[%get3A_212, %get3A_213] {strides = array<i32>} : memref<80x128xf32, #tpu.memory_space<vmem>>, vector<1x16xf32>,
        %get3A_215 = vector.shape_cast %get3A_214 : vector<1x16xf32> to vector<16xf32>
        %add3A_216 = arith.addf %get3A_211, %get3A_215 : vector<16xf32>
        %swap3A_217 = arith.index_cast %add3A_153 : i32 to index
        %swap3A_218 = arith.constant 64 : index
        %swap3A_219 = tpu.vector_load %arg13[%swap3A_217, %swap3A_218] {strides = array<i32>} : memref<80x128xf32, #tpu.memory_space<vmem>>, vector<1x16xf32>,
        %swap3A_220 = vector.shape_cast %swap3A_219 : vector<1x16xf32> to vector<16xf32>
        %swap3A_221 = vector.shape_cast %add3A_216 : vector<16xf32> to vector<1x16xf32>
        tpu.vector_store %arg13[%swap3A_217, %swap3A_218], %swap3A_221 {strides = array<i32>} : memref<80x128xf32, #tpu.memory_space<vmem>>, vector<1x16xf32>,
        %get3A_222 = arith.index_cast %add3A_153 : i32 to index
        %get3A_223 = arith.constant 80 : index
        %get3A_224 = tpu.vector_load %arg11[%get3A_222, %get3A_223] {strides = array<i32>} : memref<80x128xf32, #tpu.memory_space<vmem>>, vector<1x16xf32>,
        %get3A_225 = vector.shape_cast %get3A_224 : vector<1x16xf32> to vector<16xf32>
        %get3A_226 = arith.index_cast %add3A_153 : i32 to index
        %get3A_227 = arith.constant 80 : index
        %get3A_228 = tpu.vector_load %arg12[%get3A_226, %get3A_227] {strides = array<i32>} : memref<80x128xf32, #tpu.memory_space<vmem>>, vector<1x16xf32>,
        %get3A_229 = vector.shape_cast %get3A_228 : vector<1x16xf32> to vector<16xf32>
        %add3A_230 = arith.addf %get3A_225, %get3A_229 : vector<16xf32>
        %swap3A_231 = arith.index_cast %add3A_153 : i32 to index
        %swap3A_232 = arith.constant 80 : index
        %swap3A_233 = tpu.vector_load %arg13[%swap3A_231, %swap3A_232] {strides = array<i32>} : memref<80x128xf32, #tpu.memory_space<vmem>>, vector<1x16xf32>,
        %swap3A_234 = vector.shape_cast %swap3A_233 : vector<1x16xf32> to vector<16xf32>
        %swap3A_235 = vector.shape_cast %add3A_230 : vector<16xf32> to vector<1x16xf32>
        tpu.vector_store %arg13[%swap3A_231, %swap3A_232], %swap3A_235 {strides = array<i32>} : memref<80x128xf32, #tpu.memory_space<vmem>>, vector<1x16xf32>,
        %get3A_236 = arith.index_cast %add3A_153 : i32 to index
        %get3A_237 = arith.constant 96 : index
        %get3A_238 = tpu.vector_load %arg11[%get3A_236, %get3A_237] {strides = array<i32>} : memref<80x128xf32, #tpu.memory_space<vmem>>, vector<1x16xf32>,
        %get3A_239 = vector.shape_cast %get3A_238 : vector<1x16xf32> to vector<16xf32>
        %get3A_240 = arith.index_cast %add3A_153 : i32 to index
        %get3A_241 = arith.constant 96 : index
        %get3A_242 = tpu.vector_load %arg12[%get3A_240, %get3A_241] {strides = array<i32>} : memref<80x128xf32, #tpu.memory_space<vmem>>, vector<1x16xf32>,
        %get3A_243 = vector.shape_cast %get3A_242 : vector<1x16xf32> to vector<16xf32>
        %add3A_244 = arith.addf %get3A_239, %get3A_243 : vector<16xf32>
        %swap3A_245 = arith.index_cast %add3A_153 : i32 to index
        %swap3A_246 = arith.constant 96 : index
        %swap3A_247 = tpu.vector_load %arg13[%swap3A_245, %swap3A_246] {strides = array<i32>} : memref<80x128xf32, #tpu.memory_space<vmem>>, vector<1x16xf32>,
        %swap3A_248 = vector.shape_cast %swap3A_247 : vector<1x16xf32> to vector<16xf32>
        %swap3A_249 = vector.shape_cast %add3A_244 : vector<16xf32> to vector<1x16xf32>
        tpu.vector_store %arg13[%swap3A_245, %swap3A_246], %swap3A_249 {strides = array<i32>} : memref<80x128xf32, #tpu.memory_space<vmem>>, vector<1x16xf32>,
        %get3A_250 = arith.index_cast %add3A_153 : i32 to index
        %get3A_251 = arith.constant 112 : index
        %get3A_252 = tpu.vector_load %arg11[%get3A_250, %get3A_251] {strides = array<i32>} : memref<80x128xf32, #tpu.memory_space<vmem>>, vector<1x16xf32>,
        %get3A_253 = vector.shape_cast %get3A_252 : vector<1x16xf32> to vector<16xf32>
        %get3A_254 = arith.index_cast %add3A_153 : i32 to index
        %get3A_255 = arith.constant 112 : index
        %get3A_256 = tpu.vector_load %arg12[%get3A_254, %get3A_255] {strides = array<i32>} : memref<80x128xf32, #tpu.memory_space<vmem>>, vector<1x16xf32>,
        %get3A_257 = vector.shape_cast %get3A_256 : vector<1x16xf32> to vector<16xf32>
        %add3A_258 = arith.addf %get3A_253, %get3A_257 : vector<16xf32>
        %swap3A_259 = arith.index_cast %add3A_153 : i32 to index
        %swap3A_260 = arith.constant 112 : index
        %swap3A_261 = tpu.vector_load %arg13[%swap3A_259, %swap3A_260] {strides = array<i32>} : memref<80x128xf32, #tpu.memory_space<vmem>>, vector<1x16xf32>,
        %swap3A_262 = vector.shape_cast %swap3A_261 : vector<1x16xf32> to vector<16xf32>
        %swap3A_263 = vector.shape_cast %add3A_258 : vector<16xf32> to vector<1x16xf32>
        tpu.vector_store %arg13[%swap3A_259, %swap3A_260], %swap3A_263 {strides = array<i32>} : memref<80x128xf32, #tpu.memory_space<vmem>>, vector<1x16xf32>,
        %mul3A_264 = arith.constant 4 : i32
        %mul3A_265 = arith.muli %mul3A_264, %scan3A_149 : i32
        %add3A_266 = arith.constant 1 : i32
        %add3A_267 = arith.addi %mul3A_265, %add3A_266 : i32
        %get3A_268 = arith.index_cast %add3A_267 : i32 to index
        %get3A_269 = arith.constant 0 : index
        %get3A_270 = tpu.vector_load %arg11[%get3A_268, %get3A_269] {strides = array<i32>} : memref<80x128xf32, #tpu.memory_space<vmem>>, vector<1x16xf32>,
        %get3A_271 = vector.shape_cast %get3A_270 : vector<1x16xf32> to vector<16xf32>
        %get3A_272 = arith.index_cast %add3A_267 : i32 to index
        %get3A_273 = arith.constant 0 : index
        %get3A_274 = tpu.vector_load %arg12[%get3A_272, %get3A_273] {strides = array<i32>} : memref<80x128xf32, #tpu.memory_space<vmem>>, vector<1x16xf32>,
        %get3A_275 = vector.shape_cast %get3A_274 : vector<1x16xf32> to vector<16xf32>
        %add3A_276 = arith.addf %get3A_271, %get3A_275 : vector<16xf32>
        %swap3A_277 = arith.index_cast %add3A_267 : i32 to index
        %swap3A_278 = arith.constant 0 : index
        %swap3A_279 = tpu.vector_load %arg13[%swap3A_277, %swap3A_278] {strides = array<i32>} : memref<80x128xf32, #tpu.memory_space<vmem>>, vector<1x16xf32>,
        %swap3A_280 = vector.shape_cast %swap3A_279 : vector<1x16xf32> to vector<16xf32>
        %swap3A_281 = vector.shape_cast %add3A_276 : vector<16xf32> to vector<1x16xf32>
        tpu.vector_store %arg13[%swap3A_277, %swap3A_278], %swap3A_281 {strides = array<i32>} : memref<80x128xf32, #tpu.memory_space<vmem>>, vector<1x16xf32>,
        %get3A_282 = arith.index_cast %add3A_267 : i32 to index
        %get3A_283 = arith.constant 16 : index
        %get3A_284 = tpu.vector_load %arg11[%get3A_282, %get3A_283] {strides = array<i32>} : memref<80x128xf32, #tpu.memory_space<vmem>>, vector<1x16xf32>,
        %get3A_285 = vector.shape_cast %get3A_284 : vector<1x16xf32> to vector<16xf32>
        %get3A_286 = arith.index_cast %add3A_267 : i32 to index
        %get3A_287 = arith.constant 16 : index
        %get3A_288 = tpu.vector_load %arg12[%get3A_286, %get3A_287] {strides = array<i32>} : memref<80x128xf32, #tpu.memory_space<vmem>>, vector<1x16xf32>,
        %get3A_289 = vector.shape_cast %get3A_288 : vector<1x16xf32> to vector<16xf32>
        %add3A_290 = arith.addf %get3A_285, %get3A_289 : vector<16xf32>
        %swap3A_291 = arith.index_cast %add3A_267 : i32 to index
        %swap3A_292 = arith.constant 16 : index
        %swap3A_293 = tpu.vector_load %arg13[%swap3A_291, %swap3A_292] {strides = array<i32>} : memref<80x128xf32, #tpu.memory_space<vmem>>, vector<1x16xf32>,
        %swap3A_294 = vector.shape_cast %swap3A_293 : vector<1x16xf32> to vector<16xf32>
        %swap3A_295 = vector.shape_cast %add3A_290 : vector<16xf32> to vector<1x16xf32>
        tpu.vector_store %arg13[%swap3A_291, %swap3A_292], %swap3A_295 {strides = array<i32>} : memref<80x128xf32, #tpu.memory_space<vmem>>, vector<1x16xf32>,
        %get3A_296 = arith.index_cast %add3A_267 : i32 to index
        %get3A_297 = arith.constant 32 : index
        %get3A_298 = tpu.vector_load %arg11[%get3A_296, %get3A_297] {strides = array<i32>} : memref<80x128xf32, #tpu.memory_space<vmem>>, vector<1x16xf32>,
        %get3A_299 = vector.shape_cast %get3A_298 : vector<1x16xf32> to vector<16xf32>
        %get3A_300 = arith.index_cast %add3A_267 : i32 to index
        %get3A_301 = arith.constant 32 : index
        %get3A_302 = tpu.vector_load %arg12[%get3A_300, %get3A_301] {strides = array<i32>} : memref<80x128xf32, #tpu.memory_space<vmem>>, vector<1x16xf32>,
        %get3A_303 = vector.shape_cast %get3A_302 : vector<1x16xf32> to vector<16xf32>
        %add3A_304 = arith.addf %get3A_299, %get3A_303 : vector<16xf32>
        %swap3A_305 = arith.index_cast %add3A_267 : i32 to index
        %swap3A_306 = arith.constant 32 : index
        %swap3A_307 = tpu.vector_load %arg13[%swap3A_305, %swap3A_306] {strides = array<i32>} : memref<80x128xf32, #tpu.memory_space<vmem>>, vector<1x16xf32>,
        %swap3A_308 = vector.shape_cast %swap3A_307 : vector<1x16xf32> to vector<16xf32>
        %swap3A_309 = vector.shape_cast %add3A_304 : vector<16xf32> to vector<1x16xf32>
        tpu.vector_store %arg13[%swap3A_305, %swap3A_306], %swap3A_309 {strides = array<i32>} : memref<80x128xf32, #tpu.memory_space<vmem>>, vector<1x16xf32>,
        %get3A_310 = arith.index_cast %add3A_267 : i32 to index
        %get3A_311 = arith.constant 48 : index
        %get3A_312 = tpu.vector_load %arg11[%get3A_310, %get3A_311] {strides = array<i32>} : memref<80x128xf32, #tpu.memory_space<vmem>>, vector<1x16xf32>,
        %get3A_313 = vector.shape_cast %get3A_312 : vector<1x16xf32> to vector<16xf32>
        %get3A_314 = arith.index_cast %add3A_267 : i32 to index
        %get3A_315 = arith.constant 48 : index
        %get3A_316 = tpu.vector_load %arg12[%get3A_314, %get3A_315] {strides = array<i32>} : memref<80x128xf32, #tpu.memory_space<vmem>>, vector<1x16xf32>,
        %get3A_317 = vector.shape_cast %get3A_316 : vector<1x16xf32> to vector<16xf32>
        %add3A_318 = arith.addf %get3A_313, %get3A_317 : vector<16xf32>
        %swap3A_319 = arith.index_cast %add3A_267 : i32 to index
        %swap3A_320 = arith.constant 48 : index
        %swap3A_321 = tpu.vector_load %arg13[%swap3A_319, %swap3A_320] {strides = array<i32>} : memref<80x128xf32, #tpu.memory_space<vmem>>, vector<1x16xf32>,
        %swap3A_322 = vector.shape_cast %swap3A_321 : vector<1x16xf32> to vector<16xf32>
        %swap3A_323 = vector.shape_cast %add3A_318 : vector<16xf32> to vector<1x16xf32>
        tpu.vector_store %arg13[%swap3A_319, %swap3A_320], %swap3A_323 {strides = array<i32>} : memref<80x128xf32, #tpu.memory_space<vmem>>, vector<1x16xf32>,
        %get3A_324 = arith.index_cast %add3A_267 : i32 to index
        %get3A_325 = arith.constant 64 : index
        %get3A_326 = tpu.vector_load %arg11[%get3A_324, %get3A_325] {strides = array<i32>} : memref<80x128xf32, #tpu.memory_space<vmem>>, vector<1x16xf32>,
        %get3A_327 = vector.shape_cast %get3A_326 : vector<1x16xf32> to vector<16xf32>
        %get3A_328 = arith.index_cast %add3A_267 : i32 to index
        %get3A_329 = arith.constant 64 : index
        %get3A_330 = tpu.vector_load %arg12[%get3A_328, %get3A_329] {strides = array<i32>} : memref<80x128xf32, #tpu.memory_space<vmem>>, vector<1x16xf32>,
        %get3A_331 = vector.shape_cast %get3A_330 : vector<1x16xf32> to vector<16xf32>
        %add3A_332 = arith.addf %get3A_327, %get3A_331 : vector<16xf32>
        %swap3A_333 = arith.index_cast %add3A_267 : i32 to index
        %swap3A_334 = arith.constant 64 : index
        %swap3A_335 = tpu.vector_load %arg13[%swap3A_333, %swap3A_334] {strides = array<i32>} : memref<80x128xf32, #tpu.memory_space<vmem>>, vector<1x16xf32>,
        %swap3A_336 = vector.shape_cast %swap3A_335 : vector<1x16xf32> to vector<16xf32>
        %swap3A_337 = vector.shape_cast %add3A_332 : vector<16xf32> to vector<1x16xf32>
        tpu.vector_store %arg13[%swap3A_333, %swap3A_334], %swap3A_337 {strides = array<i32>} : memref<80x128xf32, #tpu.memory_space<vmem>>, vector<1x16xf32>,
        %get3A_338 = arith.index_cast %add3A_267 : i32 to index
        %get3A_339 = arith.constant 80 : index
        %get3A_340 = tpu.vector_load %arg11[%get3A_338, %get3A_339] {strides = array<i32>} : memref<80x128xf32, #tpu.memory_space<vmem>>, vector<1x16xf32>,
        %get3A_341 = vector.shape_cast %get3A_340 : vector<1x16xf32> to vector<16xf32>
        %get3A_342 = arith.index_cast %add3A_267 : i32 to index
        %get3A_343 = arith.constant 80 : index
        %get3A_344 = tpu.vector_load %arg12[%get3A_342, %get3A_343] {strides = array<i32>} : memref<80x128xf32, #tpu.memory_space<vmem>>, vector<1x16xf32>,
        %get3A_345 = vector.shape_cast %get3A_344 : vector<1x16xf32> to vector<16xf32>
        %add3A_346 = arith.addf %get3A_341, %get3A_345 : vector<16xf32>
        %swap3A_347 = arith.index_cast %add3A_267 : i32 to index
        %swap3A_348 = arith.constant 80 : index
        %swap3A_349 = tpu.vector_load %arg13[%swap3A_347, %swap3A_348] {strides = array<i32>} : memref<80x128xf32, #tpu.memory_space<vmem>>, vector<1x16xf32>,
        %swap3A_350 = vector.shape_cast %swap3A_349 : vector<1x16xf32> to vector<16xf32>
        %swap3A_351 = vector.shape_cast %add3A_346 : vector<16xf32> to vector<1x16xf32>
        tpu.vector_store %arg13[%swap3A_347, %swap3A_348], %swap3A_351 {strides = array<i32>} : memref<80x128xf32, #tpu.memory_space<vmem>>, vector<1x16xf32>,
        %get3A_352 = arith.index_cast %add3A_267 : i32 to index
        %get3A_353 = arith.constant 96 : index
        %get3A_354 = tpu.vector_load %arg11[%get3A_352, %get3A_353] {strides = array<i32>} : memref<80x128xf32, #tpu.memory_space<vmem>>, vector<1x16xf32>,
        %get3A_355 = vector.shape_cast %get3A_354 : vector<1x16xf32> to vector<16xf32>
        %get3A_356 = arith.index_cast %add3A_267 : i32 to index
        %get3A_357 = arith.constant 96 : index
        %get3A_358 = tpu.vector_load %arg12[%get3A_356, %get3A_357] {strides = array<i32>} : memref<80x128xf32, #tpu.memory_space<vmem>>, vector<1x16xf32>,
        %get3A_359 = vector.shape_cast %get3A_358 : vector<1x16xf32> to vector<16xf32>
        %add3A_360 = arith.addf %get3A_355, %get3A_359 : vector<16xf32>
        %swap3A_361 = arith.index_cast %add3A_267 : i32 to index
        %swap3A_362 = arith.constant 96 : index
        %swap3A_363 = tpu.vector_load %arg13[%swap3A_361, %swap3A_362] {strides = array<i32>} : memref<80x128xf32, #tpu.memory_space<vmem>>, vector<1x16xf32>,
        %swap3A_364 = vector.shape_cast %swap3A_363 : vector<1x16xf32> to vector<16xf32>
        %swap3A_365 = vector.shape_cast %add3A_360 : vector<16xf32> to vector<1x16xf32>
        tpu.vector_store %arg13[%swap3A_361, %swap3A_362], %swap3A_365 {strides = array<i32>} : memref<80x128xf32, #tpu.memory_space<vmem>>, vector<1x16xf32>,
        %get3A_366 = arith.index_cast %add3A_267 : i32 to index
        %get3A_367 = arith.constant 112 : index
        %get3A_368 = tpu.vector_load %arg11[%get3A_366, %get3A_367] {strides = array<i32>} : memref<80x128xf32, #tpu.memory_space<vmem>>, vector<1x16xf32>,
        %get3A_369 = vector.shape_cast %get3A_368 : vector<1x16xf32> to vector<16xf32>
        %get3A_370 = arith.index_cast %add3A_267 : i32 to index
        %get3A_371 = arith.constant 112 : index
        %get3A_372 = tpu.vector_load %arg12[%get3A_370, %get3A_371] {strides = array<i32>} : memref<80x128xf32, #tpu.memory_space<vmem>>, vector<1x16xf32>,
        %get3A_373 = vector.shape_cast %get3A_372 : vector<1x16xf32> to vector<16xf32>
        %add3A_374 = arith.addf %get3A_369, %get3A_373 : vector<16xf32>
        %swap3A_375 = arith.index_cast %add3A_267 : i32 to index
        %swap3A_376 = arith.constant 112 : index
        %swap3A_377 = tpu.vector_load %arg13[%swap3A_375, %swap3A_376] {strides = array<i32>} : memref<80x128xf32, #tpu.memory_space<vmem>>, vector<1x16xf32>,
        %swap3A_378 = vector.shape_cast %swap3A_377 : vector<1x16xf32> to vector<16xf32>
        %swap3A_379 = vector.shape_cast %add3A_374 : vector<16xf32> to vector<1x16xf32>
        tpu.vector_store %arg13[%swap3A_375, %swap3A_376], %swap3A_379 {strides = array<i32>} : memref<80x128xf32, #tpu.memory_space<vmem>>, vector<1x16xf32>,
        %mul3A_380 = arith.constant 4 : i32
        %mul3A_381 = arith.muli %mul3A_380, %scan3A_149 : i32
        %add3A_382 = arith.constant 2 : i32
        %add3A_383 = arith.addi %mul3A_381, %add3A_382 : i32
        %get3A_384 = arith.index_cast %add3A_383 : i32 to index
        %get3A_385 = arith.constant 0 : index
        %get3A_386 = tpu.vector_load %arg11[%get3A_384, %get3A_385] {strides = array<i32>} : memref<80x128xf32, #tpu.memory_space<vmem>>, vector<1x16xf32>,
        %get3A_387 = vector.shape_cast %get3A_386 : vector<1x16xf32> to vector<16xf32>
        %get3A_388 = arith.index_cast %add3A_383 : i32 to index
        %get3A_389 = arith.constant 0 : index
        %get3A_390 = tpu.vector_load %arg12[%get3A_388, %get3A_389] {strides = array<i32>} : memref<80x128xf32, #tpu.memory_space<vmem>>, vector<1x16xf32>,
        %get3A_391 = vector.shape_cast %get3A_390 : vector<1x16xf32> to vector<16xf32>
        %add3A_392 = arith.addf %get3A_387, %get3A_391 : vector<16xf32>
        %swap3A_393 = arith.index_cast %add3A_383 : i32 to index
        %swap3A_394 = arith.constant 0 : index
        %swap3A_395 = tpu.vector_load %arg13[%swap3A_393, %swap3A_394] {strides = array<i32>} : memref<80x128xf32, #tpu.memory_space<vmem>>, vector<1x16xf32>,
        %swap3A_396 = vector.shape_cast %swap3A_395 : vector<1x16xf32> to vector<16xf32>
        %swap3A_397 = vector.shape_cast %add3A_392 : vector<16xf32> to vector<1x16xf32>
        tpu.vector_store %arg13[%swap3A_393, %swap3A_394], %swap3A_397 {strides = array<i32>} : memref<80x128xf32, #tpu.memory_space<vmem>>, vector<1x16xf32>,
        %get3A_398 = arith.index_cast %add3A_383 : i32 to index
        %get3A_399 = arith.constant 16 : index
        %get3A_400 = tpu.vector_load %arg11[%get3A_398, %get3A_399] {strides = array<i32>} : memref<80x128xf32, #tpu.memory_space<vmem>>, vector<1x16xf32>,
        %get3A_401 = vector.shape_cast %get3A_400 : vector<1x16xf32> to vector<16xf32>
        %get3A_402 = arith.index_cast %add3A_383 : i32 to index
        %get3A_403 = arith.constant 16 : index
        %get3A_404 = tpu.vector_load %arg12[%get3A_402, %get3A_403] {strides = array<i32>} : memref<80x128xf32, #tpu.memory_space<vmem>>, vector<1x16xf32>,
        %get3A_405 = vector.shape_cast %get3A_404 : vector<1x16xf32> to vector<16xf32>
        %add3A_406 = arith.addf %get3A_401, %get3A_405 : vector<16xf32>
        %swap3A_407 = arith.index_cast %add3A_383 : i32 to index
        %swap3A_408 = arith.constant 16 : index
        %swap3A_409 = tpu.vector_load %arg13[%swap3A_407, %swap3A_408] {strides = array<i32>} : memref<80x128xf32, #tpu.memory_space<vmem>>, vector<1x16xf32>,
        %swap3A_410 = vector.shape_cast %swap3A_409 : vector<1x16xf32> to vector<16xf32>
        %swap3A_411 = vector.shape_cast %add3A_406 : vector<16xf32> to vector<1x16xf32>
        tpu.vector_store %arg13[%swap3A_407, %swap3A_408], %swap3A_411 {strides = array<i32>} : memref<80x128xf32, #tpu.memory_space<vmem>>, vector<1x16xf32>,
        %get3A_412 = arith.index_cast %add3A_383 : i32 to index
        %get3A_413 = arith.constant 32 : index
        %get3A_414 = tpu.vector_load %arg11[%get3A_412, %get3A_413] {strides = array<i32>} : memref<80x128xf32, #tpu.memory_space<vmem>>, vector<1x16xf32>,
        %get3A_415 = vector.shape_cast %get3A_414 : vector<1x16xf32> to vector<16xf32>
        %get3A_416 = arith.index_cast %add3A_383 : i32 to index
        %get3A_417 = arith.constant 32 : index
        %get3A_418 = tpu.vector_load %arg12[%get3A_416, %get3A_417] {strides = array<i32>} : memref<80x128xf32, #tpu.memory_space<vmem>>, vector<1x16xf32>,
        %get3A_419 = vector.shape_cast %get3A_418 : vector<1x16xf32> to vector<16xf32>
        %add3A_420 = arith.addf %get3A_415, %get3A_419 : vector<16xf32>
        %swap3A_421 = arith.index_cast %add3A_383 : i32 to index
        %swap3A_422 = arith.constant 32 : index
        %swap3A_423 = tpu.vector_load %arg13[%swap3A_421, %swap3A_422] {strides = array<i32>} : memref<80x128xf32, #tpu.memory_space<vmem>>, vector<1x16xf32>,
        %swap3A_424 = vector.shape_cast %swap3A_423 : vector<1x16xf32> to vector<16xf32>
        %swap3A_425 = vector.shape_cast %add3A_420 : vector<16xf32> to vector<1x16xf32>
        tpu.vector_store %arg13[%swap3A_421, %swap3A_422], %swap3A_425 {strides = array<i32>} : memref<80x128xf32, #tpu.memory_space<vmem>>, vector<1x16xf32>,
        %get3A_426 = arith.index_cast %add3A_383 : i32 to index
        %get3A_427 = arith.constant 48 : index
        %get3A_428 = tpu.vector_load %arg11[%get3A_426, %get3A_427] {strides = array<i32>} : memref<80x128xf32, #tpu.memory_space<vmem>>, vector<1x16xf32>,
        %get3A_429 = vector.shape_cast %get3A_428 : vector<1x16xf32> to vector<16xf32>
        %get3A_430 = arith.index_cast %add3A_383 : i32 to index
        %get3A_431 = arith.constant 48 : index
        %get3A_432 = tpu.vector_load %arg12[%get3A_430, %get3A_431] {strides = array<i32>} : memref<80x128xf32, #tpu.memory_space<vmem>>, vector<1x16xf32>,
        %get3A_433 = vector.shape_cast %get3A_432 : vector<1x16xf32> to vector<16xf32>
        %add3A_434 = arith.addf %get3A_429, %get3A_433 : vector<16xf32>
        %swap3A_435 = arith.index_cast %add3A_383 : i32 to index
        %swap3A_436 = arith.constant 48 : index
        %swap3A_437 = tpu.vector_load %arg13[%swap3A_435, %swap3A_436] {strides = array<i32>} : memref<80x128xf32, #tpu.memory_space<vmem>>, vector<1x16xf32>,
        %swap3A_438 = vector.shape_cast %swap3A_437 : vector<1x16xf32> to vector<16xf32>
        %swap3A_439 = vector.shape_cast %add3A_434 : vector<16xf32> to vector<1x16xf32>
        tpu.vector_store %arg13[%swap3A_435, %swap3A_436], %swap3A_439 {strides = array<i32>} : memref<80x128xf32, #tpu.memory_space<vmem>>, vector<1x16xf32>,
        %get3A_440 = arith.index_cast %add3A_383 : i32 to index
        %get3A_441 = arith.constant 64 : index
        %get3A_442 = tpu.vector_load %arg11[%get3A_440, %get3A_441] {strides = array<i32>} : memref<80x128xf32, #tpu.memory_space<vmem>>, vector<1x16xf32>,
        %get3A_443 = vector.shape_cast %get3A_442 : vector<1x16xf32> to vector<16xf32>
        %get3A_444 = arith.index_cast %add3A_383 : i32 to index
        %get3A_445 = arith.constant 64 : index
        %get3A_446 = tpu.vector_load %arg12[%get3A_444, %get3A_445] {strides = array<i32>} : memref<80x128xf32, #tpu.memory_space<vmem>>, vector<1x16xf32>,
        %get3A_447 = vector.shape_cast %get3A_446 : vector<1x16xf32> to vector<16xf32>
        %add3A_448 = arith.addf %get3A_443, %get3A_447 : vector<16xf32>
        %swap3A_449 = arith.index_cast %add3A_383 : i32 to index
        %swap3A_450 = arith.constant 64 : index
        %swap3A_451 = tpu.vector_load %arg13[%swap3A_449, %swap3A_450] {strides = array<i32>} : memref<80x128xf32, #tpu.memory_space<vmem>>, vector<1x16xf32>,
        %swap3A_452 = vector.shape_cast %swap3A_451 : vector<1x16xf32> to vector<16xf32>
        %swap3A_453 = vector.shape_cast %add3A_448 : vector<16xf32> to vector<1x16xf32>
        tpu.vector_store %arg13[%swap3A_449, %swap3A_450], %swap3A_453 {strides = array<i32>} : memref<80x128xf32, #tpu.memory_space<vmem>>, vector<1x16xf32>,
        %get3A_454 = arith.index_cast %add3A_383 : i32 to index
        %get3A_455 = arith.constant 80 : index
        %get3A_456 = tpu.vector_load %arg11[%get3A_454, %get3A_455] {strides = array<i32>} : memref<80x128xf32, #tpu.memory_space<vmem>>, vector<1x16xf32>,
        %get3A_457 = vector.shape_cast %get3A_456 : vector<1x16xf32> to vector<16xf32>
        %get3A_458 = arith.index_cast %add3A_383 : i32 to index
        %get3A_459 = arith.constant 80 : index
        %get3A_460 = tpu.vector_load %arg12[%get3A_458, %get3A_459] {strides = array<i32>} : memref<80x128xf32, #tpu.memory_space<vmem>>, vector<1x16xf32>,
        %get3A_461 = vector.shape_cast %get3A_460 : vector<1x16xf32> to vector<16xf32>
        %add3A_462 = arith.addf %get3A_457, %get3A_461 : vector<16xf32>
        %swap3A_463 = arith.index_cast %add3A_383 : i32 to index
        %swap3A_464 = arith.constant 80 : index
        %swap3A_465 = tpu.vector_load %arg13[%swap3A_463, %swap3A_464] {strides = array<i32>} : memref<80x128xf32, #tpu.memory_space<vmem>>, vector<1x16xf32>,
        %swap3A_466 = vector.shape_cast %swap3A_465 : vector<1x16xf32> to vector<16xf32>
        %swap3A_467 = vector.shape_cast %add3A_462 : vector<16xf32> to vector<1x16xf32>
        tpu.vector_store %arg13[%swap3A_463, %swap3A_464], %swap3A_467 {strides = array<i32>} : memref<80x128xf32, #tpu.memory_space<vmem>>, vector<1x16xf32>,
        %get3A_468 = arith.index_cast %add3A_383 : i32 to index
        %get3A_469 = arith.constant 96 : index
        %get3A_470 = tpu.vector_load %arg11[%get3A_468, %get3A_469] {strides = array<i32>} : memref<80x128xf32, #tpu.memory_space<vmem>>, vector<1x16xf32>,
        %get3A_471 = vector.shape_cast %get3A_470 : vector<1x16xf32> to vector<16xf32>
        %get3A_472 = arith.index_cast %add3A_383 : i32 to index
        %get3A_473 = arith.constant 96 : index
        %get3A_474 = tpu.vector_load %arg12[%get3A_472, %get3A_473] {strides = array<i32>} : memref<80x128xf32, #tpu.memory_space<vmem>>, vector<1x16xf32>,
        %get3A_475 = vector.shape_cast %get3A_474 : vector<1x16xf32> to vector<16xf32>
        %add3A_476 = arith.addf %get3A_471, %get3A_475 : vector<16xf32>
        %swap3A_477 = arith.index_cast %add3A_383 : i32 to index
        %swap3A_478 = arith.constant 96 : index
        %swap3A_479 = tpu.vector_load %arg13[%swap3A_477, %swap3A_478] {strides = array<i32>} : memref<80x128xf32, #tpu.memory_space<vmem>>, vector<1x16xf32>,
        %swap3A_480 = vector.shape_cast %swap3A_479 : vector<1x16xf32> to vector<16xf32>
        %swap3A_481 = vector.shape_cast %add3A_476 : vector<16xf32> to vector<1x16xf32>
        tpu.vector_store %arg13[%swap3A_477, %swap3A_478], %swap3A_481 {strides = array<i32>} : memref<80x128xf32, #tpu.memory_space<vmem>>, vector<1x16xf32>,
        %get3A_482 = arith.index_cast %add3A_383 : i32 to index
        %get3A_483 = arith.constant 112 : index
        %get3A_484 = tpu.vector_load %arg11[%get3A_482, %get3A_483] {strides = array<i32>} : memref<80x128xf32, #tpu.memory_space<vmem>>, vector<1x16xf32>,
        %get3A_485 = vector.shape_cast %get3A_484 : vector<1x16xf32> to vector<16xf32>
        %get3A_486 = arith.index_cast %add3A_383 : i32 to index
        %get3A_487 = arith.constant 112 : index
        %get3A_488 = tpu.vector_load %arg12[%get3A_486, %get3A_487] {strides = array<i32>} : memref<80x128xf32, #tpu.memory_space<vmem>>, vector<1x16xf32>,
        %get3A_489 = vector.shape_cast %get3A_488 : vector<1x16xf32> to vector<16xf32>
        %add3A_490 = arith.addf %get3A_485, %get3A_489 : vector<16xf32>
        %swap3A_491 = arith.index_cast %add3A_383 : i32 to index
        %swap3A_492 = arith.constant 112 : index
        %swap3A_493 = tpu.vector_load %arg13[%swap3A_491, %swap3A_492] {strides = array<i32>} : memref<80x128xf32, #tpu.memory_space<vmem>>, vector<1x16xf32>,
        %swap3A_494 = vector.shape_cast %swap3A_493 : vector<1x16xf32> to vector<16xf32>
        %swap3A_495 = vector.shape_cast %add3A_490 : vector<16xf32> to vector<1x16xf32>
        tpu.vector_store %arg13[%swap3A_491, %swap3A_492], %swap3A_495 {strides = array<i32>} : memref<80x128xf32, #tpu.memory_space<vmem>>, vector<1x16xf32>,
        %mul3A_496 = arith.constant 4 : i32
        %mul3A_497 = arith.muli %mul3A_496, %scan3A_149 : i32
        %add3A_498 = arith.constant 3 : i32
        %add3A_499 = arith.addi %mul3A_497, %add3A_498 : i32
        %get3A_500 = arith.index_cast %add3A_499 : i32 to index
        %get3A_501 = arith.constant 0 : index
        %get3A_502 = tpu.vector_load %arg11[%get3A_500, %get3A_501] {strides = array<i32>} : memref<80x128xf32, #tpu.memory_space<vmem>>, vector<1x16xf32>,
        %get3A_503 = vector.shape_cast %get3A_502 : vector<1x16xf32> to vector<16xf32>
        %get3A_504 = arith.index_cast %add3A_499 : i32 to index
        %get3A_505 = arith.constant 0 : index
        %get3A_506 = tpu.vector_load %arg12[%get3A_504, %get3A_505] {strides = array<i32>} : memref<80x128xf32, #tpu.memory_space<vmem>>, vector<1x16xf32>,
        %get3A_507 = vector.shape_cast %get3A_506 : vector<1x16xf32> to vector<16xf32>
        %add3A_508 = arith.addf %get3A_503, %get3A_507 : vector<16xf32>
        %swap3A_509 = arith.index_cast %add3A_499 : i32 to index
        %swap3A_510 = arith.constant 0 : index
        %swap3A_511 = tpu.vector_load %arg13[%swap3A_509, %swap3A_510] {strides = array<i32>} : memref<80x128xf32, #tpu.memory_space<vmem>>, vector<1x16xf32>,
        %swap3A_512 = vector.shape_cast %swap3A_511 : vector<1x16xf32> to vector<16xf32>
        %swap3A_513 = vector.shape_cast %add3A_508 : vector<16xf32> to vector<1x16xf32>
        tpu.vector_store %arg13[%swap3A_509, %swap3A_510], %swap3A_513 {strides = array<i32>} : memref<80x128xf32, #tpu.memory_space<vmem>>, vector<1x16xf32>,
        %get3A_514 = arith.index_cast %add3A_499 : i32 to index
        %get3A_515 = arith.constant 16 : index
        %get3A_516 = tpu.vector_load %arg11[%get3A_514, %get3A_515] {strides = array<i32>} : memref<80x128xf32, #tpu.memory_space<vmem>>, vector<1x16xf32>,
        %get3A_517 = vector.shape_cast %get3A_516 : vector<1x16xf32> to vector<16xf32>
        %get3A_518 = arith.index_cast %add3A_499 : i32 to index
        %get3A_519 = arith.constant 16 : index
        %get3A_520 = tpu.vector_load %arg12[%get3A_518, %get3A_519] {strides = array<i32>} : memref<80x128xf32, #tpu.memory_space<vmem>>, vector<1x16xf32>,
        %get3A_521 = vector.shape_cast %get3A_520 : vector<1x16xf32> to vector<16xf32>
        %add3A_522 = arith.addf %get3A_517, %get3A_521 : vector<16xf32>
        %swap3A_523 = arith.index_cast %add3A_499 : i32 to index
        %swap3A_524 = arith.constant 16 : index
        %swap3A_525 = tpu.vector_load %arg13[%swap3A_523, %swap3A_524] {strides = array<i32>} : memref<80x128xf32, #tpu.memory_space<vmem>>, vector<1x16xf32>,
        %swap3A_526 = vector.shape_cast %swap3A_525 : vector<1x16xf32> to vector<16xf32>
        %swap3A_527 = vector.shape_cast %add3A_522 : vector<16xf32> to vector<1x16xf32>
        tpu.vector_store %arg13[%swap3A_523, %swap3A_524], %swap3A_527 {strides = array<i32>} : memref<80x128xf32, #tpu.memory_space<vmem>>, vector<1x16xf32>,
        %get3A_528 = arith.index_cast %add3A_499 : i32 to index
        %get3A_529 = arith.constant 32 : index
        %get3A_530 = tpu.vector_load %arg11[%get3A_528, %get3A_529] {strides = array<i32>} : memref<80x128xf32, #tpu.memory_space<vmem>>, vector<1x16xf32>,
        %get3A_531 = vector.shape_cast %get3A_530 : vector<1x16xf32> to vector<16xf32>
        %get3A_532 = arith.index_cast %add3A_499 : i32 to index
        %get3A_533 = arith.constant 32 : index
        %get3A_534 = tpu.vector_load %arg12[%get3A_532, %get3A_533] {strides = array<i32>} : memref<80x128xf32, #tpu.memory_space<vmem>>, vector<1x16xf32>,
        %get3A_535 = vector.shape_cast %get3A_534 : vector<1x16xf32> to vector<16xf32>
        %add3A_536 = arith.addf %get3A_531, %get3A_535 : vector<16xf32>
        %swap3A_537 = arith.index_cast %add3A_499 : i32 to index
        %swap3A_538 = arith.constant 32 : index
        %swap3A_539 = tpu.vector_load %arg13[%swap3A_537, %swap3A_538] {strides = array<i32>} : memref<80x128xf32, #tpu.memory_space<vmem>>, vector<1x16xf32>,
        %swap3A_540 = vector.shape_cast %swap3A_539 : vector<1x16xf32> to vector<16xf32>
        %swap3A_541 = vector.shape_cast %add3A_536 : vector<16xf32> to vector<1x16xf32>
        tpu.vector_store %arg13[%swap3A_537, %swap3A_538], %swap3A_541 {strides = array<i32>} : memref<80x128xf32, #tpu.memory_space<vmem>>, vector<1x16xf32>,
        %get3A_542 = arith.index_cast %add3A_499 : i32 to index
        %get3A_543 = arith.constant 48 : index
        %get3A_544 = tpu.vector_load %arg11[%get3A_542, %get3A_543] {strides = array<i32>} : memref<80x128xf32, #tpu.memory_space<vmem>>, vector<1x16xf32>,
        %get3A_545 = vector.shape_cast %get3A_544 : vector<1x16xf32> to vector<16xf32>
        %get3A_546 = arith.index_cast %add3A_499 : i32 to index
        %get3A_547 = arith.constant 48 : index
        %get3A_548 = tpu.vector_load %arg12[%get3A_546, %get3A_547] {strides = array<i32>} : memref<80x128xf32, #tpu.memory_space<vmem>>, vector<1x16xf32>,
        %get3A_549 = vector.shape_cast %get3A_548 : vector<1x16xf32> to vector<16xf32>
        %add3A_550 = arith.addf %get3A_545, %get3A_549 : vector<16xf32>
        %swap3A_551 = arith.index_cast %add3A_499 : i32 to index
        %swap3A_552 = arith.constant 48 : index
        %swap3A_553 = tpu.vector_load %arg13[%swap3A_551, %swap3A_552] {strides = array<i32>} : memref<80x128xf32, #tpu.memory_space<vmem>>, vector<1x16xf32>,
        %swap3A_554 = vector.shape_cast %swap3A_553 : vector<1x16xf32> to vector<16xf32>
        %swap3A_555 = vector.shape_cast %add3A_550 : vector<16xf32> to vector<1x16xf32>
        tpu.vector_store %arg13[%swap3A_551, %swap3A_552], %swap3A_555 {strides = array<i32>} : memref<80x128xf32, #tpu.memory_space<vmem>>, vector<1x16xf32>,
        %get3A_556 = arith.index_cast %add3A_499 : i32 to index
        %get3A_557 = arith.constant 64 : index
        %get3A_558 = tpu.vector_load %arg11[%get3A_556, %get3A_557] {strides = array<i32>} : memref<80x128xf32, #tpu.memory_space<vmem>>, vector<1x16xf32>,
        %get3A_559 = vector.shape_cast %get3A_558 : vector<1x16xf32> to vector<16xf32>
        %get3A_560 = arith.index_cast %add3A_499 : i32 to index
        %get3A_561 = arith.constant 64 : index
        %get3A_562 = tpu.vector_load %arg12[%get3A_560, %get3A_561] {strides = array<i32>} : memref<80x128xf32, #tpu.memory_space<vmem>>, vector<1x16xf32>,
        %get3A_563 = vector.shape_cast %get3A_562 : vector<1x16xf32> to vector<16xf32>
        %add3A_564 = arith.addf %get3A_559, %get3A_563 : vector<16xf32>
        %swap3A_565 = arith.index_cast %add3A_499 : i32 to index
        %swap3A_566 = arith.constant 64 : index
        %swap3A_567 = tpu.vector_load %arg13[%swap3A_565, %swap3A_566] {strides = array<i32>} : memref<80x128xf32, #tpu.memory_space<vmem>>, vector<1x16xf32>,
        %swap3A_568 = vector.shape_cast %swap3A_567 : vector<1x16xf32> to vector<16xf32>
        %swap3A_569 = vector.shape_cast %add3A_564 : vector<16xf32> to vector<1x16xf32>
        tpu.vector_store %arg13[%swap3A_565, %swap3A_566], %swap3A_569 {strides = array<i32>} : memref<80x128xf32, #tpu.memory_space<vmem>>, vector<1x16xf32>,
        %get3A_570 = arith.index_cast %add3A_499 : i32 to index
        %get3A_571 = arith.constant 80 : index
        %get3A_572 = tpu.vector_load %arg11[%get3A_570, %get3A_571] {strides = array<i32>} : memref<80x128xf32, #tpu.memory_space<vmem>>, vector<1x16xf32>,
        %get3A_573 = vector.shape_cast %get3A_572 : vector<1x16xf32> to vector<16xf32>
        %get3A_574 = arith.index_cast %add3A_499 : i32 to index
        %get3A_575 = arith.constant 80 : index
        %get3A_576 = tpu.vector_load %arg12[%get3A_574, %get3A_575] {strides = array<i32>} : memref<80x128xf32, #tpu.memory_space<vmem>>, vector<1x16xf32>,
        %get3A_577 = vector.shape_cast %get3A_576 : vector<1x16xf32> to vector<16xf32>
        %add3A_578 = arith.addf %get3A_573, %get3A_577 : vector<16xf32>
        %swap3A_579 = arith.index_cast %add3A_499 : i32 to index
        %swap3A_580 = arith.constant 80 : index
        %swap3A_581 = tpu.vector_load %arg13[%swap3A_579, %swap3A_580] {strides = array<i32>} : memref<80x128xf32, #tpu.memory_space<vmem>>, vector<1x16xf32>,
        %swap3A_582 = vector.shape_cast %swap3A_581 : vector<1x16xf32> to vector<16xf32>
        %swap3A_583 = vector.shape_cast %add3A_578 : vector<16xf32> to vector<1x16xf32>
        tpu.vector_store %arg13[%swap3A_579, %swap3A_580], %swap3A_583 {strides = array<i32>} : memref<80x128xf32, #tpu.memory_space<vmem>>, vector<1x16xf32>,
        %get3A_584 = arith.index_cast %add3A_499 : i32 to index
        %get3A_585 = arith.constant 96 : index
        %get3A_586 = tpu.vector_load %arg11[%get3A_584, %get3A_585] {strides = array<i32>} : memref<80x128xf32, #tpu.memory_space<vmem>>, vector<1x16xf32>,
        %get3A_587 = vector.shape_cast %get3A_586 : vector<1x16xf32> to vector<16xf32>
        %get3A_588 = arith.index_cast %add3A_499 : i32 to index
        %get3A_589 = arith.constant 96 : index
        %get3A_590 = tpu.vector_load %arg12[%get3A_588, %get3A_589] {strides = array<i32>} : memref<80x128xf32, #tpu.memory_space<vmem>>, vector<1x16xf32>,
        %get3A_591 = vector.shape_cast %get3A_590 : vector<1x16xf32> to vector<16xf32>
        %add3A_592 = arith.addf %get3A_587, %get3A_591 : vector<16xf32>
        %swap3A_593 = arith.index_cast %add3A_499 : i32 to index
        %swap3A_594 = arith.constant 96 : index
        %swap3A_595 = tpu.vector_load %arg13[%swap3A_593, %swap3A_594] {strides = array<i32>} : memref<80x128xf32, #tpu.memory_space<vmem>>, vector<1x16xf32>,
        %swap3A_596 = vector.shape_cast %swap3A_595 : vector<1x16xf32> to vector<16xf32>
        %swap3A_597 = vector.shape_cast %add3A_592 : vector<16xf32> to vector<1x16xf32>
        tpu.vector_store %arg13[%swap3A_593, %swap3A_594], %swap3A_597 {strides = array<i32>} : memref<80x128xf32, #tpu.memory_space<vmem>>, vector<1x16xf32>,
        %get3A_598 = arith.index_cast %add3A_499 : i32 to index
        %get3A_599 = arith.constant 112 : index
        %get3A_600 = tpu.vector_load %arg11[%get3A_598, %get3A_599] {strides = array<i32>} : memref<80x128xf32, #tpu.memory_space<vmem>>, vector<1x16xf32>,
        %get3A_601 = vector.shape_cast %get3A_600 : vector<1x16xf32> to vector<16xf32>
        %get3A_602 = arith.index_cast %add3A_499 : i32 to index
        %get3A_603 = arith.constant 112 : index
        %get3A_604 = tpu.vector_load %arg12[%get3A_602, %get3A_603] {strides = array<i32>} : memref<80x128xf32, #tpu.memory_space<vmem>>, vector<1x16xf32>,
        %get3A_605 = vector.shape_cast %get3A_604 : vector<1x16xf32> to vector<16xf32>
        %add3A_606 = arith.addf %get3A_601, %get3A_605 : vector<16xf32>
        %swap3A_607 = arith.index_cast %add3A_499 : i32 to index
        %swap3A_608 = arith.constant 112 : index
        %swap3A_609 = tpu.vector_load %arg13[%swap3A_607, %swap3A_608] {strides = array<i32>} : memref<80x128xf32, #tpu.memory_space<vmem>>, vector<1x16xf32>,
        %swap3A_610 = vector.shape_cast %swap3A_609 : vector<1x16xf32> to vector<16xf32>
        %swap3A_611 = vector.shape_cast %add3A_606 : vector<16xf32> to vector<1x16xf32>
        tpu.vector_store %arg13[%swap3A_607, %swap3A_608], %swap3A_611 {strides = array<i32>} : memref<80x128xf32, #tpu.memory_space<vmem>>, vector<1x16xf32>,
      }
      %scan3A_85 = arith.constant 20 : i32
      %dma_start3A_86 = arith.constant 0 : i32
      %dma_start3A_87 = tpu.memref_slice %arg6[%add3A_61, %dma_start3A_86] : memref<320000x128xf32, #tpu.memory_space<hbm>> -> memref<80x128xf32, #tpu.memory_space<hbm>>
      %dma_start3A_88 = arith.constant 0 : i32
      %dma_start3A_89 = tpu.memref_slice %arg6[%add3A_61, %dma_start3A_88] : memref<320000x128xf32, #tpu.memory_space<hbm>> -> memref<80x128xf32, #tpu.memory_space<hbm>>
      tpu.enqueue_dma source(%arg13 : memref<80x128xf32, #tpu.memory_space<vmem>>) target(%dma_start3A_89 : memref<80x128xf32, #tpu.memory_space<hbm>>) target_semaphore(%arg25 : memref<!tpu.dma_semaphore, #tpu.memory_space<semaphore_mem>>)
      %dma_wait3A_90 = tpu.memref_slice %arg4[%add3A_67] : memref<320000xi32, #tpu.memory_space<hbm>> -> memref<80xi32, #tpu.memory_space<hbm>>
      %dma_wait3A_91 = tpu.memref_slice %arg4[%add3A_67] : memref<320000xi32, #tpu.memory_space<hbm>> -> memref<80xi32, #tpu.memory_space<hbm>>
      tpu.wait_dma2 semaphore(%arg17 : memref<!tpu.dma_semaphore, #tpu.memory_space<semaphore_mem>>) src(%dma_wait3A_91 : memref<80xi32, #tpu.memory_space<hbm>>) dst(%arg7 : memref<80xi32, #tpu.memory_space<vmem>>)
      %dma_wait3A_92 = tpu.memref_slice %arg5[%add3A_67] : memref<320000xi32, #tpu.memory_space<hbm>> -> memref<80xi32, #tpu.memory_space<hbm>>
      %dma_wait3A_93 = tpu.memref_slice %arg5[%add3A_67] : memref<320000xi32, #tpu.memory_space<hbm>> -> memref<80xi32, #tpu.memory_space<hbm>>
      tpu.wait_dma2 semaphore(%arg18 : memref<!tpu.dma_semaphore, #tpu.memory_space<semaphore_mem>>) src(%dma_wait3A_93 : memref<80xi32, #tpu.memory_space<hbm>>) dst(%arg8 : memref<80xi32, #tpu.memory_space<vmem>>)
      %dma_start3A_94 = arith.constant 0 : i32
      %dma_start3A_95 = arith.constant 0 : i32
      %dma_start3A_96 = tpu.memref_slice %arg2[%dma_start3A_94, %dma_start3A_95] : memref<10000x128xf32, #tpu.memory_space<hbm>> -> memref<10000x128xf32, #tpu.memory_space<hbm>>
      tpu.enqueue_indirect_dma source(%dma_start3A_96 : memref<10000x128xf32, #tpu.memory_space<hbm>>) target(%arg11 : memref<80x128xf32, #tpu.memory_space<vmem>>) offsets(%arg7 : memref<80xi32, #tpu.memory_space<vmem>>) semaphore(%arg21 : memref<!tpu.dma_semaphore, #tpu.memory_space<semaphore_mem>>)
      %dma_start3A_97 = arith.constant 0 : i32
      %dma_start3A_98 = arith.constant 0 : i32
      %dma_start3A_99 = tpu.memref_slice %arg3[%dma_start3A_97, %dma_start3A_98] : memref<10000x128xf32, #tpu.memory_space<hbm>> -> memref<10000x128xf32, #tpu.memory_space<hbm>>
      tpu.enqueue_indirect_dma source(%dma_start3A_99 : memref<10000x128xf32, #tpu.memory_space<hbm>>) target(%arg12 : memref<80x128xf32, #tpu.memory_space<vmem>>) offsets(%arg8 : memref<80xi32, #tpu.memory_space<vmem>>) semaphore(%arg22 : memref<!tpu.dma_semaphore, #tpu.memory_space<semaphore_mem>>)
      %mul3A_100 = arith.constant 2 : i32
      %mul3A_101 = arith.muli %mul3A_100, %scan3A_54 : i32
      %add3A_102 = arith.constant 1 : i32
      %add3A_103 = arith.addi %mul3A_101, %add3A_102 : i32
      %mul3A_104 = arith.constant 80 : i32
      %mul3A_105 = arith.muli %add3A_103, %mul3A_104 : i32
      %add3A_106 = arith.addi %mul3A_2, %mul3A_105 : i32
      %add3A_107 = arith.constant 2 : i32
      %add3A_108 = arith.addi %add3A_103, %add3A_107 : i32
      %min3A_109 = arith.constant 124 : i32
      %min3A_110 = arith.minsi %add3A_108, %min3A_109 : i32
      %mul3A_111 = arith.constant 80 : i32
      %mul3A_112 = arith.muli %min3A_110, %mul3A_111 : i32
      %add3A_113 = arith.addi %mul3A_2, %mul3A_112 : i32
      %dma_wait3A_114 = arith.constant 0 : i32
      %dma_wait3A_115 = arith.constant 0 : i32
      %dma_wait3A_116 = tpu.memref_slice %arg2[%dma_wait3A_114, %dma_wait3A_115] : memref<10000x128xf32, #tpu.memory_space<hbm>> -> memref<10000x128xf32, #tpu.memory_space<hbm>>
      tpu.wait_indirect_dma semaphore(%arg23 : memref<!tpu.dma_semaphore, #tpu.memory_space<semaphore_mem>>) src(%dma_wait3A_116 : memref<10000x128xf32, #tpu.memory_space<hbm>>) dst(%arg14 : memref<80x128xf32, #tpu.memory_space<vmem>>)
      %dma_wait3A_117 = arith.constant 0 : i32
      %dma_wait3A_118 = arith.constant 0 : i32
      %dma_wait3A_119 = tpu.memref_slice %arg3[%dma_wait3A_117, %dma_wait3A_118] : memref<10000x128xf32, #tpu.memory_space<hbm>> -> memref<10000x128xf32, #tpu.memory_space<hbm>>
      tpu.wait_indirect_dma semaphore(%arg24 : memref<!tpu.dma_semaphore, #tpu.memory_space<semaphore_mem>>) src(%dma_wait3A_119 : memref<10000x128xf32, #tpu.memory_space<hbm>>) dst(%arg15 : memref<80x128xf32, #tpu.memory_space<vmem>>)
      %dma_start3A_120 = tpu.memref_slice %arg4[%add3A_113] : memref<320000xi32, #tpu.memory_space<hbm>> -> memref<80xi32, #tpu.memory_space<hbm>>
      %dma_start3A_121 = tpu.memref_slice %arg4[%add3A_113] : memref<320000xi32, #tpu.memory_space<hbm>> -> memref<80xi32, #tpu.memory_space<hbm>>
      tpu.enqueue_dma source(%dma_start3A_121 : memref<80xi32, #tpu.memory_space<hbm>>) target(%arg9 : memref<80xi32, #tpu.memory_space<vmem>>) target_semaphore(%arg19 : memref<!tpu.dma_semaphore, #tpu.memory_space<semaphore_mem>>)
      %dma_start3A_122 = tpu.memref_slice %arg5[%add3A_113] : memref<320000xi32, #tpu.memory_space<hbm>> -> memref<80xi32, #tpu.memory_space<hbm>>
      %dma_start3A_123 = tpu.memref_slice %arg5[%add3A_113] : memref<320000xi32, #tpu.memory_space<hbm>> -> memref<80xi32, #tpu.memory_space<hbm>>
      tpu.enqueue_dma source(%dma_start3A_123 : memref<80xi32, #tpu.memory_space<hbm>>) target(%arg10 : memref<80xi32, #tpu.memory_space<vmem>>) target_semaphore(%arg20 : memref<!tpu.dma_semaphore, #tpu.memory_space<semaphore_mem>>)
      %ge3A_124 = arith.constant 2 : i32
      %ge3A_125 = arith.cmpi sge, %add3A_103, %ge3A_124 : i32
      %convert_element_type3A_126 = arith.extui %ge3A_125 : i1 to i32
      %cond3A_127 = arith.constant 0 : i32
      %cond3A_128 = arith.cmpi ne, %convert_element_type3A_126, %cond3A_127 : i32
      scf.if %cond3A_128 {
        %sub3A = arith.constant 2 : i32
        %sub3A_149 = arith.subi %add3A_103, %sub3A : i32
        %mul3A_150 = arith.constant 80 : i32
        %mul3A_151 = arith.muli %sub3A_149, %mul3A_150 : i32
        %add3A_152 = arith.addi %mul3A_2, %mul3A_151 : i32
        %dma_wait3A_153 = arith.constant 0 : i32
        %dma_wait3A_154 = tpu.memref_slice %arg6[%add3A_152, %dma_wait3A_153] : memref<320000x128xf32, #tpu.memory_space<hbm>> -> memref<80x128xf32, #tpu.memory_space<hbm>>
        %dma_wait3A_155 = arith.constant 0 : i32
        %dma_wait3A_156 = tpu.memref_slice %arg6[%add3A_152, %dma_wait3A_155] : memref<320000x128xf32, #tpu.memory_space<hbm>> -> memref<80x128xf32, #tpu.memory_space<hbm>>
        tpu.wait_dma2 semaphore(%arg26 : memref<!tpu.dma_semaphore, #tpu.memory_space<semaphore_mem>>) src(%arg16 : memref<80x128xf32, #tpu.memory_space<vmem>>) dst(%dma_wait3A_156 : memref<80x128xf32, #tpu.memory_space<hbm>>)
      } else {
      }
      %scan3A_129 = arith.constant 0 : i32
      %scan3A_130 = arith.constant 0 : i32
      %scan3A_131 = arith.constant 20 : i32
      %scan3A_132 = arith.addi %scan3A_130, %scan3A_131 : i32
      %scan3A_133 = arith.constant 1 : i32
      scf.for %scan3A_149 = %scan3A_130 to %scan3A_132 step %scan3A_133  : i32 {
        %mul3A_150 = arith.constant 4 : i32
        %mul3A_151 = arith.muli %mul3A_150, %scan3A_149 : i32
        %add3A_152 = arith.constant 0 : i32
        %add3A_153 = arith.addi %mul3A_151, %add3A_152 : i32
        %get3A = arith.index_cast %add3A_153 : i32 to index
        %get3A_154 = arith.constant 0 : index
        %get3A_155 = tpu.vector_load %arg14[%get3A, %get3A_154] {strides = array<i32>} : memref<80x128xf32, #tpu.memory_space<vmem>>, vector<1x16xf32>,
        %get3A_156 = vector.shape_cast %get3A_155 : vector<1x16xf32> to vector<16xf32>
        %get3A_157 = arith.index_cast %add3A_153 : i32 to index
        %get3A_158 = arith.constant 0 : index
        %get3A_159 = tpu.vector_load %arg15[%get3A_157, %get3A_158] {strides = array<i32>} : memref<80x128xf32, #tpu.memory_space<vmem>>, vector<1x16xf32>,
        %get3A_160 = vector.shape_cast %get3A_159 : vector<1x16xf32> to vector<16xf32>
        %add3A_161 = arith.addf %get3A_156, %get3A_160 : vector<16xf32>
        %swap3A = arith.index_cast %add3A_153 : i32 to index
        %swap3A_162 = arith.constant 0 : index
        %swap3A_163 = tpu.vector_load %arg16[%swap3A, %swap3A_162] {strides = array<i32>} : memref<80x128xf32, #tpu.memory_space<vmem>>, vector<1x16xf32>,
        %swap3A_164 = vector.shape_cast %swap3A_163 : vector<1x16xf32> to vector<16xf32>
        %swap3A_165 = vector.shape_cast %add3A_161 : vector<16xf32> to vector<1x16xf32>
        tpu.vector_store %arg16[%swap3A, %swap3A_162], %swap3A_165 {strides = array<i32>} : memref<80x128xf32, #tpu.memory_space<vmem>>, vector<1x16xf32>,
        %get3A_166 = arith.index_cast %add3A_153 : i32 to index
        %get3A_167 = arith.constant 16 : index
        %get3A_168 = tpu.vector_load %arg14[%get3A_166, %get3A_167] {strides = array<i32>} : memref<80x128xf32, #tpu.memory_space<vmem>>, vector<1x16xf32>,
        %get3A_169 = vector.shape_cast %get3A_168 : vector<1x16xf32> to vector<16xf32>
        %get3A_170 = arith.index_cast %add3A_153 : i32 to index
        %get3A_171 = arith.constant 16 : index
        %get3A_172 = tpu.vector_load %arg15[%get3A_170, %get3A_171] {strides = array<i32>} : memref<80x128xf32, #tpu.memory_space<vmem>>, vector<1x16xf32>,
        %get3A_173 = vector.shape_cast %get3A_172 : vector<1x16xf32> to vector<16xf32>
        %add3A_174 = arith.addf %get3A_169, %get3A_173 : vector<16xf32>
        %swap3A_175 = arith.index_cast %add3A_153 : i32 to index
        %swap3A_176 = arith.constant 16 : index
        %swap3A_177 = tpu.vector_load %arg16[%swap3A_175, %swap3A_176] {strides = array<i32>} : memref<80x128xf32, #tpu.memory_space<vmem>>, vector<1x16xf32>,
        %swap3A_178 = vector.shape_cast %swap3A_177 : vector<1x16xf32> to vector<16xf32>
        %swap3A_179 = vector.shape_cast %add3A_174 : vector<16xf32> to vector<1x16xf32>
        tpu.vector_store %arg16[%swap3A_175, %swap3A_176], %swap3A_179 {strides = array<i32>} : memref<80x128xf32, #tpu.memory_space<vmem>>, vector<1x16xf32>,
        %get3A_180 = arith.index_cast %add3A_153 : i32 to index
        %get3A_181 = arith.constant 32 : index
        %get3A_182 = tpu.vector_load %arg14[%get3A_180, %get3A_181] {strides = array<i32>} : memref<80x128xf32, #tpu.memory_space<vmem>>, vector<1x16xf32>,
        %get3A_183 = vector.shape_cast %get3A_182 : vector<1x16xf32> to vector<16xf32>
        %get3A_184 = arith.index_cast %add3A_153 : i32 to index
        %get3A_185 = arith.constant 32 : index
        %get3A_186 = tpu.vector_load %arg15[%get3A_184, %get3A_185] {strides = array<i32>} : memref<80x128xf32, #tpu.memory_space<vmem>>, vector<1x16xf32>,
        %get3A_187 = vector.shape_cast %get3A_186 : vector<1x16xf32> to vector<16xf32>
        %add3A_188 = arith.addf %get3A_183, %get3A_187 : vector<16xf32>
        %swap3A_189 = arith.index_cast %add3A_153 : i32 to index
        %swap3A_190 = arith.constant 32 : index
        %swap3A_191 = tpu.vector_load %arg16[%swap3A_189, %swap3A_190] {strides = array<i32>} : memref<80x128xf32, #tpu.memory_space<vmem>>, vector<1x16xf32>,
        %swap3A_192 = vector.shape_cast %swap3A_191 : vector<1x16xf32> to vector<16xf32>
        %swap3A_193 = vector.shape_cast %add3A_188 : vector<16xf32> to vector<1x16xf32>
        tpu.vector_store %arg16[%swap3A_189, %swap3A_190], %swap3A_193 {strides = array<i32>} : memref<80x128xf32, #tpu.memory_space<vmem>>, vector<1x16xf32>,
        %get3A_194 = arith.index_cast %add3A_153 : i32 to index
        %get3A_195 = arith.constant 48 : index
        %get3A_196 = tpu.vector_load %arg14[%get3A_194, %get3A_195] {strides = array<i32>} : memref<80x128xf32, #tpu.memory_space<vmem>>, vector<1x16xf32>,
        %get3A_197 = vector.shape_cast %get3A_196 : vector<1x16xf32> to vector<16xf32>
        %get3A_198 = arith.index_cast %add3A_153 : i32 to index
        %get3A_199 = arith.constant 48 : index
        %get3A_200 = tpu.vector_load %arg15[%get3A_198, %get3A_199] {strides = array<i32>} : memref<80x128xf32, #tpu.memory_space<vmem>>, vector<1x16xf32>,
        %get3A_201 = vector.shape_cast %get3A_200 : vector<1x16xf32> to vector<16xf32>
        %add3A_202 = arith.addf %get3A_197, %get3A_201 : vector<16xf32>
        %swap3A_203 = arith.index_cast %add3A_153 : i32 to index
        %swap3A_204 = arith.constant 48 : index
        %swap3A_205 = tpu.vector_load %arg16[%swap3A_203, %swap3A_204] {strides = array<i32>} : memref<80x128xf32, #tpu.memory_space<vmem>>, vector<1x16xf32>,
        %swap3A_206 = vector.shape_cast %swap3A_205 : vector<1x16xf32> to vector<16xf32>
        %swap3A_207 = vector.shape_cast %add3A_202 : vector<16xf32> to vector<1x16xf32>
        tpu.vector_store %arg16[%swap3A_203, %swap3A_204], %swap3A_207 {strides = array<i32>} : memref<80x128xf32, #tpu.memory_space<vmem>>, vector<1x16xf32>,
        %get3A_208 = arith.index_cast %add3A_153 : i32 to index
        %get3A_209 = arith.constant 64 : index
        %get3A_210 = tpu.vector_load %arg14[%get3A_208, %get3A_209] {strides = array<i32>} : memref<80x128xf32, #tpu.memory_space<vmem>>, vector<1x16xf32>,
        %get3A_211 = vector.shape_cast %get3A_210 : vector<1x16xf32> to vector<16xf32>
        %get3A_212 = arith.index_cast %add3A_153 : i32 to index
        %get3A_213 = arith.constant 64 : index
        %get3A_214 = tpu.vector_load %arg15[%get3A_212, %get3A_213] {strides = array<i32>} : memref<80x128xf32, #tpu.memory_space<vmem>>, vector<1x16xf32>,
        %get3A_215 = vector.shape_cast %get3A_214 : vector<1x16xf32> to vector<16xf32>
        %add3A_216 = arith.addf %get3A_211, %get3A_215 : vector<16xf32>
        %swap3A_217 = arith.index_cast %add3A_153 : i32 to index
        %swap3A_218 = arith.constant 64 : index
        %swap3A_219 = tpu.vector_load %arg16[%swap3A_217, %swap3A_218] {strides = array<i32>} : memref<80x128xf32, #tpu.memory_space<vmem>>, vector<1x16xf32>,
        %swap3A_220 = vector.shape_cast %swap3A_219 : vector<1x16xf32> to vector<16xf32>
        %swap3A_221 = vector.shape_cast %add3A_216 : vector<16xf32> to vector<1x16xf32>
        tpu.vector_store %arg16[%swap3A_217, %swap3A_218], %swap3A_221 {strides = array<i32>} : memref<80x128xf32, #tpu.memory_space<vmem>>, vector<1x16xf32>,
        %get3A_222 = arith.index_cast %add3A_153 : i32 to index
        %get3A_223 = arith.constant 80 : index
        %get3A_224 = tpu.vector_load %arg14[%get3A_222, %get3A_223] {strides = array<i32>} : memref<80x128xf32, #tpu.memory_space<vmem>>, vector<1x16xf32>,
        %get3A_225 = vector.shape_cast %get3A_224 : vector<1x16xf32> to vector<16xf32>
        %get3A_226 = arith.index_cast %add3A_153 : i32 to index
        %get3A_227 = arith.constant 80 : index
        %get3A_228 = tpu.vector_load %arg15[%get3A_226, %get3A_227] {strides = array<i32>} : memref<80x128xf32, #tpu.memory_space<vmem>>, vector<1x16xf32>,
        %get3A_229 = vector.shape_cast %get3A_228 : vector<1x16xf32> to vector<16xf32>
        %add3A_230 = arith.addf %get3A_225, %get3A_229 : vector<16xf32>
        %swap3A_231 = arith.index_cast %add3A_153 : i32 to index
        %swap3A_232 = arith.constant 80 : index
        %swap3A_233 = tpu.vector_load %arg16[%swap3A_231, %swap3A_232] {strides = array<i32>} : memref<80x128xf32, #tpu.memory_space<vmem>>, vector<1x16xf32>,
        %swap3A_234 = vector.shape_cast %swap3A_233 : vector<1x16xf32> to vector<16xf32>
        %swap3A_235 = vector.shape_cast %add3A_230 : vector<16xf32> to vector<1x16xf32>
        tpu.vector_store %arg16[%swap3A_231, %swap3A_232], %swap3A_235 {strides = array<i32>} : memref<80x128xf32, #tpu.memory_space<vmem>>, vector<1x16xf32>,
        %get3A_236 = arith.index_cast %add3A_153 : i32 to index
        %get3A_237 = arith.constant 96 : index
        %get3A_238 = tpu.vector_load %arg14[%get3A_236, %get3A_237] {strides = array<i32>} : memref<80x128xf32, #tpu.memory_space<vmem>>, vector<1x16xf32>,
        %get3A_239 = vector.shape_cast %get3A_238 : vector<1x16xf32> to vector<16xf32>
        %get3A_240 = arith.index_cast %add3A_153 : i32 to index
        %get3A_241 = arith.constant 96 : index
        %get3A_242 = tpu.vector_load %arg15[%get3A_240, %get3A_241] {strides = array<i32>} : memref<80x128xf32, #tpu.memory_space<vmem>>, vector<1x16xf32>,
        %get3A_243 = vector.shape_cast %get3A_242 : vector<1x16xf32> to vector<16xf32>
        %add3A_244 = arith.addf %get3A_239, %get3A_243 : vector<16xf32>
        %swap3A_245 = arith.index_cast %add3A_153 : i32 to index
        %swap3A_246 = arith.constant 96 : index
        %swap3A_247 = tpu.vector_load %arg16[%swap3A_245, %swap3A_246] {strides = array<i32>} : memref<80x128xf32, #tpu.memory_space<vmem>>, vector<1x16xf32>,
        %swap3A_248 = vector.shape_cast %swap3A_247 : vector<1x16xf32> to vector<16xf32>
        %swap3A_249 = vector.shape_cast %add3A_244 : vector<16xf32> to vector<1x16xf32>
        tpu.vector_store %arg16[%swap3A_245, %swap3A_246], %swap3A_249 {strides = array<i32>} : memref<80x128xf32, #tpu.memory_space<vmem>>, vector<1x16xf32>,
        %get3A_250 = arith.index_cast %add3A_153 : i32 to index
        %get3A_251 = arith.constant 112 : index
        %get3A_252 = tpu.vector_load %arg14[%get3A_250, %get3A_251] {strides = array<i32>} : memref<80x128xf32, #tpu.memory_space<vmem>>, vector<1x16xf32>,
        %get3A_253 = vector.shape_cast %get3A_252 : vector<1x16xf32> to vector<16xf32>
        %get3A_254 = arith.index_cast %add3A_153 : i32 to index
        %get3A_255 = arith.constant 112 : index
        %get3A_256 = tpu.vector_load %arg15[%get3A_254, %get3A_255] {strides = array<i32>} : memref<80x128xf32, #tpu.memory_space<vmem>>, vector<1x16xf32>,
        %get3A_257 = vector.shape_cast %get3A_256 : vector<1x16xf32> to vector<16xf32>
        %add3A_258 = arith.addf %get3A_253, %get3A_257 : vector<16xf32>
        %swap3A_259 = arith.index_cast %add3A_153 : i32 to index
        %swap3A_260 = arith.constant 112 : index
        %swap3A_261 = tpu.vector_load %arg16[%swap3A_259, %swap3A_260] {strides = array<i32>} : memref<80x128xf32, #tpu.memory_space<vmem>>, vector<1x16xf32>,
        %swap3A_262 = vector.shape_cast %swap3A_261 : vector<1x16xf32> to vector<16xf32>
        %swap3A_263 = vector.shape_cast %add3A_258 : vector<16xf32> to vector<1x16xf32>
        tpu.vector_store %arg16[%swap3A_259, %swap3A_260], %swap3A_263 {strides = array<i32>} : memref<80x128xf32, #tpu.memory_space<vmem>>, vector<1x16xf32>,
        %mul3A_264 = arith.constant 4 : i32
        %mul3A_265 = arith.muli %mul3A_264, %scan3A_149 : i32
        %add3A_266 = arith.constant 1 : i32
        %add3A_267 = arith.addi %mul3A_265, %add3A_266 : i32
        %get3A_268 = arith.index_cast %add3A_267 : i32 to index
        %get3A_269 = arith.constant 0 : index
        %get3A_270 = tpu.vector_load %arg14[%get3A_268, %get3A_269] {strides = array<i32>} : memref<80x128xf32, #tpu.memory_space<vmem>>, vector<1x16xf32>,
        %get3A_271 = vector.shape_cast %get3A_270 : vector<1x16xf32> to vector<16xf32>
        %get3A_272 = arith.index_cast %add3A_267 : i32 to index
        %get3A_273 = arith.constant 0 : index
        %get3A_274 = tpu.vector_load %arg15[%get3A_272, %get3A_273] {strides = array<i32>} : memref<80x128xf32, #tpu.memory_space<vmem>>, vector<1x16xf32>,
        %get3A_275 = vector.shape_cast %get3A_274 : vector<1x16xf32> to vector<16xf32>
        %add3A_276 = arith.addf %get3A_271, %get3A_275 : vector<16xf32>
        %swap3A_277 = arith.index_cast %add3A_267 : i32 to index
        %swap3A_278 = arith.constant 0 : index
        %swap3A_279 = tpu.vector_load %arg16[%swap3A_277, %swap3A_278] {strides = array<i32>} : memref<80x128xf32, #tpu.memory_space<vmem>>, vector<1x16xf32>,
        %swap3A_280 = vector.shape_cast %swap3A_279 : vector<1x16xf32> to vector<16xf32>
        %swap3A_281 = vector.shape_cast %add3A_276 : vector<16xf32> to vector<1x16xf32>
        tpu.vector_store %arg16[%swap3A_277, %swap3A_278], %swap3A_281 {strides = array<i32>} : memref<80x128xf32, #tpu.memory_space<vmem>>, vector<1x16xf32>,
        %get3A_282 = arith.index_cast %add3A_267 : i32 to index
        %get3A_283 = arith.constant 16 : index
        %get3A_284 = tpu.vector_load %arg14[%get3A_282, %get3A_283] {strides = array<i32>} : memref<80x128xf32, #tpu.memory_space<vmem>>, vector<1x16xf32>,
        %get3A_285 = vector.shape_cast %get3A_284 : vector<1x16xf32> to vector<16xf32>
        %get3A_286 = arith.index_cast %add3A_267 : i32 to index
        %get3A_287 = arith.constant 16 : index
        %get3A_288 = tpu.vector_load %arg15[%get3A_286, %get3A_287] {strides = array<i32>} : memref<80x128xf32, #tpu.memory_space<vmem>>, vector<1x16xf32>,
        %get3A_289 = vector.shape_cast %get3A_288 : vector<1x16xf32> to vector<16xf32>
        %add3A_290 = arith.addf %get3A_285, %get3A_289 : vector<16xf32>
        %swap3A_291 = arith.index_cast %add3A_267 : i32 to index
        %swap3A_292 = arith.constant 16 : index
        %swap3A_293 = tpu.vector_load %arg16[%swap3A_291, %swap3A_292] {strides = array<i32>} : memref<80x128xf32, #tpu.memory_space<vmem>>, vector<1x16xf32>,
        %swap3A_294 = vector.shape_cast %swap3A_293 : vector<1x16xf32> to vector<16xf32>
        %swap3A_295 = vector.shape_cast %add3A_290 : vector<16xf32> to vector<1x16xf32>
        tpu.vector_store %arg16[%swap3A_291, %swap3A_292], %swap3A_295 {strides = array<i32>} : memref<80x128xf32, #tpu.memory_space<vmem>>, vector<1x16xf32>,
        %get3A_296 = arith.index_cast %add3A_267 : i32 to index
        %get3A_297 = arith.constant 32 : index
        %get3A_298 = tpu.vector_load %arg14[%get3A_296, %get3A_297] {strides = array<i32>} : memref<80x128xf32, #tpu.memory_space<vmem>>, vector<1x16xf32>,
        %get3A_299 = vector.shape_cast %get3A_298 : vector<1x16xf32> to vector<16xf32>
        %get3A_300 = arith.index_cast %add3A_267 : i32 to index
        %get3A_301 = arith.constant 32 : index
        %get3A_302 = tpu.vector_load %arg15[%get3A_300, %get3A_301] {strides = array<i32>} : memref<80x128xf32, #tpu.memory_space<vmem>>, vector<1x16xf32>,
        %get3A_303 = vector.shape_cast %get3A_302 : vector<1x16xf32> to vector<16xf32>
        %add3A_304 = arith.addf %get3A_299, %get3A_303 : vector<16xf32>
        %swap3A_305 = arith.index_cast %add3A_267 : i32 to index
        %swap3A_306 = arith.constant 32 : index
        %swap3A_307 = tpu.vector_load %arg16[%swap3A_305, %swap3A_306] {strides = array<i32>} : memref<80x128xf32, #tpu.memory_space<vmem>>, vector<1x16xf32>,
        %swap3A_308 = vector.shape_cast %swap3A_307 : vector<1x16xf32> to vector<16xf32>
        %swap3A_309 = vector.shape_cast %add3A_304 : vector<16xf32> to vector<1x16xf32>
        tpu.vector_store %arg16[%swap3A_305, %swap3A_306], %swap3A_309 {strides = array<i32>} : memref<80x128xf32, #tpu.memory_space<vmem>>, vector<1x16xf32>,
        %get3A_310 = arith.index_cast %add3A_267 : i32 to index
        %get3A_311 = arith.constant 48 : index
        %get3A_312 = tpu.vector_load %arg14[%get3A_310, %get3A_311] {strides = array<i32>} : memref<80x128xf32, #tpu.memory_space<vmem>>, vector<1x16xf32>,
        %get3A_313 = vector.shape_cast %get3A_312 : vector<1x16xf32> to vector<16xf32>
        %get3A_314 = arith.index_cast %add3A_267 : i32 to index
        %get3A_315 = arith.constant 48 : index
        %get3A_316 = tpu.vector_load %arg15[%get3A_314, %get3A_315] {strides = array<i32>} : memref<80x128xf32, #tpu.memory_space<vmem>>, vector<1x16xf32>,
        %get3A_317 = vector.shape_cast %get3A_316 : vector<1x16xf32> to vector<16xf32>
        %add3A_318 = arith.addf %get3A_313, %get3A_317 : vector<16xf32>
        %swap3A_319 = arith.index_cast %add3A_267 : i32 to index
        %swap3A_320 = arith.constant 48 : index
        %swap3A_321 = tpu.vector_load %arg16[%swap3A_319, %swap3A_320] {strides = array<i32>} : memref<80x128xf32, #tpu.memory_space<vmem>>, vector<1x16xf32>,
        %swap3A_322 = vector.shape_cast %swap3A_321 : vector<1x16xf32> to vector<16xf32>
        %swap3A_323 = vector.shape_cast %add3A_318 : vector<16xf32> to vector<1x16xf32>
        tpu.vector_store %arg16[%swap3A_319, %swap3A_320], %swap3A_323 {strides = array<i32>} : memref<80x128xf32, #tpu.memory_space<vmem>>, vector<1x16xf32>,
        %get3A_324 = arith.index_cast %add3A_267 : i32 to index
        %get3A_325 = arith.constant 64 : index
        %get3A_326 = tpu.vector_load %arg14[%get3A_324, %get3A_325] {strides = array<i32>} : memref<80x128xf32, #tpu.memory_space<vmem>>, vector<1x16xf32>,
        %get3A_327 = vector.shape_cast %get3A_326 : vector<1x16xf32> to vector<16xf32>
        %get3A_328 = arith.index_cast %add3A_267 : i32 to index
        %get3A_329 = arith.constant 64 : index
        %get3A_330 = tpu.vector_load %arg15[%get3A_328, %get3A_329] {strides = array<i32>} : memref<80x128xf32, #tpu.memory_space<vmem>>, vector<1x16xf32>,
        %get3A_331 = vector.shape_cast %get3A_330 : vector<1x16xf32> to vector<16xf32>
        %add3A_332 = arith.addf %get3A_327, %get3A_331 : vector<16xf32>
        %swap3A_333 = arith.index_cast %add3A_267 : i32 to index
        %swap3A_334 = arith.constant 64 : index
        %swap3A_335 = tpu.vector_load %arg16[%swap3A_333, %swap3A_334] {strides = array<i32>} : memref<80x128xf32, #tpu.memory_space<vmem>>, vector<1x16xf32>,
        %swap3A_336 = vector.shape_cast %swap3A_335 : vector<1x16xf32> to vector<16xf32>
        %swap3A_337 = vector.shape_cast %add3A_332 : vector<16xf32> to vector<1x16xf32>
        tpu.vector_store %arg16[%swap3A_333, %swap3A_334], %swap3A_337 {strides = array<i32>} : memref<80x128xf32, #tpu.memory_space<vmem>>, vector<1x16xf32>,
        %get3A_338 = arith.index_cast %add3A_267 : i32 to index
        %get3A_339 = arith.constant 80 : index
        %get3A_340 = tpu.vector_load %arg14[%get3A_338, %get3A_339] {strides = array<i32>} : memref<80x128xf32, #tpu.memory_space<vmem>>, vector<1x16xf32>,
        %get3A_341 = vector.shape_cast %get3A_340 : vector<1x16xf32> to vector<16xf32>
        %get3A_342 = arith.index_cast %add3A_267 : i32 to index
        %get3A_343 = arith.constant 80 : index
        %get3A_344 = tpu.vector_load %arg15[%get3A_342, %get3A_343] {strides = array<i32>} : memref<80x128xf32, #tpu.memory_space<vmem>>, vector<1x16xf32>,
        %get3A_345 = vector.shape_cast %get3A_344 : vector<1x16xf32> to vector<16xf32>
        %add3A_346 = arith.addf %get3A_341, %get3A_345 : vector<16xf32>
        %swap3A_347 = arith.index_cast %add3A_267 : i32 to index
        %swap3A_348 = arith.constant 80 : index
        %swap3A_349 = tpu.vector_load %arg16[%swap3A_347, %swap3A_348] {strides = array<i32>} : memref<80x128xf32, #tpu.memory_space<vmem>>, vector<1x16xf32>,
        %swap3A_350 = vector.shape_cast %swap3A_349 : vector<1x16xf32> to vector<16xf32>
        %swap3A_351 = vector.shape_cast %add3A_346 : vector<16xf32> to vector<1x16xf32>
        tpu.vector_store %arg16[%swap3A_347, %swap3A_348], %swap3A_351 {strides = array<i32>} : memref<80x128xf32, #tpu.memory_space<vmem>>, vector<1x16xf32>,
        %get3A_352 = arith.index_cast %add3A_267 : i32 to index
        %get3A_353 = arith.constant 96 : index
        %get3A_354 = tpu.vector_load %arg14[%get3A_352, %get3A_353] {strides = array<i32>} : memref<80x128xf32, #tpu.memory_space<vmem>>, vector<1x16xf32>,
        %get3A_355 = vector.shape_cast %get3A_354 : vector<1x16xf32> to vector<16xf32>
        %get3A_356 = arith.index_cast %add3A_267 : i32 to index
        %get3A_357 = arith.constant 96 : index
        %get3A_358 = tpu.vector_load %arg15[%get3A_356, %get3A_357] {strides = array<i32>} : memref<80x128xf32, #tpu.memory_space<vmem>>, vector<1x16xf32>,
        %get3A_359 = vector.shape_cast %get3A_358 : vector<1x16xf32> to vector<16xf32>
        %add3A_360 = arith.addf %get3A_355, %get3A_359 : vector<16xf32>
        %swap3A_361 = arith.index_cast %add3A_267 : i32 to index
        %swap3A_362 = arith.constant 96 : index
        %swap3A_363 = tpu.vector_load %arg16[%swap3A_361, %swap3A_362] {strides = array<i32>} : memref<80x128xf32, #tpu.memory_space<vmem>>, vector<1x16xf32>,
        %swap3A_364 = vector.shape_cast %swap3A_363 : vector<1x16xf32> to vector<16xf32>
        %swap3A_365 = vector.shape_cast %add3A_360 : vector<16xf32> to vector<1x16xf32>
        tpu.vector_store %arg16[%swap3A_361, %swap3A_362], %swap3A_365 {strides = array<i32>} : memref<80x128xf32, #tpu.memory_space<vmem>>, vector<1x16xf32>,
        %get3A_366 = arith.index_cast %add3A_267 : i32 to index
        %get3A_367 = arith.constant 112 : index
        %get3A_368 = tpu.vector_load %arg14[%get3A_366, %get3A_367] {strides = array<i32>} : memref<80x128xf32, #tpu.memory_space<vmem>>, vector<1x16xf32>,
        %get3A_369 = vector.shape_cast %get3A_368 : vector<1x16xf32> to vector<16xf32>
        %get3A_370 = arith.index_cast %add3A_267 : i32 to index
        %get3A_371 = arith.constant 112 : index
        %get3A_372 = tpu.vector_load %arg15[%get3A_370, %get3A_371] {strides = array<i32>} : memref<80x128xf32, #tpu.memory_space<vmem>>, vector<1x16xf32>,
        %get3A_373 = vector.shape_cast %get3A_372 : vector<1x16xf32> to vector<16xf32>
        %add3A_374 = arith.addf %get3A_369, %get3A_373 : vector<16xf32>
        %swap3A_375 = arith.index_cast %add3A_267 : i32 to index
        %swap3A_376 = arith.constant 112 : index
        %swap3A_377 = tpu.vector_load %arg16[%swap3A_375, %swap3A_376] {strides = array<i32>} : memref<80x128xf32, #tpu.memory_space<vmem>>, vector<1x16xf32>,
        %swap3A_378 = vector.shape_cast %swap3A_377 : vector<1x16xf32> to vector<16xf32>
        %swap3A_379 = vector.shape_cast %add3A_374 : vector<16xf32> to vector<1x16xf32>
        tpu.vector_store %arg16[%swap3A_375, %swap3A_376], %swap3A_379 {strides = array<i32>} : memref<80x128xf32, #tpu.memory_space<vmem>>, vector<1x16xf32>,
        %mul3A_380 = arith.constant 4 : i32
        %mul3A_381 = arith.muli %mul3A_380, %scan3A_149 : i32
        %add3A_382 = arith.constant 2 : i32
        %add3A_383 = arith.addi %mul3A_381, %add3A_382 : i32
        %get3A_384 = arith.index_cast %add3A_383 : i32 to index
        %get3A_385 = arith.constant 0 : index
        %get3A_386 = tpu.vector_load %arg14[%get3A_384, %get3A_385] {strides = array<i32>} : memref<80x128xf32, #tpu.memory_space<vmem>>, vector<1x16xf32>,
        %get3A_387 = vector.shape_cast %get3A_386 : vector<1x16xf32> to vector<16xf32>
        %get3A_388 = arith.index_cast %add3A_383 : i32 to index
        %get3A_389 = arith.constant 0 : index
        %get3A_390 = tpu.vector_load %arg15[%get3A_388, %get3A_389] {strides = array<i32>} : memref<80x128xf32, #tpu.memory_space<vmem>>, vector<1x16xf32>,
        %get3A_391 = vector.shape_cast %get3A_390 : vector<1x16xf32> to vector<16xf32>
        %add3A_392 = arith.addf %get3A_387, %get3A_391 : vector<16xf32>
        %swap3A_393 = arith.index_cast %add3A_383 : i32 to index
        %swap3A_394 = arith.constant 0 : index
        %swap3A_395 = tpu.vector_load %arg16[%swap3A_393, %swap3A_394] {strides = array<i32>} : memref<80x128xf32, #tpu.memory_space<vmem>>, vector<1x16xf32>,
        %swap3A_396 = vector.shape_cast %swap3A_395 : vector<1x16xf32> to vector<16xf32>
        %swap3A_397 = vector.shape_cast %add3A_392 : vector<16xf32> to vector<1x16xf32>
        tpu.vector_store %arg16[%swap3A_393, %swap3A_394], %swap3A_397 {strides = array<i32>} : memref<80x128xf32, #tpu.memory_space<vmem>>, vector<1x16xf32>,
        %get3A_398 = arith.index_cast %add3A_383 : i32 to index
        %get3A_399 = arith.constant 16 : index
        %get3A_400 = tpu.vector_load %arg14[%get3A_398, %get3A_399] {strides = array<i32>} : memref<80x128xf32, #tpu.memory_space<vmem>>, vector<1x16xf32>,
        %get3A_401 = vector.shape_cast %get3A_400 : vector<1x16xf32> to vector<16xf32>
        %get3A_402 = arith.index_cast %add3A_383 : i32 to index
        %get3A_403 = arith.constant 16 : index
        %get3A_404 = tpu.vector_load %arg15[%get3A_402, %get3A_403] {strides = array<i32>} : memref<80x128xf32, #tpu.memory_space<vmem>>, vector<1x16xf32>,
        %get3A_405 = vector.shape_cast %get3A_404 : vector<1x16xf32> to vector<16xf32>
        %add3A_406 = arith.addf %get3A_401, %get3A_405 : vector<16xf32>
        %swap3A_407 = arith.index_cast %add3A_383 : i32 to index
        %swap3A_408 = arith.constant 16 : index
        %swap3A_409 = tpu.vector_load %arg16[%swap3A_407, %swap3A_408] {strides = array<i32>} : memref<80x128xf32, #tpu.memory_space<vmem>>, vector<1x16xf32>,
        %swap3A_410 = vector.shape_cast %swap3A_409 : vector<1x16xf32> to vector<16xf32>
        %swap3A_411 = vector.shape_cast %add3A_406 : vector<16xf32> to vector<1x16xf32>
        tpu.vector_store %arg16[%swap3A_407, %swap3A_408], %swap3A_411 {strides = array<i32>} : memref<80x128xf32, #tpu.memory_space<vmem>>, vector<1x16xf32>,
        %get3A_412 = arith.index_cast %add3A_383 : i32 to index
        %get3A_413 = arith.constant 32 : index
        %get3A_414 = tpu.vector_load %arg14[%get3A_412, %get3A_413] {strides = array<i32>} : memref<80x128xf32, #tpu.memory_space<vmem>>, vector<1x16xf32>,
        %get3A_415 = vector.shape_cast %get3A_414 : vector<1x16xf32> to vector<16xf32>
        %get3A_416 = arith.index_cast %add3A_383 : i32 to index
        %get3A_417 = arith.constant 32 : index
        %get3A_418 = tpu.vector_load %arg15[%get3A_416, %get3A_417] {strides = array<i32>} : memref<80x128xf32, #tpu.memory_space<vmem>>, vector<1x16xf32>,
        %get3A_419 = vector.shape_cast %get3A_418 : vector<1x16xf32> to vector<16xf32>
        %add3A_420 = arith.addf %get3A_415, %get3A_419 : vector<16xf32>
        %swap3A_421 = arith.index_cast %add3A_383 : i32 to index
        %swap3A_422 = arith.constant 32 : index
        %swap3A_423 = tpu.vector_load %arg16[%swap3A_421, %swap3A_422] {strides = array<i32>} : memref<80x128xf32, #tpu.memory_space<vmem>>, vector<1x16xf32>,
        %swap3A_424 = vector.shape_cast %swap3A_423 : vector<1x16xf32> to vector<16xf32>
        %swap3A_425 = vector.shape_cast %add3A_420 : vector<16xf32> to vector<1x16xf32>
        tpu.vector_store %arg16[%swap3A_421, %swap3A_422], %swap3A_425 {strides = array<i32>} : memref<80x128xf32, #tpu.memory_space<vmem>>, vector<1x16xf32>,
        %get3A_426 = arith.index_cast %add3A_383 : i32 to index
        %get3A_427 = arith.constant 48 : index
        %get3A_428 = tpu.vector_load %arg14[%get3A_426, %get3A_427] {strides = array<i32>} : memref<80x128xf32, #tpu.memory_space<vmem>>, vector<1x16xf32>,
        %get3A_429 = vector.shape_cast %get3A_428 : vector<1x16xf32> to vector<16xf32>
        %get3A_430 = arith.index_cast %add3A_383 : i32 to index
        %get3A_431 = arith.constant 48 : index
        %get3A_432 = tpu.vector_load %arg15[%get3A_430, %get3A_431] {strides = array<i32>} : memref<80x128xf32, #tpu.memory_space<vmem>>, vector<1x16xf32>,
        %get3A_433 = vector.shape_cast %get3A_432 : vector<1x16xf32> to vector<16xf32>
        %add3A_434 = arith.addf %get3A_429, %get3A_433 : vector<16xf32>
        %swap3A_435 = arith.index_cast %add3A_383 : i32 to index
        %swap3A_436 = arith.constant 48 : index
        %swap3A_437 = tpu.vector_load %arg16[%swap3A_435, %swap3A_436] {strides = array<i32>} : memref<80x128xf32, #tpu.memory_space<vmem>>, vector<1x16xf32>,
        %swap3A_438 = vector.shape_cast %swap3A_437 : vector<1x16xf32> to vector<16xf32>
        %swap3A_439 = vector.shape_cast %add3A_434 : vector<16xf32> to vector<1x16xf32>
        tpu.vector_store %arg16[%swap3A_435, %swap3A_436], %swap3A_439 {strides = array<i32>} : memref<80x128xf32, #tpu.memory_space<vmem>>, vector<1x16xf32>,
        %get3A_440 = arith.index_cast %add3A_383 : i32 to index
        %get3A_441 = arith.constant 64 : index
        %get3A_442 = tpu.vector_load %arg14[%get3A_440, %get3A_441] {strides = array<i32>} : memref<80x128xf32, #tpu.memory_space<vmem>>, vector<1x16xf32>,
        %get3A_443 = vector.shape_cast %get3A_442 : vector<1x16xf32> to vector<16xf32>
        %get3A_444 = arith.index_cast %add3A_383 : i32 to index
        %get3A_445 = arith.constant 64 : index
        %get3A_446 = tpu.vector_load %arg15[%get3A_444, %get3A_445] {strides = array<i32>} : memref<80x128xf32, #tpu.memory_space<vmem>>, vector<1x16xf32>,
        %get3A_447 = vector.shape_cast %get3A_446 : vector<1x16xf32> to vector<16xf32>
        %add3A_448 = arith.addf %get3A_443, %get3A_447 : vector<16xf32>
        %swap3A_449 = arith.index_cast %add3A_383 : i32 to index
        %swap3A_450 = arith.constant 64 : index
        %swap3A_451 = tpu.vector_load %arg16[%swap3A_449, %swap3A_450] {strides = array<i32>} : memref<80x128xf32, #tpu.memory_space<vmem>>, vector<1x16xf32>,
        %swap3A_452 = vector.shape_cast %swap3A_451 : vector<1x16xf32> to vector<16xf32>
        %swap3A_453 = vector.shape_cast %add3A_448 : vector<16xf32> to vector<1x16xf32>
        tpu.vector_store %arg16[%swap3A_449, %swap3A_450], %swap3A_453 {strides = array<i32>} : memref<80x128xf32, #tpu.memory_space<vmem>>, vector<1x16xf32>,
        %get3A_454 = arith.index_cast %add3A_383 : i32 to index
        %get3A_455 = arith.constant 80 : index
        %get3A_456 = tpu.vector_load %arg14[%get3A_454, %get3A_455] {strides = array<i32>} : memref<80x128xf32, #tpu.memory_space<vmem>>, vector<1x16xf32>,
        %get3A_457 = vector.shape_cast %get3A_456 : vector<1x16xf32> to vector<16xf32>
        %get3A_458 = arith.index_cast %add3A_383 : i32 to index
        %get3A_459 = arith.constant 80 : index
        %get3A_460 = tpu.vector_load %arg15[%get3A_458, %get3A_459] {strides = array<i32>} : memref<80x128xf32, #tpu.memory_space<vmem>>, vector<1x16xf32>,
        %get3A_461 = vector.shape_cast %get3A_460 : vector<1x16xf32> to vector<16xf32>
        %add3A_462 = arith.addf %get3A_457, %get3A_461 : vector<16xf32>
        %swap3A_463 = arith.index_cast %add3A_383 : i32 to index
        %swap3A_464 = arith.constant 80 : index
        %swap3A_465 = tpu.vector_load %arg16[%swap3A_463, %swap3A_464] {strides = array<i32>} : memref<80x128xf32, #tpu.memory_space<vmem>>, vector<1x16xf32>,
        %swap3A_466 = vector.shape_cast %swap3A_465 : vector<1x16xf32> to vector<16xf32>
        %swap3A_467 = vector.shape_cast %add3A_462 : vector<16xf32> to vector<1x16xf32>
        tpu.vector_store %arg16[%swap3A_463, %swap3A_464], %swap3A_467 {strides = array<i32>} : memref<80x128xf32, #tpu.memory_space<vmem>>, vector<1x16xf32>,
        %get3A_468 = arith.index_cast %add3A_383 : i32 to index
        %get3A_469 = arith.constant 96 : index
        %get3A_470 = tpu.vector_load %arg14[%get3A_468, %get3A_469] {strides = array<i32>} : memref<80x128xf32, #tpu.memory_space<vmem>>, vector<1x16xf32>,
        %get3A_471 = vector.shape_cast %get3A_470 : vector<1x16xf32> to vector<16xf32>
        %get3A_472 = arith.index_cast %add3A_383 : i32 to index
        %get3A_473 = arith.constant 96 : index
        %get3A_474 = tpu.vector_load %arg15[%get3A_472, %get3A_473] {strides = array<i32>} : memref<80x128xf32, #tpu.memory_space<vmem>>, vector<1x16xf32>,
        %get3A_475 = vector.shape_cast %get3A_474 : vector<1x16xf32> to vector<16xf32>
        %add3A_476 = arith.addf %get3A_471, %get3A_475 : vector<16xf32>
        %swap3A_477 = arith.index_cast %add3A_383 : i32 to index
        %swap3A_478 = arith.constant 96 : index
        %swap3A_479 = tpu.vector_load %arg16[%swap3A_477, %swap3A_478] {strides = array<i32>} : memref<80x128xf32, #tpu.memory_space<vmem>>, vector<1x16xf32>,
        %swap3A_480 = vector.shape_cast %swap3A_479 : vector<1x16xf32> to vector<16xf32>
        %swap3A_481 = vector.shape_cast %add3A_476 : vector<16xf32> to vector<1x16xf32>
        tpu.vector_store %arg16[%swap3A_477, %swap3A_478], %swap3A_481 {strides = array<i32>} : memref<80x128xf32, #tpu.memory_space<vmem>>, vector<1x16xf32>,
        %get3A_482 = arith.index_cast %add3A_383 : i32 to index
        %get3A_483 = arith.constant 112 : index
        %get3A_484 = tpu.vector_load %arg14[%get3A_482, %get3A_483] {strides = array<i32>} : memref<80x128xf32, #tpu.memory_space<vmem>>, vector<1x16xf32>,
        %get3A_485 = vector.shape_cast %get3A_484 : vector<1x16xf32> to vector<16xf32>
        %get3A_486 = arith.index_cast %add3A_383 : i32 to index
        %get3A_487 = arith.constant 112 : index
        %get3A_488 = tpu.vector_load %arg15[%get3A_486, %get3A_487] {strides = array<i32>} : memref<80x128xf32, #tpu.memory_space<vmem>>, vector<1x16xf32>,
        %get3A_489 = vector.shape_cast %get3A_488 : vector<1x16xf32> to vector<16xf32>
        %add3A_490 = arith.addf %get3A_485, %get3A_489 : vector<16xf32>
        %swap3A_491 = arith.index_cast %add3A_383 : i32 to index
        %swap3A_492 = arith.constant 112 : index
        %swap3A_493 = tpu.vector_load %arg16[%swap3A_491, %swap3A_492] {strides = array<i32>} : memref<80x128xf32, #tpu.memory_space<vmem>>, vector<1x16xf32>,
        %swap3A_494 = vector.shape_cast %swap3A_493 : vector<1x16xf32> to vector<16xf32>
        %swap3A_495 = vector.shape_cast %add3A_490 : vector<16xf32> to vector<1x16xf32>
        tpu.vector_store %arg16[%swap3A_491, %swap3A_492], %swap3A_495 {strides = array<i32>} : memref<80x128xf32, #tpu.memory_space<vmem>>, vector<1x16xf32>,
        %mul3A_496 = arith.constant 4 : i32
        %mul3A_497 = arith.muli %mul3A_496, %scan3A_149 : i32
        %add3A_498 = arith.constant 3 : i32
        %add3A_499 = arith.addi %mul3A_497, %add3A_498 : i32
        %get3A_500 = arith.index_cast %add3A_499 : i32 to index
        %get3A_501 = arith.constant 0 : index
        %get3A_502 = tpu.vector_load %arg14[%get3A_500, %get3A_501] {strides = array<i32>} : memref<80x128xf32, #tpu.memory_space<vmem>>, vector<1x16xf32>,
        %get3A_503 = vector.shape_cast %get3A_502 : vector<1x16xf32> to vector<16xf32>
        %get3A_504 = arith.index_cast %add3A_499 : i32 to index
        %get3A_505 = arith.constant 0 : index
        %get3A_506 = tpu.vector_load %arg15[%get3A_504, %get3A_505] {strides = array<i32>} : memref<80x128xf32, #tpu.memory_space<vmem>>, vector<1x16xf32>,
        %get3A_507 = vector.shape_cast %get3A_506 : vector<1x16xf32> to vector<16xf32>
        %add3A_508 = arith.addf %get3A_503, %get3A_507 : vector<16xf32>
        %swap3A_509 = arith.index_cast %add3A_499 : i32 to index
        %swap3A_510 = arith.constant 0 : index
        %swap3A_511 = tpu.vector_load %arg16[%swap3A_509, %swap3A_510] {strides = array<i32>} : memref<80x128xf32, #tpu.memory_space<vmem>>, vector<1x16xf32>,
        %swap3A_512 = vector.shape_cast %swap3A_511 : vector<1x16xf32> to vector<16xf32>
        %swap3A_513 = vector.shape_cast %add3A_508 : vector<16xf32> to vector<1x16xf32>
        tpu.vector_store %arg16[%swap3A_509, %swap3A_510], %swap3A_513 {strides = array<i32>} : memref<80x128xf32, #tpu.memory_space<vmem>>, vector<1x16xf32>,
        %get3A_514 = arith.index_cast %add3A_499 : i32 to index
        %get3A_515 = arith.constant 16 : index
        %get3A_516 = tpu.vector_load %arg14[%get3A_514, %get3A_515] {strides = array<i32>} : memref<80x128xf32, #tpu.memory_space<vmem>>, vector<1x16xf32>,
        %get3A_517 = vector.shape_cast %get3A_516 : vector<1x16xf32> to vector<16xf32>
        %get3A_518 = arith.index_cast %add3A_499 : i32 to index
        %get3A_519 = arith.constant 16 : index
        %get3A_520 = tpu.vector_load %arg15[%get3A_518, %get3A_519] {strides = array<i32>} : memref<80x128xf32, #tpu.memory_space<vmem>>, vector<1x16xf32>,
        %get3A_521 = vector.shape_cast %get3A_520 : vector<1x16xf32> to vector<16xf32>
        %add3A_522 = arith.addf %get3A_517, %get3A_521 : vector<16xf32>
        %swap3A_523 = arith.index_cast %add3A_499 : i32 to index
        %swap3A_524 = arith.constant 16 : index
        %swap3A_525 = tpu.vector_load %arg16[%swap3A_523, %swap3A_524] {strides = array<i32>} : memref<80x128xf32, #tpu.memory_space<vmem>>, vector<1x16xf32>,
        %swap3A_526 = vector.shape_cast %swap3A_525 : vector<1x16xf32> to vector<16xf32>
        %swap3A_527 = vector.shape_cast %add3A_522 : vector<16xf32> to vector<1x16xf32>
        tpu.vector_store %arg16[%swap3A_523, %swap3A_524], %swap3A_527 {strides = array<i32>} : memref<80x128xf32, #tpu.memory_space<vmem>>, vector<1x16xf32>,
        %get3A_528 = arith.index_cast %add3A_499 : i32 to index
        %get3A_529 = arith.constant 32 : index
        %get3A_530 = tpu.vector_load %arg14[%get3A_528, %get3A_529] {strides = array<i32>} : memref<80x128xf32, #tpu.memory_space<vmem>>, vector<1x16xf32>,
        %get3A_531 = vector.shape_cast %get3A_530 : vector<1x16xf32> to vector<16xf32>
        %get3A_532 = arith.index_cast %add3A_499 : i32 to index
        %get3A_533 = arith.constant 32 : index
        %get3A_534 = tpu.vector_load %arg15[%get3A_532, %get3A_533] {strides = array<i32>} : memref<80x128xf32, #tpu.memory_space<vmem>>, vector<1x16xf32>,
        %get3A_535 = vector.shape_cast %get3A_534 : vector<1x16xf32> to vector<16xf32>
        %add3A_536 = arith.addf %get3A_531, %get3A_535 : vector<16xf32>
        %swap3A_537 = arith.index_cast %add3A_499 : i32 to index
        %swap3A_538 = arith.constant 32 : index
        %swap3A_539 = tpu.vector_load %arg16[%swap3A_537, %swap3A_538] {strides = array<i32>} : memref<80x128xf32, #tpu.memory_space<vmem>>, vector<1x16xf32>,
        %swap3A_540 = vector.shape_cast %swap3A_539 : vector<1x16xf32> to vector<16xf32>
        %swap3A_541 = vector.shape_cast %add3A_536 : vector<16xf32> to vector<1x16xf32>
        tpu.vector_store %arg16[%swap3A_537, %swap3A_538], %swap3A_541 {strides = array<i32>} : memref<80x128xf32, #tpu.memory_space<vmem>>, vector<1x16xf32>,
        %get3A_542 = arith.index_cast %add3A_499 : i32 to index
        %get3A_543 = arith.constant 48 : index
        %get3A_544 = tpu.vector_load %arg14[%get3A_542, %get3A_543] {strides = array<i32>} : memref<80x128xf32, #tpu.memory_space<vmem>>, vector<1x16xf32>,
        %get3A_545 = vector.shape_cast %get3A_544 : vector<1x16xf32> to vector<16xf32>
        %get3A_546 = arith.index_cast %add3A_499 : i32 to index
        %get3A_547 = arith.constant 48 : index
        %get3A_548 = tpu.vector_load %arg15[%get3A_546, %get3A_547] {strides = array<i32>} : memref<80x128xf32, #tpu.memory_space<vmem>>, vector<1x16xf32>,
        %get3A_549 = vector.shape_cast %get3A_548 : vector<1x16xf32> to vector<16xf32>
        %add3A_550 = arith.addf %get3A_545, %get3A_549 : vector<16xf32>
        %swap3A_551 = arith.index_cast %add3A_499 : i32 to index
        %swap3A_552 = arith.constant 48 : index
        %swap3A_553 = tpu.vector_load %arg16[%swap3A_551, %swap3A_552] {strides = array<i32>} : memref<80x128xf32, #tpu.memory_space<vmem>>, vector<1x16xf32>,
        %swap3A_554 = vector.shape_cast %swap3A_553 : vector<1x16xf32> to vector<16xf32>
        %swap3A_555 = vector.shape_cast %add3A_550 : vector<16xf32> to vector<1x16xf32>
        tpu.vector_store %arg16[%swap3A_551, %swap3A_552], %swap3A_555 {strides = array<i32>} : memref<80x128xf32, #tpu.memory_space<vmem>>, vector<1x16xf32>,
        %get3A_556 = arith.index_cast %add3A_499 : i32 to index
        %get3A_557 = arith.constant 64 : index
        %get3A_558 = tpu.vector_load %arg14[%get3A_556, %get3A_557] {strides = array<i32>} : memref<80x128xf32, #tpu.memory_space<vmem>>, vector<1x16xf32>,
        %get3A_559 = vector.shape_cast %get3A_558 : vector<1x16xf32> to vector<16xf32>
        %get3A_560 = arith.index_cast %add3A_499 : i32 to index
        %get3A_561 = arith.constant 64 : index
        %get3A_562 = tpu.vector_load %arg15[%get3A_560, %get3A_561] {strides = array<i32>} : memref<80x128xf32, #tpu.memory_space<vmem>>, vector<1x16xf32>,
        %get3A_563 = vector.shape_cast %get3A_562 : vector<1x16xf32> to vector<16xf32>
        %add3A_564 = arith.addf %get3A_559, %get3A_563 : vector<16xf32>
        %swap3A_565 = arith.index_cast %add3A_499 : i32 to index
        %swap3A_566 = arith.constant 64 : index
        %swap3A_567 = tpu.vector_load %arg16[%swap3A_565, %swap3A_566] {strides = array<i32>} : memref<80x128xf32, #tpu.memory_space<vmem>>, vector<1x16xf32>,
        %swap3A_568 = vector.shape_cast %swap3A_567 : vector<1x16xf32> to vector<16xf32>
        %swap3A_569 = vector.shape_cast %add3A_564 : vector<16xf32> to vector<1x16xf32>
        tpu.vector_store %arg16[%swap3A_565, %swap3A_566], %swap3A_569 {strides = array<i32>} : memref<80x128xf32, #tpu.memory_space<vmem>>, vector<1x16xf32>,
        %get3A_570 = arith.index_cast %add3A_499 : i32 to index
        %get3A_571 = arith.constant 80 : index
        %get3A_572 = tpu.vector_load %arg14[%get3A_570, %get3A_571] {strides = array<i32>} : memref<80x128xf32, #tpu.memory_space<vmem>>, vector<1x16xf32>,
        %get3A_573 = vector.shape_cast %get3A_572 : vector<1x16xf32> to vector<16xf32>
        %get3A_574 = arith.index_cast %add3A_499 : i32 to index
        %get3A_575 = arith.constant 80 : index
        %get3A_576 = tpu.vector_load %arg15[%get3A_574, %get3A_575] {strides = array<i32>} : memref<80x128xf32, #tpu.memory_space<vmem>>, vector<1x16xf32>,
        %get3A_577 = vector.shape_cast %get3A_576 : vector<1x16xf32> to vector<16xf32>
        %add3A_578 = arith.addf %get3A_573, %get3A_577 : vector<16xf32>
        %swap3A_579 = arith.index_cast %add3A_499 : i32 to index
        %swap3A_580 = arith.constant 80 : index
        %swap3A_581 = tpu.vector_load %arg16[%swap3A_579, %swap3A_580] {strides = array<i32>} : memref<80x128xf32, #tpu.memory_space<vmem>>, vector<1x16xf32>,
        %swap3A_582 = vector.shape_cast %swap3A_581 : vector<1x16xf32> to vector<16xf32>
        %swap3A_583 = vector.shape_cast %add3A_578 : vector<16xf32> to vector<1x16xf32>
        tpu.vector_store %arg16[%swap3A_579, %swap3A_580], %swap3A_583 {strides = array<i32>} : memref<80x128xf32, #tpu.memory_space<vmem>>, vector<1x16xf32>,
        %get3A_584 = arith.index_cast %add3A_499 : i32 to index
        %get3A_585 = arith.constant 96 : index
        %get3A_586 = tpu.vector_load %arg14[%get3A_584, %get3A_585] {strides = array<i32>} : memref<80x128xf32, #tpu.memory_space<vmem>>, vector<1x16xf32>,
        %get3A_587 = vector.shape_cast %get3A_586 : vector<1x16xf32> to vector<16xf32>
        %get3A_588 = arith.index_cast %add3A_499 : i32 to index
        %get3A_589 = arith.constant 96 : index
        %get3A_590 = tpu.vector_load %arg15[%get3A_588, %get3A_589] {strides = array<i32>} : memref<80x128xf32, #tpu.memory_space<vmem>>, vector<1x16xf32>,
        %get3A_591 = vector.shape_cast %get3A_590 : vector<1x16xf32> to vector<16xf32>
        %add3A_592 = arith.addf %get3A_587, %get3A_591 : vector<16xf32>
        %swap3A_593 = arith.index_cast %add3A_499 : i32 to index
        %swap3A_594 = arith.constant 96 : index
        %swap3A_595 = tpu.vector_load %arg16[%swap3A_593, %swap3A_594] {strides = array<i32>} : memref<80x128xf32, #tpu.memory_space<vmem>>, vector<1x16xf32>,
        %swap3A_596 = vector.shape_cast %swap3A_595 : vector<1x16xf32> to vector<16xf32>
        %swap3A_597 = vector.shape_cast %add3A_592 : vector<16xf32> to vector<1x16xf32>
        tpu.vector_store %arg16[%swap3A_593, %swap3A_594], %swap3A_597 {strides = array<i32>} : memref<80x128xf32, #tpu.memory_space<vmem>>, vector<1x16xf32>,
        %get3A_598 = arith.index_cast %add3A_499 : i32 to index
        %get3A_599 = arith.constant 112 : index
        %get3A_600 = tpu.vector_load %arg14[%get3A_598, %get3A_599] {strides = array<i32>} : memref<80x128xf32, #tpu.memory_space<vmem>>, vector<1x16xf32>,
        %get3A_601 = vector.shape_cast %get3A_600 : vector<1x16xf32> to vector<16xf32>
        %get3A_602 = arith.index_cast %add3A_499 : i32 to index
        %get3A_603 = arith.constant 112 : index
        %get3A_604 = tpu.vector_load %arg15[%get3A_602, %get3A_603] {strides = array<i32>} : memref<80x128xf32, #tpu.memory_space<vmem>>, vector<1x16xf32>,
        %get3A_605 = vector.shape_cast %get3A_604 : vector<1x16xf32> to vector<16xf32>
        %add3A_606 = arith.addf %get3A_601, %get3A_605 : vector<16xf32>
        %swap3A_607 = arith.index_cast %add3A_499 : i32 to index
        %swap3A_608 = arith.constant 112 : index
        %swap3A_609 = tpu.vector_load %arg16[%swap3A_607, %swap3A_608] {strides = array<i32>} : memref<80x128xf32, #tpu.memory_space<vmem>>, vector<1x16xf32>,
        %swap3A_610 = vector.shape_cast %swap3A_609 : vector<1x16xf32> to vector<16xf32>
        %swap3A_611 = vector.shape_cast %add3A_606 : vector<16xf32> to vector<1x16xf32>
        tpu.vector_store %arg16[%swap3A_607, %swap3A_608], %swap3A_611 {strides = array<i32>} : memref<80x128xf32, #tpu.memory_space<vmem>>, vector<1x16xf32>,
      }
      %scan3A_134 = arith.constant 20 : i32
      %dma_start3A_135 = arith.constant 0 : i32
      %dma_start3A_136 = tpu.memref_slice %arg6[%add3A_106, %dma_start3A_135] : memref<320000x128xf32, #tpu.memory_space<hbm>> -> memref<80x128xf32, #tpu.memory_space<hbm>>
      %dma_start3A_137 = arith.constant 0 : i32
      %dma_start3A_138 = tpu.memref_slice %arg6[%add3A_106, %dma_start3A_137] : memref<320000x128xf32, #tpu.memory_space<hbm>> -> memref<80x128xf32, #tpu.memory_space<hbm>>
      tpu.enqueue_dma source(%arg16 : memref<80x128xf32, #tpu.memory_space<vmem>>) target(%dma_start3A_138 : memref<80x128xf32, #tpu.memory_space<hbm>>) target_semaphore(%arg26 : memref<!tpu.dma_semaphore, #tpu.memory_space<semaphore_mem>>)
      %dma_wait3A_139 = tpu.memref_slice %arg4[%add3A_113] : memref<320000xi32, #tpu.memory_space<hbm>> -> memref<80xi32, #tpu.memory_space<hbm>>
      %dma_wait3A_140 = tpu.memref_slice %arg4[%add3A_113] : memref<320000xi32, #tpu.memory_space<hbm>> -> memref<80xi32, #tpu.memory_space<hbm>>
      tpu.wait_dma2 semaphore(%arg19 : memref<!tpu.dma_semaphore, #tpu.memory_space<semaphore_mem>>) src(%dma_wait3A_140 : memref<80xi32, #tpu.memory_space<hbm>>) dst(%arg9 : memref<80xi32, #tpu.memory_space<vmem>>)
      %dma_wait3A_141 = tpu.memref_slice %arg5[%add3A_113] : memref<320000xi32, #tpu.memory_space<hbm>> -> memref<80xi32, #tpu.memory_space<hbm>>
      %dma_wait3A_142 = tpu.memref_slice %arg5[%add3A_113] : memref<320000xi32, #tpu.memory_space<hbm>> -> memref<80xi32, #tpu.memory_space<hbm>>
      tpu.wait_dma2 semaphore(%arg20 : memref<!tpu.dma_semaphore, #tpu.memory_space<semaphore_mem>>) src(%dma_wait3A_142 : memref<80xi32, #tpu.memory_space<hbm>>) dst(%arg10 : memref<80xi32, #tpu.memory_space<vmem>>)
      %dma_start3A_143 = arith.constant 0 : i32
      %dma_start3A_144 = arith.constant 0 : i32
      %dma_start3A_145 = tpu.memref_slice %arg2[%dma_start3A_143, %dma_start3A_144] : memref<10000x128xf32, #tpu.memory_space<hbm>> -> memref<10000x128xf32, #tpu.memory_space<hbm>>
      tpu.enqueue_indirect_dma source(%dma_start3A_145 : memref<10000x128xf32, #tpu.memory_space<hbm>>) target(%arg14 : memref<80x128xf32, #tpu.memory_space<vmem>>) offsets(%arg9 : memref<80xi32, #tpu.memory_space<vmem>>) semaphore(%arg23 : memref<!tpu.dma_semaphore, #tpu.memory_space<semaphore_mem>>)
      %dma_start3A_146 = arith.constant 0 : i32
      %dma_start3A_147 = arith.constant 0 : i32
      %dma_start3A_148 = tpu.memref_slice %arg3[%dma_start3A_146, %dma_start3A_147] : memref<10000x128xf32, #tpu.memory_space<hbm>> -> memref<10000x128xf32, #tpu.memory_space<hbm>>
      tpu.enqueue_indirect_dma source(%dma_start3A_148 : memref<10000x128xf32, #tpu.memory_space<hbm>>) target(%arg15 : memref<80x128xf32, #tpu.memory_space<vmem>>) offsets(%arg10 : memref<80xi32, #tpu.memory_space<vmem>>) semaphore(%arg24 : memref<!tpu.dma_semaphore, #tpu.memory_space<semaphore_mem>>)
    }
    %scan3A_22 = arith.constant 62 : i32
    %dma_wait3A = arith.constant 0 : i32
    %dma_wait3A_23 = arith.constant 0 : i32
    %dma_wait3A_24 = tpu.memref_slice %arg2[%dma_wait3A, %dma_wait3A_23] : memref<10000x128xf32, #tpu.memory_space<hbm>> -> memref<10000x128xf32, #tpu.memory_space<hbm>>
    tpu.wait_indirect_dma semaphore(%arg21 : memref<!tpu.dma_semaphore, #tpu.memory_space<semaphore_mem>>) src(%dma_wait3A_24 : memref<10000x128xf32, #tpu.memory_space<hbm>>) dst(%arg11 : memref<80x128xf32, #tpu.memory_space<vmem>>)
    %dma_wait3A_25 = arith.constant 0 : i32
    %dma_wait3A_26 = arith.constant 0 : i32
    %dma_wait3A_27 = tpu.memref_slice %arg3[%dma_wait3A_25, %dma_wait3A_26] : memref<10000x128xf32, #tpu.memory_space<hbm>> -> memref<10000x128xf32, #tpu.memory_space<hbm>>
    tpu.wait_indirect_dma semaphore(%arg22 : memref<!tpu.dma_semaphore, #tpu.memory_space<semaphore_mem>>) src(%dma_wait3A_27 : memref<10000x128xf32, #tpu.memory_space<hbm>>) dst(%arg12 : memref<80x128xf32, #tpu.memory_space<vmem>>)
    %add3A_28 = arith.constant 9760 : i32
    %add3A_29 = arith.addi %mul3A_2, %add3A_28 : i32
    %dma_wait3A_30 = arith.constant 0 : i32
    %dma_wait3A_31 = tpu.memref_slice %arg6[%add3A_29, %dma_wait3A_30] : memref<320000x128xf32, #tpu.memory_space<hbm>> -> memref<80x128xf32, #tpu.memory_space<hbm>>
    %dma_wait3A_32 = arith.constant 0 : i32
    %dma_wait3A_33 = tpu.memref_slice %arg6[%add3A_29, %dma_wait3A_32] : memref<320000x128xf32, #tpu.memory_space<hbm>> -> memref<80x128xf32, #tpu.memory_space<hbm>>
    tpu.wait_dma2 semaphore(%arg25 : memref<!tpu.dma_semaphore, #tpu.memory_space<semaphore_mem>>) src(%arg13 : memref<80x128xf32, #tpu.memory_space<vmem>>) dst(%dma_wait3A_33 : memref<80x128xf32, #tpu.memory_space<hbm>>)
    %scan3A_34 = arith.constant 0 : i32
    %scan3A_35 = arith.constant 0 : i32
    %scan3A_36 = arith.constant 20 : i32
    %scan3A_37 = arith.addi %scan3A_35, %scan3A_36 : i32
    %scan3A_38 = arith.constant 1 : i32
    scf.for %scan3A_54 = %scan3A_35 to %scan3A_37 step %scan3A_38  : i32 {
      %mul3A_55 = arith.constant 4 : i32
      %mul3A_56 = arith.muli %mul3A_55, %scan3A_54 : i32
      %add3A_57 = arith.constant 0 : i32
      %add3A_58 = arith.addi %mul3A_56, %add3A_57 : i32
      %get3A = arith.index_cast %add3A_58 : i32 to index
      %get3A_59 = arith.constant 0 : index
      %get3A_60 = tpu.vector_load %arg11[%get3A, %get3A_59] {strides = array<i32>} : memref<80x128xf32, #tpu.memory_space<vmem>>, vector<1x16xf32>,
      %get3A_61 = vector.shape_cast %get3A_60 : vector<1x16xf32> to vector<16xf32>
      %get3A_62 = arith.index_cast %add3A_58 : i32 to index
      %get3A_63 = arith.constant 0 : index
      %get3A_64 = tpu.vector_load %arg12[%get3A_62, %get3A_63] {strides = array<i32>} : memref<80x128xf32, #tpu.memory_space<vmem>>, vector<1x16xf32>,
      %get3A_65 = vector.shape_cast %get3A_64 : vector<1x16xf32> to vector<16xf32>
      %add3A_66 = arith.addf %get3A_61, %get3A_65 : vector<16xf32>
      %swap3A = arith.index_cast %add3A_58 : i32 to index
      %swap3A_67 = arith.constant 0 : index
      %swap3A_68 = tpu.vector_load %arg13[%swap3A, %swap3A_67] {strides = array<i32>} : memref<80x128xf32, #tpu.memory_space<vmem>>, vector<1x16xf32>,
      %swap3A_69 = vector.shape_cast %swap3A_68 : vector<1x16xf32> to vector<16xf32>
      %swap3A_70 = vector.shape_cast %add3A_66 : vector<16xf32> to vector<1x16xf32>
      tpu.vector_store %arg13[%swap3A, %swap3A_67], %swap3A_70 {strides = array<i32>} : memref<80x128xf32, #tpu.memory_space<vmem>>, vector<1x16xf32>,
      %get3A_71 = arith.index_cast %add3A_58 : i32 to index
      %get3A_72 = arith.constant 16 : index
      %get3A_73 = tpu.vector_load %arg11[%get3A_71, %get3A_72] {strides = array<i32>} : memref<80x128xf32, #tpu.memory_space<vmem>>, vector<1x16xf32>,
      %get3A_74 = vector.shape_cast %get3A_73 : vector<1x16xf32> to vector<16xf32>
      %get3A_75 = arith.index_cast %add3A_58 : i32 to index
      %get3A_76 = arith.constant 16 : index
      %get3A_77 = tpu.vector_load %arg12[%get3A_75, %get3A_76] {strides = array<i32>} : memref<80x128xf32, #tpu.memory_space<vmem>>, vector<1x16xf32>,
      %get3A_78 = vector.shape_cast %get3A_77 : vector<1x16xf32> to vector<16xf32>
      %add3A_79 = arith.addf %get3A_74, %get3A_78 : vector<16xf32>
      %swap3A_80 = arith.index_cast %add3A_58 : i32 to index
      %swap3A_81 = arith.constant 16 : index
      %swap3A_82 = tpu.vector_load %arg13[%swap3A_80, %swap3A_81] {strides = array<i32>} : memref<80x128xf32, #tpu.memory_space<vmem>>, vector<1x16xf32>,
      %swap3A_83 = vector.shape_cast %swap3A_82 : vector<1x16xf32> to vector<16xf32>
      %swap3A_84 = vector.shape_cast %add3A_79 : vector<16xf32> to vector<1x16xf32>
      tpu.vector_store %arg13[%swap3A_80, %swap3A_81], %swap3A_84 {strides = array<i32>} : memref<80x128xf32, #tpu.memory_space<vmem>>, vector<1x16xf32>,
      %get3A_85 = arith.index_cast %add3A_58 : i32 to index
      %get3A_86 = arith.constant 32 : index
      %get3A_87 = tpu.vector_load %arg11[%get3A_85, %get3A_86] {strides = array<i32>} : memref<80x128xf32, #tpu.memory_space<vmem>>, vector<1x16xf32>,
      %get3A_88 = vector.shape_cast %get3A_87 : vector<1x16xf32> to vector<16xf32>
      %get3A_89 = arith.index_cast %add3A_58 : i32 to index
      %get3A_90 = arith.constant 32 : index
      %get3A_91 = tpu.vector_load %arg12[%get3A_89, %get3A_90] {strides = array<i32>} : memref<80x128xf32, #tpu.memory_space<vmem>>, vector<1x16xf32>,
      %get3A_92 = vector.shape_cast %get3A_91 : vector<1x16xf32> to vector<16xf32>
      %add3A_93 = arith.addf %get3A_88, %get3A_92 : vector<16xf32>
      %swap3A_94 = arith.index_cast %add3A_58 : i32 to index
      %swap3A_95 = arith.constant 32 : index
      %swap3A_96 = tpu.vector_load %arg13[%swap3A_94, %swap3A_95] {strides = array<i32>} : memref<80x128xf32, #tpu.memory_space<vmem>>, vector<1x16xf32>,
      %swap3A_97 = vector.shape_cast %swap3A_96 : vector<1x16xf32> to vector<16xf32>
      %swap3A_98 = vector.shape_cast %add3A_93 : vector<16xf32> to vector<1x16xf32>
      tpu.vector_store %arg13[%swap3A_94, %swap3A_95], %swap3A_98 {strides = array<i32>} : memref<80x128xf32, #tpu.memory_space<vmem>>, vector<1x16xf32>,
      %get3A_99 = arith.index_cast %add3A_58 : i32 to index
      %get3A_100 = arith.constant 48 : index
      %get3A_101 = tpu.vector_load %arg11[%get3A_99, %get3A_100] {strides = array<i32>} : memref<80x128xf32, #tpu.memory_space<vmem>>, vector<1x16xf32>,
      %get3A_102 = vector.shape_cast %get3A_101 : vector<1x16xf32> to vector<16xf32>
      %get3A_103 = arith.index_cast %add3A_58 : i32 to index
      %get3A_104 = arith.constant 48 : index
      %get3A_105 = tpu.vector_load %arg12[%get3A_103, %get3A_104] {strides = array<i32>} : memref<80x128xf32, #tpu.memory_space<vmem>>, vector<1x16xf32>,
      %get3A_106 = vector.shape_cast %get3A_105 : vector<1x16xf32> to vector<16xf32>
      %add3A_107 = arith.addf %get3A_102, %get3A_106 : vector<16xf32>
      %swap3A_108 = arith.index_cast %add3A_58 : i32 to index
      %swap3A_109 = arith.constant 48 : index
      %swap3A_110 = tpu.vector_load %arg13[%swap3A_108, %swap3A_109] {strides = array<i32>} : memref<80x128xf32, #tpu.memory_space<vmem>>, vector<1x16xf32>,
      %swap3A_111 = vector.shape_cast %swap3A_110 : vector<1x16xf32> to vector<16xf32>
      %swap3A_112 = vector.shape_cast %add3A_107 : vector<16xf32> to vector<1x16xf32>
      tpu.vector_store %arg13[%swap3A_108, %swap3A_109], %swap3A_112 {strides = array<i32>} : memref<80x128xf32, #tpu.memory_space<vmem>>, vector<1x16xf32>,
      %get3A_113 = arith.index_cast %add3A_58 : i32 to index
      %get3A_114 = arith.constant 64 : index
      %get3A_115 = tpu.vector_load %arg11[%get3A_113, %get3A_114] {strides = array<i32>} : memref<80x128xf32, #tpu.memory_space<vmem>>, vector<1x16xf32>,
      %get3A_116 = vector.shape_cast %get3A_115 : vector<1x16xf32> to vector<16xf32>
      %get3A_117 = arith.index_cast %add3A_58 : i32 to index
      %get3A_118 = arith.constant 64 : index
      %get3A_119 = tpu.vector_load %arg12[%get3A_117, %get3A_118] {strides = array<i32>} : memref<80x128xf32, #tpu.memory_space<vmem>>, vector<1x16xf32>,
      %get3A_120 = vector.shape_cast %get3A_119 : vector<1x16xf32> to vector<16xf32>
      %add3A_121 = arith.addf %get3A_116, %get3A_120 : vector<16xf32>
      %swap3A_122 = arith.index_cast %add3A_58 : i32 to index
      %swap3A_123 = arith.constant 64 : index
      %swap3A_124 = tpu.vector_load %arg13[%swap3A_122, %swap3A_123] {strides = array<i32>} : memref<80x128xf32, #tpu.memory_space<vmem>>, vector<1x16xf32>,
      %swap3A_125 = vector.shape_cast %swap3A_124 : vector<1x16xf32> to vector<16xf32>
      %swap3A_126 = vector.shape_cast %add3A_121 : vector<16xf32> to vector<1x16xf32>
      tpu.vector_store %arg13[%swap3A_122, %swap3A_123], %swap3A_126 {strides = array<i32>} : memref<80x128xf32, #tpu.memory_space<vmem>>, vector<1x16xf32>,
      %get3A_127 = arith.index_cast %add3A_58 : i32 to index
      %get3A_128 = arith.constant 80 : index
      %get3A_129 = tpu.vector_load %arg11[%get3A_127, %get3A_128] {strides = array<i32>} : memref<80x128xf32, #tpu.memory_space<vmem>>, vector<1x16xf32>,
      %get3A_130 = vector.shape_cast %get3A_129 : vector<1x16xf32> to vector<16xf32>
      %get3A_131 = arith.index_cast %add3A_58 : i32 to index
      %get3A_132 = arith.constant 80 : index
      %get3A_133 = tpu.vector_load %arg12[%get3A_131, %get3A_132] {strides = array<i32>} : memref<80x128xf32, #tpu.memory_space<vmem>>, vector<1x16xf32>,
      %get3A_134 = vector.shape_cast %get3A_133 : vector<1x16xf32> to vector<16xf32>
      %add3A_135 = arith.addf %get3A_130, %get3A_134 : vector<16xf32>
      %swap3A_136 = arith.index_cast %add3A_58 : i32 to index
      %swap3A_137 = arith.constant 80 : index
      %swap3A_138 = tpu.vector_load %arg13[%swap3A_136, %swap3A_137] {strides = array<i32>} : memref<80x128xf32, #tpu.memory_space<vmem>>, vector<1x16xf32>,
      %swap3A_139 = vector.shape_cast %swap3A_138 : vector<1x16xf32> to vector<16xf32>
      %swap3A_140 = vector.shape_cast %add3A_135 : vector<16xf32> to vector<1x16xf32>
      tpu.vector_store %arg13[%swap3A_136, %swap3A_137], %swap3A_140 {strides = array<i32>} : memref<80x128xf32, #tpu.memory_space<vmem>>, vector<1x16xf32>,
      %get3A_141 = arith.index_cast %add3A_58 : i32 to index
      %get3A_142 = arith.constant 96 : index
      %get3A_143 = tpu.vector_load %arg11[%get3A_141, %get3A_142] {strides = array<i32>} : memref<80x128xf32, #tpu.memory_space<vmem>>, vector<1x16xf32>,
      %get3A_144 = vector.shape_cast %get3A_143 : vector<1x16xf32> to vector<16xf32>
      %get3A_145 = arith.index_cast %add3A_58 : i32 to index
      %get3A_146 = arith.constant 96 : index
      %get3A_147 = tpu.vector_load %arg12[%get3A_145, %get3A_146] {strides = array<i32>} : memref<80x128xf32, #tpu.memory_space<vmem>>, vector<1x16xf32>,
      %get3A_148 = vector.shape_cast %get3A_147 : vector<1x16xf32> to vector<16xf32>
      %add3A_149 = arith.addf %get3A_144, %get3A_148 : vector<16xf32>
      %swap3A_150 = arith.index_cast %add3A_58 : i32 to index
      %swap3A_151 = arith.constant 96 : index
      %swap3A_152 = tpu.vector_load %arg13[%swap3A_150, %swap3A_151] {strides = array<i32>} : memref<80x128xf32, #tpu.memory_space<vmem>>, vector<1x16xf32>,
      %swap3A_153 = vector.shape_cast %swap3A_152 : vector<1x16xf32> to vector<16xf32>
      %swap3A_154 = vector.shape_cast %add3A_149 : vector<16xf32> to vector<1x16xf32>
      tpu.vector_store %arg13[%swap3A_150, %swap3A_151], %swap3A_154 {strides = array<i32>} : memref<80x128xf32, #tpu.memory_space<vmem>>, vector<1x16xf32>,
      %get3A_155 = arith.index_cast %add3A_58 : i32 to index
      %get3A_156 = arith.constant 112 : index
      %get3A_157 = tpu.vector_load %arg11[%get3A_155, %get3A_156] {strides = array<i32>} : memref<80x128xf32, #tpu.memory_space<vmem>>, vector<1x16xf32>,
      %get3A_158 = vector.shape_cast %get3A_157 : vector<1x16xf32> to vector<16xf32>
      %get3A_159 = arith.index_cast %add3A_58 : i32 to index
      %get3A_160 = arith.constant 112 : index
      %get3A_161 = tpu.vector_load %arg12[%get3A_159, %get3A_160] {strides = array<i32>} : memref<80x128xf32, #tpu.memory_space<vmem>>, vector<1x16xf32>,
      %get3A_162 = vector.shape_cast %get3A_161 : vector<1x16xf32> to vector<16xf32>
      %add3A_163 = arith.addf %get3A_158, %get3A_162 : vector<16xf32>
      %swap3A_164 = arith.index_cast %add3A_58 : i32 to index
      %swap3A_165 = arith.constant 112 : index
      %swap3A_166 = tpu.vector_load %arg13[%swap3A_164, %swap3A_165] {strides = array<i32>} : memref<80x128xf32, #tpu.memory_space<vmem>>, vector<1x16xf32>,
      %swap3A_167 = vector.shape_cast %swap3A_166 : vector<1x16xf32> to vector<16xf32>
      %swap3A_168 = vector.shape_cast %add3A_163 : vector<16xf32> to vector<1x16xf32>
      tpu.vector_store %arg13[%swap3A_164, %swap3A_165], %swap3A_168 {strides = array<i32>} : memref<80x128xf32, #tpu.memory_space<vmem>>, vector<1x16xf32>,
      %mul3A_169 = arith.constant 4 : i32
      %mul3A_170 = arith.muli %mul3A_169, %scan3A_54 : i32
      %add3A_171 = arith.constant 1 : i32
      %add3A_172 = arith.addi %mul3A_170, %add3A_171 : i32
      %get3A_173 = arith.index_cast %add3A_172 : i32 to index
      %get3A_174 = arith.constant 0 : index
      %get3A_175 = tpu.vector_load %arg11[%get3A_173, %get3A_174] {strides = array<i32>} : memref<80x128xf32, #tpu.memory_space<vmem>>, vector<1x16xf32>,
      %get3A_176 = vector.shape_cast %get3A_175 : vector<1x16xf32> to vector<16xf32>
      %get3A_177 = arith.index_cast %add3A_172 : i32 to index
      %get3A_178 = arith.constant 0 : index
      %get3A_179 = tpu.vector_load %arg12[%get3A_177, %get3A_178] {strides = array<i32>} : memref<80x128xf32, #tpu.memory_space<vmem>>, vector<1x16xf32>,
      %get3A_180 = vector.shape_cast %get3A_179 : vector<1x16xf32> to vector<16xf32>
      %add3A_181 = arith.addf %get3A_176, %get3A_180 : vector<16xf32>
      %swap3A_182 = arith.index_cast %add3A_172 : i32 to index
      %swap3A_183 = arith.constant 0 : index
      %swap3A_184 = tpu.vector_load %arg13[%swap3A_182, %swap3A_183] {strides = array<i32>} : memref<80x128xf32, #tpu.memory_space<vmem>>, vector<1x16xf32>,
      %swap3A_185 = vector.shape_cast %swap3A_184 : vector<1x16xf32> to vector<16xf32>
      %swap3A_186 = vector.shape_cast %add3A_181 : vector<16xf32> to vector<1x16xf32>
      tpu.vector_store %arg13[%swap3A_182, %swap3A_183], %swap3A_186 {strides = array<i32>} : memref<80x128xf32, #tpu.memory_space<vmem>>, vector<1x16xf32>,
      %get3A_187 = arith.index_cast %add3A_172 : i32 to index
      %get3A_188 = arith.constant 16 : index
      %get3A_189 = tpu.vector_load %arg11[%get3A_187, %get3A_188] {strides = array<i32>} : memref<80x128xf32, #tpu.memory_space<vmem>>, vector<1x16xf32>,
      %get3A_190 = vector.shape_cast %get3A_189 : vector<1x16xf32> to vector<16xf32>
      %get3A_191 = arith.index_cast %add3A_172 : i32 to index
      %get3A_192 = arith.constant 16 : index
      %get3A_193 = tpu.vector_load %arg12[%get3A_191, %get3A_192] {strides = array<i32>} : memref<80x128xf32, #tpu.memory_space<vmem>>, vector<1x16xf32>,
      %get3A_194 = vector.shape_cast %get3A_193 : vector<1x16xf32> to vector<16xf32>
      %add3A_195 = arith.addf %get3A_190, %get3A_194 : vector<16xf32>
      %swap3A_196 = arith.index_cast %add3A_172 : i32 to index
      %swap3A_197 = arith.constant 16 : index
      %swap3A_198 = tpu.vector_load %arg13[%swap3A_196, %swap3A_197] {strides = array<i32>} : memref<80x128xf32, #tpu.memory_space<vmem>>, vector<1x16xf32>,
      %swap3A_199 = vector.shape_cast %swap3A_198 : vector<1x16xf32> to vector<16xf32>
      %swap3A_200 = vector.shape_cast %add3A_195 : vector<16xf32> to vector<1x16xf32>
      tpu.vector_store %arg13[%swap3A_196, %swap3A_197], %swap3A_200 {strides = array<i32>} : memref<80x128xf32, #tpu.memory_space<vmem>>, vector<1x16xf32>,
      %get3A_201 = arith.index_cast %add3A_172 : i32 to index
      %get3A_202 = arith.constant 32 : index
      %get3A_203 = tpu.vector_load %arg11[%get3A_201, %get3A_202] {strides = array<i32>} : memref<80x128xf32, #tpu.memory_space<vmem>>, vector<1x16xf32>,
      %get3A_204 = vector.shape_cast %get3A_203 : vector<1x16xf32> to vector<16xf32>
      %get3A_205 = arith.index_cast %add3A_172 : i32 to index
      %get3A_206 = arith.constant 32 : index
      %get3A_207 = tpu.vector_load %arg12[%get3A_205, %get3A_206] {strides = array<i32>} : memref<80x128xf32, #tpu.memory_space<vmem>>, vector<1x16xf32>,
      %get3A_208 = vector.shape_cast %get3A_207 : vector<1x16xf32> to vector<16xf32>
      %add3A_209 = arith.addf %get3A_204, %get3A_208 : vector<16xf32>
      %swap3A_210 = arith.index_cast %add3A_172 : i32 to index
      %swap3A_211 = arith.constant 32 : index
      %swap3A_212 = tpu.vector_load %arg13[%swap3A_210, %swap3A_211] {strides = array<i32>} : memref<80x128xf32, #tpu.memory_space<vmem>>, vector<1x16xf32>,
      %swap3A_213 = vector.shape_cast %swap3A_212 : vector<1x16xf32> to vector<16xf32>
      %swap3A_214 = vector.shape_cast %add3A_209 : vector<16xf32> to vector<1x16xf32>
      tpu.vector_store %arg13[%swap3A_210, %swap3A_211], %swap3A_214 {strides = array<i32>} : memref<80x128xf32, #tpu.memory_space<vmem>>, vector<1x16xf32>,
      %get3A_215 = arith.index_cast %add3A_172 : i32 to index
      %get3A_216 = arith.constant 48 : index
      %get3A_217 = tpu.vector_load %arg11[%get3A_215, %get3A_216] {strides = array<i32>} : memref<80x128xf32, #tpu.memory_space<vmem>>, vector<1x16xf32>,
      %get3A_218 = vector.shape_cast %get3A_217 : vector<1x16xf32> to vector<16xf32>
      %get3A_219 = arith.index_cast %add3A_172 : i32 to index
      %get3A_220 = arith.constant 48 : index
      %get3A_221 = tpu.vector_load %arg12[%get3A_219, %get3A_220] {strides = array<i32>} : memref<80x128xf32, #tpu.memory_space<vmem>>, vector<1x16xf32>,
      %get3A_222 = vector.shape_cast %get3A_221 : vector<1x16xf32> to vector<16xf32>
      %add3A_223 = arith.addf %get3A_218, %get3A_222 : vector<16xf32>
      %swap3A_224 = arith.index_cast %add3A_172 : i32 to index
      %swap3A_225 = arith.constant 48 : index
      %swap3A_226 = tpu.vector_load %arg13[%swap3A_224, %swap3A_225] {strides = array<i32>} : memref<80x128xf32, #tpu.memory_space<vmem>>, vector<1x16xf32>,
      %swap3A_227 = vector.shape_cast %swap3A_226 : vector<1x16xf32> to vector<16xf32>
      %swap3A_228 = vector.shape_cast %add3A_223 : vector<16xf32> to vector<1x16xf32>
      tpu.vector_store %arg13[%swap3A_224, %swap3A_225], %swap3A_228 {strides = array<i32>} : memref<80x128xf32, #tpu.memory_space<vmem>>, vector<1x16xf32>,
      %get3A_229 = arith.index_cast %add3A_172 : i32 to index
      %get3A_230 = arith.constant 64 : index
      %get3A_231 = tpu.vector_load %arg11[%get3A_229, %get3A_230] {strides = array<i32>} : memref<80x128xf32, #tpu.memory_space<vmem>>, vector<1x16xf32>,
      %get3A_232 = vector.shape_cast %get3A_231 : vector<1x16xf32> to vector<16xf32>
      %get3A_233 = arith.index_cast %add3A_172 : i32 to index
      %get3A_234 = arith.constant 64 : index
      %get3A_235 = tpu.vector_load %arg12[%get3A_233, %get3A_234] {strides = array<i32>} : memref<80x128xf32, #tpu.memory_space<vmem>>, vector<1x16xf32>,
      %get3A_236 = vector.shape_cast %get3A_235 : vector<1x16xf32> to vector<16xf32>
      %add3A_237 = arith.addf %get3A_232, %get3A_236 : vector<16xf32>
      %swap3A_238 = arith.index_cast %add3A_172 : i32 to index
      %swap3A_239 = arith.constant 64 : index
      %swap3A_240 = tpu.vector_load %arg13[%swap3A_238, %swap3A_239] {strides = array<i32>} : memref<80x128xf32, #tpu.memory_space<vmem>>, vector<1x16xf32>,
      %swap3A_241 = vector.shape_cast %swap3A_240 : vector<1x16xf32> to vector<16xf32>
      %swap3A_242 = vector.shape_cast %add3A_237 : vector<16xf32> to vector<1x16xf32>
      tpu.vector_store %arg13[%swap3A_238, %swap3A_239], %swap3A_242 {strides = array<i32>} : memref<80x128xf32, #tpu.memory_space<vmem>>, vector<1x16xf32>,
      %get3A_243 = arith.index_cast %add3A_172 : i32 to index
      %get3A_244 = arith.constant 80 : index
      %get3A_245 = tpu.vector_load %arg11[%get3A_243, %get3A_244] {strides = array<i32>} : memref<80x128xf32, #tpu.memory_space<vmem>>, vector<1x16xf32>,
      %get3A_246 = vector.shape_cast %get3A_245 : vector<1x16xf32> to vector<16xf32>
      %get3A_247 = arith.index_cast %add3A_172 : i32 to index
      %get3A_248 = arith.constant 80 : index
      %get3A_249 = tpu.vector_load %arg12[%get3A_247, %get3A_248] {strides = array<i32>} : memref<80x128xf32, #tpu.memory_space<vmem>>, vector<1x16xf32>,
      %get3A_250 = vector.shape_cast %get3A_249 : vector<1x16xf32> to vector<16xf32>
      %add3A_251 = arith.addf %get3A_246, %get3A_250 : vector<16xf32>
      %swap3A_252 = arith.index_cast %add3A_172 : i32 to index
      %swap3A_253 = arith.constant 80 : index
      %swap3A_254 = tpu.vector_load %arg13[%swap3A_252, %swap3A_253] {strides = array<i32>} : memref<80x128xf32, #tpu.memory_space<vmem>>, vector<1x16xf32>,
      %swap3A_255 = vector.shape_cast %swap3A_254 : vector<1x16xf32> to vector<16xf32>
      %swap3A_256 = vector.shape_cast %add3A_251 : vector<16xf32> to vector<1x16xf32>
      tpu.vector_store %arg13[%swap3A_252, %swap3A_253], %swap3A_256 {strides = array<i32>} : memref<80x128xf32, #tpu.memory_space<vmem>>, vector<1x16xf32>,
      %get3A_257 = arith.index_cast %add3A_172 : i32 to index
      %get3A_258 = arith.constant 96 : index
      %get3A_259 = tpu.vector_load %arg11[%get3A_257, %get3A_258] {strides = array<i32>} : memref<80x128xf32, #tpu.memory_space<vmem>>, vector<1x16xf32>,
      %get3A_260 = vector.shape_cast %get3A_259 : vector<1x16xf32> to vector<16xf32>
      %get3A_261 = arith.index_cast %add3A_172 : i32 to index
      %get3A_262 = arith.constant 96 : index
      %get3A_263 = tpu.vector_load %arg12[%get3A_261, %get3A_262] {strides = array<i32>} : memref<80x128xf32, #tpu.memory_space<vmem>>, vector<1x16xf32>,
      %get3A_264 = vector.shape_cast %get3A_263 : vector<1x16xf32> to vector<16xf32>
      %add3A_265 = arith.addf %get3A_260, %get3A_264 : vector<16xf32>
      %swap3A_266 = arith.index_cast %add3A_172 : i32 to index
      %swap3A_267 = arith.constant 96 : index
      %swap3A_268 = tpu.vector_load %arg13[%swap3A_266, %swap3A_267] {strides = array<i32>} : memref<80x128xf32, #tpu.memory_space<vmem>>, vector<1x16xf32>,
      %swap3A_269 = vector.shape_cast %swap3A_268 : vector<1x16xf32> to vector<16xf32>
      %swap3A_270 = vector.shape_cast %add3A_265 : vector<16xf32> to vector<1x16xf32>
      tpu.vector_store %arg13[%swap3A_266, %swap3A_267], %swap3A_270 {strides = array<i32>} : memref<80x128xf32, #tpu.memory_space<vmem>>, vector<1x16xf32>,
      %get3A_271 = arith.index_cast %add3A_172 : i32 to index
      %get3A_272 = arith.constant 112 : index
      %get3A_273 = tpu.vector_load %arg11[%get3A_271, %get3A_272] {strides = array<i32>} : memref<80x128xf32, #tpu.memory_space<vmem>>, vector<1x16xf32>,
      %get3A_274 = vector.shape_cast %get3A_273 : vector<1x16xf32> to vector<16xf32>
      %get3A_275 = arith.index_cast %add3A_172 : i32 to index
      %get3A_276 = arith.constant 112 : index
      %get3A_277 = tpu.vector_load %arg12[%get3A_275, %get3A_276] {strides = array<i32>} : memref<80x128xf32, #tpu.memory_space<vmem>>, vector<1x16xf32>,
      %get3A_278 = vector.shape_cast %get3A_277 : vector<1x16xf32> to vector<16xf32>
      %add3A_279 = arith.addf %get3A_274, %get3A_278 : vector<16xf32>
      %swap3A_280 = arith.index_cast %add3A_172 : i32 to index
      %swap3A_281 = arith.constant 112 : index
      %swap3A_282 = tpu.vector_load %arg13[%swap3A_280, %swap3A_281] {strides = array<i32>} : memref<80x128xf32, #tpu.memory_space<vmem>>, vector<1x16xf32>,
      %swap3A_283 = vector.shape_cast %swap3A_282 : vector<1x16xf32> to vector<16xf32>
      %swap3A_284 = vector.shape_cast %add3A_279 : vector<16xf32> to vector<1x16xf32>
      tpu.vector_store %arg13[%swap3A_280, %swap3A_281], %swap3A_284 {strides = array<i32>} : memref<80x128xf32, #tpu.memory_space<vmem>>, vector<1x16xf32>,
      %mul3A_285 = arith.constant 4 : i32
      %mul3A_286 = arith.muli %mul3A_285, %scan3A_54 : i32
      %add3A_287 = arith.constant 2 : i32
      %add3A_288 = arith.addi %mul3A_286, %add3A_287 : i32
      %get3A_289 = arith.index_cast %add3A_288 : i32 to index
      %get3A_290 = arith.constant 0 : index
      %get3A_291 = tpu.vector_load %arg11[%get3A_289, %get3A_290] {strides = array<i32>} : memref<80x128xf32, #tpu.memory_space<vmem>>, vector<1x16xf32>,
      %get3A_292 = vector.shape_cast %get3A_291 : vector<1x16xf32> to vector<16xf32>
      %get3A_293 = arith.index_cast %add3A_288 : i32 to index
      %get3A_294 = arith.constant 0 : index
      %get3A_295 = tpu.vector_load %arg12[%get3A_293, %get3A_294] {strides = array<i32>} : memref<80x128xf32, #tpu.memory_space<vmem>>, vector<1x16xf32>,
      %get3A_296 = vector.shape_cast %get3A_295 : vector<1x16xf32> to vector<16xf32>
      %add3A_297 = arith.addf %get3A_292, %get3A_296 : vector<16xf32>
      %swap3A_298 = arith.index_cast %add3A_288 : i32 to index
      %swap3A_299 = arith.constant 0 : index
      %swap3A_300 = tpu.vector_load %arg13[%swap3A_298, %swap3A_299] {strides = array<i32>} : memref<80x128xf32, #tpu.memory_space<vmem>>, vector<1x16xf32>,
      %swap3A_301 = vector.shape_cast %swap3A_300 : vector<1x16xf32> to vector<16xf32>
      %swap3A_302 = vector.shape_cast %add3A_297 : vector<16xf32> to vector<1x16xf32>
      tpu.vector_store %arg13[%swap3A_298, %swap3A_299], %swap3A_302 {strides = array<i32>} : memref<80x128xf32, #tpu.memory_space<vmem>>, vector<1x16xf32>,
      %get3A_303 = arith.index_cast %add3A_288 : i32 to index
      %get3A_304 = arith.constant 16 : index
      %get3A_305 = tpu.vector_load %arg11[%get3A_303, %get3A_304] {strides = array<i32>} : memref<80x128xf32, #tpu.memory_space<vmem>>, vector<1x16xf32>,
      %get3A_306 = vector.shape_cast %get3A_305 : vector<1x16xf32> to vector<16xf32>
      %get3A_307 = arith.index_cast %add3A_288 : i32 to index
      %get3A_308 = arith.constant 16 : index
      %get3A_309 = tpu.vector_load %arg12[%get3A_307, %get3A_308] {strides = array<i32>} : memref<80x128xf32, #tpu.memory_space<vmem>>, vector<1x16xf32>,
      %get3A_310 = vector.shape_cast %get3A_309 : vector<1x16xf32> to vector<16xf32>
      %add3A_311 = arith.addf %get3A_306, %get3A_310 : vector<16xf32>
      %swap3A_312 = arith.index_cast %add3A_288 : i32 to index
      %swap3A_313 = arith.constant 16 : index
      %swap3A_314 = tpu.vector_load %arg13[%swap3A_312, %swap3A_313] {strides = array<i32>} : memref<80x128xf32, #tpu.memory_space<vmem>>, vector<1x16xf32>,
      %swap3A_315 = vector.shape_cast %swap3A_314 : vector<1x16xf32> to vector<16xf32>
      %swap3A_316 = vector.shape_cast %add3A_311 : vector<16xf32> to vector<1x16xf32>
      tpu.vector_store %arg13[%swap3A_312, %swap3A_313], %swap3A_316 {strides = array<i32>} : memref<80x128xf32, #tpu.memory_space<vmem>>, vector<1x16xf32>,
      %get3A_317 = arith.index_cast %add3A_288 : i32 to index
      %get3A_318 = arith.constant 32 : index
      %get3A_319 = tpu.vector_load %arg11[%get3A_317, %get3A_318] {strides = array<i32>} : memref<80x128xf32, #tpu.memory_space<vmem>>, vector<1x16xf32>,
      %get3A_320 = vector.shape_cast %get3A_319 : vector<1x16xf32> to vector<16xf32>
      %get3A_321 = arith.index_cast %add3A_288 : i32 to index
      %get3A_322 = arith.constant 32 : index
      %get3A_323 = tpu.vector_load %arg12[%get3A_321, %get3A_322] {strides = array<i32>} : memref<80x128xf32, #tpu.memory_space<vmem>>, vector<1x16xf32>,
      %get3A_324 = vector.shape_cast %get3A_323 : vector<1x16xf32> to vector<16xf32>
      %add3A_325 = arith.addf %get3A_320, %get3A_324 : vector<16xf32>
      %swap3A_326 = arith.index_cast %add3A_288 : i32 to index
      %swap3A_327 = arith.constant 32 : index
      %swap3A_328 = tpu.vector_load %arg13[%swap3A_326, %swap3A_327] {strides = array<i32>} : memref<80x128xf32, #tpu.memory_space<vmem>>, vector<1x16xf32>,
      %swap3A_329 = vector.shape_cast %swap3A_328 : vector<1x16xf32> to vector<16xf32>
      %swap3A_330 = vector.shape_cast %add3A_325 : vector<16xf32> to vector<1x16xf32>
      tpu.vector_store %arg13[%swap3A_326, %swap3A_327], %swap3A_330 {strides = array<i32>} : memref<80x128xf32, #tpu.memory_space<vmem>>, vector<1x16xf32>,
      %get3A_331 = arith.index_cast %add3A_288 : i32 to index
      %get3A_332 = arith.constant 48 : index
      %get3A_333 = tpu.vector_load %arg11[%get3A_331, %get3A_332] {strides = array<i32>} : memref<80x128xf32, #tpu.memory_space<vmem>>, vector<1x16xf32>,
      %get3A_334 = vector.shape_cast %get3A_333 : vector<1x16xf32> to vector<16xf32>
      %get3A_335 = arith.index_cast %add3A_288 : i32 to index
      %get3A_336 = arith.constant 48 : index
      %get3A_337 = tpu.vector_load %arg12[%get3A_335, %get3A_336] {strides = array<i32>} : memref<80x128xf32, #tpu.memory_space<vmem>>, vector<1x16xf32>,
      %get3A_338 = vector.shape_cast %get3A_337 : vector<1x16xf32> to vector<16xf32>
      %add3A_339 = arith.addf %get3A_334, %get3A_338 : vector<16xf32>
      %swap3A_340 = arith.index_cast %add3A_288 : i32 to index
      %swap3A_341 = arith.constant 48 : index
      %swap3A_342 = tpu.vector_load %arg13[%swap3A_340, %swap3A_341] {strides = array<i32>} : memref<80x128xf32, #tpu.memory_space<vmem>>, vector<1x16xf32>,
      %swap3A_343 = vector.shape_cast %swap3A_342 : vector<1x16xf32> to vector<16xf32>
      %swap3A_344 = vector.shape_cast %add3A_339 : vector<16xf32> to vector<1x16xf32>
      tpu.vector_store %arg13[%swap3A_340, %swap3A_341], %swap3A_344 {strides = array<i32>} : memref<80x128xf32, #tpu.memory_space<vmem>>, vector<1x16xf32>,
      %get3A_345 = arith.index_cast %add3A_288 : i32 to index
      %get3A_346 = arith.constant 64 : index
      %get3A_347 = tpu.vector_load %arg11[%get3A_345, %get3A_346] {strides = array<i32>} : memref<80x128xf32, #tpu.memory_space<vmem>>, vector<1x16xf32>,
      %get3A_348 = vector.shape_cast %get3A_347 : vector<1x16xf32> to vector<16xf32>
      %get3A_349 = arith.index_cast %add3A_288 : i32 to index
      %get3A_350 = arith.constant 64 : index
      %get3A_351 = tpu.vector_load %arg12[%get3A_349, %get3A_350] {strides = array<i32>} : memref<80x128xf32, #tpu.memory_space<vmem>>, vector<1x16xf32>,
      %get3A_352 = vector.shape_cast %get3A_351 : vector<1x16xf32> to vector<16xf32>
      %add3A_353 = arith.addf %get3A_348, %get3A_352 : vector<16xf32>
      %swap3A_354 = arith.index_cast %add3A_288 : i32 to index
      %swap3A_355 = arith.constant 64 : index
      %swap3A_356 = tpu.vector_load %arg13[%swap3A_354, %swap3A_355] {strides = array<i32>} : memref<80x128xf32, #tpu.memory_space<vmem>>, vector<1x16xf32>,
      %swap3A_357 = vector.shape_cast %swap3A_356 : vector<1x16xf32> to vector<16xf32>
      %swap3A_358 = vector.shape_cast %add3A_353 : vector<16xf32> to vector<1x16xf32>
      tpu.vector_store %arg13[%swap3A_354, %swap3A_355], %swap3A_358 {strides = array<i32>} : memref<80x128xf32, #tpu.memory_space<vmem>>, vector<1x16xf32>,
      %get3A_359 = arith.index_cast %add3A_288 : i32 to index
      %get3A_360 = arith.constant 80 : index
      %get3A_361 = tpu.vector_load %arg11[%get3A_359, %get3A_360] {strides = array<i32>} : memref<80x128xf32, #tpu.memory_space<vmem>>, vector<1x16xf32>,
      %get3A_362 = vector.shape_cast %get3A_361 : vector<1x16xf32> to vector<16xf32>
      %get3A_363 = arith.index_cast %add3A_288 : i32 to index
      %get3A_364 = arith.constant 80 : index
      %get3A_365 = tpu.vector_load %arg12[%get3A_363, %get3A_364] {strides = array<i32>} : memref<80x128xf32, #tpu.memory_space<vmem>>, vector<1x16xf32>,
      %get3A_366 = vector.shape_cast %get3A_365 : vector<1x16xf32> to vector<16xf32>
      %add3A_367 = arith.addf %get3A_362, %get3A_366 : vector<16xf32>
      %swap3A_368 = arith.index_cast %add3A_288 : i32 to index
      %swap3A_369 = arith.constant 80 : index
      %swap3A_370 = tpu.vector_load %arg13[%swap3A_368, %swap3A_369] {strides = array<i32>} : memref<80x128xf32, #tpu.memory_space<vmem>>, vector<1x16xf32>,
      %swap3A_371 = vector.shape_cast %swap3A_370 : vector<1x16xf32> to vector<16xf32>
      %swap3A_372 = vector.shape_cast %add3A_367 : vector<16xf32> to vector<1x16xf32>
      tpu.vector_store %arg13[%swap3A_368, %swap3A_369], %swap3A_372 {strides = array<i32>} : memref<80x128xf32, #tpu.memory_space<vmem>>, vector<1x16xf32>,
      %get3A_373 = arith.index_cast %add3A_288 : i32 to index
      %get3A_374 = arith.constant 96 : index
      %get3A_375 = tpu.vector_load %arg11[%get3A_373, %get3A_374] {strides = array<i32>} : memref<80x128xf32, #tpu.memory_space<vmem>>, vector<1x16xf32>,
      %get3A_376 = vector.shape_cast %get3A_375 : vector<1x16xf32> to vector<16xf32>
      %get3A_377 = arith.index_cast %add3A_288 : i32 to index
      %get3A_378 = arith.constant 96 : index
      %get3A_379 = tpu.vector_load %arg12[%get3A_377, %get3A_378] {strides = array<i32>} : memref<80x128xf32, #tpu.memory_space<vmem>>, vector<1x16xf32>,
      %get3A_380 = vector.shape_cast %get3A_379 : vector<1x16xf32> to vector<16xf32>
      %add3A_381 = arith.addf %get3A_376, %get3A_380 : vector<16xf32>
      %swap3A_382 = arith.index_cast %add3A_288 : i32 to index
      %swap3A_383 = arith.constant 96 : index
      %swap3A_384 = tpu.vector_load %arg13[%swap3A_382, %swap3A_383] {strides = array<i32>} : memref<80x128xf32, #tpu.memory_space<vmem>>, vector<1x16xf32>,
      %swap3A_385 = vector.shape_cast %swap3A_384 : vector<1x16xf32> to vector<16xf32>
      %swap3A_386 = vector.shape_cast %add3A_381 : vector<16xf32> to vector<1x16xf32>
      tpu.vector_store %arg13[%swap3A_382, %swap3A_383], %swap3A_386 {strides = array<i32>} : memref<80x128xf32, #tpu.memory_space<vmem>>, vector<1x16xf32>,
      %get3A_387 = arith.index_cast %add3A_288 : i32 to index
      %get3A_388 = arith.constant 112 : index
      %get3A_389 = tpu.vector_load %arg11[%get3A_387, %get3A_388] {strides = array<i32>} : memref<80x128xf32, #tpu.memory_space<vmem>>, vector<1x16xf32>,
      %get3A_390 = vector.shape_cast %get3A_389 : vector<1x16xf32> to vector<16xf32>
      %get3A_391 = arith.index_cast %add3A_288 : i32 to index
      %get3A_392 = arith.constant 112 : index
      %get3A_393 = tpu.vector_load %arg12[%get3A_391, %get3A_392] {strides = array<i32>} : memref<80x128xf32, #tpu.memory_space<vmem>>, vector<1x16xf32>,
      %get3A_394 = vector.shape_cast %get3A_393 : vector<1x16xf32> to vector<16xf32>
      %add3A_395 = arith.addf %get3A_390, %get3A_394 : vector<16xf32>
      %swap3A_396 = arith.index_cast %add3A_288 : i32 to index
      %swap3A_397 = arith.constant 112 : index
      %swap3A_398 = tpu.vector_load %arg13[%swap3A_396, %swap3A_397] {strides = array<i32>} : memref<80x128xf32, #tpu.memory_space<vmem>>, vector<1x16xf32>,
      %swap3A_399 = vector.shape_cast %swap3A_398 : vector<1x16xf32> to vector<16xf32>
      %swap3A_400 = vector.shape_cast %add3A_395 : vector<16xf32> to vector<1x16xf32>
      tpu.vector_store %arg13[%swap3A_396, %swap3A_397], %swap3A_400 {strides = array<i32>} : memref<80x128xf32, #tpu.memory_space<vmem>>, vector<1x16xf32>,
      %mul3A_401 = arith.constant 4 : i32
      %mul3A_402 = arith.muli %mul3A_401, %scan3A_54 : i32
      %add3A_403 = arith.constant 3 : i32
      %add3A_404 = arith.addi %mul3A_402, %add3A_403 : i32
      %get3A_405 = arith.index_cast %add3A_404 : i32 to index
      %get3A_406 = arith.constant 0 : index
      %get3A_407 = tpu.vector_load %arg11[%get3A_405, %get3A_406] {strides = array<i32>} : memref<80x128xf32, #tpu.memory_space<vmem>>, vector<1x16xf32>,
      %get3A_408 = vector.shape_cast %get3A_407 : vector<1x16xf32> to vector<16xf32>
      %get3A_409 = arith.index_cast %add3A_404 : i32 to index
      %get3A_410 = arith.constant 0 : index
      %get3A_411 = tpu.vector_load %arg12[%get3A_409, %get3A_410] {strides = array<i32>} : memref<80x128xf32, #tpu.memory_space<vmem>>, vector<1x16xf32>,
      %get3A_412 = vector.shape_cast %get3A_411 : vector<1x16xf32> to vector<16xf32>
      %add3A_413 = arith.addf %get3A_408, %get3A_412 : vector<16xf32>
      %swap3A_414 = arith.index_cast %add3A_404 : i32 to index
      %swap3A_415 = arith.constant 0 : index
      %swap3A_416 = tpu.vector_load %arg13[%swap3A_414, %swap3A_415] {strides = array<i32>} : memref<80x128xf32, #tpu.memory_space<vmem>>, vector<1x16xf32>,
      %swap3A_417 = vector.shape_cast %swap3A_416 : vector<1x16xf32> to vector<16xf32>
      %swap3A_418 = vector.shape_cast %add3A_413 : vector<16xf32> to vector<1x16xf32>
      tpu.vector_store %arg13[%swap3A_414, %swap3A_415], %swap3A_418 {strides = array<i32>} : memref<80x128xf32, #tpu.memory_space<vmem>>, vector<1x16xf32>,
      %get3A_419 = arith.index_cast %add3A_404 : i32 to index
      %get3A_420 = arith.constant 16 : index
      %get3A_421 = tpu.vector_load %arg11[%get3A_419, %get3A_420] {strides = array<i32>} : memref<80x128xf32, #tpu.memory_space<vmem>>, vector<1x16xf32>,
      %get3A_422 = vector.shape_cast %get3A_421 : vector<1x16xf32> to vector<16xf32>
      %get3A_423 = arith.index_cast %add3A_404 : i32 to index
      %get3A_424 = arith.constant 16 : index
      %get3A_425 = tpu.vector_load %arg12[%get3A_423, %get3A_424] {strides = array<i32>} : memref<80x128xf32, #tpu.memory_space<vmem>>, vector<1x16xf32>,
      %get3A_426 = vector.shape_cast %get3A_425 : vector<1x16xf32> to vector<16xf32>
      %add3A_427 = arith.addf %get3A_422, %get3A_426 : vector<16xf32>
      %swap3A_428 = arith.index_cast %add3A_404 : i32 to index
      %swap3A_429 = arith.constant 16 : index
      %swap3A_430 = tpu.vector_load %arg13[%swap3A_428, %swap3A_429] {strides = array<i32>} : memref<80x128xf32, #tpu.memory_space<vmem>>, vector<1x16xf32>,
      %swap3A_431 = vector.shape_cast %swap3A_430 : vector<1x16xf32> to vector<16xf32>
      %swap3A_432 = vector.shape_cast %add3A_427 : vector<16xf32> to vector<1x16xf32>
      tpu.vector_store %arg13[%swap3A_428, %swap3A_429], %swap3A_432 {strides = array<i32>} : memref<80x128xf32, #tpu.memory_space<vmem>>, vector<1x16xf32>,
      %get3A_433 = arith.index_cast %add3A_404 : i32 to index
      %get3A_434 = arith.constant 32 : index
      %get3A_435 = tpu.vector_load %arg11[%get3A_433, %get3A_434] {strides = array<i32>} : memref<80x128xf32, #tpu.memory_space<vmem>>, vector<1x16xf32>,
      %get3A_436 = vector.shape_cast %get3A_435 : vector<1x16xf32> to vector<16xf32>
      %get3A_437 = arith.index_cast %add3A_404 : i32 to index
      %get3A_438 = arith.constant 32 : index
      %get3A_439 = tpu.vector_load %arg12[%get3A_437, %get3A_438] {strides = array<i32>} : memref<80x128xf32, #tpu.memory_space<vmem>>, vector<1x16xf32>,
      %get3A_440 = vector.shape_cast %get3A_439 : vector<1x16xf32> to vector<16xf32>
      %add3A_441 = arith.addf %get3A_436, %get3A_440 : vector<16xf32>
      %swap3A_442 = arith.index_cast %add3A_404 : i32 to index
      %swap3A_443 = arith.constant 32 : index
      %swap3A_444 = tpu.vector_load %arg13[%swap3A_442, %swap3A_443] {strides = array<i32>} : memref<80x128xf32, #tpu.memory_space<vmem>>, vector<1x16xf32>,
      %swap3A_445 = vector.shape_cast %swap3A_444 : vector<1x16xf32> to vector<16xf32>
      %swap3A_446 = vector.shape_cast %add3A_441 : vector<16xf32> to vector<1x16xf32>
      tpu.vector_store %arg13[%swap3A_442, %swap3A_443], %swap3A_446 {strides = array<i32>} : memref<80x128xf32, #tpu.memory_space<vmem>>, vector<1x16xf32>,
      %get3A_447 = arith.index_cast %add3A_404 : i32 to index
      %get3A_448 = arith.constant 48 : index
      %get3A_449 = tpu.vector_load %arg11[%get3A_447, %get3A_448] {strides = array<i32>} : memref<80x128xf32, #tpu.memory_space<vmem>>, vector<1x16xf32>,
      %get3A_450 = vector.shape_cast %get3A_449 : vector<1x16xf32> to vector<16xf32>
      %get3A_451 = arith.index_cast %add3A_404 : i32 to index
      %get3A_452 = arith.constant 48 : index
      %get3A_453 = tpu.vector_load %arg12[%get3A_451, %get3A_452] {strides = array<i32>} : memref<80x128xf32, #tpu.memory_space<vmem>>, vector<1x16xf32>,
      %get3A_454 = vector.shape_cast %get3A_453 : vector<1x16xf32> to vector<16xf32>
      %add3A_455 = arith.addf %get3A_450, %get3A_454 : vector<16xf32>
      %swap3A_456 = arith.index_cast %add3A_404 : i32 to index
      %swap3A_457 = arith.constant 48 : index
      %swap3A_458 = tpu.vector_load %arg13[%swap3A_456, %swap3A_457] {strides = array<i32>} : memref<80x128xf32, #tpu.memory_space<vmem>>, vector<1x16xf32>,
      %swap3A_459 = vector.shape_cast %swap3A_458 : vector<1x16xf32> to vector<16xf32>
      %swap3A_460 = vector.shape_cast %add3A_455 : vector<16xf32> to vector<1x16xf32>
      tpu.vector_store %arg13[%swap3A_456, %swap3A_457], %swap3A_460 {strides = array<i32>} : memref<80x128xf32, #tpu.memory_space<vmem>>, vector<1x16xf32>,
      %get3A_461 = arith.index_cast %add3A_404 : i32 to index
      %get3A_462 = arith.constant 64 : index
      %get3A_463 = tpu.vector_load %arg11[%get3A_461, %get3A_462] {strides = array<i32>} : memref<80x128xf32, #tpu.memory_space<vmem>>, vector<1x16xf32>,
      %get3A_464 = vector.shape_cast %get3A_463 : vector<1x16xf32> to vector<16xf32>
      %get3A_465 = arith.index_cast %add3A_404 : i32 to index
      %get3A_466 = arith.constant 64 : index
      %get3A_467 = tpu.vector_load %arg12[%get3A_465, %get3A_466] {strides = array<i32>} : memref<80x128xf32, #tpu.memory_space<vmem>>, vector<1x16xf32>,
      %get3A_468 = vector.shape_cast %get3A_467 : vector<1x16xf32> to vector<16xf32>
      %add3A_469 = arith.addf %get3A_464, %get3A_468 : vector<16xf32>
      %swap3A_470 = arith.index_cast %add3A_404 : i32 to index
      %swap3A_471 = arith.constant 64 : index
      %swap3A_472 = tpu.vector_load %arg13[%swap3A_470, %swap3A_471] {strides = array<i32>} : memref<80x128xf32, #tpu.memory_space<vmem>>, vector<1x16xf32>,
      %swap3A_473 = vector.shape_cast %swap3A_472 : vector<1x16xf32> to vector<16xf32>
      %swap3A_474 = vector.shape_cast %add3A_469 : vector<16xf32> to vector<1x16xf32>
      tpu.vector_store %arg13[%swap3A_470, %swap3A_471], %swap3A_474 {strides = array<i32>} : memref<80x128xf32, #tpu.memory_space<vmem>>, vector<1x16xf32>,
      %get3A_475 = arith.index_cast %add3A_404 : i32 to index
      %get3A_476 = arith.constant 80 : index
      %get3A_477 = tpu.vector_load %arg11[%get3A_475, %get3A_476] {strides = array<i32>} : memref<80x128xf32, #tpu.memory_space<vmem>>, vector<1x16xf32>,
      %get3A_478 = vector.shape_cast %get3A_477 : vector<1x16xf32> to vector<16xf32>
      %get3A_479 = arith.index_cast %add3A_404 : i32 to index
      %get3A_480 = arith.constant 80 : index
      %get3A_481 = tpu.vector_load %arg12[%get3A_479, %get3A_480] {strides = array<i32>} : memref<80x128xf32, #tpu.memory_space<vmem>>, vector<1x16xf32>,
      %get3A_482 = vector.shape_cast %get3A_481 : vector<1x16xf32> to vector<16xf32>
      %add3A_483 = arith.addf %get3A_478, %get3A_482 : vector<16xf32>
      %swap3A_484 = arith.index_cast %add3A_404 : i32 to index
      %swap3A_485 = arith.constant 80 : index
      %swap3A_486 = tpu.vector_load %arg13[%swap3A_484, %swap3A_485] {strides = array<i32>} : memref<80x128xf32, #tpu.memory_space<vmem>>, vector<1x16xf32>,
      %swap3A_487 = vector.shape_cast %swap3A_486 : vector<1x16xf32> to vector<16xf32>
      %swap3A_488 = vector.shape_cast %add3A_483 : vector<16xf32> to vector<1x16xf32>
      tpu.vector_store %arg13[%swap3A_484, %swap3A_485], %swap3A_488 {strides = array<i32>} : memref<80x128xf32, #tpu.memory_space<vmem>>, vector<1x16xf32>,
      %get3A_489 = arith.index_cast %add3A_404 : i32 to index
      %get3A_490 = arith.constant 96 : index
      %get3A_491 = tpu.vector_load %arg11[%get3A_489, %get3A_490] {strides = array<i32>} : memref<80x128xf32, #tpu.memory_space<vmem>>, vector<1x16xf32>,
      %get3A_492 = vector.shape_cast %get3A_491 : vector<1x16xf32> to vector<16xf32>
      %get3A_493 = arith.index_cast %add3A_404 : i32 to index
      %get3A_494 = arith.constant 96 : index
      %get3A_495 = tpu.vector_load %arg12[%get3A_493, %get3A_494] {strides = array<i32>} : memref<80x128xf32, #tpu.memory_space<vmem>>, vector<1x16xf32>,
      %get3A_496 = vector.shape_cast %get3A_495 : vector<1x16xf32> to vector<16xf32>
      %add3A_497 = arith.addf %get3A_492, %get3A_496 : vector<16xf32>
      %swap3A_498 = arith.index_cast %add3A_404 : i32 to index
      %swap3A_499 = arith.constant 96 : index
      %swap3A_500 = tpu.vector_load %arg13[%swap3A_498, %swap3A_499] {strides = array<i32>} : memref<80x128xf32, #tpu.memory_space<vmem>>, vector<1x16xf32>,
      %swap3A_501 = vector.shape_cast %swap3A_500 : vector<1x16xf32> to vector<16xf32>
      %swap3A_502 = vector.shape_cast %add3A_497 : vector<16xf32> to vector<1x16xf32>
      tpu.vector_store %arg13[%swap3A_498, %swap3A_499], %swap3A_502 {strides = array<i32>} : memref<80x128xf32, #tpu.memory_space<vmem>>, vector<1x16xf32>,
      %get3A_503 = arith.index_cast %add3A_404 : i32 to index
      %get3A_504 = arith.constant 112 : index
      %get3A_505 = tpu.vector_load %arg11[%get3A_503, %get3A_504] {strides = array<i32>} : memref<80x128xf32, #tpu.memory_space<vmem>>, vector<1x16xf32>,
      %get3A_506 = vector.shape_cast %get3A_505 : vector<1x16xf32> to vector<16xf32>
      %get3A_507 = arith.index_cast %add3A_404 : i32 to index
      %get3A_508 = arith.constant 112 : index
      %get3A_509 = tpu.vector_load %arg12[%get3A_507, %get3A_508] {strides = array<i32>} : memref<80x128xf32, #tpu.memory_space<vmem>>, vector<1x16xf32>,
      %get3A_510 = vector.shape_cast %get3A_509 : vector<1x16xf32> to vector<16xf32>
      %add3A_511 = arith.addf %get3A_506, %get3A_510 : vector<16xf32>
      %swap3A_512 = arith.index_cast %add3A_404 : i32 to index
      %swap3A_513 = arith.constant 112 : index
      %swap3A_514 = tpu.vector_load %arg13[%swap3A_512, %swap3A_513] {strides = array<i32>} : memref<80x128xf32, #tpu.memory_space<vmem>>, vector<1x16xf32>,
      %swap3A_515 = vector.shape_cast %swap3A_514 : vector<1x16xf32> to vector<16xf32>
      %swap3A_516 = vector.shape_cast %add3A_511 : vector<16xf32> to vector<1x16xf32>
      tpu.vector_store %arg13[%swap3A_512, %swap3A_513], %swap3A_516 {strides = array<i32>} : memref<80x128xf32, #tpu.memory_space<vmem>>, vector<1x16xf32>,
    }
    %scan3A_39 = arith.constant 20 : i32
    %add3A_40 = arith.constant 9920 : i32
    %add3A_41 = arith.addi %mul3A_2, %add3A_40 : i32
    "tpu.region"() ({
      %run_scoped3A = tpu.sem_alloc : memref<!tpu.dma_semaphore, #tpu.memory_space<semaphore_mem>>
      %dma_start3A_54 = arith.constant 0 : i32
      %dma_start3A_55 = tpu.memref_slice %arg6[%add3A_41, %dma_start3A_54] : memref<320000x128xf32, #tpu.memory_space<hbm>> -> memref<80x128xf32, #tpu.memory_space<hbm>>
      %dma_start3A_56 = arith.constant 0 : i32
      %dma_start3A_57 = tpu.memref_slice %arg6[%add3A_41, %dma_start3A_56] : memref<320000x128xf32, #tpu.memory_space<hbm>> -> memref<80x128xf32, #tpu.memory_space<hbm>>
      tpu.enqueue_dma source(%arg13 : memref<80x128xf32, #tpu.memory_space<vmem>>) target(%dma_start3A_57 : memref<80x128xf32, #tpu.memory_space<hbm>>) target_semaphore(%run_scoped3A : memref<!tpu.dma_semaphore, #tpu.memory_space<semaphore_mem>>)
      %dma_wait3A_58 = arith.constant 0 : i32
      %dma_wait3A_59 = tpu.memref_slice %arg6[%add3A_41, %dma_wait3A_58] : memref<320000x128xf32, #tpu.memory_space<hbm>> -> memref<80x128xf32, #tpu.memory_space<hbm>>
      %dma_wait3A_60 = arith.constant 0 : i32
      %dma_wait3A_61 = tpu.memref_slice %arg6[%add3A_41, %dma_wait3A_60] : memref<320000x128xf32, #tpu.memory_space<hbm>> -> memref<80x128xf32, #tpu.memory_space<hbm>>
      tpu.wait_dma2 semaphore(%run_scoped3A : memref<!tpu.dma_semaphore, #tpu.memory_space<semaphore_mem>>) src(%arg13 : memref<80x128xf32, #tpu.memory_space<vmem>>) dst(%dma_wait3A_61 : memref<80x128xf32, #tpu.memory_space<hbm>>)
      tpu.yield
    }) : () -> ()
    %dma_wait3A_42 = arith.constant 0 : i32
    %dma_wait3A_43 = arith.constant 0 : i32
    %dma_wait3A_44 = tpu.memref_slice %arg2[%dma_wait3A_42, %dma_wait3A_43] : memref<10000x128xf32, #tpu.memory_space<hbm>> -> memref<10000x128xf32, #tpu.memory_space<hbm>>
    tpu.wait_indirect_dma semaphore(%arg23 : memref<!tpu.dma_semaphore, #tpu.memory_space<semaphore_mem>>) src(%dma_wait3A_44 : memref<10000x128xf32, #tpu.memory_space<hbm>>) dst(%arg14 : memref<80x128xf32, #tpu.memory_space<vmem>>)
    %dma_wait3A_45 = arith.constant 0 : i32
    %dma_wait3A_46 = arith.constant 0 : i32
    %dma_wait3A_47 = tpu.memref_slice %arg3[%dma_wait3A_45, %dma_wait3A_46] : memref<10000x128xf32, #tpu.memory_space<hbm>> -> memref<10000x128xf32, #tpu.memory_space<hbm>>
    tpu.wait_indirect_dma semaphore(%arg24 : memref<!tpu.dma_semaphore, #tpu.memory_space<semaphore_mem>>) src(%dma_wait3A_47 : memref<10000x128xf32, #tpu.memory_space<hbm>>) dst(%arg15 : memref<80x128xf32, #tpu.memory_space<vmem>>)
    %add3A_48 = arith.constant 9840 : i32
    %add3A_49 = arith.addi %mul3A_2, %add3A_48 : i32
    %dma_wait3A_50 = arith.constant 0 : i32
    %dma_wait3A_51 = tpu.memref_slice %arg6[%add3A_49, %dma_wait3A_50] : memref<320000x128xf32, #tpu.memory_space<hbm>> -> memref<80x128xf32, #tpu.memory_space<hbm>>
    %dma_wait3A_52 = arith.constant 0 : i32
    %dma_wait3A_53 = tpu.memref_slice %arg6[%add3A_49, %dma_wait3A_52] : memref<320000x128xf32, #tpu.memory_space<hbm>> -> memref<80x128xf32, #tpu.memory_space<hbm>>
    tpu.wait_dma2 semaphore(%arg26 : memref<!tpu.dma_semaphore, #tpu.memory_space<semaphore_mem>>) src(%arg16 : memref<80x128xf32, #tpu.memory_space<vmem>>) dst(%dma_wait3A_53 : memref<80x128xf32, #tpu.memory_space<hbm>>)
    return
  }
}

module attributes {stable_mosaic.version = 14 : i64} {
  func.func @_p3_body(%arg0: i32, %arg1: memref<8000x128xf32, #tpu.memory_space<vmem>>, %arg2: memref<8000x16xf32, #tpu.memory_space<vmem>>, %arg3: memref<16x128xf32, #tpu.memory_space<vmem>>, %arg4: memref<1x128xf32, #tpu.memory_space<vmem>>, %arg5: memref<8000x128xbf16, #tpu.memory_space<vmem>>, %arg6: memref<2x128xf32, #tpu.memory_space<vmem>>, %arg7: memref<2x128xf32, #tpu.memory_space<vmem>>) attributes {dimension_semantics = [#tpu.dimension_semantics<arbitrary>], iteration_bounds = array<i64: 40>, scalar_prefetch = 0 : i64, scratch_operands = 1 : i64, tpu.core_type = #tpu.core_type<tc>, window_params = [{transform_indices = @transform_0, window_bounds = array<i64: 8000, 128>}, {transform_indices = @transform_1, window_bounds = array<i64: 8000, 16>}, {pipeline_mode = #tpu.pipeline_mode<synchronous>, transform_indices = @transform_2, window_bounds = array<i64: 16, 128>}, {pipeline_mode = #tpu.pipeline_mode<synchronous>, transform_indices = @transform_3, window_bounds = array<i64: 1, 128>}, {transform_indices = @transform_4, window_bounds = array<i64: 8000, 128>}, {pipeline_mode = #tpu.pipeline_mode<synchronous>, transform_indices = @transform_5, window_bounds = array<i64: 2, 128>}]} {
    %get3A = arith.constant 0 : index
    %get3A_0 = arith.constant 0 : index
    %get3A_1 = vector.load %arg1[%get3A, %get3A_0] : memref<8000x128xf32, #tpu.memory_space<vmem>>, vector<8000x128xf32>
    %get3A_2 = arith.constant 0 : index
    %get3A_3 = arith.constant 0 : index
    %get3A_4 = vector.load %arg2[%get3A_2, %get3A_3] : memref<8000x16xf32, #tpu.memory_space<vmem>>, vector<8000x16xf32>
    %get3A_5 = arith.constant 0 : index
    %get3A_6 = arith.constant 0 : index
    %get3A_7 = vector.load %arg3[%get3A_5, %get3A_6] : memref<16x128xf32, #tpu.memory_space<vmem>>, vector<16x128xf32>
    %dot_general3A = arith.constant dense<0.000000e+00> : vector<8000x128xf32>
    %dot_general3A_8 = tpu.matmul %get3A_4, %get3A_7, %dot_general3A {dimension_numbers = #tpu.dot_dimension_numbers<[1], [0], [0], [1], [0, 0, 1, 1], [], []>, transpose_lhs_hint = false} : vector<8000x16xf32>, vector<16x128xf32>, vector<8000x128xf32> -> vector<8000x128xf32>
    %add3A = arith.addf %get3A_1, %dot_general3A_8 : vector<8000x128xf32>
    %get3A_9 = arith.constant 0 : index
    %get3A_10 = arith.constant 0 : index
    %get3A_11 = vector.load %arg4[%get3A_9, %get3A_10] : memref<1x128xf32, #tpu.memory_space<vmem>>, vector<1x128xf32>
    %add3A_12 = vector.broadcast %get3A_11 : vector<1x128xf32> to vector<8000x128xf32>
    %add3A_13 = arith.addf %add3A, %add3A_12 : vector<8000x128xf32>
    %convert_element_type3A = arith.truncf %add3A_13 : vector<8000x128xf32> to vector<8000x128xbf16>
    %swap3A = arith.constant 0 : index
    %swap3A_14 = arith.constant 0 : index
    %swap3A_15 = vector.load %arg5[%swap3A, %swap3A_14] : memref<8000x128xbf16, #tpu.memory_space<vmem>>, vector<8000x128xbf16>
    tpu.vector_store %arg5[%swap3A, %swap3A_14], %convert_element_type3A {strides = array<i32>} : memref<8000x128xbf16, #tpu.memory_space<vmem>>, vector<8000x128xbf16>,
    %reduce_sum3A = arith.constant dense<0.000000e+00> : vector<128xf32>
    %reduce_sum3A_16 = vector.multi_reduction <add>, %add3A_13, %reduce_sum3A [0] : vector<8000x128xf32> to vector<128xf32>
    %broadcast_in_dim3A = vector.shape_cast %reduce_sum3A_16 : vector<128xf32> to vector<1x128xf32>
    %mul3A = arith.mulf %add3A_13, %add3A_13 : vector<8000x128xf32>
    %reduce_sum3A_17 = arith.constant dense<0.000000e+00> : vector<128xf32>
    %reduce_sum3A_18 = vector.multi_reduction <add>, %mul3A, %reduce_sum3A_17 [0] : vector<8000x128xf32> to vector<128xf32>
    %broadcast_in_dim3A_19 = vector.shape_cast %reduce_sum3A_18 : vector<128xf32> to vector<1x128xf32>
    %concatenate3A = tpu.concatenate %broadcast_in_dim3A, %broadcast_in_dim3A_19 in 0 : vector<1x128xf32>, vector<1x128xf32> -> vector<2x128xf32>
    %eq3A = arith.constant 0 : i32
    %eq3A_20 = arith.cmpi eq, %arg0, %eq3A : i32
    %convert_element_type3A_21 = arith.extui %eq3A_20 : i1 to i32
    %cond3A = arith.constant 0 : i32
    %cond3A_22 = arith.cmpi ne, %convert_element_type3A_21, %cond3A : i32
    scf.if %cond3A_22 {
      %broadcast_in_dim3A_35 = arith.constant 0.000000e+00 : f32
      %broadcast_in_dim3A_36 = vector.broadcast %broadcast_in_dim3A_35 : f32 to vector<2x128xf32>
      %swap3A_37 = arith.constant 0 : index
      %swap3A_38 = arith.constant 0 : index
      %swap3A_39 = vector.load %arg7[%swap3A_37, %swap3A_38] : memref<2x128xf32, #tpu.memory_space<vmem>>, vector<2x128xf32>
      tpu.vector_store %arg7[%swap3A_37, %swap3A_38], %broadcast_in_dim3A_36 {strides = array<i32>} : memref<2x128xf32, #tpu.memory_space<vmem>>, vector<2x128xf32>,
    } else {
    }
    %get3A_23 = arith.constant 0 : index
    %get3A_24 = arith.constant 0 : index
    %get3A_25 = vector.load %arg7[%get3A_23, %get3A_24] : memref<2x128xf32, #tpu.memory_space<vmem>>, vector<2x128xf32>
    %add3A_26 = arith.addf %get3A_25, %concatenate3A : vector<2x128xf32>
    %swap3A_27 = arith.constant 0 : index
    %swap3A_28 = arith.constant 0 : index
    %swap3A_29 = vector.load %arg7[%swap3A_27, %swap3A_28] : memref<2x128xf32, #tpu.memory_space<vmem>>, vector<2x128xf32>
    tpu.vector_store %arg7[%swap3A_27, %swap3A_28], %add3A_26 {strides = array<i32>} : memref<2x128xf32, #tpu.memory_space<vmem>>, vector<2x128xf32>,
    %eq3A_30 = arith.constant 39 : i32
    %eq3A_31 = arith.cmpi eq, %arg0, %eq3A_30 : i32
    %convert_element_type3A_32 = arith.extui %eq3A_31 : i1 to i32
    %cond3A_33 = arith.constant 0 : i32
    %cond3A_34 = arith.cmpi ne, %convert_element_type3A_32, %cond3A_33 : i32
    scf.if %cond3A_34 {
      %get3A_35 = arith.constant 0 : index
      %get3A_36 = arith.constant 0 : index
      %get3A_37 = vector.load %arg7[%get3A_35, %get3A_36] : memref<2x128xf32, #tpu.memory_space<vmem>>, vector<2x128xf32>
      %swap3A_38 = arith.constant 0 : index
      %swap3A_39 = arith.constant 0 : index
      %swap3A_40 = vector.load %arg6[%swap3A_38, %swap3A_39] : memref<2x128xf32, #tpu.memory_space<vmem>>, vector<2x128xf32>
      tpu.vector_store %arg6[%swap3A_38, %swap3A_39], %get3A_37 {strides = array<i32>} : memref<2x128xf32, #tpu.memory_space<vmem>>, vector<2x128xf32>,
    } else {
    }
    return
  }
  func.func @transform_0(%arg0: i32) -> (i32, i32) {
    %c0_i32 = arith.constant 0 : i32
    %c0_i32_0 = arith.constant 0 : i32
    return %arg0, %c0_i32 : i32, i32
  }
  func.func @transform_1(%arg0: i32) -> (i32, i32) {
    %c0_i32 = arith.constant 0 : i32
    %c0_i32_0 = arith.constant 0 : i32
    return %arg0, %c0_i32 : i32, i32
  }
  func.func @transform_2(%arg0: i32) -> (i32, i32) {
    %c0_i32 = arith.constant 0 : i32
    %c0_i32_0 = arith.constant 0 : i32
    %c0_i32_1 = arith.constant 0 : i32
    return %c0_i32, %c0_i32_0 : i32, i32
  }
  func.func @transform_3(%arg0: i32) -> (i32, i32) {
    %c0_i32 = arith.constant 0 : i32
    %c0_i32_0 = arith.constant 0 : i32
    %c0_i32_1 = arith.constant 0 : i32
    return %c0_i32, %c0_i32_0 : i32, i32
  }
  func.func @transform_4(%arg0: i32) -> (i32, i32) {
    %c0_i32 = arith.constant 0 : i32
    %c0_i32_0 = arith.constant 0 : i32
    return %arg0, %c0_i32 : i32, i32
  }
  func.func @transform_5(%arg0: i32) -> (i32, i32) {
    %c0_i32 = arith.constant 0 : i32
    %c0_i32_0 = arith.constant 0 : i32
    %c0_i32_1 = arith.constant 0 : i32
    return %c0_i32, %c0_i32_0 : i32, i32
  }
}

module attributes {stable_mosaic.version = 14 : i64} {
  func.func @_p1_body(%arg0: i32, %arg1: memref<10000x128xf32, #tpu.memory_space<vmem>>, %arg2: memref<128x128xf32, #tpu.memory_space<vmem>>, %arg3: memref<128x128xf32, #tpu.memory_space<vmem>>, %arg4: memref<10000x128xf32, #tpu.memory_space<vmem>>, %arg5: memref<10000x128xf32, #tpu.memory_space<vmem>>) attributes {dimension_semantics = [#tpu.dimension_semantics<arbitrary>], iteration_bounds = array<i64: 1>, scalar_prefetch = 0 : i64, scratch_operands = 0 : i64, tpu.core_type = #tpu.core_type<tc>, window_params = [{transform_indices = @transform_0, window_bounds = array<i64: 10000, 128>}, {pipeline_mode = #tpu.pipeline_mode<synchronous>, transform_indices = @transform_1, window_bounds = array<i64: 128, 128>}, {pipeline_mode = #tpu.pipeline_mode<synchronous>, transform_indices = @transform_2, window_bounds = array<i64: 128, 128>}, {transform_indices = @transform_3, window_bounds = array<i64: 10000, 128>}, {transform_indices = @transform_4, window_bounds = array<i64: 10000, 128>}]} {
    %get3A = arith.constant 0 : index
    %get3A_0 = arith.constant 0 : index
    %get3A_1 = vector.load %arg1[%get3A, %get3A_0] : memref<10000x128xf32, #tpu.memory_space<vmem>>, vector<10000x128xf32>
    %get3A_2 = arith.constant 0 : index
    %get3A_3 = arith.constant 0 : index
    %get3A_4 = vector.load %arg2[%get3A_2, %get3A_3] : memref<128x128xf32, #tpu.memory_space<vmem>>, vector<128x128xf32>
    %dot_general3A = arith.constant dense<0.000000e+00> : vector<10000x128xf32>
    %dot_general3A_5 = tpu.matmul %get3A_1, %get3A_4, %dot_general3A {dimension_numbers = #tpu.dot_dimension_numbers<[1], [0], [0], [1], [0, 0, 1, 1], [], []>, transpose_lhs_hint = false} : vector<10000x128xf32>, vector<128x128xf32>, vector<10000x128xf32> -> vector<10000x128xf32>
    %swap3A = arith.constant 0 : index
    %swap3A_6 = arith.constant 0 : index
    %swap3A_7 = vector.load %arg4[%swap3A, %swap3A_6] : memref<10000x128xf32, #tpu.memory_space<vmem>>, vector<10000x128xf32>
    tpu.vector_store %arg4[%swap3A, %swap3A_6], %dot_general3A_5 {strides = array<i32>} : memref<10000x128xf32, #tpu.memory_space<vmem>>, vector<10000x128xf32>,
    %get3A_8 = arith.constant 0 : index
    %get3A_9 = arith.constant 0 : index
    %get3A_10 = vector.load %arg3[%get3A_8, %get3A_9] : memref<128x128xf32, #tpu.memory_space<vmem>>, vector<128x128xf32>
    %dot_general3A_11 = arith.constant dense<0.000000e+00> : vector<10000x128xf32>
    %dot_general3A_12 = tpu.matmul %get3A_1, %get3A_10, %dot_general3A_11 {dimension_numbers = #tpu.dot_dimension_numbers<[1], [0], [0], [1], [0, 0, 1, 1], [], []>, transpose_lhs_hint = false} : vector<10000x128xf32>, vector<128x128xf32>, vector<10000x128xf32> -> vector<10000x128xf32>
    %swap3A_13 = arith.constant 0 : index
    %swap3A_14 = arith.constant 0 : index
    %swap3A_15 = vector.load %arg5[%swap3A_13, %swap3A_14] : memref<10000x128xf32, #tpu.memory_space<vmem>>, vector<10000x128xf32>
    tpu.vector_store %arg5[%swap3A_13, %swap3A_14], %dot_general3A_12 {strides = array<i32>} : memref<10000x128xf32, #tpu.memory_space<vmem>>, vector<10000x128xf32>,
    return
  }
  func.func @transform_0(%arg0: i32) -> (i32, i32) {
    %c0_i32 = arith.constant 0 : i32
    %c0_i32_0 = arith.constant 0 : i32
    return %arg0, %c0_i32 : i32, i32
  }
  func.func @transform_1(%arg0: i32) -> (i32, i32) {
    %c0_i32 = arith.constant 0 : i32
    %c0_i32_0 = arith.constant 0 : i32
    %c0_i32_1 = arith.constant 0 : i32
    return %c0_i32, %c0_i32_0 : i32, i32
  }
  func.func @transform_2(%arg0: i32) -> (i32, i32) {
    %c0_i32 = arith.constant 0 : i32
    %c0_i32_0 = arith.constant 0 : i32
    %c0_i32_1 = arith.constant 0 : i32
    return %c0_i32, %c0_i32_0 : i32, i32
  }
  func.func @transform_3(%arg0: i32) -> (i32, i32) {
    %c0_i32 = arith.constant 0 : i32
    %c0_i32_0 = arith.constant 0 : i32
    return %arg0, %c0_i32 : i32, i32
  }
  func.func @transform_4(%arg0: i32) -> (i32, i32) {
    %c0_i32 = arith.constant 0 : i32
    %c0_i32_0 = arith.constant 0 : i32
    return %arg0, %c0_i32 : i32, i32
  }
}

module attributes {stable_mosaic.version = 14 : i64} {
  func.func @_p4_body(%arg0: i32, %arg1: memref<8000x128xbf16, #tpu.memory_space<vmem>>, %arg2: memref<2x128xf32, #tpu.memory_space<vmem>>, %arg3: memref<1x128xf32, #tpu.memory_space<vmem>>, %arg4: memref<1x128xf32, #tpu.memory_space<vmem>>, %arg5: memref<2x128xf32, #tpu.memory_space<vmem>>, %arg6: memref<2x128xf32, #tpu.memory_space<vmem>>) attributes {dimension_semantics = [#tpu.dimension_semantics<arbitrary>], iteration_bounds = array<i64: 40>, scalar_prefetch = 0 : i64, scratch_operands = 1 : i64, tpu.core_type = #tpu.core_type<tc>, window_params = [{transform_indices = @transform_0, window_bounds = array<i64: 8000, 128>}, {pipeline_mode = #tpu.pipeline_mode<synchronous>, transform_indices = @transform_1, window_bounds = array<i64: 2, 128>}, {pipeline_mode = #tpu.pipeline_mode<synchronous>, transform_indices = @transform_2, window_bounds = array<i64: 1, 128>}, {pipeline_mode = #tpu.pipeline_mode<synchronous>, transform_indices = @transform_3, window_bounds = array<i64: 1, 128>}, {pipeline_mode = #tpu.pipeline_mode<synchronous>, transform_indices = @transform_4, window_bounds = array<i64: 2, 128>}]} {
    %get3A = arith.constant 0 : index
    %get3A_0 = arith.constant 0 : index
    %get3A_1 = vector.load %arg2[%get3A, %get3A_0] : memref<2x128xf32, #tpu.memory_space<vmem>>, vector<2x128xf32>
    %get3A_2 = arith.constant 0 : index
    %get3A_3 = arith.constant 0 : index
    %get3A_4 = vector.load %arg3[%get3A_2, %get3A_3] : memref<1x128xf32, #tpu.memory_space<vmem>>, vector<1x128xf32>
    %get3A_5 = arith.constant 0 : index
    %get3A_6 = arith.constant 0 : index
    %get3A_7 = vector.load %arg4[%get3A_5, %get3A_6] : memref<1x128xf32, #tpu.memory_space<vmem>>, vector<1x128xf32>
    %slice3A = vector.extract_strided_slice %get3A_1 {offsets = [0, 0], sizes = [1, 128], strides = [1, 1]} : vector<2x128xf32> to vector<1x128xf32>
    %div3A = arith.constant 3.200000e+05 : f32
    %div3A_8 = vector.broadcast %div3A : f32 to vector<1x128xf32>
    %div3A_9 = arith.divf %slice3A, %div3A_8 : vector<1x128xf32>
    %slice3A_10 = vector.extract_strided_slice %get3A_1 {offsets = [1, 0], sizes = [1, 128], strides = [1, 1]} : vector<2x128xf32> to vector<1x128xf32>
    %div3A_11 = arith.constant 3.200000e+05 : f32
    %div3A_12 = vector.broadcast %div3A_11 : f32 to vector<1x128xf32>
    %div3A_13 = arith.divf %slice3A_10, %div3A_12 : vector<1x128xf32>
    %mul3A = arith.mulf %div3A_9, %div3A_9 : vector<1x128xf32>
    %sub3A = arith.subf %div3A_13, %mul3A : vector<1x128xf32>
    %add3A = arith.constant 9.99999974E-6 : f32
    %add3A_14 = vector.broadcast %add3A : f32 to vector<1x128xf32>
    %add3A_15 = arith.addf %sub3A, %add3A_14 : vector<1x128xf32>
    %rsqrt3A = math.rsqrt %add3A_15 : vector<1x128xf32>
    %mul3A_16 = arith.mulf %get3A_4, %rsqrt3A : vector<1x128xf32>
    %mul3A_17 = arith.mulf %div3A_9, %mul3A_16 : vector<1x128xf32>
    %sub3A_18 = arith.subf %get3A_7, %mul3A_17 : vector<1x128xf32>
    %get3A_19 = arith.constant 0 : index
    %get3A_20 = arith.constant 0 : index
    %get3A_21 = vector.load %arg1[%get3A_19, %get3A_20] : memref<8000x128xbf16, #tpu.memory_space<vmem>>, vector<8000x128xbf16>
    %convert_element_type3A = arith.extf %get3A_21 : vector<8000x128xbf16> to vector<8000x128xf32>
    %mul3A_22 = vector.broadcast %mul3A_16 : vector<1x128xf32> to vector<8000x128xf32>
    %mul3A_23 = arith.mulf %convert_element_type3A, %mul3A_22 : vector<8000x128xf32>
    %add3A_24 = vector.broadcast %sub3A_18 : vector<1x128xf32> to vector<8000x128xf32>
    %add3A_25 = arith.addf %mul3A_23, %add3A_24 : vector<8000x128xf32>
    %logistic3A = arith.negf %add3A_25 : vector<8000x128xf32>
    %logistic3A_26 = math.exp %logistic3A : vector<8000x128xf32>
    %logistic3A_27 = arith.constant 1.000000e+00 : f32
    %logistic3A_28 = vector.broadcast %logistic3A_27 : f32 to vector<8000x128xf32>
    %logistic3A_29 = arith.addf %logistic3A_28, %logistic3A_26 : vector<8000x128xf32>
    %logistic3A_30 = arith.divf %logistic3A_28, %logistic3A_29 : vector<8000x128xf32>
    %reduce_sum3A = arith.constant dense<0.000000e+00> : vector<128xf32>
    %reduce_sum3A_31 = vector.multi_reduction <add>, %logistic3A_30, %reduce_sum3A [0] : vector<8000x128xf32> to vector<128xf32>
    %broadcast_in_dim3A = vector.shape_cast %reduce_sum3A_31 : vector<128xf32> to vector<1x128xf32>
    %mul3A_32 = arith.mulf %logistic3A_30, %logistic3A_30 : vector<8000x128xf32>
    %reduce_sum3A_33 = arith.constant dense<0.000000e+00> : vector<128xf32>
    %reduce_sum3A_34 = vector.multi_reduction <add>, %mul3A_32, %reduce_sum3A_33 [0] : vector<8000x128xf32> to vector<128xf32>
    %broadcast_in_dim3A_35 = vector.shape_cast %reduce_sum3A_34 : vector<128xf32> to vector<1x128xf32>
    %concatenate3A = tpu.concatenate %broadcast_in_dim3A, %broadcast_in_dim3A_35 in 0 : vector<1x128xf32>, vector<1x128xf32> -> vector<2x128xf32>
    %eq3A = arith.constant 0 : i32
    %eq3A_36 = arith.cmpi eq, %arg0, %eq3A : i32
    %convert_element_type3A_37 = arith.extui %eq3A_36 : i1 to i32
    %cond3A = arith.constant 0 : i32
    %cond3A_38 = arith.cmpi ne, %convert_element_type3A_37, %cond3A : i32
    scf.if %cond3A_38 {
      %broadcast_in_dim3A_50 = arith.constant 0.000000e+00 : f32
      %broadcast_in_dim3A_51 = vector.broadcast %broadcast_in_dim3A_50 : f32 to vector<2x128xf32>
      %swap3A_52 = arith.constant 0 : index
      %swap3A_53 = arith.constant 0 : index
      %swap3A_54 = vector.load %arg6[%swap3A_52, %swap3A_53] : memref<2x128xf32, #tpu.memory_space<vmem>>, vector<2x128xf32>
      tpu.vector_store %arg6[%swap3A_52, %swap3A_53], %broadcast_in_dim3A_51 {strides = array<i32>} : memref<2x128xf32, #tpu.memory_space<vmem>>, vector<2x128xf32>,
    } else {
    }
    %get3A_39 = arith.constant 0 : index
    %get3A_40 = arith.constant 0 : index
    %get3A_41 = vector.load %arg6[%get3A_39, %get3A_40] : memref<2x128xf32, #tpu.memory_space<vmem>>, vector<2x128xf32>
    %add3A_42 = arith.addf %get3A_41, %concatenate3A : vector<2x128xf32>
    %swap3A = arith.constant 0 : index
    %swap3A_43 = arith.constant 0 : index
    %swap3A_44 = vector.load %arg6[%swap3A, %swap3A_43] : memref<2x128xf32, #tpu.memory_space<vmem>>, vector<2x128xf32>
    tpu.vector_store %arg6[%swap3A, %swap3A_43], %add3A_42 {strides = array<i32>} : memref<2x128xf32, #tpu.memory_space<vmem>>, vector<2x128xf32>,
    %eq3A_45 = arith.constant 39 : i32
    %eq3A_46 = arith.cmpi eq, %arg0, %eq3A_45 : i32
    %convert_element_type3A_47 = arith.extui %eq3A_46 : i1 to i32
    %cond3A_48 = arith.constant 0 : i32
    %cond3A_49 = arith.cmpi ne, %convert_element_type3A_47, %cond3A_48 : i32
    scf.if %cond3A_49 {
      %get3A_50 = arith.constant 0 : index
      %get3A_51 = arith.constant 0 : index
      %get3A_52 = vector.load %arg6[%get3A_50, %get3A_51] : memref<2x128xf32, #tpu.memory_space<vmem>>, vector<2x128xf32>
      %swap3A_53 = arith.constant 0 : index
      %swap3A_54 = arith.constant 0 : index
      %swap3A_55 = vector.load %arg5[%swap3A_53, %swap3A_54] : memref<2x128xf32, #tpu.memory_space<vmem>>, vector<2x128xf32>
      tpu.vector_store %arg5[%swap3A_53, %swap3A_54], %get3A_52 {strides = array<i32>} : memref<2x128xf32, #tpu.memory_space<vmem>>, vector<2x128xf32>,
    } else {
    }
    return
  }
  func.func @transform_0(%arg0: i32) -> (i32, i32) {
    %c0_i32 = arith.constant 0 : i32
    %c0_i32_0 = arith.constant 0 : i32
    return %arg0, %c0_i32 : i32, i32
  }
  func.func @transform_1(%arg0: i32) -> (i32, i32) {
    %c0_i32 = arith.constant 0 : i32
    %c0_i32_0 = arith.constant 0 : i32
    %c0_i32_1 = arith.constant 0 : i32
    return %c0_i32, %c0_i32_0 : i32, i32
  }
  func.func @transform_2(%arg0: i32) -> (i32, i32) {
    %c0_i32 = arith.constant 0 : i32
    %c0_i32_0 = arith.constant 0 : i32
    %c0_i32_1 = arith.constant 0 : i32
    return %c0_i32, %c0_i32_0 : i32, i32
  }
  func.func @transform_3(%arg0: i32) -> (i32, i32) {
    %c0_i32 = arith.constant 0 : i32
    %c0_i32_0 = arith.constant 0 : i32
    %c0_i32_1 = arith.constant 0 : i32
    return %c0_i32, %c0_i32_0 : i32, i32
  }
  func.func @transform_4(%arg0: i32) -> (i32, i32) {
    %c0_i32 = arith.constant 0 : i32
    %c0_i32_0 = arith.constant 0 : i32
    %c0_i32_1 = arith.constant 0 : i32
    return %c0_i32, %c0_i32_0 : i32, i32
  }
}

module attributes {stable_mosaic.version = 14 : i64} {
  func.func @_p5_body(%arg0: i32, %arg1: memref<8000x128xbf16, #tpu.memory_space<vmem>>, %arg2: memref<2x128xf32, #tpu.memory_space<vmem>>, %arg3: memref<1x128xf32, #tpu.memory_space<vmem>>, %arg4: memref<1x128xf32, #tpu.memory_space<vmem>>, %arg5: memref<2x128xf32, #tpu.memory_space<vmem>>, %arg6: memref<1x128xf32, #tpu.memory_space<vmem>>, %arg7: memref<1x128xf32, #tpu.memory_space<vmem>>, %arg8: memref<8000x128xf32, #tpu.memory_space<vmem>>) attributes {dimension_semantics = [#tpu.dimension_semantics<arbitrary>], iteration_bounds = array<i64: 40>, scalar_prefetch = 0 : i64, scratch_operands = 0 : i64, tpu.core_type = #tpu.core_type<tc>, window_params = [{transform_indices = @transform_0, window_bounds = array<i64: 8000, 128>}, {pipeline_mode = #tpu.pipeline_mode<synchronous>, transform_indices = @transform_1, window_bounds = array<i64: 2, 128>}, {pipeline_mode = #tpu.pipeline_mode<synchronous>, transform_indices = @transform_2, window_bounds = array<i64: 1, 128>}, {pipeline_mode = #tpu.pipeline_mode<synchronous>, transform_indices = @transform_3, window_bounds = array<i64: 1, 128>}, {pipeline_mode = #tpu.pipeline_mode<synchronous>, transform_indices = @transform_4, window_bounds = array<i64: 2, 128>}, {pipeline_mode = #tpu.pipeline_mode<synchronous>, transform_indices = @transform_5, window_bounds = array<i64: 1, 128>}, {pipeline_mode = #tpu.pipeline_mode<synchronous>, transform_indices = @transform_6, window_bounds = array<i64: 1, 128>}, {transform_indices = @transform_7, window_bounds = array<i64: 8000, 128>}]} {
    %get3A = arith.constant 0 : index
    %get3A_0 = arith.constant 0 : index
    %get3A_1 = vector.load %arg2[%get3A, %get3A_0] : memref<2x128xf32, #tpu.memory_space<vmem>>, vector<2x128xf32>
    %get3A_2 = arith.constant 0 : index
    %get3A_3 = arith.constant 0 : index
    %get3A_4 = vector.load %arg3[%get3A_2, %get3A_3] : memref<1x128xf32, #tpu.memory_space<vmem>>, vector<1x128xf32>
    %get3A_5 = arith.constant 0 : index
    %get3A_6 = arith.constant 0 : index
    %get3A_7 = vector.load %arg4[%get3A_5, %get3A_6] : memref<1x128xf32, #tpu.memory_space<vmem>>, vector<1x128xf32>
    %slice3A = vector.extract_strided_slice %get3A_1 {offsets = [0, 0], sizes = [1, 128], strides = [1, 1]} : vector<2x128xf32> to vector<1x128xf32>
    %div3A = arith.constant 3.200000e+05 : f32
    %div3A_8 = vector.broadcast %div3A : f32 to vector<1x128xf32>
    %div3A_9 = arith.divf %slice3A, %div3A_8 : vector<1x128xf32>
    %slice3A_10 = vector.extract_strided_slice %get3A_1 {offsets = [1, 0], sizes = [1, 128], strides = [1, 1]} : vector<2x128xf32> to vector<1x128xf32>
    %div3A_11 = arith.constant 3.200000e+05 : f32
    %div3A_12 = vector.broadcast %div3A_11 : f32 to vector<1x128xf32>
    %div3A_13 = arith.divf %slice3A_10, %div3A_12 : vector<1x128xf32>
    %mul3A = arith.mulf %div3A_9, %div3A_9 : vector<1x128xf32>
    %sub3A = arith.subf %div3A_13, %mul3A : vector<1x128xf32>
    %add3A = arith.constant 9.99999974E-6 : f32
    %add3A_14 = vector.broadcast %add3A : f32 to vector<1x128xf32>
    %add3A_15 = arith.addf %sub3A, %add3A_14 : vector<1x128xf32>
    %rsqrt3A = math.rsqrt %add3A_15 : vector<1x128xf32>
    %mul3A_16 = arith.mulf %get3A_4, %rsqrt3A : vector<1x128xf32>
    %mul3A_17 = arith.mulf %div3A_9, %mul3A_16 : vector<1x128xf32>
    %sub3A_18 = arith.subf %get3A_7, %mul3A_17 : vector<1x128xf32>
    %get3A_19 = arith.constant 0 : index
    %get3A_20 = arith.constant 0 : index
    %get3A_21 = vector.load %arg5[%get3A_19, %get3A_20] : memref<2x128xf32, #tpu.memory_space<vmem>>, vector<2x128xf32>
    %get3A_22 = arith.constant 0 : index
    %get3A_23 = arith.constant 0 : index
    %get3A_24 = vector.load %arg6[%get3A_22, %get3A_23] : memref<1x128xf32, #tpu.memory_space<vmem>>, vector<1x128xf32>
    %get3A_25 = arith.constant 0 : index
    %get3A_26 = arith.constant 0 : index
    %get3A_27 = vector.load %arg7[%get3A_25, %get3A_26] : memref<1x128xf32, #tpu.memory_space<vmem>>, vector<1x128xf32>
    %slice3A_28 = vector.extract_strided_slice %get3A_21 {offsets = [0, 0], sizes = [1, 128], strides = [1, 1]} : vector<2x128xf32> to vector<1x128xf32>
    %div3A_29 = arith.constant 3.200000e+05 : f32
    %div3A_30 = vector.broadcast %div3A_29 : f32 to vector<1x128xf32>
    %div3A_31 = arith.divf %slice3A_28, %div3A_30 : vector<1x128xf32>
    %slice3A_32 = vector.extract_strided_slice %get3A_21 {offsets = [1, 0], sizes = [1, 128], strides = [1, 1]} : vector<2x128xf32> to vector<1x128xf32>
    %div3A_33 = arith.constant 3.200000e+05 : f32
    %div3A_34 = vector.broadcast %div3A_33 : f32 to vector<1x128xf32>
    %div3A_35 = arith.divf %slice3A_32, %div3A_34 : vector<1x128xf32>
    %mul3A_36 = arith.mulf %div3A_31, %div3A_31 : vector<1x128xf32>
    %sub3A_37 = arith.subf %div3A_35, %mul3A_36 : vector<1x128xf32>
    %add3A_38 = arith.constant 9.99999974E-6 : f32
    %add3A_39 = vector.broadcast %add3A_38 : f32 to vector<1x128xf32>
    %add3A_40 = arith.addf %sub3A_37, %add3A_39 : vector<1x128xf32>
    %rsqrt3A_41 = math.rsqrt %add3A_40 : vector<1x128xf32>
    %mul3A_42 = arith.mulf %get3A_24, %rsqrt3A_41 : vector<1x128xf32>
    %mul3A_43 = arith.mulf %div3A_31, %mul3A_42 : vector<1x128xf32>
    %sub3A_44 = arith.subf %get3A_27, %mul3A_43 : vector<1x128xf32>
    %get3A_45 = arith.constant 0 : index
    %get3A_46 = arith.constant 0 : index
    %get3A_47 = vector.load %arg1[%get3A_45, %get3A_46] : memref<8000x128xbf16, #tpu.memory_space<vmem>>, vector<8000x128xbf16>
    %convert_element_type3A = arith.extf %get3A_47 : vector<8000x128xbf16> to vector<8000x128xf32>
    %mul3A_48 = vector.broadcast %mul3A_16 : vector<1x128xf32> to vector<8000x128xf32>
    %mul3A_49 = arith.mulf %convert_element_type3A, %mul3A_48 : vector<8000x128xf32>
    %add3A_50 = vector.broadcast %sub3A_18 : vector<1x128xf32> to vector<8000x128xf32>
    %add3A_51 = arith.addf %mul3A_49, %add3A_50 : vector<8000x128xf32>
    %logistic3A = arith.negf %add3A_51 : vector<8000x128xf32>
    %logistic3A_52 = math.exp %logistic3A : vector<8000x128xf32>
    %logistic3A_53 = arith.constant 1.000000e+00 : f32
    %logistic3A_54 = vector.broadcast %logistic3A_53 : f32 to vector<8000x128xf32>
    %logistic3A_55 = arith.addf %logistic3A_54, %logistic3A_52 : vector<8000x128xf32>
    %logistic3A_56 = arith.divf %logistic3A_54, %logistic3A_55 : vector<8000x128xf32>
    %mul3A_57 = vector.broadcast %mul3A_42 : vector<1x128xf32> to vector<8000x128xf32>
    %mul3A_58 = arith.mulf %logistic3A_56, %mul3A_57 : vector<8000x128xf32>
    %add3A_59 = vector.broadcast %sub3A_44 : vector<1x128xf32> to vector<8000x128xf32>
    %add3A_60 = arith.addf %mul3A_58, %add3A_59 : vector<8000x128xf32>
    %custom_jvp_call3A = arith.constant 0.000000e+00 : f32
    %max3A = vector.broadcast %custom_jvp_call3A : f32 to vector<8000x128xf32>
    %max3A_61 = arith.maximumf %add3A_60, %max3A : vector<8000x128xf32>
    %sub3A_62 = vector.broadcast %custom_jvp_call3A : f32 to vector<8000x128xf32>
    %sub3A_63 = arith.subf %add3A_60, %sub3A_62 : vector<8000x128xf32>
    %ne3A = arith.cmpf one, %sub3A_63, %sub3A_63 : vector<8000x128xf32>
    %add3A_64 = vector.broadcast %custom_jvp_call3A : f32 to vector<8000x128xf32>
    %add3A_65 = arith.addf %add3A_60, %add3A_64 : vector<8000x128xf32>
    %abs3A = math.absf %sub3A_63 : vector<8000x128xf32>
    %neg3A = arith.constant 0.000000e+00 : f32
    %neg3A_66 = vector.broadcast %neg3A : f32 to vector<8000x128xf32>
    %neg3A_67 = arith.subf %neg3A_66, %abs3A : vector<8000x128xf32>
    %exp3A = math.exp %neg3A_67 : vector<8000x128xf32>
    %log1p3A = math.log1p %exp3A : vector<8000x128xf32>
    %add3A_68 = arith.addf %max3A_61, %log1p3A : vector<8000x128xf32>
    %select_n3A = arith.select %ne3A, %add3A_65, %add3A_68 : vector<8000x128xi1>, vector<8000x128xf32>
    %mul3A_69 = arith.mulf %logistic3A_56, %select_n3A : vector<8000x128xf32>
    %swap3A = arith.constant 0 : index
    %swap3A_70 = arith.constant 0 : index
    %swap3A_71 = vector.load %arg8[%swap3A, %swap3A_70] : memref<8000x128xf32, #tpu.memory_space<vmem>>, vector<8000x128xf32>
    tpu.vector_store %arg8[%swap3A, %swap3A_70], %mul3A_69 {strides = array<i32>} : memref<8000x128xf32, #tpu.memory_space<vmem>>, vector<8000x128xf32>,
    return
  }
  func.func @transform_0(%arg0: i32) -> (i32, i32) {
    %c0_i32 = arith.constant 0 : i32
    %c0_i32_0 = arith.constant 0 : i32
    return %arg0, %c0_i32 : i32, i32
  }
  func.func @transform_1(%arg0: i32) -> (i32, i32) {
    %c0_i32 = arith.constant 0 : i32
    %c0_i32_0 = arith.constant 0 : i32
    %c0_i32_1 = arith.constant 0 : i32
    return %c0_i32, %c0_i32_0 : i32, i32
  }
  func.func @transform_2(%arg0: i32) -> (i32, i32) {
    %c0_i32 = arith.constant 0 : i32
    %c0_i32_0 = arith.constant 0 : i32
    %c0_i32_1 = arith.constant 0 : i32
    return %c0_i32, %c0_i32_0 : i32, i32
  }
  func.func @transform_3(%arg0: i32) -> (i32, i32) {
    %c0_i32 = arith.constant 0 : i32
    %c0_i32_0 = arith.constant 0 : i32
    %c0_i32_1 = arith.constant 0 : i32
    return %c0_i32, %c0_i32_0 : i32, i32
  }
  func.func @transform_4(%arg0: i32) -> (i32, i32) {
    %c0_i32 = arith.constant 0 : i32
    %c0_i32_0 = arith.constant 0 : i32
    %c0_i32_1 = arith.constant 0 : i32
    return %c0_i32, %c0_i32_0 : i32, i32
  }
  func.func @transform_5(%arg0: i32) -> (i32, i32) {
    %c0_i32 = arith.constant 0 : i32
    %c0_i32_0 = arith.constant 0 : i32
    %c0_i32_1 = arith.constant 0 : i32
    return %c0_i32, %c0_i32_0 : i32, i32
  }
  func.func @transform_6(%arg0: i32) -> (i32, i32) {
    %c0_i32 = arith.constant 0 : i32
    %c0_i32_0 = arith.constant 0 : i32
    %c0_i32_1 = arith.constant 0 : i32
    return %c0_i32, %c0_i32_0 : i32, i32
  }
  func.func @transform_7(%arg0: i32) -> (i32, i32) {
    %c0_i32 = arith.constant 0 : i32
    %c0_i32_0 = arith.constant 0 : i32
    return %arg0, %c0_i32 : i32, i32
  }
}

module attributes {stable_mosaic.version = 14 : i64} {
  func.func @_p7_body(%arg0: memref<2x10240x128xf32, #tpu.memory_space<vmem>>, %arg1: memref<10000x128xf32, #tpu.memory_space<vmem>>, %arg2: memref<1x128xf32, #tpu.memory_space<vmem>>, %arg3: memref<1x128xf32, #tpu.memory_space<vmem>>, %arg4: memref<10000x128xf32, #tpu.memory_space<vmem>>) attributes {dimension_semantics = [], scalar_prefetch = 0 : i64, scratch_operands = 0 : i64, tpu.core_type = #tpu.core_type<tc>} {
    %get3A = arith.constant 0 : index
    %get3A_0 = arith.constant 0 : index
    %get3A_1 = arith.constant 0 : index
    %get3A_2 = vector.load %arg0[%get3A, %get3A_0, %get3A_1] : memref<2x10240x128xf32, #tpu.memory_space<vmem>>, vector<1x10240x128xf32>
    %get3A_3 = vector.shape_cast %get3A_2 : vector<1x10240x128xf32> to vector<10240x128xf32>
    %get3A_4 = arith.constant 1 : index
    %get3A_5 = arith.constant 0 : index
    %get3A_6 = arith.constant 0 : index
    %get3A_7 = vector.load %arg0[%get3A_4, %get3A_5, %get3A_6] : memref<2x10240x128xf32, #tpu.memory_space<vmem>>, vector<1x10240x128xf32>
    %get3A_8 = vector.shape_cast %get3A_7 : vector<1x10240x128xf32> to vector<10240x128xf32>
    %add3A = arith.addf %get3A_3, %get3A_8 : vector<10240x128xf32>
    %slice3A = vector.extract_strided_slice %add3A {offsets = [0, 0], sizes = [10000, 128], strides = [1, 1]} : vector<10240x128xf32> to vector<10000x128xf32>
    %reduce_sum3A = arith.constant dense<0.000000e+00> : vector<128xf32>
    %reduce_sum3A_9 = vector.multi_reduction <add>, %slice3A, %reduce_sum3A [0] : vector<10000x128xf32> to vector<128xf32>
    %broadcast_in_dim3A = vector.shape_cast %reduce_sum3A_9 : vector<128xf32> to vector<1x128xf32>
    %div3A = arith.constant 1.000000e+04 : f32
    %div3A_10 = vector.broadcast %div3A : f32 to vector<1x128xf32>
    %div3A_11 = arith.divf %broadcast_in_dim3A, %div3A_10 : vector<1x128xf32>
    %sub3A = vector.broadcast %div3A_11 : vector<1x128xf32> to vector<10000x128xf32>
    %sub3A_12 = arith.subf %slice3A, %sub3A : vector<10000x128xf32>
    %integer_pow3A = arith.mulf %sub3A_12, %sub3A_12 : vector<10000x128xf32>
    %reduce_sum3A_13 = arith.constant dense<0.000000e+00> : vector<128xf32>
    %reduce_sum3A_14 = vector.multi_reduction <add>, %integer_pow3A, %reduce_sum3A_13 [0] : vector<10000x128xf32> to vector<128xf32>
    %broadcast_in_dim3A_15 = vector.shape_cast %reduce_sum3A_14 : vector<128xf32> to vector<1x128xf32>
    %div3A_16 = arith.constant 1.000000e+04 : f32
    %div3A_17 = vector.broadcast %div3A_16 : f32 to vector<1x128xf32>
    %div3A_18 = arith.divf %broadcast_in_dim3A_15, %div3A_17 : vector<1x128xf32>
    %get3A_19 = arith.constant 0 : index
    %get3A_20 = arith.constant 0 : index
    %get3A_21 = vector.load %arg1[%get3A_19, %get3A_20] : memref<10000x128xf32, #tpu.memory_space<vmem>>, vector<10000x128xf32>
    %get3A_22 = arith.constant 0 : index
    %get3A_23 = arith.constant 0 : index
    %get3A_24 = vector.load %arg2[%get3A_22, %get3A_23] : memref<1x128xf32, #tpu.memory_space<vmem>>, vector<1x128xf32>
    %sub3A_25 = vector.broadcast %div3A_11 : vector<1x128xf32> to vector<10000x128xf32>
    %sub3A_26 = arith.subf %slice3A, %sub3A_25 : vector<10000x128xf32>
    %mul3A = vector.broadcast %get3A_24 : vector<1x128xf32> to vector<10000x128xf32>
    %mul3A_27 = arith.mulf %mul3A, %sub3A_26 : vector<10000x128xf32>
    %add3A_28 = arith.constant 9.99999974E-6 : f32
    %add3A_29 = vector.broadcast %add3A_28 : f32 to vector<1x128xf32>
    %add3A_30 = arith.addf %div3A_18, %add3A_29 : vector<1x128xf32>
    %rsqrt3A = math.rsqrt %add3A_30 : vector<1x128xf32>
    %mul3A_31 = vector.broadcast %rsqrt3A : vector<1x128xf32> to vector<10000x128xf32>
    %mul3A_32 = arith.mulf %mul3A_27, %mul3A_31 : vector<10000x128xf32>
    %add3A_33 = arith.addf %get3A_21, %mul3A_32 : vector<10000x128xf32>
    %get3A_34 = arith.constant 0 : index
    %get3A_35 = arith.constant 0 : index
    %get3A_36 = vector.load %arg3[%get3A_34, %get3A_35] : memref<1x128xf32, #tpu.memory_space<vmem>>, vector<1x128xf32>
    %add3A_37 = vector.broadcast %get3A_36 : vector<1x128xf32> to vector<10000x128xf32>
    %add3A_38 = arith.addf %add3A_33, %add3A_37 : vector<10000x128xf32>
    %swap3A = arith.constant 0 : index
    %swap3A_39 = arith.constant 0 : index
    %swap3A_40 = vector.load %arg4[%swap3A, %swap3A_39] : memref<10000x128xf32, #tpu.memory_space<vmem>>, vector<10000x128xf32>
    tpu.vector_store %arg4[%swap3A, %swap3A_39], %add3A_38 {strides = array<i32>} : memref<10000x128xf32, #tpu.memory_space<vmem>>, vector<10000x128xf32>,
    return
  }
}

</mosaic_0001>

<sc_bundles>
// kernel: kernel.12.cloned.1.call-start
scs
__scs_entry_jumppad:
0x0: {  	(pc) =	sbr.rel $0x88, $3  }
0x1: {  	(tag) =	ssettag $0x0;
	lr =	simm.s32 $0x1  }
0x2: {  	[smem:$0x3F96] =	sst lr;
	_ =	strace $0xD0000000  }
0x3: {  	_ = 	snop  }
0x4: {  	_ = 	snop  }
0x5: {  	_ = 	snop  }
0x6: {  	_ = 	snop  }
0x7: {  	_ = 	snop  }
__scs_overlays_trampoline_lowered:
0x8: {  	[smem:$0x3FA5] =	sst s0  }
0x9: {  	[smem:$0x3FA6] =	sst s1  }
0xa: {  	[smem:$0x3FA7] =	sst s2  }
0xb: {  	[smem:$0x3FA8] =	sst s3  }
0xc: {  	[smem:$0x3FA9] =	sst s4  }
0xd: {  	[smem:$0x3FAA] =	sst s5  }
0xe: {  	[smem:$0x3FAB] =	sst s6  }
0xf: {  	[smem:$0x3FAC] =	sst s7  }
0x10: {  	[smem:$0x3FAD] =	sst s8  }
0x11: {  	[smem:$0x3FAE] =	sst s9;
	s0 =	simm.s32 @!p0 $0x0  }
0x12: {  	s1 =	sld [smem:$0x3F94];
	s0 =	simm.s32 @p0 $0x1  }
0x13: {  	[smem:$0x3FAF] =	sst s0;
	s0 =	simm.s32 @!p1 $0x0  }
0x14: {  	s2 =	sld [smem:$0x3F93];
	s0 =	simm.s32 @p1 $0x1  }
0x15: {  	[smem:$0x3FB0] =	sst s0;
	s0 =	simm.s32 @!p2 $0x0  }
0x16: {  	s3 =	sld [smem:$0x3FDB];
	s0 =	simm.s32 @p2 $0x1  }
0x17: {  	s4 =	simm.s32 $0x1BF5;
	[smem:$0x3FB2] =	sst s0  }
0x18: {  	s0 =	sld [smem:$0x3F95];
	_ =	swait.ge [sflag:s4], $0x0  }
0x19: {  	s7 =	sld [smem:$0x3F96]  }
0x1a: {  	s8 =	sadd.s32 $0xFFFFE003, lr  }
0x1b: {  	s9 =	sadd.s32 $0xFFFFFEF7, lr;
	s5 =	simm.s32 $0xFFFFFFFF;
	p2 =	slt.u32 s8, $0xFFFFF086  }
0x1c: {  	p1 =	slt.u32 s9, $0xF7A;
	s5 =	simm.s32 @!p2 $0x0  }
0x1d: {  	s5 =	simm.s32 @p1 $0x1;
	p0 =	seq.s32 s7, s2  }
0x1e: {  	s7 =	smul.u32 @!p0 $0xF7A, s2;
	p2 =	seq.s32 @!p0 s5, $0x0  }
0x1f: {  	s9 =	smul.u32 $0xF7A, s1;
	s8 =	simm.s32 @!p0 $0x1BF5;
	p2 =	por !p2, p0  }
0x20: {  	[sflag:s8] =	ssyncset.s32 @!p0 $0xFFFFF086;
	s6 =	sadd.s32 @!p0 s3, s7;
	s7 =	simm.s32 @!p0 $0x108  }
0x21: {  	s3 =	sadd.s32 s3, s9;
	s6 =	sadd.s32 @!p0 $0x88, s6;
	s7 =	simm.s32 @p2 $0x1082  }
0x22: {  	[simem:s7], [sflag:s8] =	dma.local @!p0 [hbm:s6], $0xF7A  }
0x23: {  	s9 =	sor.u32 $0xD0000000, s2;
	s6 =	simm.s32 $0x108;
	_ =	swait.ge @!p0 [sflag:s8], $0x0  }
0x24: {  	s3 =	sadd.s32 $0x88, s3;
	s6 =	simm.s32 @!p1 $0x1082;
	[sflag:s4] =	ssyncset.s32 $0xFFFFF086  }
0x25: {  	[simem:s6], [sflag:s4] =	dma.local [hbm:s3], $0xF7A  }
0x26: {  	[smem:$0x3F96] =	sst s1;
	(tag) =	ssettag s2;
	_ =	strace s9  }
0x27: {  	s1 =	sld [smem:$0x3FA6]  }
0x28: {  	s2 =	sld [smem:$0x3FA7]  }
0x29: {  	s4 =	sld [smem:$0x3FA9]  }
0x2a: {  	p0 =	seq.s32 s5, $0x0;
	s5 =	sld [smem:$0x3FAA]  }
0x2b: {  	s6 =	sld [smem:$0x3FAB]  }
0x2c: {  	s7 =	sld [smem:$0x3FAC]  }
0x2d: {  	s3 =	simm.s32 $0x108;
	s8 =	sld [smem:$0x3FAD]  }
0x2e: {  	s3 =	simm.s32 @!p0 $0x1082;
	s9 =	sld [smem:$0x3FAE]  }
0x2f: {  	lr =	sadd.s32 s0, s3;
	s0 =	sld [smem:$0x3FA5]  }
0x30: {  	s3 =	sld [smem:$0x3FA8]  }
0x31: {  	[smem:$0x3FB1] =	sst s10  }
0x32: {  	s10 =	sld [smem:$0x3FAF];
	_ =	sdelay $0x3  }
0x33: {  	p0 =	seq.s32 s10, $0x1;
	s10 =	sld [smem:$0x3FB1];
	_ =	sdelay $0x3  }
0x34: {  	[smem:$0x3FB1] =	sst s10  }
0x35: {  	s10 =	sld [smem:$0x3FB0];
	_ =	sdelay $0x3  }
0x36: {  	p1 =	seq.s32 s10, $0x1;
	s10 =	sld [smem:$0x3FB1];
	_ =	sdelay $0x3  }
0x37: {  	[smem:$0x3FB1] =	sst s10  }
0x38: {  	s10 =	sld [smem:$0x3FB2]  }
0x39: {  	_ = 	snop;
	(pc) =	sbr.ind lr, $3  }
0x3a: {  	_ = 	snop  }
0x3b: {  	_ = 	snop  }
0x3c: {  	p2 =	seq.s32 s10, $0x1;
	s10 =	sld [smem:$0x3FB1]  }
0x3d: {  	_ =	shalt  }
0x3e: {  	_ =	shalt  }
0x3f: {  	_ =	shalt  }
0x40: {  	_ =	shalt  }
0x41: {  	_ =	shalt  }
0x42: {  	_ =	shalt  }
0x43: {  	_ =	shalt  }
0x44: {  	_ =	shalt  }
0x45: {  	_ =	shalt  }
0x46: {  	_ =	shalt  }
0x47: {  	_ =	shalt  }
0x48: {  	_ =	shalt  }
0x49: {  	_ =	shalt  }
0x4a: {  	_ =	shalt  }
0x4b: {  	_ =	shalt  }
0x4c: {  	_ =	shalt  }
0x4d: {  	_ =	shalt  }
0x4e: {  	_ =	shalt  }
0x4f: {  	_ =	shalt  }
0x50: {  	_ =	shalt  }
0x51: {  	_ =	shalt  }
0x52: {  	_ =	shalt  }
0x53: {  	_ =	shalt  }
0x54: {  	_ =	shalt  }
0x55: {  	_ =	shalt  }
0x56: {  	_ =	shalt  }
0x57: {  	_ =	shalt  }
0x58: {  	_ =	shalt  }
0x59: {  	_ =	shalt  }
0x5a: {  	_ =	shalt  }
0x5b: {  	_ =	shalt  }
0x5c: {  	_ =	shalt  }
0x5d: {  	_ =	shalt  }
0x5e: {  	_ =	shalt  }
0x5f: {  	_ =	shalt  }
0x60: {  	_ =	shalt  }
0x61: {  	_ =	shalt  }
0x62: {  	_ =	shalt  }
0x63: {  	_ =	shalt  }
0x64: {  	_ =	shalt  }
0x65: {  	_ =	shalt  }
0x66: {  	_ =	shalt  }
0x67: {  	_ =	shalt  }
0x68: {  	_ =	shalt  }
0x69: {  	_ =	shalt  }
0x6a: {  	_ =	shalt  }
0x6b: {  	_ =	shalt  }
0x6c: {  	_ =	shalt  }
0x6d: {  	_ =	shalt  }
0x6e: {  	_ =	shalt  }
0x6f: {  	_ =	shalt  }
0x70: {  	_ =	shalt  }
0x71: {  	_ =	shalt  }
0x72: {  	_ =	shalt  }
0x73: {  	_ =	shalt  }
0x74: {  	_ =	shalt  }
0x75: {  	_ =	shalt  }
0x76: {  	_ =	shalt  }
0x77: {  	_ =	shalt  }
0x78: {  	_ =	shalt  }
0x79: {  	_ =	shalt  }
0x7a: {  	_ =	shalt  }
0x7b: {  	_ =	shalt  }
0x7c: {  	_ =	shalt  }
0x7d: {  	_ =	shalt  }
0x7e: {  	_ =	shalt  }
0x7f: {  	_ =	shalt  }
0x80: {  	_ =	shalt  }
0x81: {  	_ =	shalt  }
0x82: {  	_ =	shalt  }
0x83: {  	_ =	shalt  }
0x84: {  	_ =	shalt  }
0x85: {  	_ =	shalt  }
0x86: {  	_ =	shalt  }
0x87: {  	_ =	shalt  }
.Lfunc_end0:
.L_simem_size_0:
called_computation.1_lowered:
.L_overlay_start_0:
0x88: {  	s2 =	sld [smem:$0x3FD9]  }
0x89: {  	s3 =	sld [smem:$0x3FFE];
	_ =	sdelay $0x1  }
0x8a: {  	s1 =	srdreg.scid  }
0x8b: {  	s0 =	sand.u32 $0x1, s1  }
0x8c: {  	s14 =	sshll.u32 s0, $0xA;
	s2 =	sadd.s32 s3, s2  }
0x8d: {  	s2 =	sadd.s32 s2, s14  }
0x8e: {  	[smem:$0x3FBD] =	sst s2  }
0x8f: {  	_ = 	snop  }
0x90: {  	s2 =	sld [smem:$0x3FD0];
	_ =	sdelay $0x2  }
0x91: {  	s15 =	simm.s32 $0xA;
	s4 =	simm.s32 $0x10  }
0x92: {  	[smem:s4], [sflag:s15] =	dma.local [hbm:s2], $0x1  }
0x93: {  	_ =	swait.eq [sflag:s15], $0x1  }
0x94: {  	[sflag:s15] =	ssyncset.done $0x0  }
0x95: {  	[sflag:s15] =	ssyncadd.s32 $0xFFFFFFFF  }
0x96: {  	s16 =	sld [smem:$0x11];
	(tm) =	ssettm $0x1  }
0x97: {  	s17 =	sld [smem:$0x3FFB];
	_ =	sdelay $0x3  }
0x98: {  	_ =	strace s17  }
0x99: {  	s3 =	sld [smem:$0x3FFC];
	_ =	sdelay $0x3  }
0x9a: {  	_ =	strace s3  }
0x9b: {  	s3 =	sld [smem:$0x3FFD];
	_ =	sdelay $0x3  }
0x9c: {  	_ =	strace s3  }
0x9d: {  	_ =	strace $0x8FFFFFFF  }
0x9e: {  	s18 =	sld [smem:$0x3FDB];
	_ =	sdelay $0x1  }
0x9f: {  	s19 =	simm.s32 $_scs_section_size  }
0xa0: {  	s5 =	simm.s32 $_size__tile_overlayer_lowered;
	s6 =	simm.s32 $_tile_overlayer_lowered  }
0xa1: {  	s22 =	simm.s32 $0x1BFF;
	s21 =	sshll.u32 s6, $0x1;
	s3 =	sadd.s32 s19, s18  }
0xa2: {  	s7 =	simm.s32 $0x0;
	s20 =	sshll.u32 s5, $0x1;
	s5 =	sadd.s32 s21, s3  }
0xa3: {  	[timem:s7], [sflag:s22] =	dma.local [hbm:s5], s20  }
0xa4: {  	_ =	swait.ge [sflag:s22], s20  }
0xa5: {  	s4 =	ssub.s32 $0x0, s20;
	[sflag:s22] =	ssyncset.done $0x0  }
0xa6: {  	[sflag:s22] =	ssyncadd.s32 s4;
	_ =	sdelay $0x1  }
0xa7: {  	s23 =	simm.s32 $0x1B8B  }
0xa8: {  	_ =	swait.ge [sflag:s23], $0x1  }
0xa9: {  	[sflag:s23] =	ssyncset.done $0x0  }
0xaa: {  	s25 =	simm.s32 $0x1B8E;
	s24 =	sld [smem:$0x3FFE];
	[sflag:s23] =	ssyncadd.s32 $0xFFFFFFFF  }
0xab: {  	s26 =	simm.s32 $execute0_lowered;
	[smem:$0x3FD2] =	sst s25  }
0xac: {  	s5 =	sshll.u32 s26, $0x1;
	_ =	strace $0x80000049;
	[dreg:$0x1] =	wrdreg $0xFFFFFFFF  }
0xad: {  	s28 =	simm.s32 $_size_execute0_lowered;
	s3 =	sadd.s32 s3, s5;
	[dreg:$0x0] =	wrdreg $0x0  }
0xae: {  	s5 =	sshll.u32 s28, $0x1;
	[dreg:$0x2] =	wrdreg s3  }
0xaf: {  	[dreg:$0x3] =	wrdreg s5  }
0xb0: {  	[dreg:$0x4] =	wrdreg $0xC0  }
0xb1: {  	_ =	task [dreg:s7], $0x5FFFF  }
0xb2: {  	[dreg:$0x1] =	wrdreg $0xFFFFFFFF  }
0xb3: {  	[dreg:$0x0] =	wrdreg $0x60  }
0xb4: {  	[dreg:$0x2] =	wrdreg s24  }
0xb5: {  	[dreg:$0x3] =	wrdreg s16  }
0xb6: {  	[dreg:$0x4] =	wrdreg $0x51000  }
0xb7: {  	[dreg:$0x5] =	wrdreg $0x9  }
0xb8: {  	_ =	task.clear_ibuf [dreg:s7], $0x6FFFF;
	_ =	strace $0x90000049  }
0xb9: {  	s29 =	simm.s32 $0x9;
	_ =	strace $0x8000004B  }
0xba: {  	_ =	swait.ge [sflag:s29], $0x1  }
0xbb: {  	[sflag:s29] =	ssyncadd.s32 $0xFFFFFFFF  }
0xbc: {  	_ =	strace $0x9000004B  }
0xbd: {  	_ =	sfence  }
0xbe: {  	s30 =	sld [smem:$0x0];
	_ =	sdelay $0x2  }
0xbf: {  	s31 =	sshll.u32 s1, $0xD;
	s1 =	sshrl.u32 s1, $0x2  }
0xc0: {  	s3 =	sand.u32 $0x4000, s31;
	s1 =	sadd.s32 s1, s30  }
0xc1: {  	s0 =	sor.u32 s3, s0;
	s1 =	sshll.u32 s1, $0x11  }
0xc2: {  	s0 =	sor.u32 s1, s0  }
0xc3: {  	s0 =	sadd.s32 $0x8F2B, s0  }
0xc4: {  	[sflag:s0] =	ssyncadd.remote.s32 $0x1  }
0xc5: {  	_ =	sfence.sel $0xFFFF  }
0xc6: {  	[dreg:$0x0] =	wrdreg $0xFFFFFFFF;
	(pc) =	sbr.abs _section_cstart, $3  }
0xc7: {  	[dreg:$0x1] =	wrdreg $0xFFFFFFFF  }
0xc8: {  	_ =	task.clear_ibuf [dreg:s7], $0x2FFFF;
	_ =	strace $0x9FFFFFFF  }
0xc9: {  	(tm) =	ssettm $0x7FFFFFFF  }
tec
execute0_lowered:
.L_overlay_start_1:
0x0: {  	(tag) =	ssettag $0x1  }
0x1: {  	s0 =	rddreg [dreg:$0x0]  }
0x2: {  	s1 =	rddreg [dreg:$0x1];
	s17 =	stileid.u32  }
0x3: {  	s2 =	rddreg [dreg:$0x2];
	s11 =	smul.u32 $0x2800, s17  }
0x4: {  	s3 =	simm.s32 $0x0;
	s4 =	srdreg.scid;
	s5 =	smul.u32 $0x50000, s17  }
0x5: {  	s28 =	simm.s32 $0x4;
	s29 =	simm.s32 $0x0;
	s8 =	smul.u32 $0x2710, s17  }
0x6: {  	[smem:$0x7FF] =	sst s3;
	s12 =	sand.u32 $0x1, s4;
	s26 =	smul.u32 $0x27100, s17  }
0x7: {  	s14 =	sadd.s32 $0x15A00, s0;
	s4 =	sadd.s32 $0xBC00, s0;
	s6 =	smul.u32 $0x27100, s12  }
0x8: {  	_ =	strace $0x8000004A;
	s7 =	ssub.s32 $0x2, s12;
	s24 =	smul.u32 $0x271000, s12  }
0x9: {  	s0 =	sadd.s32 s11, s0;
	s9 =	sshrl.u32 s7, $0x1;
	s5 =	sshrl.u32 s5, $0x2  }
0xa: {  	s13 =	ssub.s32 s7, s9;
	s15 =	sadd.s32 s8, s6;
	s18 =	sadd.s32 s5, s2  }
0xb: {  	s9 =	sshll.u32 s17, $0x6;
	s0 =	sadd.s32 $0x4F7A00, s0;
	s10 =	sshrl.u32 s15, $0x3  }
0xc: {  	[dreg:$0x4] =	wrdreg s0;
	s6 =	sor.u32 $0x1C05, s9;
	s19 =	sshll.u32 s15, $0x4  }
0xd: {  	s20 =	sadd.s32 $0x50, s15;
	s23 =	sadd.s32 $0x26C0, s15;
	s30 =	sadd.s32 $0xF0, s15  }
0xe: {  	s17 =	sadd.s32 $0xA0, s15;
	s18 =	sshrl.u32 s18, $0x3;
	s16 =	sadd.s32 s4, s10  }
0xf: {  	s8 =	sadd.s32 s14, s19;
	s21 =	sshrl.u32 s20, $0x3;
	s10 =	sshll.u32 s20, $0x4  }
0x10: {  	s25 =	sshrl.u32 s23, $0x3;
	s0 =	sshll.u32 s23, $0x4;
	s31 =	sshrl.u32 s30, $0x3  }
0x11: {  	s19 =	simm.s32 $0x5;
	s20 =	simm.s32 $0x100;
	s23 =	simm.s32 $0x1  }
0x12: {  	[dreg:$0x5] =	wrdreg s16;
	s16 =	smul.u32 $0x28000, s12;
	s9 =	sadd.s32 s4, s21  }
0x13: {  	s10 =	sadd.s32 s14, s10;
	s12 =	smax.u32 s13, $0x1;
	s13 =	sadd.s32 s4, s25  }
0x14: {  	s21 =	simm.s32 $0x80;
	s25 =	simm.s32 $0x50;
	s22 =	sadd.s32 s11, s16  }
0x15: {  	s16 =	sadd.s32 s31, s4;
	s11 =	sadd.s32 s1, s22;
	s1 =	sadd.s32 s24, s14  }
0x16: {  	s14 =	sadd.s32 s14, s0;
	s22 =	simm.s32 $0x2900;
	s1 =	sadd.s32 s26, s1  }
0x17: {  	s24 =	simm.s32 $0x3;
	s26 =	simm.s32 $0x2;
	s1 =	sadd.s32 $0xF00, s1  }
.LBB2_1:
0x18: {  	s0 =	rddreg [dreg:$0x4]  }
0x19: {  	[spmem:s18], [sflag:s6] =	dma.local [hbm:s0], $0x2800  }
0x1a: {  	_ =	swait.ge [sflag:s19], $0x2800  }
0x1b: {  	[sflag:s19] =	ssyncset.done $0x0  }
0x1c: {  	[sflag:s19] =	ssyncadd.s32 $0xFFFFD800  }
0x1d: {  	[bflag:$0x0] =	sbarrier.arrive $0xFFFF  }
0x1e: {  	s15 =	rddreg [dreg:$0x5]  }
0x1f: {  	[tilespmem:s3], [sflag:$0x1] =	stream.linear.gather [hbm4b:s15+s3], $0x50, $0x38;
	[tilespmem:$0x19100] =	vst v63  }
0x20: {  	_ = 	snop  }
0x21: {  	[tilespmem:s20], [sflag:$0x3] =	stream.linear.gather [hbm4b:s8+s3], $0x2800, $0x38;
	[tilespmem:$0x19100] =	vst v63  }
0x22: {  	_ = 	snop  }
0x23: {  	[tilespmem:s21], [sflag:$0x2] =	stream.linear.gather [hbm4b:s9+s3], $0x50, $0x38;
	[tilespmem:$0x19100] =	vst v63  }
0x24: {  	_ = 	snop  }
0x25: {  	[tilespmem:s22], [sflag:$0x4] =	stream.linear.gather [hbm4b:s10+s3], $0x2800, $0x38;
	[tilespmem:$0x19100] =	vst v63  }
0x26: {  	_ =	swait.ge [sflag:s23], $0x50  }
0x27: {  	[sflag:s23] =	ssyncset.done $0x0  }
0x28: {  	[sflag:s23] =	ssyncadd.s32 $0xFFFFFFB0  }
0x29: {  	_ =	swait.ge [sflag:s24], $0x2800  }
0x2a: {  	[sflag:s24] =	ssyncset.done $0x0  }
0x2b: {  	[sflag:s24] =	ssyncadd.s32 $0xFFFFD800  }
0x2c: {  	[spmem:s2] =	stream.indirect.scatter.add.f32 [tilespmem:s20], [sflag:$0x5], $0x80, s3, s25, $0xb8;
	[tilespmem:$0x19100] =	vst v63  }
0x2d: {  	_ =	swait.ge [sflag:s19], $0x2800  }
0x2e: {  	s5 =	sshrl.u32 s17, $0x3;
	[sflag:s19] =	ssyncset.done $0x0  }
0x2f: {  	s0 =	sadd.s32 s4, s5;
	[sflag:s19] =	ssyncadd.s32 $0xFFFFD800  }
0x30: {  	[tilespmem:s3], [sflag:$0x1] =	stream.linear.gather [hbm4b:s0+s3], $0x50, $0x38;
	[tilespmem:$0x19100] =	vst v63  }
0x31: {  	s7 =	sadd.s32 $0xFFFFFB00, s1  }
0x32: {  	[tilespmem:s20], [sflag:$0x3] =	stream.linear.gather [hbm4b:s7+s3], $0x2800, $0x38;
	[tilespmem:$0x19100] =	vst v63  }
0x33: {  	_ =	swait.ge [sflag:s26], $0x50  }
0x34: {  	[sflag:s26] =	ssyncset.done $0x0  }
0x35: {  	[sflag:s26] =	ssyncadd.s32 $0xFFFFFFB0  }
0x36: {  	_ =	swait.ge [sflag:s28], $0x2800  }
0x37: {  	[sflag:s28] =	ssyncset.done $0x0  }
0x38: {  	[sflag:s28] =	ssyncadd.s32 $0xFFFFD800  }
0x39: {  	[spmem:s2] =	stream.indirect.scatter.add.f32 [tilespmem:s22], [sflag:$0x5], $0x80, s21, s25, $0xb8;
	[tilespmem:$0x19100] =	vst v63  }
0x3a: {  	_ =	swait.ge [sflag:s19], $0x2800  }
0x3b: {  	[sflag:s19] =	ssyncset.done $0x0  }
0x3c: {  	s30 =	simm.s32 $0x14;
	s15 =	sadd.s32 $0x0, s16;
	[sflag:s19] =	ssyncadd.s32 $0xFFFFD800  }
0x3d: {  	[tilespmem:s21], [sflag:$0x2] =	stream.linear.gather [hbm4b:s15+s3], $0x50, $0x38;
	[tilespmem:$0x19100] =	vst v63  }
0x3e: {  	s31 =	sadd.s32 $0xA00, s1;
	s0 =	sadd.s32 $0xA0, s17;
	s15 =	smov.u32 s1  }
.LBB2_2:
0x3f: {  	[tilespmem:s22], [sflag:$0x4] =	stream.linear.gather [hbm4b:s15+s3], $0x2800, $0x38;
	[tilespmem:$0x19100] =	vst v63  }
0x40: {  	s5 =	smov.u32 s30;
	s15 =	smov.u32 s31  }
0x41: {  	p0 =	sne.s32 s30, $0x4B0;
	s30 =	sadd.s32 $0x14, s30;
	_ =	swait.ge [sflag:s23], $0x50  }
0x42: {  	[sflag:s23] =	ssyncset.done $0x0  }
0x43: {  	[sflag:s23] =	ssyncadd.s32 $0xFFFFFFB0  }
0x44: {  	_ =	swait.ge [sflag:s24], $0x2800  }
0x45: {  	[sflag:s24] =	ssyncset.done $0x0  }
0x46: {  	[sflag:s24] =	ssyncadd.s32 $0xFFFFD800  }
0x47: {  	[spmem:s2] =	stream.indirect.scatter.add.f32 [tilespmem:s20], [sflag:$0x5], $0x80, s3, s25, $0xb8;
	[tilespmem:$0x19100] =	vst v63  }
0x48: {  	_ =	swait.ge [sflag:s19], $0x2800  }
0x49: {  	s7 =	sshrl.u32 s0, $0x3;
	[sflag:s19] =	ssyncset.done $0x0  }
0x4a: {  	s7 =	sadd.s32 s4, s7;
	[sflag:s19] =	ssyncadd.s32 $0xFFFFD800  }
0x4b: {  	[tilespmem:s3], [sflag:$0x1] =	stream.linear.gather [hbm4b:s7+s3], $0x50, $0x38;
	[tilespmem:$0x19100] =	vst v63  }
0x4c: {  	s7 =	sadd.s32 $0xFFFFFB00, s31  }
0x4d: {  	[tilespmem:s20], [sflag:$0x3] =	stream.linear.gather [hbm4b:s7+s3], $0x2800, $0x38;
	[tilespmem:$0x19100] =	vst v63  }
0x4e: {  	_ =	swait.ge [sflag:s26], $0x50  }
0x4f: {  	[sflag:s26] =	ssyncset.done $0x0  }
0x50: {  	[sflag:s26] =	ssyncadd.s32 $0xFFFFFFB0  }
0x51: {  	_ =	swait.ge [sflag:s28], $0x2800  }
0x52: {  	[sflag:s28] =	ssyncset.done $0x0  }
0x53: {  	[sflag:s28] =	ssyncadd.s32 $0xFFFFD800  }
0x54: {  	[spmem:s2] =	stream.indirect.scatter.add.f32 [tilespmem:s22], [sflag:$0x5], $0x80, s21, s25, $0xb8;
	[tilespmem:$0x19100] =	vst v63  }
.Ltmp0:
0x55: {  	_ =	swait.ge [sflag:s19], $0x2800;
	(pc) =	sbr.rel @p0 .LBB2_2-.Ltmp0, $4  }
0x56: {  	[sflag:s19] =	ssyncset.done $0x0  }
0x57: {  	s5 =	sadd.s32 s5, s16;
	[sflag:s19] =	ssyncadd.s32 $0xFFFFD800  }
0x58: {  	[tilespmem:s21], [sflag:$0x2] =	stream.linear.gather [hbm4b:s5+s3], $0x50, $0x38;
	[tilespmem:$0x19100] =	vst v63  }
0x59: {  	s0 =	sadd.s32 $0xA0, s0;
	s31 =	sadd.s32 $0xA00, s31  }
0x5a: {  	[tilespmem:s22], [sflag:$0x4] =	stream.linear.gather [hbm4b:s15+s3], $0x2800, $0x38;
	[tilespmem:$0x19100] =	vst v63  }
0x5b: {  	_ =	swait.ge [sflag:s23], $0x50  }
0x5c: {  	[sflag:s23] =	ssyncset.done $0x0  }
0x5d: {  	[sflag:s23] =	ssyncadd.s32 $0xFFFFFFB0  }
0x5e: {  	_ =	swait.ge [sflag:s24], $0x2800  }
0x5f: {  	[sflag:s24] =	ssyncset.done $0x0  }
0x60: {  	[sflag:s24] =	ssyncadd.s32 $0xFFFFD800  }
0x61: {  	[spmem:s2] =	stream.indirect.scatter.add.f32 [tilespmem:s20], [sflag:$0x5], $0x80, s3, s25, $0xb8;
	[tilespmem:$0x19100] =	vst v63  }
0x62: {  	_ =	swait.ge [sflag:s19], $0x2800  }
0x63: {  	[sflag:s19] =	ssyncset.done $0x0  }
0x64: {  	[sflag:s19] =	ssyncadd.s32 $0xFFFFD800  }
0x65: {  	[tilespmem:s3], [sflag:$0x1] =	stream.linear.gather [hbm4b:s13+s3], $0x50, $0x38;
	[tilespmem:$0x19100] =	vst v63  }
0x66: {  	_ = 	snop  }
0x67: {  	[tilespmem:s20], [sflag:$0x3] =	stream.linear.gather [hbm4b:s14+s3], $0x2800, $0x38;
	[tilespmem:$0x19100] =	vst v63  }
0x68: {  	_ =	swait.ge [sflag:s26], $0x50  }
0x69: {  	[sflag:s26] =	ssyncset.done $0x0  }
0x6a: {  	[sflag:s26] =	ssyncadd.s32 $0xFFFFFFB0  }
0x6b: {  	_ =	swait.ge [sflag:s28], $0x2800  }
0x6c: {  	[sflag:s28] =	ssyncset.done $0x0  }
0x6d: {  	[sflag:s28] =	ssyncadd.s32 $0xFFFFD800  }
0x6e: {  	[spmem:s2] =	stream.indirect.scatter.add.f32 [tilespmem:s22], [sflag:$0x5], $0x80, s21, s25, $0xb8;
	[tilespmem:$0x19100] =	vst v63  }
0x6f: {  	_ =	swait.ge [sflag:s19], $0x2800  }
0x70: {  	[sflag:s19] =	ssyncset.done $0x0  }
0x71: {  	[sflag:s19] =	ssyncadd.s32 $0xFFFFD800  }
0x72: {  	[tilespmem:s21], [sflag:$0x2] =	stream.linear.gather [hbm4b:s13+s3], $0x50, $0x38;
	[tilespmem:$0x19100] =	vst v63  }
0x73: {  	_ = 	snop  }
0x74: {  	[tilespmem:s22], [sflag:$0x4] =	stream.linear.gather [hbm4b:s14+s3], $0x2800, $0x38;
	[tilespmem:$0x19100] =	vst v63  }
0x75: {  	_ =	swait.ge [sflag:s23], $0x50  }
0x76: {  	[sflag:s23] =	ssyncset.done $0x0  }
0x77: {  	[sflag:s23] =	ssyncadd.s32 $0xFFFFFFB0  }
0x78: {  	_ =	swait.ge [sflag:s24], $0x2800  }
0x79: {  	[sflag:s24] =	ssyncset.done $0x0  }
0x7a: {  	[sflag:s24] =	ssyncadd.s32 $0xFFFFD800  }
0x7b: {  	_ =	swait.ge [sflag:s26], $0x50  }
0x7c: {  	[sflag:s26] =	ssyncset.done $0x0  }
0x7d: {  	[sflag:s26] =	ssyncadd.s32 $0xFFFFFFB0  }
0x7e: {  	_ =	swait.ge [sflag:s28], $0x2800  }
0x7f: {  	[sflag:s28] =	ssyncset.done $0x0  }
0x80: {  	[sflag:s28] =	ssyncadd.s32 $0xFFFFD800  }
0x81: {  	[spmem:s2] =	stream.indirect.scatter.add.f32 [tilespmem:s20], [sflag:$0x5], $0x80, s3, s25, $0xb8;
	[tilespmem:$0x19100] =	vst v63  }
0x82: {  	_ =	swait.ge [sflag:s19], $0x2800  }
0x83: {  	s29 =	sadd.s32 $0x1, s29;
	[sflag:s19] =	ssyncset.done $0x0  }
0x84: {  	p0 =	sne.s32 s29, s12;
	[sflag:s19] =	ssyncadd.s32 $0xFFFFD800  }
.Ltmp1:
0x85: {  	[bflag:$0x0] =	sbarrier.arrive $0xFFFF;
	(pc) =	sbr.rel @p0 .LBB2_1-.Ltmp1, $4  }
0x86: {  	[hbm:s11], [sflag:s6] =	dma.local [spmem:s18], $0x2800  }
0x87: {  	_ =	swait.ge [sflag:s19], $0x2800  }
0x88: {  	[sflag:s19] =	ssyncset.done $0x0  }
0x89: {  	[sflag:s19] =	ssyncadd.s32 $0xFFFFD800  }
0x8a: {  	_ =	sfence.sel $0x180000  }
0x8b: {  	[bflag:$0x0] =	sbarrier.arrive $0xFFFF  }
0x8c: {  	_ =	strace $0x9000004A  }
0x8d: {  	s0 =	stileid.u32;
	[bflag:$0x2] =	sbarrier.arrive $0xFFFF  }
0x8e: {  	p0 =	sne.s32 s0, $0x0;
	s0 =	rddreg [dreg:$0x3]  }
0x8f: {  	s0 =	sadd.s32 @!p0 $0x100000, s0  }
0x90: {  	[sflag:s0] =	ssyncadd.tile.s32 @!p0 $0x1;
	_ =	shalt  }
.Lfunc_end2:
_tile_overlayer_lowered:
.L_overlay_start_2:
0x91: {  	(tag) =	ssettag $0x2  }
0x92: {  	s0 =	rddreg [dreg:$0x0];
	s2 =	stileid.u32  }
0x93: {  	s1 =	rddreg [dreg:$0x1];
	p0 =	sne.s32 s2, $0x0  }
0x94: {  	s3 =	rddreg [dreg:$0x2];
	[bflag:$0x3] =	sbarrier.arrive $0xFFFF;
	s2 =	simm.s32 @!p0 $0x1C05  }
0x95: {  	[timem:s3], [sflag:s2] =	dma.local @!p0 [hbm:s0], s1  }
0x96: {  	s0 =	simm.s32 @!p0 $0x5  }
0x97: {  	_ =	swait.ge @!p0 [sflag:s0], s1  }
0x98: {  	s1 =	ssub.s32 @!p0 $0x0, s1;
	[sflag:s0] =	ssyncset.done @!p0 $0x0  }
0x99: {  	[sflag:s0] =	ssyncadd.s32 @!p0 s1  }
0x9a: {  	[bflag:$0x3] =	sbarrier.arrive $0xFFFF  }
0x9b: {  	_ =	shalt  }

// kernel: kernel.9.cloned.1.call-start
scs
__scs_entry_jumppad:
0x0: {  	(pc) =	sbr.rel $0x88, $3  }
0x1: {  	(tag) =	ssettag $0x0;
	lr =	simm.s32 $0x1  }
0x2: {  	[smem:$0x3F96] =	sst lr;
	_ =	strace $0xD0000000  }
0x3: {  	_ = 	snop  }
0x4: {  	_ = 	snop  }
0x5: {  	_ = 	snop  }
0x6: {  	_ = 	snop  }
0x7: {  	_ = 	snop  }
__scs_overlays_trampoline_lowered:
0x8: {  	[smem:$0x3FA5] =	sst s0  }
0x9: {  	[smem:$0x3FA6] =	sst s1  }
0xa: {  	[smem:$0x3FA7] =	sst s2  }
0xb: {  	[smem:$0x3FA8] =	sst s3  }
0xc: {  	[smem:$0x3FA9] =	sst s4  }
0xd: {  	[smem:$0x3FAA] =	sst s5  }
0xe: {  	[smem:$0x3FAB] =	sst s6  }
0xf: {  	[smem:$0x3FAC] =	sst s7  }
0x10: {  	[smem:$0x3FAD] =	sst s8  }
0x11: {  	[smem:$0x3FAE] =	sst s9;
	s0 =	simm.s32 @!p0 $0x0  }
0x12: {  	s1 =	sld [smem:$0x3F94];
	s0 =	simm.s32 @p0 $0x1  }
0x13: {  	[smem:$0x3FAF] =	sst s0;
	s0 =	simm.s32 @!p1 $0x0  }
0x14: {  	s2 =	sld [smem:$0x3F93];
	s0 =	simm.s32 @p1 $0x1  }
0x15: {  	[smem:$0x3FB0] =	sst s0;
	s0 =	simm.s32 @!p2 $0x0  }
0x16: {  	s3 =	sld [smem:$0x3FDB];
	s0 =	simm.s32 @p2 $0x1  }
0x17: {  	s4 =	simm.s32 $0x1BF5;
	[smem:$0x3FB2] =	sst s0  }
0x18: {  	s0 =	sld [smem:$0x3F95];
	_ =	swait.ge [sflag:s4], $0x0  }
0x19: {  	s7 =	sld [smem:$0x3F96]  }
0x1a: {  	s8 =	sadd.s32 $0xFFFFE003, lr  }
0x1b: {  	s9 =	sadd.s32 $0xFFFFFEF7, lr;
	s5 =	simm.s32 $0xFFFFFFFF;
	p2 =	slt.u32 s8, $0xFFFFF086  }
0x1c: {  	p1 =	slt.u32 s9, $0xF7A;
	s5 =	simm.s32 @!p2 $0x0  }
0x1d: {  	s5 =	simm.s32 @p1 $0x1;
	p0 =	seq.s32 s7, s2  }
0x1e: {  	s7 =	smul.u32 @!p0 $0xF7A, s2;
	p2 =	seq.s32 @!p0 s5, $0x0  }
0x1f: {  	s9 =	smul.u32 $0xF7A, s1;
	s8 =	simm.s32 @!p0 $0x1BF5;
	p2 =	por !p2, p0  }
0x20: {  	[sflag:s8] =	ssyncset.s32 @!p0 $0xFFFFF086;
	s6 =	sadd.s32 @!p0 s3, s7;
	s7 =	simm.s32 @!p0 $0x108  }
0x21: {  	s3 =	sadd.s32 s3, s9;
	s6 =	sadd.s32 @!p0 $0x88, s6;
	s7 =	simm.s32 @p2 $0x1082  }
0x22: {  	[simem:s7], [sflag:s8] =	dma.local @!p0 [hbm:s6], $0xF7A  }
0x23: {  	s9 =	sor.u32 $0xD0000000, s2;
	s6 =	simm.s32 $0x108;
	_ =	swait.ge @!p0 [sflag:s8], $0x0  }
0x24: {  	s3 =	sadd.s32 $0x88, s3;
	s6 =	simm.s32 @!p1 $0x1082;
	[sflag:s4] =	ssyncset.s32 $0xFFFFF086  }
0x25: {  	[simem:s6], [sflag:s4] =	dma.local [hbm:s3], $0xF7A  }
0x26: {  	[smem:$0x3F96] =	sst s1;
	(tag) =	ssettag s2;
	_ =	strace s9  }
0x27: {  	s1 =	sld [smem:$0x3FA6]  }
0x28: {  	s2 =	sld [smem:$0x3FA7]  }
0x29: {  	s4 =	sld [smem:$0x3FA9]  }
0x2a: {  	p0 =	seq.s32 s5, $0x0;
	s5 =	sld [smem:$0x3FAA]  }
0x2b: {  	s6 =	sld [smem:$0x3FAB]  }
0x2c: {  	s7 =	sld [smem:$0x3FAC]  }
0x2d: {  	s3 =	simm.s32 $0x108;
	s8 =	sld [smem:$0x3FAD]  }
0x2e: {  	s3 =	simm.s32 @!p0 $0x1082;
	s9 =	sld [smem:$0x3FAE]  }
0x2f: {  	lr =	sadd.s32 s0, s3;
	s0 =	sld [smem:$0x3FA5]  }
0x30: {  	s3 =	sld [smem:$0x3FA8]  }
0x31: {  	[smem:$0x3FB1] =	sst s10  }
0x32: {  	s10 =	sld [smem:$0x3FAF];
	_ =	sdelay $0x3  }
0x33: {  	p0 =	seq.s32 s10, $0x1;
	s10 =	sld [smem:$0x3FB1];
	_ =	sdelay $0x3  }
0x34: {  	[smem:$0x3FB1] =	sst s10  }
0x35: {  	s10 =	sld [smem:$0x3FB0];
	_ =	sdelay $0x3  }
0x36: {  	p1 =	seq.s32 s10, $0x1;
	s10 =	sld [smem:$0x3FB1];
	_ =	sdelay $0x3  }
0x37: {  	[smem:$0x3FB1] =	sst s10  }
0x38: {  	s10 =	sld [smem:$0x3FB2]  }
0x39: {  	_ = 	snop;
	(pc) =	sbr.ind lr, $3  }
0x3a: {  	_ = 	snop  }
0x3b: {  	_ = 	snop  }
0x3c: {  	p2 =	seq.s32 s10, $0x1;
	s10 =	sld [smem:$0x3FB1]  }
0x3d: {  	_ =	shalt  }
0x3e: {  	_ =	shalt  }
0x3f: {  	_ =	shalt  }
0x40: {  	_ =	shalt  }
0x41: {  	_ =	shalt  }
0x42: {  	_ =	shalt  }
0x43: {  	_ =	shalt  }
0x44: {  	_ =	shalt  }
0x45: {  	_ =	shalt  }
0x46: {  	_ =	shalt  }
0x47: {  	_ =	shalt  }
0x48: {  	_ =	shalt  }
0x49: {  	_ =	shalt  }
0x4a: {  	_ =	shalt  }
0x4b: {  	_ =	shalt  }
0x4c: {  	_ =	shalt  }
0x4d: {  	_ =	shalt  }
0x4e: {  	_ =	shalt  }
0x4f: {  	_ =	shalt  }
0x50: {  	_ =	shalt  }
0x51: {  	_ =	shalt  }
0x52: {  	_ =	shalt  }
0x53: {  	_ =	shalt  }
0x54: {  	_ =	shalt  }
0x55: {  	_ =	shalt  }
0x56: {  	_ =	shalt  }
0x57: {  	_ =	shalt  }
0x58: {  	_ =	shalt  }
0x59: {  	_ =	shalt  }
0x5a: {  	_ =	shalt  }
0x5b: {  	_ =	shalt  }
0x5c: {  	_ =	shalt  }
0x5d: {  	_ =	shalt  }
0x5e: {  	_ =	shalt  }
0x5f: {  	_ =	shalt  }
0x60: {  	_ =	shalt  }
0x61: {  	_ =	shalt  }
0x62: {  	_ =	shalt  }
0x63: {  	_ =	shalt  }
0x64: {  	_ =	shalt  }
0x65: {  	_ =	shalt  }
0x66: {  	_ =	shalt  }
0x67: {  	_ =	shalt  }
0x68: {  	_ =	shalt  }
0x69: {  	_ =	shalt  }
0x6a: {  	_ =	shalt  }
0x6b: {  	_ =	shalt  }
0x6c: {  	_ =	shalt  }
0x6d: {  	_ =	shalt  }
0x6e: {  	_ =	shalt  }
0x6f: {  	_ =	shalt  }
0x70: {  	_ =	shalt  }
0x71: {  	_ =	shalt  }
0x72: {  	_ =	shalt  }
0x73: {  	_ =	shalt  }
0x74: {  	_ =	shalt  }
0x75: {  	_ =	shalt  }
0x76: {  	_ =	shalt  }
0x77: {  	_ =	shalt  }
0x78: {  	_ =	shalt  }
0x79: {  	_ =	shalt  }
0x7a: {  	_ =	shalt  }
0x7b: {  	_ =	shalt  }
0x7c: {  	_ =	shalt  }
0x7d: {  	_ =	shalt  }
0x7e: {  	_ =	shalt  }
0x7f: {  	_ =	shalt  }
0x80: {  	_ =	shalt  }
0x81: {  	_ =	shalt  }
0x82: {  	_ =	shalt  }
0x83: {  	_ =	shalt  }
0x84: {  	_ =	shalt  }
0x85: {  	_ =	shalt  }
0x86: {  	_ =	shalt  }
0x87: {  	_ =	shalt  }
.Lfunc_end0:
.L_simem_size_0:
called_computation_lowered:
.L_overlay_start_0:
0x88: {  	s2 =	sld [smem:$0x3FD9]  }
0x89: {  	s3 =	sld [smem:$0x3FFE];
	_ =	sdelay $0x1  }
0x8a: {  	s1 =	srdreg.scid  }
0x8b: {  	s0 =	sand.u32 $0x1, s1  }
0x8c: {  	s14 =	sshll.u32 s0, $0xA;
	s2 =	sadd.s32 s3, s2  }
0x8d: {  	s2 =	sadd.s32 s2, s14  }
0x8e: {  	[smem:$0x3FBD] =	sst s2  }
0x8f: {  	_ = 	snop  }
0x90: {  	s2 =	sld [smem:$0x3FD0];
	_ =	sdelay $0x2  }
0x91: {  	s15 =	simm.s32 $0xA;
	s4 =	simm.s32 $0x10  }
0x92: {  	[smem:s4], [sflag:s15] =	dma.local [hbm:s2], $0x1  }
0x93: {  	_ =	swait.eq [sflag:s15], $0x1  }
0x94: {  	[sflag:s15] =	ssyncset.done $0x0  }
0x95: {  	s16 =	sld [smem:$0x10];
	[sflag:s15] =	ssyncadd.s32 $0xFFFFFFFF  }
0x96: {  	s17 =	sld [smem:$0x11];
	(tm) =	ssettm $0x1  }
0x97: {  	s18 =	sld [smem:$0x3FFB];
	_ =	sdelay $0x3  }
0x98: {  	_ =	strace s18  }
0x99: {  	s4 =	sld [smem:$0x3FFC];
	_ =	sdelay $0x3  }
0x9a: {  	_ =	strace s4  }
0x9b: {  	s4 =	sld [smem:$0x3FFD];
	_ =	sdelay $0x3  }
0x9c: {  	_ =	strace s4  }
0x9d: {  	_ =	strace $0x8FFFFFFF  }
0x9e: {  	s19 =	sld [smem:$0x3FDB];
	_ =	sdelay $0x1  }
0x9f: {  	s5 =	simm.s32 $_scs_section_size  }
0xa0: {  	s6 =	simm.s32 $_size__tile_overlayer_lowered;
	s7 =	simm.s32 $_tile_overlayer_lowered  }
0xa1: {  	s22 =	simm.s32 $0x1BFF;
	s21 =	sshll.u32 s7, $0x1;
	s4 =	sadd.s32 s5, s19  }
0xa2: {  	s8 =	simm.s32 $0x0;
	s20 =	sshll.u32 s6, $0x1;
	s6 =	sadd.s32 s21, s4  }
0xa3: {  	[timem:s8], [sflag:s22] =	dma.local [hbm:s6], s20  }
0xa4: {  	_ =	swait.ge [sflag:s22], s20  }
0xa5: {  	s5 =	ssub.s32 $0x0, s20;
	[sflag:s22] =	ssyncset.done $0x0  }
0xa6: {  	[sflag:s22] =	ssyncadd.s32 s5;
	_ =	sdelay $0x1  }
0xa7: {  	s23 =	simm.s32 $0x1B8B  }
0xa8: {  	_ =	swait.ge [sflag:s23], $0x1  }
0xa9: {  	[sflag:s23] =	ssyncset.done $0x0  }
0xaa: {  	s25 =	simm.s32 $0x1B8E;
	s24 =	sld [smem:$0x3FFE];
	[sflag:s23] =	ssyncadd.s32 $0xFFFFFFFF  }
0xab: {  	s26 =	simm.s32 $execute0_lowered;
	[smem:$0x3FD2] =	sst s25  }
0xac: {  	s6 =	sshll.u32 s26, $0x1;
	_ =	strace $0x80000046;
	[dreg:$0x1] =	wrdreg $0xFFFFFFFF  }
0xad: {  	s28 =	simm.s32 $_size_execute0_lowered;
	s4 =	sadd.s32 s4, s6;
	[dreg:$0x0] =	wrdreg $0x0  }
0xae: {  	s6 =	sshll.u32 s28, $0x1;
	[dreg:$0x2] =	wrdreg s4  }
0xaf: {  	[dreg:$0x3] =	wrdreg s6  }
0xb0: {  	[dreg:$0x4] =	wrdreg $0xC0  }
0xb1: {  	_ =	task [dreg:s8], $0x5FFFF  }
0xb2: {  	[dreg:$0x1] =	wrdreg $0xFFFFFFFF  }
0xb3: {  	[dreg:$0x0] =	wrdreg $0x60  }
0xb4: {  	[dreg:$0x2] =	wrdreg s16  }
0xb5: {  	[dreg:$0x3] =	wrdreg s17  }
0xb6: {  	[dreg:$0x4] =	wrdreg s24  }
0xb7: {  	[dreg:$0x5] =	wrdreg $0x9  }
0xb8: {  	_ =	task.clear_ibuf [dreg:s8], $0x6FFFF;
	_ =	strace $0x90000046  }
0xb9: {  	s29 =	simm.s32 $0x9;
	_ =	strace $0x80000048  }
0xba: {  	_ =	swait.ge [sflag:s29], $0x1  }
0xbb: {  	[sflag:s29] =	ssyncadd.s32 $0xFFFFFFFF  }
0xbc: {  	_ =	strace $0x90000048  }
0xbd: {  	_ =	sfence  }
0xbe: {  	s30 =	sld [smem:$0x0];
	_ =	sdelay $0x2  }
0xbf: {  	s31 =	sshll.u32 s1, $0xD;
	s1 =	sshrl.u32 s1, $0x2  }
0xc0: {  	s3 =	sand.u32 $0x4000, s31;
	s1 =	sadd.s32 s1, s30  }
0xc1: {  	s0 =	sor.u32 s3, s0;
	s1 =	sshll.u32 s1, $0x11  }
0xc2: {  	s0 =	sor.u32 s1, s0  }
0xc3: {  	s0 =	sadd.s32 $0x8F2B, s0  }
0xc4: {  	[sflag:s0] =	ssyncadd.remote.s32 $0x1  }
0xc5: {  	_ =	sfence.sel $0xFFFF  }
0xc6: {  	[dreg:$0x0] =	wrdreg $0xFFFFFFFF;
	(pc) =	sbr.abs _section_cstart, $3  }
0xc7: {  	[dreg:$0x1] =	wrdreg $0xFFFFFFFF  }
0xc8: {  	_ =	task.clear_ibuf [dreg:s8], $0x2FFFF;
	_ =	strace $0x9FFFFFFF  }
0xc9: {  	(tm) =	ssettm $0x7FFFFFFF  }
tec
execute0_lowered:
.L_overlay_start_1:
0x0: {  	(tag) =	ssettag $0x1  }
0x1: {  	s1 =	rddreg [dreg:$0x0]  }
0x2: {  	s2 =	rddreg [dreg:$0x1]  }
0x3: {  	s0 =	rddreg [dreg:$0x2]  }
0x4: {  	s4 =	simm.s32 $0x0;
	s3 =	srdreg.scid;
	s5 =	stileid.u32  }
0x5: {  	s16 =	simm.s32 $0xB;
	s19 =	simm.s32 $0x80;
	s20 =	simm.s32 $0x50  }
0x6: {  	s28 =	simm.s32 $0x5;
	s29 =	simm.s32 $0x6;
	s30 =	simm.s32 $0x5200  }
0x7: {  	s31 =	simm.s32 $0x1;
	s12 =	simm.s32 $0x3;
	s13 =	simm.s32 $0x4  }
0x8: {  	s18 =	simm.s32 $0x0;
	s3 =	sand.u32 $0x1, s3;
	s5 =	sshll.u32 s5, $0x1  }
0x9: {  	[smem:$0x7FF] =	sst s4;
	s9 =	ssub.s32 $0x2, s3;
	s3 =	sor.u32 s3, s5  }
0xa: {  	s7 =	sadd.s32 $0xBC00, s0;
	s8 =	sadd.s32 $0x15A00, s0;
	s6 =	smul.u32 $0x2710, s3  }
0xb: {  	_ =	strace $0x80000047;
	s10 =	sshrl.u32 s9, $0x1;
	s3 =	smul.u32 $0x138800, s3  }
0xc: {  	s5 =	sadd.s32 $0x1E00, s0;
	s23 =	ssub.s32 s9, s10;
	s24 =	sshrl.u32 s6, $0x3  }
0xd: {  	s9 =	sadd.s32 $0x50, s6;
	s3 =	sshrl.u32 s3, $0x3;
	s0 =	smax.u32 s23, $0x1  }
0xe: {  	s14 =	sadd.s32 $0xA0, s6;
	s11 =	sadd.s32 s5, s24;
	[dreg:$0x9] =	wrdreg s0  }
0xf: {  	s10 =	sadd.s32 s7, s24;
	s25 =	sshrl.u32 s9, $0x3;
	[dreg:$0x4] =	wrdreg s11  }
0x10: {  	s15 =	sadd.s32 $0xF0, s6;
	[dreg:$0x5] =	wrdreg s10;
	s26 =	sadd.s32 s5, s25  }
0x11: {  	s3 =	sadd.s32 s8, s3;
	s10 =	sadd.s32 s7, s25;
	[dreg:$0x6] =	wrdreg s26  }
0x12: {  	s23 =	simm.s32 $0x100;
	s3 =	sadd.s32 $0x26C00, s3;
	[dreg:$0x7] =	wrdreg s10  }
0x13: {  	s24 =	simm.s32 $0x180;
	s0 =	simm.s32 $0x2;
	[dreg:$0x8] =	wrdreg s3  }
0x14: {  	s26 =	simm.s32 $0xA200;
	s3 =	simm.s32 $0x7;
	s10 =	simm.s32 $0x8  }
.LBB2_1:
0x15: {  	[dreg:$0xa] =	wrdreg s18  }
0x16: {  	s11 =	rddreg [dreg:$0x4]  }
0x17: {  	[tilespmem:s4], [sflag:$0xB] =	stream.linear.gather [hbm4b:s11+s4], $0x50, $0x38;
	[tilespmem:$0xF200] =	vst v63  }
0x18: {  	_ =	swait.ge [sflag:s16], $0x50  }
0x19: {  	[sflag:s16] =	ssyncset.done $0x0  }
0x1a: {  	s25 =	rddreg [dreg:$0x5];
	[sflag:s16] =	ssyncadd.s32 $0xFFFFFFB0  }
0x1b: {  	[tilespmem:s19], [sflag:$0xB] =	stream.linear.gather [hbm4b:s25+s4], $0x50, $0x38;
	[tilespmem:$0xF200] =	vst v63  }
0x1c: {  	_ =	swait.ge [sflag:s16], $0x50  }
0x1d: {  	[sflag:s16] =	ssyncset.done $0x0  }
0x1e: {  	s17 =	simm.s32 $0x200;
	[sflag:s16] =	ssyncadd.s32 $0xFFFFFFB0  }
0x1f: {  	[tilespmem:s17], [sflag:$0x5] =	stream.indirect.gather [hbm4b:s1+s20], $0x80, s4, s20, $0xb8;
	[tilespmem:$0xF200] =	vst v63  }
0x20: {  	s18 =	simm.s32 $0x2A00  }
0x21: {  	[tilespmem:s18], [sflag:$0x6] =	stream.indirect.gather [hbm4b:s2+s20], $0x80, s19, s20, $0xb8;
	[tilespmem:$0xF200] =	vst v63  }
0x22: {  	s21 =	rddreg [dreg:$0x6]  }
0x23: {  	[tilespmem:s23], [sflag:$0xB] =	stream.linear.gather [hbm4b:s21+s4], $0x50, $0x38;
	[tilespmem:$0xF200] =	vst v63  }
0x24: {  	_ =	swait.ge [sflag:s16], $0x50  }
0x25: {  	[sflag:s16] =	ssyncset.done $0x0  }
0x26: {  	s22 =	rddreg [dreg:$0x7];
	[sflag:s16] =	ssyncadd.s32 $0xFFFFFFB0  }
0x27: {  	[tilespmem:s24], [sflag:$0xB] =	stream.linear.gather [hbm4b:s22+s4], $0x50, $0x38;
	[tilespmem:$0xF200] =	vst v63  }
0x28: {  	_ =	swait.ge [sflag:s16], $0x50  }
0x29: {  	[sflag:s16] =	ssyncset.done $0x0  }
0x2a: {  	s25 =	simm.s32 $0x7A00;
	[sflag:s16] =	ssyncadd.s32 $0xFFFFFFB0  }
0x2b: {  	[tilespmem:s25], [sflag:$0x7] =	stream.indirect.gather [hbm4b:s1+s20], $0x80, s23, s20, $0xb8;
	[tilespmem:$0xF200] =	vst v63  }
0x2c: {  	s17 =	simm.s32 $0x0  }
0x2d: {  	[tilespmem:s26], [sflag:$0x8] =	stream.indirect.gather [hbm4b:s2+s20], $0x80, s24, s20, $0xb8;
	[tilespmem:$0xF200] =	vst v63  }
.LBB2_2:
0x2e: {  	_ =	swait.ge [sflag:s28], $0x2800  }
0x2f: {  	s16 =	smul.u32 $0xA0, s17;
	[sflag:s28] =	ssyncset.done $0x0  }
0x30: {  	[sflag:s28] =	ssyncadd.s32 $0xFFFFD800  }
0x31: {  	s11 =	sadd.s32 s16, s14;
	_ =	swait.ge [sflag:s29], $0x2800  }
0x32: {  	s11 =	sshrl.u32 s11, $0x3;
	[sflag:s29] =	ssyncset.done $0x0  }
0x33: {  	s18 =	sadd.s32 s5, s11;
	[sflag:s29] =	ssyncadd.s32 $0xFFFFD800  }
0x34: {  	[tilespmem:s4], [sflag:$0x1] =	stream.linear.gather [hbm4b:s18+s4], $0x50, $0x38;
	[tilespmem:$0xF200] =	vst v63  }
0x35: {  	p0 =	seq.s32 s17, $0x0;
	s11 =	sadd.s32 s7, s11  }
0x36: {  	[tilespmem:s19], [sflag:$0x2] =	stream.linear.gather [hbm4b:s11+s4], $0x50, $0x38;
	[tilespmem:$0xF200] =	vst v63  }
0x37: {  	s11 =	simm.s32 @!p0 $0x9  }
0x38: {  	_ =	swait.ge @!p0 [sflag:s11], $0x2800  }
0x39: {  	[sflag:s11] =	ssyncset.done @!p0 $0x0  }
0x3a: {  	[sflag:s11] =	ssyncadd.s32 @!p0 $0xFFFFD800;
	s11 =	simm.s32 $0x0  }
0x3b: {  	v0 =	vld [tilespmem:s11+$0x3F0]  }
0x3c: {  	v1 =	vld [tilespmem:s11+$0x2BF0]  }
0x3d: {  	v2 =	vld [tilespmem:s11+$0x200]  }
0x3e: {  	v3 =	vld [tilespmem:s11+$0x2A00]  }
0x3f: {  	v4 =	vld [tilespmem:s11+$0x210]  }
0x40: {  	v5 =	vld [tilespmem:s11+$0x2A10]  }
0x41: {  	v6 =	vld [tilespmem:s11+$0x220]  }
0x42: {  	v7 =	vld [tilespmem:s11+$0x230];
	v0 =	vadd.f32 v1, v0  }
0x43: {  	v1 =	vld [tilespmem:s11+$0x2A20]  }
0x44: {  	v2 =	vadd.f32 v3, v2;
	[tilespmem:s11+$0x53F0] =	vst v0;
	v0 =	vld [tilespmem:s11+$0x2A30]  }
0x45: {  	v3 =	vld [tilespmem:s11+$0x240]  }
0x46: {  	[tilespmem:s11+$0x5200] =	vst v2;
	v2 =	vadd.f32 v5, v4;
	v4 =	vld [tilespmem:s11+$0x2A40]  }
0x47: {  	v5 =	vld [tilespmem:s11+$0x2A50]  }
0x48: {  	[tilespmem:s11+$0x5210] =	vst v2;
	v2 =	vld [tilespmem:s11+$0x250];
	v1 =	vadd.f32 v1, v6  }
0x49: {  	v6 =	vld [tilespmem:s11+$0x2A60];
	v0 =	vadd.f32 v0, v7  }
0x4a: {  	[tilespmem:s11+$0x5220] =	vst v1;
	v1 =	vld [tilespmem:s11+$0x260]  }
0x4b: {  	[tilespmem:s11+$0x5230] =	vst v0;
	v0 =	vadd.f32 v4, v3;
	v3 =	vld [tilespmem:s11+$0x270]  }
0x4c: {  	v4 =	vld [tilespmem:s11+$0x2A70]  }
0x4d: {  	[tilespmem:s11+$0x5240] =	vst v0;
	v0 =	vadd.f32 v5, v2;
	v2 =	vld [tilespmem:s11+$0x280]  }
0x4e: {  	v5 =	vld [tilespmem:s11+$0x2A80]  }
0x4f: {  	[tilespmem:s11+$0x5250] =	vst v0;
	v0 =	vadd.f32 v6, v1;
	v1 =	vld [tilespmem:s11+$0x290]  }
0x50: {  	v6 =	vld [tilespmem:s11+$0x2A90]  }
0x51: {  	[tilespmem:s11+$0x5260] =	vst v0;
	v0 =	vadd.f32 v4, v3;
	v3 =	vld [tilespmem:s11+$0x2A0]  }
0x52: {  	v4 =	vld [tilespmem:s11+$0x2AA0]  }
0x53: {  	[tilespmem:s11+$0x5270] =	vst v0;
	v0 =	vadd.f32 v5, v2;
	v2 =	vld [tilespmem:s11+$0x2B0]  }
0x54: {  	v5 =	vld [tilespmem:s11+$0x2AB0]  }
0x55: {  	[tilespmem:s11+$0x5280] =	vst v0;
	v0 =	vadd.f32 v6, v1;
	v1 =	vld [tilespmem:s11+$0x2C0]  }
0x56: {  	v6 =	vld [tilespmem:s11+$0x2AC0]  }
0x57: {  	[tilespmem:s11+$0x5290] =	vst v0;
	v0 =	vadd.f32 v4, v3;
	v3 =	vld [tilespmem:s11+$0x2D0]  }
0x58: {  	v4 =	vld [tilespmem:s11+$0x2AD0]  }
0x59: {  	[tilespmem:s11+$0x52A0] =	vst v0;
	v0 =	vadd.f32 v5, v2;
	v2 =	vld [tilespmem:s11+$0x2E0]  }
0x5a: {  	v5 =	vld [tilespmem:s11+$0x2AE0]  }
0x5b: {  	[tilespmem:s11+$0x52B0] =	vst v0;
	v0 =	vadd.f32 v6, v1;
	v1 =	vld [tilespmem:s11+$0x2F0]  }
0x5c: {  	v6 =	vld [tilespmem:s11+$0x2AF0]  }
0x5d: {  	[tilespmem:s11+$0x52C0] =	vst v0;
	v0 =	vadd.f32 v4, v3;
	v3 =	vld [tilespmem:s11+$0x300]  }
0x5e: {  	v4 =	vld [tilespmem:s11+$0x2B00]  }
0x5f: {  	[tilespmem:s11+$0x52D0] =	vst v0;
	v0 =	vadd.f32 v5, v2;
	v2 =	vld [tilespmem:s11+$0x310]  }
0x60: {  	v5 =	vld [tilespmem:s11+$0x2B10]  }
0x61: {  	[tilespmem:s11+$0x52E0] =	vst v0;
	v0 =	vadd.f32 v6, v1;
	v1 =	vld [tilespmem:s11+$0x320]  }
0x62: {  	v6 =	vld [tilespmem:s11+$0x2B20]  }
0x63: {  	[tilespmem:s11+$0x52F0] =	vst v0;
	v0 =	vadd.f32 v4, v3;
	v3 =	vld [tilespmem:s11+$0x330]  }
0x64: {  	v4 =	vld [tilespmem:s11+$0x2B30]  }
0x65: {  	[tilespmem:s11+$0x5300] =	vst v0;
	v0 =	vadd.f32 v5, v2;
	v2 =	vld [tilespmem:s11+$0x340]  }
0x66: {  	v5 =	vld [tilespmem:s11+$0x2B40]  }
0x67: {  	[tilespmem:s11+$0x5310] =	vst v0;
	v0 =	vadd.f32 v6, v1;
	v1 =	vld [tilespmem:s11+$0x350]  }
0x68: {  	v6 =	vld [tilespmem:s11+$0x2B50]  }
0x69: {  	[tilespmem:s11+$0x5320] =	vst v0;
	v0 =	vadd.f32 v4, v3;
	v3 =	vld [tilespmem:s11+$0x360]  }
0x6a: {  	v4 =	vld [tilespmem:s11+$0x2B60]  }
0x6b: {  	[tilespmem:s11+$0x5330] =	vst v0;
	v0 =	vadd.f32 v5, v2;
	v2 =	vld [tilespmem:s11+$0x370]  }
0x6c: {  	v5 =	vld [tilespmem:s11+$0x2B70]  }
0x6d: {  	[tilespmem:s11+$0x5340] =	vst v0;
	v0 =	vadd.f32 v6, v1;
	v1 =	vld [tilespmem:s11+$0x380]  }
0x6e: {  	v6 =	vld [tilespmem:s11+$0x2B80]  }
0x6f: {  	[tilespmem:s11+$0x5350] =	vst v0;
	v0 =	vadd.f32 v4, v3;
	v3 =	vld [tilespmem:s11+$0x390]  }
0x70: {  	v4 =	vld [tilespmem:s11+$0x2B90]  }
0x71: {  	[tilespmem:s11+$0x5360] =	vst v0;
	v0 =	vadd.f32 v5, v2;
	v2 =	vld [tilespmem:s11+$0x3A0]  }
0x72: {  	v5 =	vld [tilespmem:s11+$0x2BA0]  }
0x73: {  	[tilespmem:s11+$0x5370] =	vst v0;
	v0 =	vadd.f32 v6, v1;
	v1 =	vld [tilespmem:s11+$0x3B0]  }
0x74: {  	v6 =	vld [tilespmem:s11+$0x2BB0]  }
0x75: {  	v8 =	vld [tilespmem:s11+$0x2BC0]  }
0x76: {  	v7 =	vld [tilespmem:s11+$0x3C0];
	[tilespmem:s11+$0x5380] =	vst v0;
	v0 =	vadd.f32 v4, v3  }
0x77: {  	v3 =	vld [tilespmem:s11+$0x2BD0]  }
0x78: {  	[tilespmem:s11+$0x5390] =	vst v0;
	v0 =	vadd.f32 v5, v2;
	v2 =	vld [tilespmem:s11+$0x3D0]  }
0x79: {  	v4 =	vld [tilespmem:s11+$0x2BE0];
	v5 =	vadd.f32 v6, v1  }
0x7a: {  	s25 =	simm.s32 $0x200;
	[tilespmem:s11+$0x53A0] =	vst v0;
	v0 =	vld [tilespmem:s11+$0x3E0]  }
0x7b: {  	s22 =	simm.s32 $0x1000;
	s21 =	sadd.s32 s6, s16;
	s18 =	sshll.u32 s17, $0x1;
	v1 =	vld [tilespmem:s25+$0x3F0];
	[tilespmem:s11+$0x53B0] =	vst v5;
	v5 =	vadd.f32 v8, v7  }
.LBB2_3:
0x7c: {  	p1 =	sne.s32 s22, $0x9800;
	v6 =	vld [tilespmem:s25+$0x2BF0]  }
0x7d: {  	v7 =	vld [tilespmem:s25+$0x200];
	[tilespmem:s11+$0x53C0] =	vst v5;
	v2 =	vadd.f32 v3, v2  }
0x7e: {  	v3 =	vld [tilespmem:s25+$0x2A00]  }
0x7f: {  	v5 =	vld [tilespmem:s25+$0x210];
	[tilespmem:s11+$0x53D0] =	vst v2;
	v0 =	vadd.f32 v4, v0  }
0x80: {  	v2 =	vld [tilespmem:s25+$0x2A10]  }
0x81: {  	v4 =	vld [tilespmem:s25+$0x220];
	v1 =	vadd.f32 v6, v1;
	[tilespmem:s11+$0x53E0] =	vst v0;
	s11 =	smov.u32 s25  }
0x82: {  	v0 =	vld [tilespmem:s11+$0x2A20]  }
0x83: {  	v3 =	vadd.f32 v3, v7;
	v6 =	vld [tilespmem:s11+$0x230];
	[tilespmem:s11+$0x53F0] =	vst v1  }
0x84: {  	v1 =	vld [tilespmem:s11+$0x2A30]  }
0x85: {  	[tilespmem:s11+$0x5200] =	vst v3;
	v2 =	vadd.f32 v2, v5;
	v3 =	vld [tilespmem:s11+$0x240]  }
0x86: {  	v5 =	vld [tilespmem:s11+$0x2A40]  }
0x87: {  	[tilespmem:s11+$0x5210] =	vst v2;
	v0 =	vadd.f32 v0, v4;
	v2 =	vld [tilespmem:s11+$0x250]  }
0x88: {  	v4 =	vld [tilespmem:s11+$0x2A50]  }
0x89: {  	[tilespmem:s11+$0x5220] =	vst v0;
	v0 =	vadd.f32 v1, v6;
	v1 =	vld [tilespmem:s11+$0x260]  }
0x8a: {  	v6 =	vld [tilespmem:s11+$0x2A60]  }
0x8b: {  	[tilespmem:s11+$0x5230] =	vst v0;
	v0 =	vadd.f32 v5, v3;
	v3 =	vld [tilespmem:s11+$0x270]  }
0x8c: {  	v5 =	vld [tilespmem:s11+$0x2A70]  }
0x8d: {  	[tilespmem:s11+$0x5240] =	vst v0;
	v0 =	vadd.f32 v4, v2;
	v2 =	vld [tilespmem:s11+$0x280]  }
0x8e: {  	v4 =	vld [tilespmem:s11+$0x2A80]  }
0x8f: {  	[tilespmem:s11+$0x5250] =	vst v0;
	v0 =	vadd.f32 v6, v1;
	v1 =	vld [tilespmem:s11+$0x290]  }
0x90: {  	v6 =	vld [tilespmem:s11+$0x2A90]  }
0x91: {  	[tilespmem:s11+$0x5260] =	vst v0;
	v0 =	vadd.f32 v5, v3;
	v3 =	vld [tilespmem:s11+$0x2A0]  }
0x92: {  	v5 =	vld [tilespmem:s11+$0x2AA0]  }
0x93: {  	[tilespmem:s11+$0x5270] =	vst v0;
	v0 =	vadd.f32 v4, v2;
	v2 =	vld [tilespmem:s11+$0x2B0]  }
0x94: {  	v4 =	vld [tilespmem:s11+$0x2AB0]  }
0x95: {  	[tilespmem:s11+$0x5280] =	vst v0;
	v0 =	vadd.f32 v6, v1;
	v1 =	vld [tilespmem:s11+$0x2C0]  }
0x96: {  	v6 =	vld [tilespmem:s11+$0x2AC0]  }
0x97: {  	[tilespmem:s11+$0x5290] =	vst v0;
	v0 =	vadd.f32 v5, v3;
	v3 =	vld [tilespmem:s11+$0x2D0]  }
0x98: {  	v5 =	vld [tilespmem:s11+$0x2AD0]  }
0x99: {  	[tilespmem:s11+$0x52A0] =	vst v0;
	v0 =	vadd.f32 v4, v2;
	v2 =	vld [tilespmem:s11+$0x2E0]  }
0x9a: {  	v4 =	vld [tilespmem:s11+$0x2AE0]  }
0x9b: {  	[tilespmem:s11+$0x52B0] =	vst v0;
	v0 =	vadd.f32 v6, v1;
	v1 =	vld [tilespmem:s11+$0x2F0]  }
0x9c: {  	v6 =	vld [tilespmem:s11+$0x2AF0]  }
0x9d: {  	[tilespmem:s11+$0x52C0] =	vst v0;
	v0 =	vadd.f32 v5, v3;
	v3 =	vld [tilespmem:s11+$0x300]  }
0x9e: {  	v5 =	vld [tilespmem:s11+$0x2B00]  }
0x9f: {  	[tilespmem:s11+$0x52D0] =	vst v0;
	v0 =	vadd.f32 v4, v2;
	v2 =	vld [tilespmem:s11+$0x310]  }
0xa0: {  	v4 =	vld [tilespmem:s11+$0x2B10]  }
0xa1: {  	[tilespmem:s11+$0x52E0] =	vst v0;
	v0 =	vadd.f32 v6, v1;
	v1 =	vld [tilespmem:s11+$0x320]  }
0xa2: {  	v6 =	vld [tilespmem:s11+$0x2B20]  }
0xa3: {  	[tilespmem:s11+$0x52F0] =	vst v0;
	v0 =	vadd.f32 v5, v3;
	v3 =	vld [tilespmem:s11+$0x330]  }
0xa4: {  	v5 =	vld [tilespmem:s11+$0x2B30]  }
0xa5: {  	[tilespmem:s11+$0x5300] =	vst v0;
	v0 =	vadd.f32 v4, v2;
	v2 =	vld [tilespmem:s11+$0x340]  }
0xa6: {  	v4 =	vld [tilespmem:s11+$0x2B40]  }
0xa7: {  	[tilespmem:s11+$0x5310] =	vst v0;
	v0 =	vadd.f32 v6, v1;
	v1 =	vld [tilespmem:s11+$0x350]  }
0xa8: {  	v6 =	vld [tilespmem:s11+$0x2B50]  }
0xa9: {  	[tilespmem:s11+$0x5320] =	vst v0;
	v0 =	vadd.f32 v5, v3;
	v3 =	vld [tilespmem:s11+$0x360]  }
0xaa: {  	v5 =	vld [tilespmem:s11+$0x2B60]  }
0xab: {  	[tilespmem:s11+$0x5330] =	vst v0;
	v0 =	vadd.f32 v4, v2;
	v2 =	vld [tilespmem:s11+$0x370]  }
0xac: {  	v4 =	vld [tilespmem:s11+$0x2B70]  }
0xad: {  	[tilespmem:s11+$0x5340] =	vst v0;
	v0 =	vadd.f32 v6, v1;
	v1 =	vld [tilespmem:s11+$0x380]  }
0xae: {  	v6 =	vld [tilespmem:s11+$0x2B80]  }
0xaf: {  	[tilespmem:s11+$0x5350] =	vst v0;
	v0 =	vadd.f32 v5, v3;
	v3 =	vld [tilespmem:s11+$0x390]  }
0xb0: {  	v5 =	vld [tilespmem:s11+$0x2B90]  }
0xb1: {  	[tilespmem:s11+$0x5360] =	vst v0;
	v0 =	vadd.f32 v4, v2;
	v2 =	vld [tilespmem:s11+$0x3A0]  }
0xb2: {  	v4 =	vld [tilespmem:s11+$0x2BA0]  }
0xb3: {  	[tilespmem:s11+$0x5370] =	vst v0;
	v0 =	vadd.f32 v6, v1;
	v1 =	vld [tilespmem:s11+$0x3B0]  }
0xb4: {  	v6 =	vld [tilespmem:s11+$0x2BB0]  }
0xb5: {  	[tilespmem:s11+$0x5380] =	vst v0;
	v0 =	vadd.f32 v5, v3;
	v5 =	vld [tilespmem:s11+$0x3C0]  }
0xb6: {  	v7 =	vld [tilespmem:s11+$0x2BC0]  }
.Ltmp0:
0xb7: {  	[tilespmem:s11+$0x5390] =	vst v0;
	v0 =	vadd.f32 v4, v2;
	v2 =	vld [tilespmem:s11+$0x3D0];
	(pc) =	sbr.rel @p1 .LBB2_3-.Ltmp0, $4  }
0xb8: {  	v3 =	vld [tilespmem:s11+$0x2BD0]  }
0xb9: {  	[tilespmem:s11+$0x53A0] =	vst v0;
	v6 =	vadd.f32 v6, v1;
	v0 =	vld [tilespmem:s11+$0x3E0]  }
0xba: {  	s25 =	sshra.s32 s22, $0x2;
	v4 =	vld [tilespmem:s11+$0x2BE0]  }
0xbb: {  	s22 =	sadd.s32 $0x800, s22;
	v1 =	vld [tilespmem:s25+$0x3F0];
	[tilespmem:s11+$0x53B0] =	vst v6;
	v5 =	vadd.f32 v7, v5  }
0xbc: {  	v6 =	vld [tilespmem:s25+$0x2BF0]  }
0xbd: {  	v7 =	vld [tilespmem:s25+$0x200];
	[tilespmem:s11+$0x53C0] =	vst v5;
	v2 =	vadd.f32 v3, v2  }
0xbe: {  	v3 =	vld [tilespmem:s25+$0x2A00]  }
0xbf: {  	v5 =	vld [tilespmem:s25+$0x210];
	[tilespmem:s11+$0x53D0] =	vst v2;
	v0 =	vadd.f32 v4, v0  }
0xc0: {  	v2 =	vld [tilespmem:s25+$0x2A10]  }
0xc1: {  	v4 =	vld [tilespmem:s25+$0x220];
	[tilespmem:s11+$0x53E0] =	vst v0  }
0xc2: {  	v0 =	vadd.f32 v6, v1;
	v1 =	vld [tilespmem:s25+$0x2A20]  }
0xc3: {  	v6 =	vld [tilespmem:s25+$0x230]  }
0xc4: {  	v3 =	vadd.f32 v3, v7;
	[tilespmem:s25+$0x53F0] =	vst v0;
	v0 =	vld [tilespmem:s25+$0x2A30]  }
0xc5: {  	v7 =	vld [tilespmem:s25+$0x2BE0]  }
0xc6: {  	[tilespmem:s25+$0x5200] =	vst v3;
	v2 =	vadd.f32 v2, v5;
	v3 =	vld [tilespmem:s25+$0x240]  }
0xc7: {  	v5 =	vld [tilespmem:s25+$0x2A40]  }
0xc8: {  	[tilespmem:s25+$0x5210] =	vst v2;
	v2 =	vld [tilespmem:s25+$0x250]  }
0xc9: {  	v1 =	vadd.f32 v1, v4;
	v4 =	vld [tilespmem:s25+$0x2A50]  }
0xca: {  	v0 =	vadd.f32 v0, v6;
	v6 =	vld [tilespmem:s25+$0x2A60]  }
0xcb: {  	[tilespmem:s25+$0x5220] =	vst v1;
	v1 =	vld [tilespmem:s25+$0x260]  }
0xcc: {  	[tilespmem:s25+$0x5230] =	vst v0;
	v0 =	vadd.f32 v5, v3;
	v3 =	vld [tilespmem:s25+$0x270]  }
0xcd: {  	v5 =	vld [tilespmem:s25+$0x2A70]  }
0xce: {  	[tilespmem:s25+$0x5240] =	vst v0;
	v0 =	vadd.f32 v4, v2;
	v2 =	vld [tilespmem:s25+$0x280]  }
0xcf: {  	v4 =	vld [tilespmem:s25+$0x2A80]  }
0xd0: {  	[tilespmem:s25+$0x5250] =	vst v0;
	v0 =	vadd.f32 v6, v1;
	v1 =	vld [tilespmem:s25+$0x290]  }
0xd1: {  	v6 =	vld [tilespmem:s25+$0x2A90]  }
0xd2: {  	[tilespmem:s25+$0x5260] =	vst v0;
	v0 =	vadd.f32 v5, v3;
	v3 =	vld [tilespmem:s25+$0x2A0]  }
0xd3: {  	v5 =	vld [tilespmem:s25+$0x2AA0]  }
0xd4: {  	[tilespmem:s25+$0x5270] =	vst v0;
	v0 =	vadd.f32 v4, v2;
	v2 =	vld [tilespmem:s25+$0x2B0]  }
0xd5: {  	v4 =	vld [tilespmem:s25+$0x2AB0]  }
0xd6: {  	[tilespmem:s25+$0x5280] =	vst v0;
	v0 =	vadd.f32 v6, v1;
	v1 =	vld [tilespmem:s25+$0x2C0]  }
0xd7: {  	v6 =	vld [tilespmem:s25+$0x2AC0]  }
0xd8: {  	[tilespmem:s25+$0x5290] =	vst v0;
	v0 =	vadd.f32 v5, v3;
	v3 =	vld [tilespmem:s25+$0x2D0]  }
0xd9: {  	v5 =	vld [tilespmem:s25+$0x2AD0]  }
0xda: {  	[tilespmem:s25+$0x52A0] =	vst v0;
	v0 =	vadd.f32 v4, v2;
	v2 =	vld [tilespmem:s25+$0x2E0]  }
0xdb: {  	v4 =	vld [tilespmem:s25+$0x2AE0]  }
0xdc: {  	[tilespmem:s25+$0x52B0] =	vst v0;
	v0 =	vadd.f32 v6, v1;
	v1 =	vld [tilespmem:s25+$0x2F0]  }
0xdd: {  	v6 =	vld [tilespmem:s25+$0x2AF0]  }
0xde: {  	[tilespmem:s25+$0x52C0] =	vst v0;
	v0 =	vadd.f32 v5, v3;
	v3 =	vld [tilespmem:s25+$0x300]  }
0xdf: {  	v5 =	vld [tilespmem:s25+$0x2B00]  }
0xe0: {  	[tilespmem:s25+$0x52D0] =	vst v0;
	v0 =	vadd.f32 v4, v2;
	v2 =	vld [tilespmem:s25+$0x310]  }
0xe1: {  	v4 =	vld [tilespmem:s25+$0x2B10]  }
0xe2: {  	[tilespmem:s25+$0x52E0] =	vst v0;
	v0 =	vadd.f32 v6, v1;
	v1 =	vld [tilespmem:s25+$0x320]  }
0xe3: {  	v6 =	vld [tilespmem:s25+$0x2B20]  }
0xe4: {  	[tilespmem:s25+$0x52F0] =	vst v0;
	v0 =	vadd.f32 v5, v3;
	v3 =	vld [tilespmem:s25+$0x330]  }
0xe5: {  	v5 =	vld [tilespmem:s25+$0x2B30]  }
0xe6: {  	[tilespmem:s25+$0x5300] =	vst v0;
	v0 =	vadd.f32 v4, v2;
	v2 =	vld [tilespmem:s25+$0x340]  }
0xe7: {  	v4 =	vld [tilespmem:s25+$0x2B40]  }
0xe8: {  	[tilespmem:s25+$0x5310] =	vst v0;
	v0 =	vadd.f32 v6, v1;
	v1 =	vld [tilespmem:s25+$0x350]  }
0xe9: {  	v6 =	vld [tilespmem:s25+$0x2B50]  }
0xea: {  	[tilespmem:s25+$0x5320] =	vst v0;
	v0 =	vadd.f32 v5, v3;
	v3 =	vld [tilespmem:s25+$0x360]  }
0xeb: {  	v5 =	vld [tilespmem:s25+$0x2B60]  }
0xec: {  	[tilespmem:s25+$0x5330] =	vst v0;
	v0 =	vadd.f32 v4, v2;
	v2 =	vld [tilespmem:s25+$0x370]  }
0xed: {  	v4 =	vld [tilespmem:s25+$0x2B70]  }
0xee: {  	[tilespmem:s25+$0x5340] =	vst v0;
	v0 =	vadd.f32 v6, v1;
	v1 =	vld [tilespmem:s25+$0x380]  }
0xef: {  	v6 =	vld [tilespmem:s25+$0x2B80]  }
0xf0: {  	[tilespmem:s25+$0x5350] =	vst v0;
	v0 =	vadd.f32 v5, v3;
	v3 =	vld [tilespmem:s25+$0x390]  }
0xf1: {  	v5 =	vld [tilespmem:s25+$0x2B90]  }
0xf2: {  	[tilespmem:s25+$0x5360] =	vst v0;
	v0 =	vadd.f32 v4, v2;
	v2 =	vld [tilespmem:s25+$0x3A0]  }
0xf3: {  	v4 =	vld [tilespmem:s25+$0x2BA0]  }
0xf4: {  	[tilespmem:s25+$0x5370] =	vst v0;
	v0 =	vadd.f32 v6, v1;
	v1 =	vld [tilespmem:s25+$0x3B0]  }
0xf5: {  	v6 =	vld [tilespmem:s25+$0x2BB0]  }
0xf6: {  	[tilespmem:s25+$0x5380] =	vst v0;
	v0 =	vadd.f32 v5, v3;
	v3 =	vld [tilespmem:s25+$0x3C0]  }
0xf7: {  	v5 =	vld [tilespmem:s25+$0x2BC0]  }
0xf8: {  	[tilespmem:s25+$0x5390] =	vst v0;
	v0 =	vadd.f32 v4, v2;
	v2 =	vld [tilespmem:s25+$0x3D0]  }
0xf9: {  	v4 =	vld [tilespmem:s25+$0x2BD0]  }
0xfa: {  	[tilespmem:s25+$0x53A0] =	vst v0;
	v0 =	vld [tilespmem:s25+$0x3E0];
	_ =	sdelay $0x1  }
0xfb: {  	v1 =	vadd.f32 v6, v1  }
0xfc: {  	v3 =	vadd.f32 v5, v3  }
0xfd: {  	[tilespmem:s25+$0x53B0] =	vst v1;
	v1 =	vadd.f32 v4, v2  }
0xfe: {  	[tilespmem:s25+$0x53C0] =	vst v3;
	v0 =	vadd.f32 v7, v0  }
0xff: {  	s22 =	sshll.u32 s21, $0x4;
	[tilespmem:s25+$0x53D0] =	vst v1  }
0x100: {  	s11 =	sadd.s32 s8, s22;
	[tilespmem:s25+$0x53E0] =	vst v0  }
0x101: {  	[hbm4b:s11+s4] =	stream.linear.scatter [tilespmem:s30], [sflag:$0x9], $0x2800, $0x38;
	[tilespmem:$0xF200] =	vst v63  }
0x102: {  	_ =	swait.ge [sflag:s31], $0x50  }
0x103: {  	[sflag:s31] =	ssyncset.done $0x0  }
0x104: {  	[sflag:s31] =	ssyncadd.s32 $0xFFFFFFB0  }
0x105: {  	_ =	swait.ge [sflag:s0], $0x50  }
0x106: {  	[sflag:s0] =	ssyncset.done $0x0  }
0x107: {  	s25 =	simm.s32 $0x200;
	[sflag:s0] =	ssyncadd.s32 $0xFFFFFFB0  }
0x108: {  	[tilespmem:s25], [sflag:$0x5] =	stream.indirect.gather [hbm4b:s1+s20], $0x80, s4, s20, $0xb8;
	[tilespmem:$0xF200] =	vst v63  }
0x109: {  	s21 =	simm.s32 $0x2A00  }
0x10a: {  	[tilespmem:s21], [sflag:$0x6] =	stream.indirect.gather [hbm4b:s2+s20], $0x80, s19, s20, $0xb8;
	[tilespmem:$0xF200] =	vst v63  }
0x10b: {  	s22 =	smin.u32 s18, $0x79;
	_ =	swait.ge [sflag:s3], $0x2800  }
0x10c: {  	s11 =	smul.u32 $0x50, s22;
	[sflag:s3] =	ssyncset.done $0x0  }
0x10d: {  	[sflag:s3] =	ssyncadd.s32 $0xFFFFD800  }
0x10e: {  	s11 =	sadd.s32 s11, s15;
	_ =	swait.ge [sflag:s10], $0x2800  }
0x10f: {  	s11 =	sshrl.u32 s11, $0x3;
	[sflag:s10] =	ssyncset.done $0x0  }
0x110: {  	s25 =	sadd.s32 s5, s11;
	[sflag:s10] =	ssyncadd.s32 $0xFFFFD800  }
0x111: {  	[tilespmem:s23], [sflag:$0x3] =	stream.linear.gather [hbm4b:s25+s4], $0x50, $0x38;
	[tilespmem:$0xF200] =	vst v63  }
0x112: {  	s11 =	sadd.s32 s7, s11  }
0x113: {  	[tilespmem:s24], [sflag:$0x4] =	stream.linear.gather [hbm4b:s11+s4], $0x50, $0x38;
	[tilespmem:$0xF200] =	vst v63  }
0x114: {  	s11 =	simm.s32 @!p0 $0xA  }
0x115: {  	_ =	swait.ge @!p0 [sflag:s11], $0x2800  }
0x116: {  	[sflag:s11] =	ssyncset.done @!p0 $0x0  }
0x117: {  	[sflag:s11] =	ssyncadd.s32 @!p0 $0xFFFFD800;
	s11 =	simm.s32 $0x0  }
0x118: {  	v0 =	vld [tilespmem:s11+$0x7BF0]  }
0x119: {  	v1 =	vld [tilespmem:s11+$0xA3F0]  }
0x11a: {  	v2 =	vld [tilespmem:s11+$0x7A00]  }
0x11b: {  	v3 =	vld [tilespmem:s11+$0xA200]  }
0x11c: {  	v4 =	vld [tilespmem:s11+$0x7A10]  }
0x11d: {  	v5 =	vld [tilespmem:s11+$0xA210]  }
0x11e: {  	v6 =	vld [tilespmem:s11+$0x7A20]  }
0x11f: {  	v7 =	vld [tilespmem:s11+$0x7A30];
	v0 =	vadd.f32 v1, v0  }
0x120: {  	v1 =	vld [tilespmem:s11+$0xA220]  }
0x121: {  	v2 =	vadd.f32 v3, v2;
	[tilespmem:s11+$0xCBF0] =	vst v0;
	v0 =	vld [tilespmem:s11+$0xA230]  }
0x122: {  	v3 =	vld [tilespmem:s11+$0x7A40]  }
0x123: {  	[tilespmem:s11+$0xCA00] =	vst v2;
	v2 =	vadd.f32 v5, v4;
	v4 =	vld [tilespmem:s11+$0xA240]  }
0x124: {  	v5 =	vld [tilespmem:s11+$0xA250]  }
0x125: {  	[tilespmem:s11+$0xCA10] =	vst v2;
	v2 =	vld [tilespmem:s11+$0x7A50];
	v1 =	vadd.f32 v1, v6  }
0x126: {  	v6 =	vld [tilespmem:s11+$0xA260];
	v0 =	vadd.f32 v0, v7  }
0x127: {  	[tilespmem:s11+$0xCA20] =	vst v1;
	v1 =	vld [tilespmem:s11+$0x7A60]  }
0x128: {  	[tilespmem:s11+$0xCA30] =	vst v0;
	v0 =	vadd.f32 v4, v3;
	v3 =	vld [tilespmem:s11+$0x7A70]  }
0x129: {  	v4 =	vld [tilespmem:s11+$0xA270]  }
0x12a: {  	[tilespmem:s11+$0xCA40] =	vst v0;
	v0 =	vadd.f32 v5, v2;
	v2 =	vld [tilespmem:s11+$0x7A80]  }
0x12b: {  	v5 =	vld [tilespmem:s11+$0xA280]  }
0x12c: {  	[tilespmem:s11+$0xCA50] =	vst v0;
	v0 =	vadd.f32 v6, v1;
	v1 =	vld [tilespmem:s11+$0x7A90]  }
0x12d: {  	v6 =	vld [tilespmem:s11+$0xA290]  }
0x12e: {  	[tilespmem:s11+$0xCA60] =	vst v0;
	v0 =	vadd.f32 v4, v3;
	v3 =	vld [tilespmem:s11+$0x7AA0]  }
0x12f: {  	v4 =	vld [tilespmem:s11+$0xA2A0]  }
0x130: {  	[tilespmem:s11+$0xCA70] =	vst v0;
	v0 =	vadd.f32 v5, v2;
	v2 =	vld [tilespmem:s11+$0x7AB0]  }
0x131: {  	v5 =	vld [tilespmem:s11+$0xA2B0]  }
0x132: {  	[tilespmem:s11+$0xCA80] =	vst v0;
	v0 =	vadd.f32 v6, v1;
	v1 =	vld [tilespmem:s11+$0x7AC0]  }
0x133: {  	v6 =	vld [tilespmem:s11+$0xA2C0]  }
0x134: {  	[tilespmem:s11+$0xCA90] =	vst v0;
	v0 =	vadd.f32 v4, v3;
	v3 =	vld [tilespmem:s11+$0x7AD0]  }
0x135: {  	v4 =	vld [tilespmem:s11+$0xA2D0]  }
0x136: {  	[tilespmem:s11+$0xCAA0] =	vst v0;
	v0 =	vadd.f32 v5, v2;
	v2 =	vld [tilespmem:s11+$0x7AE0]  }
0x137: {  	v5 =	vld [tilespmem:s11+$0xA2E0]  }
0x138: {  	[tilespmem:s11+$0xCAB0] =	vst v0;
	v0 =	vadd.f32 v6, v1;
	v1 =	vld [tilespmem:s11+$0x7AF0]  }
0x139: {  	v6 =	vld [tilespmem:s11+$0xA2F0]  }
0x13a: {  	[tilespmem:s11+$0xCAC0] =	vst v0;
	v0 =	vadd.f32 v4, v3;
	v3 =	vld [tilespmem:s11+$0x7B00]  }
0x13b: {  	v4 =	vld [tilespmem:s11+$0xA300]  }
0x13c: {  	[tilespmem:s11+$0xCAD0] =	vst v0;
	v0 =	vadd.f32 v5, v2;
	v2 =	vld [tilespmem:s11+$0x7B10]  }
0x13d: {  	v5 =	vld [tilespmem:s11+$0xA310]  }
0x13e: {  	[tilespmem:s11+$0xCAE0] =	vst v0;
	v0 =	vadd.f32 v6, v1;
	v1 =	vld [tilespmem:s11+$0x7B20]  }
0x13f: {  	v6 =	vld [tilespmem:s11+$0xA320]  }
0x140: {  	[tilespmem:s11+$0xCAF0] =	vst v0;
	v0 =	vadd.f32 v4, v3;
	v3 =	vld [tilespmem:s11+$0x7B30]  }
0x141: {  	v4 =	vld [tilespmem:s11+$0xA330]  }
0x142: {  	[tilespmem:s11+$0xCB00] =	vst v0;
	v0 =	vadd.f32 v5, v2;
	v2 =	vld [tilespmem:s11+$0x7B40]  }
0x143: {  	v5 =	vld [tilespmem:s11+$0xA340]  }
0x144: {  	[tilespmem:s11+$0xCB10] =	vst v0;
	v0 =	vadd.f32 v6, v1;
	v1 =	vld [tilespmem:s11+$0x7B50]  }
0x145: {  	v6 =	vld [tilespmem:s11+$0xA350]  }
0x146: {  	[tilespmem:s11+$0xCB20] =	vst v0;
	v0 =	vadd.f32 v4, v3;
	v3 =	vld [tilespmem:s11+$0x7B60]  }
0x147: {  	v4 =	vld [tilespmem:s11+$0xA360]  }
0x148: {  	[tilespmem:s11+$0xCB30] =	vst v0;
	v0 =	vadd.f32 v5, v2;
	v2 =	vld [tilespmem:s11+$0x7B70]  }
0x149: {  	v5 =	vld [tilespmem:s11+$0xA370]  }
0x14a: {  	[tilespmem:s11+$0xCB40] =	vst v0;
	v0 =	vadd.f32 v6, v1;
	v1 =	vld [tilespmem:s11+$0x7B80]  }
0x14b: {  	v6 =	vld [tilespmem:s11+$0xA380]  }
0x14c: {  	[tilespmem:s11+$0xCB50] =	vst v0;
	v0 =	vadd.f32 v4, v3;
	v3 =	vld [tilespmem:s11+$0x7B90]  }
0x14d: {  	v4 =	vld [tilespmem:s11+$0xA390]  }
0x14e: {  	[tilespmem:s11+$0xCB60] =	vst v0;
	v0 =	vadd.f32 v5, v2;
	v2 =	vld [tilespmem:s11+$0x7BA0]  }
0x14f: {  	v5 =	vld [tilespmem:s11+$0xA3A0]  }
0x150: {  	[tilespmem:s11+$0xCB70] =	vst v0;
	v0 =	vadd.f32 v6, v1;
	v1 =	vld [tilespmem:s11+$0x7BB0]  }
0x151: {  	v6 =	vld [tilespmem:s11+$0xA3B0]  }
0x152: {  	v8 =	vld [tilespmem:s11+$0xA3C0]  }
0x153: {  	v7 =	vld [tilespmem:s11+$0x7BC0];
	[tilespmem:s11+$0xCB80] =	vst v0;
	v0 =	vadd.f32 v4, v3  }
0x154: {  	v3 =	vld [tilespmem:s11+$0xA3D0]  }
0x155: {  	[tilespmem:s11+$0xCB90] =	vst v0;
	v0 =	vadd.f32 v5, v2;
	v2 =	vld [tilespmem:s11+$0x7BD0]  }
0x156: {  	v4 =	vld [tilespmem:s11+$0xA3E0];
	v5 =	vadd.f32 v6, v1  }
0x157: {  	s21 =	simm.s32 $0x200;
	[tilespmem:s11+$0xCBA0] =	vst v0;
	v0 =	vld [tilespmem:s11+$0x7BE0]  }
0x158: {  	s16 =	sadd.s32 s16, s9;
	s18 =	simm.s32 $0x1000;
	v1 =	vld [tilespmem:s21+$0x7BF0];
	[tilespmem:s11+$0xCBB0] =	vst v5;
	v5 =	vadd.f32 v8, v7  }
.LBB2_5:
0x159: {  	p0 =	sne.s32 s18, $0x9800;
	v6 =	vld [tilespmem:s21+$0xA3F0]  }
0x15a: {  	v7 =	vld [tilespmem:s21+$0x7A00];
	[tilespmem:s11+$0xCBC0] =	vst v5;
	v2 =	vadd.f32 v3, v2  }
0x15b: {  	v3 =	vld [tilespmem:s21+$0xA200]  }
0x15c: {  	v5 =	vld [tilespmem:s21+$0x7A10];
	[tilespmem:s11+$0xCBD0] =	vst v2;
	v0 =	vadd.f32 v4, v0  }
0x15d: {  	v2 =	vld [tilespmem:s21+$0xA210]  }
0x15e: {  	v4 =	vld [tilespmem:s21+$0x7A20];
	v1 =	vadd.f32 v6, v1;
	[tilespmem:s11+$0xCBE0] =	vst v0;
	s11 =	smov.u32 s21  }
0x15f: {  	v0 =	vld [tilespmem:s11+$0xA220]  }
0x160: {  	v3 =	vadd.f32 v3, v7;
	v6 =	vld [tilespmem:s11+$0x7A30];
	[tilespmem:s11+$0xCBF0] =	vst v1  }
0x161: {  	v1 =	vld [tilespmem:s11+$0xA230]  }
0x162: {  	[tilespmem:s11+$0xCA00] =	vst v3;
	v2 =	vadd.f32 v2, v5;
	v3 =	vld [tilespmem:s11+$0x7A40]  }
0x163: {  	v5 =	vld [tilespmem:s11+$0xA240]  }
0x164: {  	[tilespmem:s11+$0xCA10] =	vst v2;
	v0 =	vadd.f32 v0, v4;
	v2 =	vld [tilespmem:s11+$0x7A50]  }
0x165: {  	v4 =	vld [tilespmem:s11+$0xA250]  }
0x166: {  	[tilespmem:s11+$0xCA20] =	vst v0;
	v0 =	vadd.f32 v1, v6;
	v1 =	vld [tilespmem:s11+$0x7A60]  }
0x167: {  	v6 =	vld [tilespmem:s11+$0xA260]  }
0x168: {  	[tilespmem:s11+$0xCA30] =	vst v0;
	v0 =	vadd.f32 v5, v3;
	v3 =	vld [tilespmem:s11+$0x7A70]  }
0x169: {  	v5 =	vld [tilespmem:s11+$0xA270]  }
0x16a: {  	[tilespmem:s11+$0xCA40] =	vst v0;
	v0 =	vadd.f32 v4, v2;
	v2 =	vld [tilespmem:s11+$0x7A80]  }
0x16b: {  	v4 =	vld [tilespmem:s11+$0xA280]  }
0x16c: {  	[tilespmem:s11+$0xCA50] =	vst v0;
	v0 =	vadd.f32 v6, v1;
	v1 =	vld [tilespmem:s11+$0x7A90]  }
0x16d: {  	v6 =	vld [tilespmem:s11+$0xA290]  }
0x16e: {  	[tilespmem:s11+$0xCA60] =	vst v0;
	v0 =	vadd.f32 v5, v3;
	v3 =	vld [tilespmem:s11+$0x7AA0]  }
0x16f: {  	v5 =	vld [tilespmem:s11+$0xA2A0]  }
0x170: {  	[tilespmem:s11+$0xCA70] =	vst v0;
	v0 =	vadd.f32 v4, v2;
	v2 =	vld [tilespmem:s11+$0x7AB0]  }
0x171: {  	v4 =	vld [tilespmem:s11+$0xA2B0]  }
0x172: {  	[tilespmem:s11+$0xCA80] =	vst v0;
	v0 =	vadd.f32 v6, v1;
	v1 =	vld [tilespmem:s11+$0x7AC0]  }
0x173: {  	v6 =	vld [tilespmem:s11+$0xA2C0]  }
0x174: {  	[tilespmem:s11+$0xCA90] =	vst v0;
	v0 =	vadd.f32 v5, v3;
	v3 =	vld [tilespmem:s11+$0x7AD0]  }
0x175: {  	v5 =	vld [tilespmem:s11+$0xA2D0]  }
0x176: {  	[tilespmem:s11+$0xCAA0] =	vst v0;
	v0 =	vadd.f32 v4, v2;
	v2 =	vld [tilespmem:s11+$0x7AE0]  }
0x177: {  	v4 =	vld [tilespmem:s11+$0xA2E0]  }
0x178: {  	[tilespmem:s11+$0xCAB0] =	vst v0;
	v0 =	vadd.f32 v6, v1;
	v1 =	vld [tilespmem:s11+$0x7AF0]  }
0x179: {  	v6 =	vld [tilespmem:s11+$0xA2F0]  }
0x17a: {  	[tilespmem:s11+$0xCAC0] =	vst v0;
	v0 =	vadd.f32 v5, v3;
	v3 =	vld [tilespmem:s11+$0x7B00]  }
0x17b: {  	v5 =	vld [tilespmem:s11+$0xA300]  }
0x17c: {  	[tilespmem:s11+$0xCAD0] =	vst v0;
	v0 =	vadd.f32 v4, v2;
	v2 =	vld [tilespmem:s11+$0x7B10]  }
0x17d: {  	v4 =	vld [tilespmem:s11+$0xA310]  }
0x17e: {  	[tilespmem:s11+$0xCAE0] =	vst v0;
	v0 =	vadd.f32 v6, v1;
	v1 =	vld [tilespmem:s11+$0x7B20]  }
0x17f: {  	v6 =	vld [tilespmem:s11+$0xA320]  }
0x180: {  	[tilespmem:s11+$0xCAF0] =	vst v0;
	v0 =	vadd.f32 v5, v3;
	v3 =	vld [tilespmem:s11+$0x7B30]  }
0x181: {  	v5 =	vld [tilespmem:s11+$0xA330]  }
0x182: {  	[tilespmem:s11+$0xCB00] =	vst v0;
	v0 =	vadd.f32 v4, v2;
	v2 =	vld [tilespmem:s11+$0x7B40]  }
0x183: {  	v4 =	vld [tilespmem:s11+$0xA340]  }
0x184: {  	[tilespmem:s11+$0xCB10] =	vst v0;
	v0 =	vadd.f32 v6, v1;
	v1 =	vld [tilespmem:s11+$0x7B50]  }
0x185: {  	v6 =	vld [tilespmem:s11+$0xA350]  }
0x186: {  	[tilespmem:s11+$0xCB20] =	vst v0;
	v0 =	vadd.f32 v5, v3;
	v3 =	vld [tilespmem:s11+$0x7B60]  }
0x187: {  	v5 =	vld [tilespmem:s11+$0xA360]  }
0x188: {  	[tilespmem:s11+$0xCB30] =	vst v0;
	v0 =	vadd.f32 v4, v2;
	v2 =	vld [tilespmem:s11+$0x7B70]  }
0x189: {  	v4 =	vld [tilespmem:s11+$0xA370]  }
0x18a: {  	[tilespmem:s11+$0xCB40] =	vst v0;
	v0 =	vadd.f32 v6, v1;
	v1 =	vld [tilespmem:s11+$0x7B80]  }
0x18b: {  	v6 =	vld [tilespmem:s11+$0xA380]  }
0x18c: {  	[tilespmem:s11+$0xCB50] =	vst v0;
	v0 =	vadd.f32 v5, v3;
	v3 =	vld [tilespmem:s11+$0x7B90]  }
0x18d: {  	v5 =	vld [tilespmem:s11+$0xA390]  }
0x18e: {  	[tilespmem:s11+$0xCB60] =	vst v0;
	v0 =	vadd.f32 v4, v2;
	v2 =	vld [tilespmem:s11+$0x7BA0]  }
0x18f: {  	v4 =	vld [tilespmem:s11+$0xA3A0]  }
0x190: {  	[tilespmem:s11+$0xCB70] =	vst v0;
	v0 =	vadd.f32 v6, v1;
	v1 =	vld [tilespmem:s11+$0x7BB0]  }
0x191: {  	v6 =	vld [tilespmem:s11+$0xA3B0]  }
0x192: {  	[tilespmem:s11+$0xCB80] =	vst v0;
	v0 =	vadd.f32 v5, v3;
	v5 =	vld [tilespmem:s11+$0x7BC0]  }
0x193: {  	v7 =	vld [tilespmem:s11+$0xA3C0]  }
.Ltmp1:
0x194: {  	[tilespmem:s11+$0xCB90] =	vst v0;
	v0 =	vadd.f32 v4, v2;
	v2 =	vld [tilespmem:s11+$0x7BD0];
	(pc) =	sbr.rel @p0 .LBB2_5-.Ltmp1, $4  }
0x195: {  	v3 =	vld [tilespmem:s11+$0xA3D0]  }
0x196: {  	[tilespmem:s11+$0xCBA0] =	vst v0;
	v6 =	vadd.f32 v6, v1;
	v0 =	vld [tilespmem:s11+$0x7BE0]  }
0x197: {  	s21 =	sshra.s32 s18, $0x2;
	v4 =	vld [tilespmem:s11+$0xA3E0]  }
0x198: {  	s18 =	sadd.s32 $0x800, s18;
	v1 =	vld [tilespmem:s21+$0x7BF0];
	[tilespmem:s11+$0xCBB0] =	vst v6;
	v5 =	vadd.f32 v7, v5  }
0x199: {  	v6 =	vld [tilespmem:s21+$0xA3F0]  }
0x19a: {  	v7 =	vld [tilespmem:s21+$0x7A00];
	[tilespmem:s11+$0xCBC0] =	vst v5;
	v2 =	vadd.f32 v3, v2  }
0x19b: {  	v35 =	vld [tilespmem:s21+$0xA200]  }
0x19c: {  	v5 =	vld [tilespmem:s21+$0x7A10];
	[tilespmem:s11+$0xCBD0] =	vst v2;
	v0 =	vadd.f32 v4, v0  }
0x19d: {  	v2 =	vld [tilespmem:s21+$0xA210]  }
0x19e: {  	v36 =	vld [tilespmem:s21+$0x7A20];
	[tilespmem:s11+$0xCBE0] =	vst v0  }
0x19f: {  	v38 =	vld [tilespmem:s21+$0xA220]  }
0x1a0: {  	v39 =	vld [tilespmem:s21+$0x7A30]  }
0x1a1: {  	v40 =	vld [tilespmem:s21+$0xA230]  }
0x1a2: {  	v41 =	vld [tilespmem:s21+$0x7A40]  }
0x1a3: {  	v42 =	vld [tilespmem:s21+$0xA240]  }
0x1a4: {  	v43 =	vld [tilespmem:s21+$0x7A50]  }
0x1a5: {  	v44 =	vld [tilespmem:s21+$0xA250]  }
0x1a6: {  	v45 =	vld [tilespmem:s21+$0x7A60]  }
0x1a7: {  	v46 =	vld [tilespmem:s21+$0xA260]  }
0x1a8: {  	v48 =	vld [tilespmem:s21+$0x7A70]  }
0x1a9: {  	v49 =	vld [tilespmem:s21+$0xA270]  }
0x1aa: {  	v51 =	vld [tilespmem:s21+$0x7A80]  }
0x1ab: {  	v52 =	vld [tilespmem:s21+$0xA280]  }
0x1ac: {  	v54 =	vld [tilespmem:s21+$0x7A90]  }
0x1ad: {  	v55 =	vld [tilespmem:s21+$0xA290]  }
0x1ae: {  	v57 =	vld [tilespmem:s21+$0x7AA0]  }
0x1af: {  	v58 =	vld [tilespmem:s21+$0xA2A0]  }
0x1b0: {  	v60 =	vld [tilespmem:s21+$0x7AB0]  }
0x1b1: {  	v61 =	vld [tilespmem:s21+$0xA2B0]  }
0x1b2: {  	v63 =	vld [tilespmem:s21+$0x7AC0]  }
0x1b3: {  	v9 =	vld [tilespmem:s21+$0xA2C0]  }
0x1b4: {  	v11 =	vld [tilespmem:s21+$0x7AD0]  }
0x1b5: {  	v12 =	vld [tilespmem:s21+$0xA2D0]  }
0x1b6: {  	v14 =	vld [tilespmem:s21+$0x7AE0]  }
0x1b7: {  	v15 =	vld [tilespmem:s21+$0xA2E0]  }
0x1b8: {  	v17 =	vld [tilespmem:s21+$0x7AF0]  }
0x1b9: {  	v18 =	vld [tilespmem:s21+$0xA2F0]  }
0x1ba: {  	v20 =	vld [tilespmem:s21+$0x7B00]  }
0x1bb: {  	v21 =	vld [tilespmem:s21+$0xA300]  }
0x1bc: {  	v23 =	vld [tilespmem:s21+$0x7B10]  }
0x1bd: {  	v37 =	vadd.f32 v6, v1;
	v24 =	vld [tilespmem:s21+$0xA310]  }
0x1be: {  	v26 =	vld [tilespmem:s21+$0x7B20];
	v3 =	vadd.f32 v35, v7  }
0x1bf: {  	v27 =	vld [tilespmem:s21+$0xA320];
	[tilespmem:s21+$0xCBF0] =	vst v37;
	v2 =	vadd.f32 v2, v5  }
0x1c0: {  	v29 =	vld [tilespmem:s21+$0x7B30];
	[tilespmem:s21+$0xCA00] =	vst v3;
	v1 =	vadd.f32 v38, v36  }
0x1c1: {  	v30 =	vld [tilespmem:s21+$0xA330];
	[tilespmem:s21+$0xCA10] =	vst v2;
	v0 =	vadd.f32 v40, v39  }
0x1c2: {  	v32 =	vld [tilespmem:s21+$0x7B40];
	v47 =	vadd.f32 v42, v41;
	[tilespmem:s21+$0xCA20] =	vst v1  }
0x1c3: {  	v33 =	vld [tilespmem:s21+$0xA340];
	v50 =	vadd.f32 v44, v43;
	[tilespmem:s21+$0xCA30] =	vst v0  }
0x1c4: {  	v35 =	vld [tilespmem:s21+$0x7B50];
	v53 =	vadd.f32 v46, v45;
	[tilespmem:s21+$0xCA40] =	vst v47  }
0x1c5: {  	v56 =	vadd.f32 v49, v48;
	v36 =	vld [tilespmem:s21+$0xA350];
	[tilespmem:s21+$0xCA50] =	vst v50  }
0x1c6: {  	v59 =	vadd.f32 v52, v51;
	v38 =	vld [tilespmem:s21+$0x7B60];
	[tilespmem:s21+$0xCA60] =	vst v53  }
0x1c7: {  	v62 =	vadd.f32 v55, v54;
	v39 =	vld [tilespmem:s21+$0xA360];
	[tilespmem:s21+$0xCA70] =	vst v56  }
0x1c8: {  	v10 =	vadd.f32 v58, v57;
	v41 =	vld [tilespmem:s21+$0x7B70];
	[tilespmem:s21+$0xCA80] =	vst v59  }
0x1c9: {  	v13 =	vadd.f32 v61, v60;
	v42 =	vld [tilespmem:s21+$0xA370];
	[tilespmem:s21+$0xCA90] =	vst v62  }
0x1ca: {  	v16 =	vadd.f32 v9, v63;
	v44 =	vld [tilespmem:s21+$0x7B80];
	[tilespmem:s21+$0xCAA0] =	vst v10  }
0x1cb: {  	v19 =	vadd.f32 v12, v11;
	v45 =	vld [tilespmem:s21+$0xA380];
	[tilespmem:s21+$0xCAB0] =	vst v13  }
0x1cc: {  	v22 =	vadd.f32 v15, v14;
	v48 =	vld [tilespmem:s21+$0xA390];
	[tilespmem:s21+$0xCAC0] =	vst v16  }
0x1cd: {  	v25 =	vadd.f32 v18, v17;
	v51 =	vld [tilespmem:s21+$0xA3A0];
	[tilespmem:s21+$0xCAD0] =	vst v19  }
0x1ce: {  	v28 =	vadd.f32 v21, v20;
	v54 =	vld [tilespmem:s21+$0xA3B0];
	[tilespmem:s21+$0xCAE0] =	vst v22  }
0x1cf: {  	v31 =	vadd.f32 v24, v23;
	v57 =	vld [tilespmem:s21+$0xA3C0];
	[tilespmem:s21+$0xCAF0] =	vst v25  }
0x1d0: {  	v34 =	vadd.f32 v27, v26;
	v60 =	vld [tilespmem:s21+$0xA3D0];
	[tilespmem:s21+$0xCB00] =	vst v28  }
0x1d1: {  	v37 =	vadd.f32 v30, v29;
	v61 =	vld [tilespmem:s21+$0x7BE0];
	[tilespmem:s21+$0xCB10] =	vst v31  }
0x1d2: {  	v40 =	vadd.f32 v33, v32;
	[tilespmem:s21+$0xCB20] =	vst v34;
	v47 =	vld [tilespmem:s21+$0x7B90]  }
0x1d3: {  	[tilespmem:s21+$0xCB30] =	vst v37;
	v50 =	vld [tilespmem:s21+$0x7BA0];
	v43 =	vadd.f32 v36, v35  }
0x1d4: {  	[tilespmem:s21+$0xCB40] =	vst v40;
	v53 =	vld [tilespmem:s21+$0x7BB0];
	v46 =	vadd.f32 v39, v38  }
0x1d5: {  	v56 =	vld [tilespmem:s21+$0x7BC0];
	v49 =	vadd.f32 v42, v41;
	[tilespmem:s21+$0xCB50] =	vst v43  }
0x1d6: {  	v59 =	vld [tilespmem:s21+$0x7BD0];
	v52 =	vadd.f32 v45, v44;
	[tilespmem:s21+$0xCB60] =	vst v46  }
0x1d7: {  	v62 =	vld [tilespmem:s21+$0xA3E0];
	[tilespmem:s21+$0xCB70] =	vst v49;
	v55 =	vadd.f32 v48, v47  }
0x1d8: {  	[tilespmem:s21+$0xCB80] =	vst v52;
	v58 =	vadd.f32 v51, v50  }
0x1d9: {  	v1 =	vadd.f32 v54, v53;
	[tilespmem:s21+$0xCB90] =	vst v55  }
0x1da: {  	v3 =	vadd.f32 v57, v56;
	[tilespmem:s21+$0xCBA0] =	vst v58  }
0x1db: {  	v63 =	vadd.f32 v60, v59;
	[tilespmem:s21+$0xCBB0] =	vst v1  }
0x1dc: {  	v0 =	vadd.f32 v62, v61;
	[tilespmem:s21+$0xCBC0] =	vst v3  }
0x1dd: {  	s18 =	sshll.u32 s16, $0x4;
	[tilespmem:s21+$0xCBD0] =	vst v63  }
0x1de: {  	s22 =	simm.s32 $0xCA00;
	s11 =	sadd.s32 s8, s18;
	[tilespmem:s21+$0xCBE0] =	vst v0  }
0x1df: {  	[hbm4b:s11+s4] =	stream.linear.scatter [tilespmem:s22], [sflag:$0xA], $0x2800, $0x38;
	[tilespmem:$0xF200] =	vst v63  }
0x1e0: {  	_ =	swait.ge [sflag:s12], $0x50  }
0x1e1: {  	[sflag:s12] =	ssyncset.done $0x0  }
0x1e2: {  	s17 =	sadd.s32 $0x1, s17;
	[sflag:s12] =	ssyncadd.s32 $0xFFFFFFB0  }
0x1e3: {  	p0 =	sne.s32 s17, $0x3E;
	_ =	swait.ge [sflag:s13], $0x50  }
.Ltmp2:
0x1e4: {  	[sflag:s13] =	ssyncset.done $0x0;
	(pc) =	sbr.rel @p0 .LBB2_2-.Ltmp2, $4  }
0x1e5: {  	s25 =	simm.s32 $0x7A00;
	[sflag:s13] =	ssyncadd.s32 $0xFFFFFFB0  }
0x1e6: {  	[tilespmem:s25], [sflag:$0x7] =	stream.indirect.gather [hbm4b:s1+s20], $0x80, s23, s20, $0xb8;
	[tilespmem:$0xF200] =	vst v63  }
0x1e7: {  	_ = 	snop  }
0x1e8: {  	[tilespmem:s26], [sflag:$0x8] =	stream.indirect.gather [hbm4b:s2+s20], $0x80, s24, s20, $0xb8;
	[tilespmem:$0xF200] =	vst v63  }
0x1e9: {  	_ =	swait.ge [sflag:s28], $0x2800  }
0x1ea: {  	[sflag:s28] =	ssyncset.done $0x0  }
0x1eb: {  	[sflag:s28] =	ssyncadd.s32 $0xFFFFD800  }
0x1ec: {  	_ =	swait.ge [sflag:s29], $0x2800  }
0x1ed: {  	[sflag:s29] =	ssyncset.done $0x0  }
0x1ee: {  	s11 =	simm.s32 $0x9;
	[sflag:s29] =	ssyncadd.s32 $0xFFFFD800  }
0x1ef: {  	_ =	swait.ge [sflag:s11], $0x2800  }
0x1f0: {  	[sflag:s11] =	ssyncset.done $0x0  }
0x1f1: {  	[sflag:s11] =	ssyncadd.s32 $0xFFFFD800;
	s11 =	simm.s32 $0x0  }
0x1f2: {  	v0 =	vld [tilespmem:s11+$0x3F0]  }
0x1f3: {  	v1 =	vld [tilespmem:s11+$0x2BF0]  }
0x1f4: {  	v2 =	vld [tilespmem:s11+$0x200]  }
0x1f5: {  	v3 =	vld [tilespmem:s11+$0x2A00]  }
0x1f6: {  	v4 =	vld [tilespmem:s11+$0x210]  }
0x1f7: {  	v5 =	vld [tilespmem:s11+$0x2A10]  }
0x1f8: {  	v6 =	vld [tilespmem:s11+$0x220]  }
0x1f9: {  	v7 =	vld [tilespmem:s11+$0x230];
	v0 =	vadd.f32 v1, v0  }
0x1fa: {  	v1 =	vld [tilespmem:s11+$0x2A20]  }
0x1fb: {  	v2 =	vadd.f32 v3, v2;
	[tilespmem:s11+$0x53F0] =	vst v0;
	v0 =	vld [tilespmem:s11+$0x2A30]  }
0x1fc: {  	v3 =	vld [tilespmem:s11+$0x240]  }
0x1fd: {  	[tilespmem:s11+$0x5200] =	vst v2;
	v2 =	vadd.f32 v5, v4;
	v4 =	vld [tilespmem:s11+$0x2A40]  }
0x1fe: {  	v5 =	vld [tilespmem:s11+$0x2A50]  }
0x1ff: {  	[tilespmem:s11+$0x5210] =	vst v2;
	v2 =	vld [tilespmem:s11+$0x250];
	v1 =	vadd.f32 v1, v6  }
0x200: {  	v6 =	vld [tilespmem:s11+$0x2A60];
	v0 =	vadd.f32 v0, v7  }
0x201: {  	[tilespmem:s11+$0x5220] =	vst v1;
	v1 =	vld [tilespmem:s11+$0x260]  }
0x202: {  	[tilespmem:s11+$0x5230] =	vst v0;
	v0 =	vadd.f32 v4, v3;
	v3 =	vld [tilespmem:s11+$0x270]  }
0x203: {  	v4 =	vld [tilespmem:s11+$0x2A70]  }
0x204: {  	[tilespmem:s11+$0x5240] =	vst v0;
	v0 =	vadd.f32 v5, v2;
	v2 =	vld [tilespmem:s11+$0x280]  }
0x205: {  	v5 =	vld [tilespmem:s11+$0x2A80]  }
0x206: {  	[tilespmem:s11+$0x5250] =	vst v0;
	v0 =	vadd.f32 v6, v1;
	v1 =	vld [tilespmem:s11+$0x290]  }
0x207: {  	v6 =	vld [tilespmem:s11+$0x2A90]  }
0x208: {  	[tilespmem:s11+$0x5260] =	vst v0;
	v0 =	vadd.f32 v4, v3;
	v3 =	vld [tilespmem:s11+$0x2A0]  }
0x209: {  	v4 =	vld [tilespmem:s11+$0x2AA0]  }
0x20a: {  	[tilespmem:s11+$0x5270] =	vst v0;
	v0 =	vadd.f32 v5, v2;
	v2 =	vld [tilespmem:s11+$0x2B0]  }
0x20b: {  	v5 =	vld [tilespmem:s11+$0x2AB0]  }
0x20c: {  	[tilespmem:s11+$0x5280] =	vst v0;
	v0 =	vadd.f32 v6, v1;
	v1 =	vld [tilespmem:s11+$0x2C0]  }
0x20d: {  	v6 =	vld [tilespmem:s11+$0x2AC0]  }
0x20e: {  	[tilespmem:s11+$0x5290] =	vst v0;
	v0 =	vadd.f32 v4, v3;
	v3 =	vld [tilespmem:s11+$0x2D0]  }
0x20f: {  	v4 =	vld [tilespmem:s11+$0x2AD0]  }
0x210: {  	[tilespmem:s11+$0x52A0] =	vst v0;
	v0 =	vadd.f32 v5, v2;
	v2 =	vld [tilespmem:s11+$0x2E0]  }
0x211: {  	v5 =	vld [tilespmem:s11+$0x2AE0]  }
0x212: {  	[tilespmem:s11+$0x52B0] =	vst v0;
	v0 =	vadd.f32 v6, v1;
	v1 =	vld [tilespmem:s11+$0x2F0]  }
0x213: {  	v6 =	vld [tilespmem:s11+$0x2AF0]  }
0x214: {  	[tilespmem:s11+$0x52C0] =	vst v0;
	v0 =	vadd.f32 v4, v3;
	v3 =	vld [tilespmem:s11+$0x300]  }
0x215: {  	v4 =	vld [tilespmem:s11+$0x2B00]  }
0x216: {  	[tilespmem:s11+$0x52D0] =	vst v0;
	v0 =	vadd.f32 v5, v2;
	v2 =	vld [tilespmem:s11+$0x310]  }
0x217: {  	v5 =	vld [tilespmem:s11+$0x2B10]  }
0x218: {  	[tilespmem:s11+$0x52E0] =	vst v0;
	v0 =	vadd.f32 v6, v1;
	v1 =	vld [tilespmem:s11+$0x320]  }
0x219: {  	v6 =	vld [tilespmem:s11+$0x2B20]  }
0x21a: {  	[tilespmem:s11+$0x52F0] =	vst v0;
	v0 =	vadd.f32 v4, v3;
	v3 =	vld [tilespmem:s11+$0x330]  }
0x21b: {  	v4 =	vld [tilespmem:s11+$0x2B30]  }
0x21c: {  	[tilespmem:s11+$0x5300] =	vst v0;
	v0 =	vadd.f32 v5, v2;
	v2 =	vld [tilespmem:s11+$0x340]  }
0x21d: {  	v5 =	vld [tilespmem:s11+$0x2B40]  }
0x21e: {  	[tilespmem:s11+$0x5310] =	vst v0;
	v0 =	vadd.f32 v6, v1;
	v1 =	vld [tilespmem:s11+$0x350]  }
0x21f: {  	v6 =	vld [tilespmem:s11+$0x2B50]  }
0x220: {  	[tilespmem:s11+$0x5320] =	vst v0;
	v0 =	vadd.f32 v4, v3;
	v3 =	vld [tilespmem:s11+$0x360]  }
0x221: {  	v4 =	vld [tilespmem:s11+$0x2B60]  }
0x222: {  	[tilespmem:s11+$0x5330] =	vst v0;
	v0 =	vadd.f32 v5, v2;
	v2 =	vld [tilespmem:s11+$0x370]  }
0x223: {  	v5 =	vld [tilespmem:s11+$0x2B70]  }
0x224: {  	[tilespmem:s11+$0x5340] =	vst v0;
	v0 =	vadd.f32 v6, v1;
	v1 =	vld [tilespmem:s11+$0x380]  }
0x225: {  	v6 =	vld [tilespmem:s11+$0x2B80]  }
0x226: {  	[tilespmem:s11+$0x5350] =	vst v0;
	v0 =	vadd.f32 v4, v3;
	v3 =	vld [tilespmem:s11+$0x390]  }
0x227: {  	v4 =	vld [tilespmem:s11+$0x2B90]  }
0x228: {  	[tilespmem:s11+$0x5360] =	vst v0;
	v0 =	vadd.f32 v5, v2;
	v2 =	vld [tilespmem:s11+$0x3A0]  }
0x229: {  	v5 =	vld [tilespmem:s11+$0x2BA0]  }
0x22a: {  	[tilespmem:s11+$0x5370] =	vst v0;
	v0 =	vadd.f32 v6, v1;
	v1 =	vld [tilespmem:s11+$0x3B0]  }
0x22b: {  	v6 =	vld [tilespmem:s11+$0x2BB0]  }
0x22c: {  	v8 =	vld [tilespmem:s11+$0x2BC0]  }
0x22d: {  	v7 =	vld [tilespmem:s11+$0x3C0];
	[tilespmem:s11+$0x5380] =	vst v0;
	v0 =	vadd.f32 v4, v3  }
0x22e: {  	v3 =	vld [tilespmem:s11+$0x2BD0]  }
0x22f: {  	[tilespmem:s11+$0x5390] =	vst v0;
	v0 =	vadd.f32 v5, v2;
	v2 =	vld [tilespmem:s11+$0x3D0]  }
0x230: {  	v4 =	vld [tilespmem:s11+$0x2BE0];
	v5 =	vadd.f32 v6, v1  }
0x231: {  	s17 =	simm.s32 $0x200;
	[tilespmem:s11+$0x53A0] =	vst v0;
	v0 =	vld [tilespmem:s11+$0x3E0]  }
0x232: {  	s16 =	simm.s32 $0x1000;
	v1 =	vld [tilespmem:s17+$0x3F0];
	[tilespmem:s11+$0x53B0] =	vst v5;
	v5 =	vadd.f32 v8, v7  }
.LBB2_8:
0x233: {  	p0 =	sne.s32 s16, $0x9800;
	v6 =	vld [tilespmem:s17+$0x2BF0]  }
0x234: {  	v7 =	vld [tilespmem:s17+$0x200];
	[tilespmem:s11+$0x53C0] =	vst v5;
	v2 =	vadd.f32 v3, v2  }
0x235: {  	v3 =	vld [tilespmem:s17+$0x2A00]  }
0x236: {  	v5 =	vld [tilespmem:s17+$0x210];
	[tilespmem:s11+$0x53D0] =	vst v2;
	v0 =	vadd.f32 v4, v0  }
0x237: {  	v2 =	vld [tilespmem:s17+$0x2A10]  }
0x238: {  	v4 =	vld [tilespmem:s17+$0x220];
	v1 =	vadd.f32 v6, v1;
	[tilespmem:s11+$0x53E0] =	vst v0;
	s11 =	smov.u32 s17  }
0x239: {  	v0 =	vld [tilespmem:s11+$0x2A20]  }
0x23a: {  	v3 =	vadd.f32 v3, v7;
	v6 =	vld [tilespmem:s11+$0x230];
	[tilespmem:s11+$0x53F0] =	vst v1  }
0x23b: {  	v1 =	vld [tilespmem:s11+$0x2A30]  }
0x23c: {  	[tilespmem:s11+$0x5200] =	vst v3;
	v2 =	vadd.f32 v2, v5;
	v3 =	vld [tilespmem:s11+$0x240]  }
0x23d: {  	v5 =	vld [tilespmem:s11+$0x2A40]  }
0x23e: {  	[tilespmem:s11+$0x5210] =	vst v2;
	v0 =	vadd.f32 v0, v4;
	v2 =	vld [tilespmem:s11+$0x250]  }
0x23f: {  	v4 =	vld [tilespmem:s11+$0x2A50]  }
0x240: {  	[tilespmem:s11+$0x5220] =	vst v0;
	v0 =	vadd.f32 v1, v6;
	v1 =	vld [tilespmem:s11+$0x260]  }
0x241: {  	v6 =	vld [tilespmem:s11+$0x2A60]  }
0x242: {  	[tilespmem:s11+$0x5230] =	vst v0;
	v0 =	vadd.f32 v5, v3;
	v3 =	vld [tilespmem:s11+$0x270]  }
0x243: {  	v5 =	vld [tilespmem:s11+$0x2A70]  }
0x244: {  	[tilespmem:s11+$0x5240] =	vst v0;
	v0 =	vadd.f32 v4, v2;
	v2 =	vld [tilespmem:s11+$0x280]  }
0x245: {  	v4 =	vld [tilespmem:s11+$0x2A80]  }
0x246: {  	[tilespmem:s11+$0x5250] =	vst v0;
	v0 =	vadd.f32 v6, v1;
	v1 =	vld [tilespmem:s11+$0x290]  }
0x247: {  	v6 =	vld [tilespmem:s11+$0x2A90]  }
0x248: {  	[tilespmem:s11+$0x5260] =	vst v0;
	v0 =	vadd.f32 v5, v3;
	v3 =	vld [tilespmem:s11+$0x2A0]  }
0x249: {  	v5 =	vld [tilespmem:s11+$0x2AA0]  }
0x24a: {  	[tilespmem:s11+$0x5270] =	vst v0;
	v0 =	vadd.f32 v4, v2;
	v2 =	vld [tilespmem:s11+$0x2B0]  }
0x24b: {  	v4 =	vld [tilespmem:s11+$0x2AB0]  }
0x24c: {  	[tilespmem:s11+$0x5280] =	vst v0;
	v0 =	vadd.f32 v6, v1;
	v1 =	vld [tilespmem:s11+$0x2C0]  }
0x24d: {  	v6 =	vld [tilespmem:s11+$0x2AC0]  }
0x24e: {  	[tilespmem:s11+$0x5290] =	vst v0;
	v0 =	vadd.f32 v5, v3;
	v3 =	vld [tilespmem:s11+$0x2D0]  }
0x24f: {  	v5 =	vld [tilespmem:s11+$0x2AD0]  }
0x250: {  	[tilespmem:s11+$0x52A0] =	vst v0;
	v0 =	vadd.f32 v4, v2;
	v2 =	vld [tilespmem:s11+$0x2E0]  }
0x251: {  	v4 =	vld [tilespmem:s11+$0x2AE0]  }
0x252: {  	[tilespmem:s11+$0x52B0] =	vst v0;
	v0 =	vadd.f32 v6, v1;
	v1 =	vld [tilespmem:s11+$0x2F0]  }
0x253: {  	v6 =	vld [tilespmem:s11+$0x2AF0]  }
0x254: {  	[tilespmem:s11+$0x52C0] =	vst v0;
	v0 =	vadd.f32 v5, v3;
	v3 =	vld [tilespmem:s11+$0x300]  }
0x255: {  	v5 =	vld [tilespmem:s11+$0x2B00]  }
0x256: {  	[tilespmem:s11+$0x52D0] =	vst v0;
	v0 =	vadd.f32 v4, v2;
	v2 =	vld [tilespmem:s11+$0x310]  }
0x257: {  	v4 =	vld [tilespmem:s11+$0x2B10]  }
0x258: {  	[tilespmem:s11+$0x52E0] =	vst v0;
	v0 =	vadd.f32 v6, v1;
	v1 =	vld [tilespmem:s11+$0x320]  }
0x259: {  	v6 =	vld [tilespmem:s11+$0x2B20]  }
0x25a: {  	[tilespmem:s11+$0x52F0] =	vst v0;
	v0 =	vadd.f32 v5, v3;
	v3 =	vld [tilespmem:s11+$0x330]  }
0x25b: {  	v5 =	vld [tilespmem:s11+$0x2B30]  }
0x25c: {  	[tilespmem:s11+$0x5300] =	vst v0;
	v0 =	vadd.f32 v4, v2;
	v2 =	vld [tilespmem:s11+$0x340]  }
0x25d: {  	v4 =	vld [tilespmem:s11+$0x2B40]  }
0x25e: {  	[tilespmem:s11+$0x5310] =	vst v0;
	v0 =	vadd.f32 v6, v1;
	v1 =	vld [tilespmem:s11+$0x350]  }
0x25f: {  	v6 =	vld [tilespmem:s11+$0x2B50]  }
0x260: {  	[tilespmem:s11+$0x5320] =	vst v0;
	v0 =	vadd.f32 v5, v3;
	v3 =	vld [tilespmem:s11+$0x360]  }
0x261: {  	v5 =	vld [tilespmem:s11+$0x2B60]  }
0x262: {  	[tilespmem:s11+$0x5330] =	vst v0;
	v0 =	vadd.f32 v4, v2;
	v2 =	vld [tilespmem:s11+$0x370]  }
0x263: {  	v4 =	vld [tilespmem:s11+$0x2B70]  }
0x264: {  	[tilespmem:s11+$0x5340] =	vst v0;
	v0 =	vadd.f32 v6, v1;
	v1 =	vld [tilespmem:s11+$0x380]  }
0x265: {  	v6 =	vld [tilespmem:s11+$0x2B80]  }
0x266: {  	[tilespmem:s11+$0x5350] =	vst v0;
	v0 =	vadd.f32 v5, v3;
	v3 =	vld [tilespmem:s11+$0x390]  }
0x267: {  	v5 =	vld [tilespmem:s11+$0x2B90]  }
0x268: {  	[tilespmem:s11+$0x5360] =	vst v0;
	v0 =	vadd.f32 v4, v2;
	v2 =	vld [tilespmem:s11+$0x3A0]  }
0x269: {  	v4 =	vld [tilespmem:s11+$0x2BA0]  }
0x26a: {  	[tilespmem:s11+$0x5370] =	vst v0;
	v0 =	vadd.f32 v6, v1;
	v1 =	vld [tilespmem:s11+$0x3B0]  }
0x26b: {  	v6 =	vld [tilespmem:s11+$0x2BB0]  }
0x26c: {  	[tilespmem:s11+$0x5380] =	vst v0;
	v0 =	vadd.f32 v5, v3;
	v5 =	vld [tilespmem:s11+$0x3C0]  }
0x26d: {  	v7 =	vld [tilespmem:s11+$0x2BC0]  }
.Ltmp3:
0x26e: {  	[tilespmem:s11+$0x5390] =	vst v0;
	v0 =	vadd.f32 v4, v2;
	v2 =	vld [tilespmem:s11+$0x3D0];
	(pc) =	sbr.rel @p0 .LBB2_8-.Ltmp3, $4  }
0x26f: {  	v3 =	vld [tilespmem:s11+$0x2BD0]  }
0x270: {  	[tilespmem:s11+$0x53A0] =	vst v0;
	v6 =	vadd.f32 v6, v1;
	v0 =	vld [tilespmem:s11+$0x3E0]  }
0x271: {  	s17 =	sshra.s32 s16, $0x2;
	v4 =	vld [tilespmem:s11+$0x2BE0]  }
0x272: {  	s16 =	sadd.s32 $0x800, s16;
	v1 =	vld [tilespmem:s17+$0x3F0];
	[tilespmem:s11+$0x53B0] =	vst v6;
	v5 =	vadd.f32 v7, v5  }
0x273: {  	v6 =	vld [tilespmem:s17+$0x2BF0]  }
0x274: {  	v7 =	vld [tilespmem:s17+$0x200];
	[tilespmem:s11+$0x53C0] =	vst v5;
	v2 =	vadd.f32 v3, v2  }
0x275: {  	v35 =	vld [tilespmem:s17+$0x2A00]  }
0x276: {  	v5 =	vld [tilespmem:s17+$0x210];
	[tilespmem:s11+$0x53D0] =	vst v2;
	v0 =	vadd.f32 v4, v0  }
0x277: {  	v2 =	vld [tilespmem:s17+$0x2A10]  }
0x278: {  	v36 =	vld [tilespmem:s17+$0x220];
	[tilespmem:s11+$0x53E0] =	vst v0  }
0x279: {  	v38 =	vld [tilespmem:s17+$0x2A20]  }
0x27a: {  	v39 =	vld [tilespmem:s17+$0x230]  }
0x27b: {  	v40 =	vld [tilespmem:s17+$0x2A30]  }
0x27c: {  	v41 =	vld [tilespmem:s17+$0x240]  }
0x27d: {  	v42 =	vld [tilespmem:s17+$0x2A40]  }
0x27e: {  	v43 =	vld [tilespmem:s17+$0x250]  }
0x27f: {  	v44 =	vld [tilespmem:s17+$0x2A50]  }
0x280: {  	v45 =	vld [tilespmem:s17+$0x260]  }
0x281: {  	v46 =	vld [tilespmem:s17+$0x2A60]  }
0x282: {  	v48 =	vld [tilespmem:s17+$0x270]  }
0x283: {  	v49 =	vld [tilespmem:s17+$0x2A70]  }
0x284: {  	v51 =	vld [tilespmem:s17+$0x280]  }
0x285: {  	v52 =	vld [tilespmem:s17+$0x2A80]  }
0x286: {  	v54 =	vld [tilespmem:s17+$0x290]  }
0x287: {  	v55 =	vld [tilespmem:s17+$0x2A90]  }
0x288: {  	v57 =	vld [tilespmem:s17+$0x2A0]  }
0x289: {  	v58 =	vld [tilespmem:s17+$0x2AA0]  }
0x28a: {  	v60 =	vld [tilespmem:s17+$0x2B0]  }
0x28b: {  	v61 =	vld [tilespmem:s17+$0x2AB0]  }
0x28c: {  	v63 =	vld [tilespmem:s17+$0x2C0]  }
0x28d: {  	v9 =	vld [tilespmem:s17+$0x2AC0]  }
0x28e: {  	v11 =	vld [tilespmem:s17+$0x2D0]  }
0x28f: {  	v12 =	vld [tilespmem:s17+$0x2AD0]  }
0x290: {  	v14 =	vld [tilespmem:s17+$0x2E0]  }
0x291: {  	v15 =	vld [tilespmem:s17+$0x2AE0]  }
0x292: {  	v17 =	vld [tilespmem:s17+$0x2F0]  }
0x293: {  	v18 =	vld [tilespmem:s17+$0x2AF0]  }
0x294: {  	v20 =	vld [tilespmem:s17+$0x300]  }
0x295: {  	v21 =	vld [tilespmem:s17+$0x2B00]  }
0x296: {  	v23 =	vld [tilespmem:s17+$0x310]  }
0x297: {  	v37 =	vadd.f32 v6, v1;
	v24 =	vld [tilespmem:s17+$0x2B10]  }
0x298: {  	v26 =	vld [tilespmem:s17+$0x320];
	v3 =	vadd.f32 v35, v7  }
0x299: {  	v27 =	vld [tilespmem:s17+$0x2B20];
	[tilespmem:s17+$0x53F0] =	vst v37;
	v2 =	vadd.f32 v2, v5  }
0x29a: {  	v29 =	vld [tilespmem:s17+$0x330];
	[tilespmem:s17+$0x5200] =	vst v3;
	v1 =	vadd.f32 v38, v36  }
0x29b: {  	v30 =	vld [tilespmem:s17+$0x2B30];
	[tilespmem:s17+$0x5210] =	vst v2;
	v0 =	vadd.f32 v40, v39  }
0x29c: {  	v32 =	vld [tilespmem:s17+$0x340];
	v47 =	vadd.f32 v42, v41;
	[tilespmem:s17+$0x5220] =	vst v1  }
0x29d: {  	v33 =	vld [tilespmem:s17+$0x2B40];
	v50 =	vadd.f32 v44, v43;
	[tilespmem:s17+$0x5230] =	vst v0  }
0x29e: {  	v35 =	vld [tilespmem:s17+$0x350];
	v53 =	vadd.f32 v46, v45;
	[tilespmem:s17+$0x5240] =	vst v47  }
0x29f: {  	v56 =	vadd.f32 v49, v48;
	v36 =	vld [tilespmem:s17+$0x2B50];
	[tilespmem:s17+$0x5250] =	vst v50  }
0x2a0: {  	v59 =	vadd.f32 v52, v51;
	v38 =	vld [tilespmem:s17+$0x360];
	[tilespmem:s17+$0x5260] =	vst v53  }
0x2a1: {  	v62 =	vadd.f32 v55, v54;
	v39 =	vld [tilespmem:s17+$0x2B60];
	[tilespmem:s17+$0x5270] =	vst v56  }
0x2a2: {  	v10 =	vadd.f32 v58, v57;
	v41 =	vld [tilespmem:s17+$0x370];
	[tilespmem:s17+$0x5280] =	vst v59  }
0x2a3: {  	v13 =	vadd.f32 v61, v60;
	v42 =	vld [tilespmem:s17+$0x2B70];
	[tilespmem:s17+$0x5290] =	vst v62  }
0x2a4: {  	v16 =	vadd.f32 v9, v63;
	v44 =	vld [tilespmem:s17+$0x380];
	[tilespmem:s17+$0x52A0] =	vst v10  }
0x2a5: {  	v19 =	vadd.f32 v12, v11;
	v45 =	vld [tilespmem:s17+$0x2B80];
	[tilespmem:s17+$0x52B0] =	vst v13  }
0x2a6: {  	v22 =	vadd.f32 v15, v14;
	v48 =	vld [tilespmem:s17+$0x2B90];
	[tilespmem:s17+$0x52C0] =	vst v16  }
0x2a7: {  	v25 =	vadd.f32 v18, v17;
	v51 =	vld [tilespmem:s17+$0x2BA0];
	[tilespmem:s17+$0x52D0] =	vst v19  }
0x2a8: {  	v28 =	vadd.f32 v21, v20;
	v54 =	vld [tilespmem:s17+$0x2BB0];
	[tilespmem:s17+$0x52E0] =	vst v22  }
0x2a9: {  	v31 =	vadd.f32 v24, v23;
	v57 =	vld [tilespmem:s17+$0x2BC0];
	[tilespmem:s17+$0x52F0] =	vst v25  }
0x2aa: {  	v34 =	vadd.f32 v27, v26;
	v60 =	vld [tilespmem:s17+$0x2BD0];
	[tilespmem:s17+$0x5300] =	vst v28  }
0x2ab: {  	v37 =	vadd.f32 v30, v29;
	v61 =	vld [tilespmem:s17+$0x3E0];
	[tilespmem:s17+$0x5310] =	vst v31  }
0x2ac: {  	v40 =	vadd.f32 v33, v32;
	[tilespmem:s17+$0x5320] =	vst v34;
	v47 =	vld [tilespmem:s17+$0x390]  }
0x2ad: {  	[tilespmem:s17+$0x5330] =	vst v37;
	v50 =	vld [tilespmem:s17+$0x3A0];
	v43 =	vadd.f32 v36, v35  }
0x2ae: {  	[tilespmem:s17+$0x5340] =	vst v40;
	v53 =	vld [tilespmem:s17+$0x3B0];
	v46 =	vadd.f32 v39, v38  }
0x2af: {  	v56 =	vld [tilespmem:s17+$0x3C0];
	v49 =	vadd.f32 v42, v41;
	[tilespmem:s17+$0x5350] =	vst v43  }
0x2b0: {  	v59 =	vld [tilespmem:s17+$0x3D0];
	v52 =	vadd.f32 v45, v44;
	[tilespmem:s17+$0x5360] =	vst v46  }
0x2b1: {  	v62 =	vld [tilespmem:s17+$0x2BE0];
	[tilespmem:s17+$0x5370] =	vst v49;
	v55 =	vadd.f32 v48, v47  }
0x2b2: {  	[tilespmem:s17+$0x5380] =	vst v52;
	v58 =	vadd.f32 v51, v50  }
0x2b3: {  	v1 =	vadd.f32 v54, v53;
	[tilespmem:s17+$0x5390] =	vst v55  }
0x2b4: {  	v3 =	vadd.f32 v57, v56;
	[tilespmem:s17+$0x53A0] =	vst v58  }
0x2b5: {  	v63 =	vadd.f32 v60, v59;
	[tilespmem:s17+$0x53B0] =	vst v1  }
0x2b6: {  	v0 =	vadd.f32 v62, v61;
	[tilespmem:s17+$0x53C0] =	vst v3  }
0x2b7: {  	[tilespmem:s17+$0x53D0] =	vst v63  }
0x2b8: {  	s21 =	rddreg [dreg:$0x8];
	s16 =	simm.s32 $0xB;
	[tilespmem:s17+$0x53E0] =	vst v0  }
0x2b9: {  	[hbm4b:s21+s4] =	stream.linear.scatter [tilespmem:s30], [sflag:$0xB], $0x2800, $0x38;
	[tilespmem:$0xF200] =	vst v63  }
0x2ba: {  	_ =	swait.ge [sflag:s16], $0x2800  }
0x2bb: {  	[sflag:s16] =	ssyncset.done $0x0  }
0x2bc: {  	[sflag:s16] =	ssyncadd.s32 $0xFFFFD800  }
0x2bd: {  	_ =	swait.ge [sflag:s3], $0x2800  }
0x2be: {  	[sflag:s3] =	ssyncset.done $0x0  }
0x2bf: {  	[sflag:s3] =	ssyncadd.s32 $0xFFFFD800  }
0x2c0: {  	_ =	swait.ge [sflag:s10], $0x2800  }
0x2c1: {  	[sflag:s10] =	ssyncset.done $0x0  }
0x2c2: {  	s22 =	simm.s32 $0xA;
	[sflag:s10] =	ssyncadd.s32 $0xFFFFD800  }
0x2c3: {  	_ =	swait.ge [sflag:s22], $0x2800  }
0x2c4: {  	s18 =	rddreg [dreg:$0xa]  }
0x2c5: {  	s25 =	rddreg [dreg:$0x9];
	s18 =	sadd.s32 $0x1, s18  }
0x2c6: {  	p0 =	sne.s32 s18, s25  }
.Ltmp4:
0x2c7: {  	_ = 	snop;
	(pc) =	sbr.rel @p0 .LBB2_1-.Ltmp4, $3  }
0x2c8: {  	_ =	sdelay $0x1  }
0x2c9: {  	[sflag:s22] =	ssyncset.done $0x0  }
0x2ca: {  	[sflag:s22] =	ssyncadd.s32 $0xFFFFD800  }
0x2cb: {  	_ =	sfence.sel $0x180000  }
0x2cc: {  	[bflag:$0x0] =	sbarrier.arrive $0xFFFF  }
0x2cd: {  	_ =	strace $0x90000047  }
0x2ce: {  	s0 =	stileid.u32;
	[bflag:$0x2] =	sbarrier.arrive $0xFFFF  }
0x2cf: {  	p0 =	sne.s32 s0, $0x0;
	s0 =	rddreg [dreg:$0x3]  }
0x2d0: {  	s0 =	sadd.s32 @!p0 $0x100000, s0  }
0x2d1: {  	[sflag:s0] =	ssyncadd.tile.s32 @!p0 $0x1;
	_ =	shalt  }
.Lfunc_end2:
_tile_overlayer_lowered:
.L_overlay_start_2:
0x2d2: {  	(tag) =	ssettag $0x2  }
0x2d3: {  	s0 =	rddreg [dreg:$0x0];
	s2 =	stileid.u32  }
0x2d4: {  	s1 =	rddreg [dreg:$0x1];
	p0 =	sne.s32 s2, $0x0  }
0x2d5: {  	s3 =	rddreg [dreg:$0x2];
	[bflag:$0x3] =	sbarrier.arrive $0xFFFF;
	s2 =	simm.s32 @!p0 $0x1C0B  }
0x2d6: {  	[timem:s3], [sflag:s2] =	dma.local @!p0 [hbm:s0], s1  }
0x2d7: {  	s0 =	simm.s32 @!p0 $0xB  }
0x2d8: {  	_ =	swait.ge @!p0 [sflag:s0], s1  }
0x2d9: {  	s1 =	ssub.s32 @!p0 $0x0, s1;
	[sflag:s0] =	ssyncset.done @!p0 $0x0  }
0x2da: {  	[sflag:s0] =	ssyncadd.s32 @!p0 s1  }
0x2db: {  	[bflag:$0x3] =	sbarrier.arrive $0xFFFF  }
0x2dc: {  	_ =	shalt  }

</sc_bundles>
